<compile_context>
chip_gen: v7x
topology: tpu7x:2x2x1
jax: 0.10.2.dev20260603
libtpu: 0.0.44.dev20260713+nightly
codegen_flags: <defaults>
</compile_context>

<pallas_src>
import jax
import jax.numpy as jnp
from jax import lax
from jax.experimental import pallas as pl
from jax.experimental.pallas import tpu as pltpu
from jax.experimental.pallas import tpu_sc as plsc

N = 10000
E = 320000
D = 128
MSG = 256
HID = 384
NC = 2
NS = 16
K = 40
EPW = E // NS
CH = EPW // K
G = 10
CHG = CH // G
NPAD = 10240
STRIPE = NPAD // NS
RB = 400


def _ab_body(x_ref, w1_ref, w2_ref, b_ref, a0_ref, a1_ref, b0_ref, b1_ref):
    xb = x_ref[...]
    dn = (((1,), (1,)), ((), ()))
    a = lax.dot_general(xb, w1_ref[...], dn, preferred_element_type=jnp.float32)
    b = lax.dot_general(xb, w2_ref[...], dn, preferred_element_type=jnp.float32)
    b = b + b_ref[...]
    a0_ref[...] = a[:, :D]
    a1_ref[...] = a[:, D:]
    b0_ref[...] = b[:, :D]
    b1_ref[...] = b[:, D:]


def _project_ab(x, w_src, w_dst, b_msg):
    half = pl.BlockSpec((RB, D), lambda i: (i, 0))
    return pl.pallas_call(
        _ab_body,
        grid=(N // RB,),
        in_specs=[
            pl.BlockSpec((RB, D), lambda i: (i, 0)),
            pl.BlockSpec((MSG, D), lambda i: (0, 0)),
            pl.BlockSpec((MSG, D), lambda i: (0, 0)),
            pl.BlockSpec((1, MSG), lambda i: (0, 0)),
        ],
        out_specs=[half, half, half, half],
        out_shape=[jax.ShapeDtypeStruct((N, D), jnp.float32)] * 4,
    )(x, w_src, w_dst, b_msg)


def _sc_body(a0, a1, b0, b1, src2d, dst2d, part,
             acc, srcb, dstb, arow, brow, mrow, zbuf,
             sem_a0, sem_a1, sem_b0, sem_b1, sem_m0, sem_m1):
    sems_a = (sem_a0, sem_a1)
    sems_b = (sem_b0, sem_b1)
    sems_m = (sem_m0, sem_m1)
    c = lax.axis_index("c")
    s = lax.axis_index("s")

    zero = jnp.zeros((16,), jnp.float32)

    def zfill(i, _):
        for f in range(D // 16):
            zbuf[i, pl.ds(f * 16, 16)] = zero
        return 0
    lax.fori_loop(0, 32, zfill, 0)

    def fire(j, buf, a_hbm, b_hbm):
        pltpu.async_copy(a_hbm.at[srcb.at[j]], arow.at[buf], sems_a[buf])
        pltpu.async_copy(b_hbm.at[dstb.at[j]], brow.at[buf], sems_b[buf])

    def drain(j, buf, a_hbm, b_hbm):
        pltpu.make_async_copy(a_hbm.at[srcb.at[j]], arow.at[buf],
                              sems_a[buf]).wait()
        pltpu.make_async_copy(b_hbm.at[dstb.at[j]], brow.at[buf],
                              sems_b[buf]).wait()

    def retire_scatter(j, buf):
        pltpu.make_async_copy(mrow.at[buf], acc.at[dstb.at[j]],
                              sems_m[buf]).wait()

    def _pass(a_hbm, b_hbm):
        nz = STRIPE // 32

        def zbody(i, _):
            pltpu.async_copy(zbuf, acc.at[pl.ds(s * STRIPE + i * 32, 32)],
                             sem_m0)

            @pl.when(i > 0)
            def _zwait():
                pltpu.make_async_copy(
                    zbuf, acc.at[pl.ds(s * STRIPE, 32)], sem_m0).wait()
            return 0
        lax.fori_loop(0, nz, zbody, 0)
        pltpu.make_async_copy(zbuf, acc.at[pl.ds(s * STRIPE, 32)],
                              sem_m0).wait()
        plsc.subcore_barrier()

        def gbody(g, _):
            @pl.when(g > 0)
            def _settle():
                retire_scatter(CHG - 2, 0)
                retire_scatter(CHG - 1, 1)

            pltpu.sync_copy(src2d.at[s, g], srcb)
            pltpu.sync_copy(dst2d.at[s, g], dstb)
            fire(0, 0, a_hbm, b_hbm)

            def cbody(j2, _):
                for b in range(2):
                    j = j2 * 2 + b
                    nxt = j + 1

                    @pl.when(nxt < CHG)
                    def _prefetch():
                        fire(nxt, 1 - b, a_hbm, b_hbm)

                    @pl.when(j >= 2)
                    def _retire():
                        retire_scatter(j - 2, b)

                    drain(j, b, a_hbm, b_hbm)

                    def ebody(e4, _):
                        for de in range(4):
                            e = e4 * 4 + de
                            for f in range(D // 16):
                                sl = pl.ds(f * 16, 16)
                                mrow[b, e, sl] = jnp.maximum(
                                    arow[b, e, sl] + brow[b, e, sl], 0.0)
                        return 0
                    lax.fori_loop(0, K // 4, ebody, 0)

                    pltpu.async_copy(mrow.at[b], acc.at[dstb.at[j]],
                                     sems_m[b], add=True)
                return 0
            lax.fori_loop(0, CHG // 2, cbody, 0)
            return 0
        lax.fori_loop(0, G, gbody, 0)
        retire_scatter(CHG - 2, 0)
        retire_scatter(CHG - 1, 1)
        plsc.subcore_barrier()

        @pl.when(s < NS - 1)
        def _flush():
            pltpu.sync_copy(acc.at[pl.ds(s * STRIPE, STRIPE)],
                            part.at[c, pl.ds(s * STRIPE, STRIPE)])

        @pl.when(s == NS - 1)
        def _flush_last():
            rem = N - (NS - 1) * STRIPE
            pltpu.sync_copy(acc.at[pl.ds((NS - 1) * STRIPE, rem)],
                            part.at[c, pl.ds((NS - 1) * STRIPE, rem)])

    for ch in range(2):
        @pl.when(c == ch)
        def _run_pass(ch=ch):
            _pass((a0, a1)[ch], (b0, b1)[ch])


def _edge_aggregate(a0, a1, b0, b1, src2d, dst2d):
    mesh = plsc.VectorSubcoreMesh(core_axis_name="c", subcore_axis_name="s")
    fn = pl.kernel(
        _sc_body,
        out_type=jax.ShapeDtypeStruct((NC, N, D), jnp.float32),
        mesh=mesh,
        scratch_types=[
            pltpu.VMEM_SHARED((NPAD, D), jnp.float32),
            pltpu.VMEM((CHG, K), jnp.int32),
            pltpu.VMEM((CHG, K), jnp.int32),
            pltpu.VMEM((2, K, D), jnp.float32),
            pltpu.VMEM((2, K, D), jnp.float32),
            pltpu.VMEM((2, K, D), jnp.float32),
            pltpu.VMEM((32, D), jnp.float32),
            pltpu.SemaphoreType.DMA,
            pltpu.SemaphoreType.DMA,
            pltpu.SemaphoreType.DMA,
            pltpu.SemaphoreType.DMA,
            pltpu.SemaphoreType.DMA,
            pltpu.SemaphoreType.DMA,
        ],
    )
    return fn(a0, a1, b0, b1, src2d, dst2d)


def _hid_body(p_ref, x_ref, w0_ref, w1_ref, w2_ref, b_ref, h_ref):
    m0 = p_ref[0]
    m1 = p_ref[1]
    dn = (((1,), (1,)), ((), ()))
    h = lax.dot_general(m0, w0_ref[...], dn, preferred_element_type=jnp.float32)
    h += lax.dot_general(m1, w1_ref[...], dn, preferred_element_type=jnp.float32)
    h += lax.dot_general(x_ref[...], w2_ref[...], dn,
                         preferred_element_type=jnp.float32)
    h_ref[...] = jnp.maximum(h + b_ref[...], 0.0)


def _update_nodes(part, x, wh0, wh1, wh2, b_hid):
    wspec = pl.BlockSpec((HID, D), lambda i: (0, 0))
    return pl.pallas_call(
        _hid_body,
        grid=(N // RB,),
        in_specs=[
            pl.BlockSpec((NC, RB, D), lambda i: (0, i, 0)),
            pl.BlockSpec((RB, D), lambda i: (i, 0)),
            wspec, wspec, wspec,
            pl.BlockSpec((1, HID), lambda i: (0, 0)),
        ],
        out_specs=pl.BlockSpec((RB, HID), lambda i: (i, 0)),
        out_shape=jax.ShapeDtypeStruct((N, HID), jnp.float32),
    )(part, x, wh0, wh1, wh2, b_hid)


@jax.jit
def _run(x, edge_index, W_msg, b_msg, W_hid, b_hid):
    a0, a1, b0, b1 = _project_ab(
        x, W_msg[:, :D], W_msg[:, D:], b_msg.reshape(1, MSG))
    src2d = edge_index[0].reshape(NS, G, CHG, K)
    dst2d = edge_index[1].reshape(NS, G, CHG, K)
    part = _edge_aggregate(a0, a1, b0, b1, src2d, dst2d)
    return _update_nodes(part, x, W_hid[:, :D], W_hid[:, D:2 * D],
                         W_hid[:, 2 * D:], b_hid.reshape(1, HID))


def kernel(x, edge_index, node_ids, W_msg, b_msg, W_hid, b_hid):
    assert x.shape == (N, D) and edge_index.shape == (2, E)
    return _run(x, edge_index, W_msg, b_msg, W_hid, b_hid)

# --- scband reference (transcript-rebuilt; emitter-appended) ---
"""Pipeline reference for scband-mpnn-87454124081721 (READ-ONLY COPY).

The authoritative reference and input builder live on the scoring server;
editing this copy changes nothing except your own understanding.
"""

import jax, jax.numpy as jnp
import numpy as np

N = 10000
E = 320000
D_FEAT = 128
MSG_DIM = 256
HID_DIM = 384


def setup_inputs(seed: int = 0) -> dict:
    key = jax.random.key(seed)
    k1, k2, k3, k4 = jax.random.split(key, 4)
    x = jax.random.normal(k1, (N, D_FEAT), dtype=jnp.float32)
    edge_index = jax.random.randint(k2, (2, E), 0, N, dtype=jnp.int32)
    node_ids = jnp.arange(N, dtype=jnp.int32)
    # Learned parameters (layer_num=1, use_bias=True)
    W_msg = jax.random.normal(k3, (MSG_DIM, MSG_DIM), dtype=jnp.float32) * (1.0 / np.sqrt(MSG_DIM))
    b_msg = jnp.zeros((MSG_DIM,), dtype=jnp.float32)
    W_hid = jax.random.normal(k4, (HID_DIM, HID_DIM), dtype=jnp.float32) * (1.0 / np.sqrt(HID_DIM))
    b_hid = jnp.zeros((HID_DIM,), dtype=jnp.float32)
    return {"x": x, "edge_index": edge_index, "node_ids": node_ids,
            "W_msg": W_msg, "b_msg": b_msg, "W_hid": W_hid, "b_hid": b_hid}


def reference(x, edge_index, node_ids, W_msg, b_msg, W_hid, b_hid):
    # One MPNN layer (layer_num=1, include_edge_feat=False, activation=relu)
    src = edge_index[0]
    dst = edge_index[1]
    n = x.shape[0]
    # message_func: m = relu(Linear(cat[src.h_n, dst.h_n]))
    h_src = jnp.take(x, src, axis=0)
    h_dst = jnp.take(x, dst, axis=0)
    m_in = jnp.concatenate([h_src, h_dst], axis=-1)
    m = jax.nn.relu(m_in @ W_msg.T + b_msg)
    # fn.sum('m', 'm_sum'): scatter-add messages to destination nodes
    m_sum = jax.ops.segment_sum(m, dst, num_segments=n)
    # update_func: h_n = relu(Linear(cat[m_sum, h_n]))
    h_in = jnp.concatenate([m_sum, x], axis=-1)
    h = jax.nn.relu(h_in @ W_hid.T + b_hid)
    # unique node ids -> split pattern -> squeeze (ids are 0..N-1 so L == N)
    L = node_ids.shape[0]
    out = h.reshape(n // L, L, HID_DIM)
    return jnp.squeeze(out)

if __name__ == "__main__":
    import jax
    _d = setup_inputs()
    print(jax.jit(kernel)(*tuple(_d.values())))

</pallas_src>

<mosaic_0001>
#map = affine_map<(d0, d1) -> (0, 0)>
#map1 = affine_map<(d0, d1) -> (0, 0, 0, 0)>
#map2 = affine_map<(d0, d1) -> (0, 0, 0)>
module attributes {stable_mosaic.version = 14 : i64} {
  func.func @_sc_body(%arg0: i32, %arg1: i32, %arg2: memref<10000x128xf32, #tpu.memory_space<hbm>>, %arg3: memref<10000x128xf32, #tpu.memory_space<hbm>>, %arg4: memref<10000x128xf32, #tpu.memory_space<hbm>>, %arg5: memref<10000x128xf32, #tpu.memory_space<hbm>>, %arg6: memref<16x10x50x40xi32, #tpu.memory_space<hbm>>, %arg7: memref<16x10x50x40xi32, #tpu.memory_space<hbm>>, %arg8: memref<2x10000x128xf32, #tpu.memory_space<hbm>>, %arg9: memref<10240x128xf32, #tpu.memory_space<vmem_shared>>, %arg10: memref<50x40xi32, #tpu.memory_space<vmem>>, %arg11: memref<50x40xi32, #tpu.memory_space<vmem>>, %arg12: memref<2x40x128xf32, #tpu.memory_space<vmem>>, %arg13: memref<2x40x128xf32, #tpu.memory_space<vmem>>, %arg14: memref<2x40x128xf32, #tpu.memory_space<vmem>>, %arg15: memref<32x128xf32, #tpu.memory_space<vmem>>, %arg16: memref<!tpu.dma_semaphore, #tpu.memory_space<semaphore_mem>>, %arg17: memref<!tpu.dma_semaphore, #tpu.memory_space<semaphore_mem>>, %arg18: memref<!tpu.dma_semaphore, #tpu.memory_space<semaphore_mem>>, %arg19: memref<!tpu.dma_semaphore, #tpu.memory_space<semaphore_mem>>, %arg20: memref<!tpu.dma_semaphore, #tpu.memory_space<semaphore_mem>>, %arg21: memref<!tpu.dma_semaphore, #tpu.memory_space<semaphore_mem>>) attributes {dimension_semantics = [#tpu.dimension_semantics<core_parallel>, #tpu.dimension_semantics<subcore_parallel>], iteration_bounds = array<i64: 2, 16>, scalar_prefetch = 0 : i64, scratch_operands = 13 : i64, tpu.core_type = #tpu.core_type<sc_vector_subcore>, window_params = [{transform_indices = #map}, {transform_indices = #map}, {transform_indices = #map}, {transform_indices = #map}, {transform_indices = #map1}, {transform_indices = #map1}, {transform_indices = #map2}]} {
    %broadcast_in_dim3A = arith.constant 0.000000e+00 : f32
    %broadcast_in_dim3A_0 = vector.broadcast %broadcast_in_dim3A : f32 to vector<16xf32>
    %scan3A = arith.constant 0 : i32
    %scan3A_1 = arith.constant 0 : i32
    %scan3A_2 = arith.constant 32 : i32
    %scan3A_3 = arith.addi %scan3A_1, %scan3A_2 : i32
    %scan3A_4 = arith.constant 1 : i32
    %scan3A_5 = scf.for %scan3A_14 = %scan3A_1 to %scan3A_3 step %scan3A_4 iter_args(%scan3A_15 = %scan3A) -> (i32)  : i32 {
      %swap3A = arith.index_cast %scan3A_14 : i32 to index
      %swap3A_16 = arith.constant 0 : index
      %swap3A_17 = tpu.vector_load %arg15[%swap3A, %swap3A_16] {strides = array<i32>} : memref<32x128xf32, #tpu.memory_space<vmem>>, vector<1x16xf32>,
      %swap3A_18 = vector.shape_cast %swap3A_17 : vector<1x16xf32> to vector<16xf32>
      %swap3A_19 = vector.shape_cast %broadcast_in_dim3A_0 : vector<16xf32> to vector<1x16xf32>
      tpu.vector_store %arg15[%swap3A, %swap3A_16], %swap3A_19 {strides = array<i32>} : memref<32x128xf32, #tpu.memory_space<vmem>>, vector<1x16xf32>,
      %swap3A_20 = arith.index_cast %scan3A_14 : i32 to index
      %swap3A_21 = arith.constant 16 : index
      %swap3A_22 = tpu.vector_load %arg15[%swap3A_20, %swap3A_21] {strides = array<i32>} : memref<32x128xf32, #tpu.memory_space<vmem>>, vector<1x16xf32>,
      %swap3A_23 = vector.shape_cast %swap3A_22 : vector<1x16xf32> to vector<16xf32>
      %swap3A_24 = vector.shape_cast %broadcast_in_dim3A_0 : vector<16xf32> to vector<1x16xf32>
      tpu.vector_store %arg15[%swap3A_20, %swap3A_21], %swap3A_24 {strides = array<i32>} : memref<32x128xf32, #tpu.memory_space<vmem>>, vector<1x16xf32>,
      %swap3A_25 = arith.index_cast %scan3A_14 : i32 to index
      %swap3A_26 = arith.constant 32 : index
      %swap3A_27 = tpu.vector_load %arg15[%swap3A_25, %swap3A_26] {strides = array<i32>} : memref<32x128xf32, #tpu.memory_space<vmem>>, vector<1x16xf32>,
      %swap3A_28 = vector.shape_cast %swap3A_27 : vector<1x16xf32> to vector<16xf32>
      %swap3A_29 = vector.shape_cast %broadcast_in_dim3A_0 : vector<16xf32> to vector<1x16xf32>
      tpu.vector_store %arg15[%swap3A_25, %swap3A_26], %swap3A_29 {strides = array<i32>} : memref<32x128xf32, #tpu.memory_space<vmem>>, vector<1x16xf32>,
      %swap3A_30 = arith.index_cast %scan3A_14 : i32 to index
      %swap3A_31 = arith.constant 48 : index
      %swap3A_32 = tpu.vector_load %arg15[%swap3A_30, %swap3A_31] {strides = array<i32>} : memref<32x128xf32, #tpu.memory_space<vmem>>, vector<1x16xf32>,
      %swap3A_33 = vector.shape_cast %swap3A_32 : vector<1x16xf32> to vector<16xf32>
      %swap3A_34 = vector.shape_cast %broadcast_in_dim3A_0 : vector<16xf32> to vector<1x16xf32>
      tpu.vector_store %arg15[%swap3A_30, %swap3A_31], %swap3A_34 {strides = array<i32>} : memref<32x128xf32, #tpu.memory_space<vmem>>, vector<1x16xf32>,
      %swap3A_35 = arith.index_cast %scan3A_14 : i32 to index
      %swap3A_36 = arith.constant 64 : index
      %swap3A_37 = tpu.vector_load %arg15[%swap3A_35, %swap3A_36] {strides = array<i32>} : memref<32x128xf32, #tpu.memory_space<vmem>>, vector<1x16xf32>,
      %swap3A_38 = vector.shape_cast %swap3A_37 : vector<1x16xf32> to vector<16xf32>
      %swap3A_39 = vector.shape_cast %broadcast_in_dim3A_0 : vector<16xf32> to vector<1x16xf32>
      tpu.vector_store %arg15[%swap3A_35, %swap3A_36], %swap3A_39 {strides = array<i32>} : memref<32x128xf32, #tpu.memory_space<vmem>>, vector<1x16xf32>,
      %swap3A_40 = arith.index_cast %scan3A_14 : i32 to index
      %swap3A_41 = arith.constant 80 : index
      %swap3A_42 = tpu.vector_load %arg15[%swap3A_40, %swap3A_41] {strides = array<i32>} : memref<32x128xf32, #tpu.memory_space<vmem>>, vector<1x16xf32>,
      %swap3A_43 = vector.shape_cast %swap3A_42 : vector<1x16xf32> to vector<16xf32>
      %swap3A_44 = vector.shape_cast %broadcast_in_dim3A_0 : vector<16xf32> to vector<1x16xf32>
      tpu.vector_store %arg15[%swap3A_40, %swap3A_41], %swap3A_44 {strides = array<i32>} : memref<32x128xf32, #tpu.memory_space<vmem>>, vector<1x16xf32>,
      %swap3A_45 = arith.index_cast %scan3A_14 : i32 to index
      %swap3A_46 = arith.constant 96 : index
      %swap3A_47 = tpu.vector_load %arg15[%swap3A_45, %swap3A_46] {strides = array<i32>} : memref<32x128xf32, #tpu.memory_space<vmem>>, vector<1x16xf32>,
      %swap3A_48 = vector.shape_cast %swap3A_47 : vector<1x16xf32> to vector<16xf32>
      %swap3A_49 = vector.shape_cast %broadcast_in_dim3A_0 : vector<16xf32> to vector<1x16xf32>
      tpu.vector_store %arg15[%swap3A_45, %swap3A_46], %swap3A_49 {strides = array<i32>} : memref<32x128xf32, #tpu.memory_space<vmem>>, vector<1x16xf32>,
      %swap3A_50 = arith.index_cast %scan3A_14 : i32 to index
      %swap3A_51 = arith.constant 112 : index
      %swap3A_52 = tpu.vector_load %arg15[%swap3A_50, %swap3A_51] {strides = array<i32>} : memref<32x128xf32, #tpu.memory_space<vmem>>, vector<1x16xf32>,
      %swap3A_53 = vector.shape_cast %swap3A_52 : vector<1x16xf32> to vector<16xf32>
      %swap3A_54 = vector.shape_cast %broadcast_in_dim3A_0 : vector<16xf32> to vector<1x16xf32>
      tpu.vector_store %arg15[%swap3A_50, %swap3A_51], %swap3A_54 {strides = array<i32>} : memref<32x128xf32, #tpu.memory_space<vmem>>, vector<1x16xf32>,
      %scan3A_55 = arith.constant 0 : i32
      scf.yield %scan3A_55 : i32
    }
    %scan3A_6 = arith.constant 32 : i32
    %eq3A = arith.constant 0 : i32
    %eq3A_7 = arith.cmpi eq, %arg0, %eq3A : i32
    %convert_element_type3A = arith.extui %eq3A_7 : i1 to i32
    %cond3A = arith.constant 0 : i32
    %cond3A_8 = arith.cmpi ne, %convert_element_type3A, %cond3A : i32
    scf.if %cond3A_8 {
      %scan3A_14 = arith.constant 0 : i32
      %scan3A_15 = arith.constant 0 : i32
      %scan3A_16 = arith.constant 20 : i32
      %scan3A_17 = arith.addi %scan3A_15, %scan3A_16 : i32
      %scan3A_18 = arith.constant 1 : i32
      %scan3A_19 = scf.for %scan3A_66 = %scan3A_15 to %scan3A_17 step %scan3A_18 iter_args(%scan3A_67 = %scan3A_14) -> (i32)  : i32 {
        %mul3A_68 = arith.constant 640 : i32
        %mul3A_69 = arith.muli %arg1, %mul3A_68 : i32
        %mul3A_70 = arith.constant 32 : i32
        %mul3A_71 = arith.muli %scan3A_66, %mul3A_70 : i32
        %add3A = arith.addi %mul3A_69, %mul3A_71 : i32
        %dma_start3A = arith.constant 0 : i32
        %dma_start3A_72 = tpu.memref_slice %arg9[%add3A, %dma_start3A] : memref<10240x128xf32, #tpu.memory_space<vmem_shared>> -> memref<32x128xf32, #tpu.memory_space<vmem_shared>>
        %dma_start3A_73 = arith.constant 0 : i32
        %dma_start3A_74 = tpu.memref_slice %arg9[%add3A, %dma_start3A_73] : memref<10240x128xf32, #tpu.memory_space<vmem_shared>> -> memref<32x128xf32, #tpu.memory_space<vmem_shared>>
        tpu.enqueue_dma source(%arg15 : memref<32x128xf32, #tpu.memory_space<vmem>>) target(%dma_start3A_74 : memref<32x128xf32, #tpu.memory_space<vmem_shared>>) target_semaphore(%arg20 : memref<!tpu.dma_semaphore, #tpu.memory_space<semaphore_mem>>)
        %gt3A = arith.constant 0 : i32
        %gt3A_75 = arith.cmpi sgt, %scan3A_66, %gt3A : i32
        %convert_element_type3A_76 = arith.extui %gt3A_75 : i1 to i32
        %cond3A_77 = arith.constant 0 : i32
        %cond3A_78 = arith.cmpi ne, %convert_element_type3A_76, %cond3A_77 : i32
        scf.if %cond3A_78 {
          %mul3A_80 = arith.constant 640 : i32
          %mul3A_81 = arith.muli %arg1, %mul3A_80 : i32
          %dma_wait3A_82 = arith.constant 0 : i32
          %dma_wait3A_83 = tpu.memref_slice %arg9[%mul3A_81, %dma_wait3A_82] : memref<10240x128xf32, #tpu.memory_space<vmem_shared>> -> memref<32x128xf32, #tpu.memory_space<vmem_shared>>
          %dma_wait3A_84 = arith.constant 0 : i32
          %dma_wait3A_85 = tpu.memref_slice %arg9[%mul3A_81, %dma_wait3A_84] : memref<10240x128xf32, #tpu.memory_space<vmem_shared>> -> memref<32x128xf32, #tpu.memory_space<vmem_shared>>
          tpu.wait_dma2 semaphore(%arg20 : memref<!tpu.dma_semaphore, #tpu.memory_space<semaphore_mem>>) src(%arg15 : memref<32x128xf32, #tpu.memory_space<vmem>>) dst(%dma_wait3A_85 : memref<32x128xf32, #tpu.memory_space<vmem_shared>>)
        } else {
        }
        %scan3A_79 = arith.constant 0 : i32
        scf.yield %scan3A_79 : i32
      }
      %scan3A_20 = arith.constant 20 : i32
      %mul3A = arith.constant 640 : i32
      %mul3A_21 = arith.muli %arg1, %mul3A : i32
      %dma_wait3A = arith.constant 0 : i32
      %dma_wait3A_22 = tpu.memref_slice %arg9[%mul3A_21, %dma_wait3A] : memref<10240x128xf32, #tpu.memory_space<vmem_shared>> -> memref<32x128xf32, #tpu.memory_space<vmem_shared>>
      %dma_wait3A_23 = arith.constant 0 : i32
      %dma_wait3A_24 = tpu.memref_slice %arg9[%mul3A_21, %dma_wait3A_23] : memref<10240x128xf32, #tpu.memory_space<vmem_shared>> -> memref<32x128xf32, #tpu.memory_space<vmem_shared>>
      tpu.wait_dma2 semaphore(%arg20 : memref<!tpu.dma_semaphore, #tpu.memory_space<semaphore_mem>>) src(%arg15 : memref<32x128xf32, #tpu.memory_space<vmem>>) dst(%dma_wait3A_24 : memref<32x128xf32, #tpu.memory_space<vmem_shared>>)
      %barrier3A = arith.constant 0 : index
      tpu.barrier barrier_id(%barrier3A)
      %scan3A_25 = arith.constant 0 : i32
      %scan3A_26 = arith.constant 0 : i32
      %scan3A_27 = arith.constant 10 : i32
      %scan3A_28 = arith.addi %scan3A_26, %scan3A_27 : i32
      %scan3A_29 = arith.constant 1 : i32
      %scan3A_30 = scf.for %scan3A_66 = %scan3A_26 to %scan3A_28 step %scan3A_29 iter_args(%scan3A_67 = %scan3A_25) -> (i32)  : i32 {
        %gt3A = arith.constant 0 : i32
        %gt3A_68 = arith.cmpi sgt, %scan3A_66, %gt3A : i32
        %convert_element_type3A_69 = arith.extui %gt3A_68 : i1 to i32
        %cond3A_70 = arith.constant 0 : i32
        %cond3A_71 = arith.cmpi ne, %convert_element_type3A_69, %cond3A_70 : i32
        scf.if %cond3A_71 {
          %dma_wait3A_103 = arith.constant 0 : i32
          %dma_wait3A_104 = arith.constant 48 : i32
          %dma_wait3A_105 = arith.constant 0 : i32
          %dma_wait3A_106 = arith.constant 0 : i32
          %dma_wait3A_107 = tpu.memref_slice %arg14[%dma_wait3A_103, %dma_wait3A_105, %dma_wait3A_106] : memref<2x40x128xf32, #tpu.memory_space<vmem>> -> memref<1x40x128xf32, #tpu.memory_space<vmem>>
          %dma_wait3A_108 = tpu.memref_squeeze %dma_wait3A_107 : memref<1x40x128xf32, #tpu.memory_space<vmem>> -> memref<40x128xf32, #tpu.memory_space<vmem>>
          %dma_wait3A_109 = arith.constant 0 : i32
          %dma_wait3A_110 = tpu.memref_slice %arg11[%dma_wait3A_104, %dma_wait3A_109] : memref<50x40xi32, #tpu.memory_space<vmem>> -> memref<1x40xi32, #tpu.memory_space<vmem>>
          %dma_wait3A_111 = tpu.memref_squeeze %dma_wait3A_110 : memref<1x40xi32, #tpu.memory_space<vmem>> -> memref<40xi32, #tpu.memory_space<vmem>>
          %dma_wait3A_112 = arith.constant 0 : i32
          %dma_wait3A_113 = arith.constant 0 : i32
          %dma_wait3A_114 = tpu.memref_slice %arg9[%dma_wait3A_112, %dma_wait3A_113] : memref<10240x128xf32, #tpu.memory_space<vmem_shared>> -> memref<10240x128xf32, #tpu.memory_space<vmem_shared>>
          tpu.wait_indirect_dma semaphore(%arg20 : memref<!tpu.dma_semaphore, #tpu.memory_space<semaphore_mem>>) src(%dma_wait3A_108 : memref<40x128xf32, #tpu.memory_space<vmem>>) dst(%dma_wait3A_114 : memref<10240x128xf32, #tpu.memory_space<vmem_shared>>)
          %dma_wait3A_115 = arith.constant 1 : i32
          %dma_wait3A_116 = arith.constant 49 : i32
          %dma_wait3A_117 = arith.constant 0 : i32
          %dma_wait3A_118 = arith.constant 0 : i32
          %dma_wait3A_119 = tpu.memref_slice %arg14[%dma_wait3A_115, %dma_wait3A_117, %dma_wait3A_118] : memref<2x40x128xf32, #tpu.memory_space<vmem>> -> memref<1x40x128xf32, #tpu.memory_space<vmem>>
          %dma_wait3A_120 = tpu.memref_squeeze %dma_wait3A_119 : memref<1x40x128xf32, #tpu.memory_space<vmem>> -> memref<40x128xf32, #tpu.memory_space<vmem>>
          %dma_wait3A_121 = arith.constant 0 : i32
          %dma_wait3A_122 = tpu.memref_slice %arg11[%dma_wait3A_116, %dma_wait3A_121] : memref<50x40xi32, #tpu.memory_space<vmem>> -> memref<1x40xi32, #tpu.memory_space<vmem>>
          %dma_wait3A_123 = tpu.memref_squeeze %dma_wait3A_122 : memref<1x40xi32, #tpu.memory_space<vmem>> -> memref<40xi32, #tpu.memory_space<vmem>>
          %dma_wait3A_124 = arith.constant 0 : i32
          %dma_wait3A_125 = arith.constant 0 : i32
          %dma_wait3A_126 = tpu.memref_slice %arg9[%dma_wait3A_124, %dma_wait3A_125] : memref<10240x128xf32, #tpu.memory_space<vmem_shared>> -> memref<10240x128xf32, #tpu.memory_space<vmem_shared>>
          tpu.wait_indirect_dma semaphore(%arg21 : memref<!tpu.dma_semaphore, #tpu.memory_space<semaphore_mem>>) src(%dma_wait3A_120 : memref<40x128xf32, #tpu.memory_space<vmem>>) dst(%dma_wait3A_126 : memref<10240x128xf32, #tpu.memory_space<vmem_shared>>)
        } else {
        }
        "tpu.region"() ({
          %run_scoped3A = tpu.sem_alloc : memref<!tpu.dma_semaphore, #tpu.memory_space<semaphore_mem>>
          %dma_start3A_103 = arith.constant 0 : i32
          %dma_start3A_104 = arith.constant 0 : i32
          %dma_start3A_105 = tpu.memref_slice %arg6[%arg1, %scan3A_66, %dma_start3A_103, %dma_start3A_104] : memref<16x10x50x40xi32, #tpu.memory_space<hbm>> -> memref<1x1x50x40xi32, #tpu.memory_space<hbm>>
          %dma_start3A_106 = tpu.memref_squeeze %dma_start3A_105 : memref<1x1x50x40xi32, #tpu.memory_space<hbm>> -> memref<50x40xi32, #tpu.memory_space<hbm>>
          %dma_start3A_107 = arith.constant 0 : i32
          %dma_start3A_108 = arith.constant 0 : i32
          %dma_start3A_109 = tpu.memref_slice %arg6[%arg1, %scan3A_66, %dma_start3A_107, %dma_start3A_108] : memref<16x10x50x40xi32, #tpu.memory_space<hbm>> -> memref<1x1x50x40xi32, #tpu.memory_space<hbm>>
          %dma_start3A_110 = tpu.memref_squeeze %dma_start3A_109 : memref<1x1x50x40xi32, #tpu.memory_space<hbm>> -> memref<50x40xi32, #tpu.memory_space<hbm>>
          tpu.enqueue_dma source(%dma_start3A_110 : memref<50x40xi32, #tpu.memory_space<hbm>>) target(%arg10 : memref<50x40xi32, #tpu.memory_space<vmem>>) target_semaphore(%run_scoped3A : memref<!tpu.dma_semaphore, #tpu.memory_space<semaphore_mem>>)
          %dma_wait3A_111 = arith.constant 0 : i32
          %dma_wait3A_112 = arith.constant 0 : i32
          %dma_wait3A_113 = tpu.memref_slice %arg6[%arg1, %scan3A_66, %dma_wait3A_111, %dma_wait3A_112] : memref<16x10x50x40xi32, #tpu.memory_space<hbm>> -> memref<1x1x50x40xi32, #tpu.memory_space<hbm>>
          %dma_wait3A_114 = tpu.memref_squeeze %dma_wait3A_113 : memref<1x1x50x40xi32, #tpu.memory_space<hbm>> -> memref<50x40xi32, #tpu.memory_space<hbm>>
          %dma_wait3A_115 = arith.constant 0 : i32
          %dma_wait3A_116 = arith.constant 0 : i32
          %dma_wait3A_117 = tpu.memref_slice %arg6[%arg1, %scan3A_66, %dma_wait3A_115, %dma_wait3A_116] : memref<16x10x50x40xi32, #tpu.memory_space<hbm>> -> memref<1x1x50x40xi32, #tpu.memory_space<hbm>>
          %dma_wait3A_118 = tpu.memref_squeeze %dma_wait3A_117 : memref<1x1x50x40xi32, #tpu.memory_space<hbm>> -> memref<50x40xi32, #tpu.memory_space<hbm>>
          tpu.wait_dma2 semaphore(%run_scoped3A : memref<!tpu.dma_semaphore, #tpu.memory_space<semaphore_mem>>) src(%dma_wait3A_118 : memref<50x40xi32, #tpu.memory_space<hbm>>) dst(%arg10 : memref<50x40xi32, #tpu.memory_space<vmem>>)
          tpu.yield
        }) : () -> ()
        "tpu.region"() ({
          %run_scoped3A = tpu.sem_alloc : memref<!tpu.dma_semaphore, #tpu.memory_space<semaphore_mem>>
          %dma_start3A_103 = arith.constant 0 : i32
          %dma_start3A_104 = arith.constant 0 : i32
          %dma_start3A_105 = tpu.memref_slice %arg7[%arg1, %scan3A_66, %dma_start3A_103, %dma_start3A_104] : memref<16x10x50x40xi32, #tpu.memory_space<hbm>> -> memref<1x1x50x40xi32, #tpu.memory_space<hbm>>
          %dma_start3A_106 = tpu.memref_squeeze %dma_start3A_105 : memref<1x1x50x40xi32, #tpu.memory_space<hbm>> -> memref<50x40xi32, #tpu.memory_space<hbm>>
          %dma_start3A_107 = arith.constant 0 : i32
          %dma_start3A_108 = arith.constant 0 : i32
          %dma_start3A_109 = tpu.memref_slice %arg7[%arg1, %scan3A_66, %dma_start3A_107, %dma_start3A_108] : memref<16x10x50x40xi32, #tpu.memory_space<hbm>> -> memref<1x1x50x40xi32, #tpu.memory_space<hbm>>
          %dma_start3A_110 = tpu.memref_squeeze %dma_start3A_109 : memref<1x1x50x40xi32, #tpu.memory_space<hbm>> -> memref<50x40xi32, #tpu.memory_space<hbm>>
          tpu.enqueue_dma source(%dma_start3A_110 : memref<50x40xi32, #tpu.memory_space<hbm>>) target(%arg11 : memref<50x40xi32, #tpu.memory_space<vmem>>) target_semaphore(%run_scoped3A : memref<!tpu.dma_semaphore, #tpu.memory_space<semaphore_mem>>)
          %dma_wait3A_111 = arith.constant 0 : i32
          %dma_wait3A_112 = arith.constant 0 : i32
          %dma_wait3A_113 = tpu.memref_slice %arg7[%arg1, %scan3A_66, %dma_wait3A_111, %dma_wait3A_112] : memref<16x10x50x40xi32, #tpu.memory_space<hbm>> -> memref<1x1x50x40xi32, #tpu.memory_space<hbm>>
          %dma_wait3A_114 = tpu.memref_squeeze %dma_wait3A_113 : memref<1x1x50x40xi32, #tpu.memory_space<hbm>> -> memref<50x40xi32, #tpu.memory_space<hbm>>
          %dma_wait3A_115 = arith.constant 0 : i32
          %dma_wait3A_116 = arith.constant 0 : i32
          %dma_wait3A_117 = tpu.memref_slice %arg7[%arg1, %scan3A_66, %dma_wait3A_115, %dma_wait3A_116] : memref<16x10x50x40xi32, #tpu.memory_space<hbm>> -> memref<1x1x50x40xi32, #tpu.memory_space<hbm>>
          %dma_wait3A_118 = tpu.memref_squeeze %dma_wait3A_117 : memref<1x1x50x40xi32, #tpu.memory_space<hbm>> -> memref<50x40xi32, #tpu.memory_space<hbm>>
          tpu.wait_dma2 semaphore(%run_scoped3A : memref<!tpu.dma_semaphore, #tpu.memory_space<semaphore_mem>>) src(%dma_wait3A_118 : memref<50x40xi32, #tpu.memory_space<hbm>>) dst(%arg11 : memref<50x40xi32, #tpu.memory_space<vmem>>)
          tpu.yield
        }) : () -> ()
        %dma_start3A = arith.constant 0 : i32
        %dma_start3A_72 = arith.constant 0 : i32
        %dma_start3A_73 = arith.constant 0 : i32
        %dma_start3A_74 = arith.constant 0 : i32
        %dma_start3A_75 = tpu.memref_slice %arg12[%dma_start3A_72, %dma_start3A_73, %dma_start3A_74] : memref<2x40x128xf32, #tpu.memory_space<vmem>> -> memref<1x40x128xf32, #tpu.memory_space<vmem>>
        %dma_start3A_76 = tpu.memref_squeeze %dma_start3A_75 : memref<1x40x128xf32, #tpu.memory_space<vmem>> -> memref<40x128xf32, #tpu.memory_space<vmem>>
        %dma_start3A_77 = arith.constant 0 : i32
        %dma_start3A_78 = tpu.memref_slice %arg10[%dma_start3A, %dma_start3A_77] : memref<50x40xi32, #tpu.memory_space<vmem>> -> memref<1x40xi32, #tpu.memory_space<vmem>>
        %dma_start3A_79 = tpu.memref_squeeze %dma_start3A_78 : memref<1x40xi32, #tpu.memory_space<vmem>> -> memref<40xi32, #tpu.memory_space<vmem>>
        %dma_start3A_80 = arith.constant 0 : i32
        %dma_start3A_81 = arith.constant 0 : i32
        %dma_start3A_82 = tpu.memref_slice %arg2[%dma_start3A_80, %dma_start3A_81] : memref<10000x128xf32, #tpu.memory_space<hbm>> -> memref<10000x128xf32, #tpu.memory_space<hbm>>
        tpu.enqueue_indirect_dma source(%dma_start3A_82 : memref<10000x128xf32, #tpu.memory_space<hbm>>) target(%dma_start3A_76 : memref<40x128xf32, #tpu.memory_space<vmem>>) offsets(%dma_start3A_79 : memref<40xi32, #tpu.memory_space<vmem>>) semaphore(%arg16 : memref<!tpu.dma_semaphore, #tpu.memory_space<semaphore_mem>>)
        %dma_start3A_83 = arith.constant 0 : i32
        %dma_start3A_84 = arith.constant 0 : i32
        %dma_start3A_85 = arith.constant 0 : i32
        %dma_start3A_86 = arith.constant 0 : i32
        %dma_start3A_87 = tpu.memref_slice %arg13[%dma_start3A_84, %dma_start3A_85, %dma_start3A_86] : memref<2x40x128xf32, #tpu.memory_space<vmem>> -> memref<1x40x128xf32, #tpu.memory_space<vmem>>
        %dma_start3A_88 = tpu.memref_squeeze %dma_start3A_87 : memref<1x40x128xf32, #tpu.memory_space<vmem>> -> memref<40x128xf32, #tpu.memory_space<vmem>>
        %dma_start3A_89 = arith.constant 0 : i32
        %dma_start3A_90 = tpu.memref_slice %arg11[%dma_start3A_83, %dma_start3A_89] : memref<50x40xi32, #tpu.memory_space<vmem>> -> memref<1x40xi32, #tpu.memory_space<vmem>>
        %dma_start3A_91 = tpu.memref_squeeze %dma_start3A_90 : memref<1x40xi32, #tpu.memory_space<vmem>> -> memref<40xi32, #tpu.memory_space<vmem>>
        %dma_start3A_92 = arith.constant 0 : i32
        %dma_start3A_93 = arith.constant 0 : i32
        %dma_start3A_94 = tpu.memref_slice %arg4[%dma_start3A_92, %dma_start3A_93] : memref<10000x128xf32, #tpu.memory_space<hbm>> -> memref<10000x128xf32, #tpu.memory_space<hbm>>
        tpu.enqueue_indirect_dma source(%dma_start3A_94 : memref<10000x128xf32, #tpu.memory_space<hbm>>) target(%dma_start3A_88 : memref<40x128xf32, #tpu.memory_space<vmem>>) offsets(%dma_start3A_91 : memref<40xi32, #tpu.memory_space<vmem>>) semaphore(%arg18 : memref<!tpu.dma_semaphore, #tpu.memory_space<semaphore_mem>>)
        %scan3A_95 = arith.constant 0 : i32
        %scan3A_96 = arith.constant 0 : i32
        %scan3A_97 = arith.constant 25 : i32
        %scan3A_98 = arith.addi %scan3A_96, %scan3A_97 : i32
        %scan3A_99 = arith.constant 1 : i32
        %scan3A_100 = scf.for %scan3A_103 = %scan3A_96 to %scan3A_98 step %scan3A_99 iter_args(%scan3A_104 = %scan3A_95) -> (i32)  : i32 {
          %mul3A_105 = arith.constant 2 : i32
          %mul3A_106 = arith.muli %scan3A_103, %mul3A_105 : i32
          %add3A = arith.constant 0 : i32
          %add3A_107 = arith.addi %mul3A_106, %add3A : i32
          %add3A_108 = arith.constant 1 : i32
          %add3A_109 = arith.addi %add3A_107, %add3A_108 : i32
          %lt3A_110 = arith.constant 50 : i32
          %lt3A_111 = arith.cmpi slt, %add3A_109, %lt3A_110 : i32
          %convert_element_type3A_112 = arith.extui %lt3A_111 : i1 to i32
          %cond3A_113 = arith.constant 0 : i32
          %cond3A_114 = arith.cmpi ne, %convert_element_type3A_112, %cond3A_113 : i32
          scf.if %cond3A_114 {
            %dma_start3A_216 = arith.constant 1 : i32
            %dma_start3A_217 = arith.constant 0 : i32
            %dma_start3A_218 = arith.constant 0 : i32
            %dma_start3A_219 = tpu.memref_slice %arg12[%dma_start3A_216, %dma_start3A_217, %dma_start3A_218] : memref<2x40x128xf32, #tpu.memory_space<vmem>> -> memref<1x40x128xf32, #tpu.memory_space<vmem>>
            %dma_start3A_220 = tpu.memref_squeeze %dma_start3A_219 : memref<1x40x128xf32, #tpu.memory_space<vmem>> -> memref<40x128xf32, #tpu.memory_space<vmem>>
            %dma_start3A_221 = arith.constant 0 : i32
            %dma_start3A_222 = tpu.memref_slice %arg10[%add3A_109, %dma_start3A_221] : memref<50x40xi32, #tpu.memory_space<vmem>> -> memref<1x40xi32, #tpu.memory_space<vmem>>
            %dma_start3A_223 = tpu.memref_squeeze %dma_start3A_222 : memref<1x40xi32, #tpu.memory_space<vmem>> -> memref<40xi32, #tpu.memory_space<vmem>>
            %dma_start3A_224 = arith.constant 0 : i32
            %dma_start3A_225 = arith.constant 0 : i32
            %dma_start3A_226 = tpu.memref_slice %arg2[%dma_start3A_224, %dma_start3A_225] : memref<10000x128xf32, #tpu.memory_space<hbm>> -> memref<10000x128xf32, #tpu.memory_space<hbm>>
            tpu.enqueue_indirect_dma source(%dma_start3A_226 : memref<10000x128xf32, #tpu.memory_space<hbm>>) target(%dma_start3A_220 : memref<40x128xf32, #tpu.memory_space<vmem>>) offsets(%dma_start3A_223 : memref<40xi32, #tpu.memory_space<vmem>>) semaphore(%arg17 : memref<!tpu.dma_semaphore, #tpu.memory_space<semaphore_mem>>)
            %dma_start3A_227 = arith.constant 1 : i32
            %dma_start3A_228 = arith.constant 0 : i32
            %dma_start3A_229 = arith.constant 0 : i32
            %dma_start3A_230 = tpu.memref_slice %arg13[%dma_start3A_227, %dma_start3A_228, %dma_start3A_229] : memref<2x40x128xf32, #tpu.memory_space<vmem>> -> memref<1x40x128xf32, #tpu.memory_space<vmem>>
            %dma_start3A_231 = tpu.memref_squeeze %dma_start3A_230 : memref<1x40x128xf32, #tpu.memory_space<vmem>> -> memref<40x128xf32, #tpu.memory_space<vmem>>
            %dma_start3A_232 = arith.constant 0 : i32
            %dma_start3A_233 = tpu.memref_slice %arg11[%add3A_109, %dma_start3A_232] : memref<50x40xi32, #tpu.memory_space<vmem>> -> memref<1x40xi32, #tpu.memory_space<vmem>>
            %dma_start3A_234 = tpu.memref_squeeze %dma_start3A_233 : memref<1x40xi32, #tpu.memory_space<vmem>> -> memref<40xi32, #tpu.memory_space<vmem>>
            %dma_start3A_235 = arith.constant 0 : i32
            %dma_start3A_236 = arith.constant 0 : i32
            %dma_start3A_237 = tpu.memref_slice %arg4[%dma_start3A_235, %dma_start3A_236] : memref<10000x128xf32, #tpu.memory_space<hbm>> -> memref<10000x128xf32, #tpu.memory_space<hbm>>
            tpu.enqueue_indirect_dma source(%dma_start3A_237 : memref<10000x128xf32, #tpu.memory_space<hbm>>) target(%dma_start3A_231 : memref<40x128xf32, #tpu.memory_space<vmem>>) offsets(%dma_start3A_234 : memref<40xi32, #tpu.memory_space<vmem>>) semaphore(%arg19 : memref<!tpu.dma_semaphore, #tpu.memory_space<semaphore_mem>>)
          } else {
          }
          %ge3A = arith.constant 2 : i32
          %ge3A_115 = arith.cmpi sge, %add3A_107, %ge3A : i32
          %convert_element_type3A_116 = arith.extui %ge3A_115 : i1 to i32
          %cond3A_117 = arith.constant 0 : i32
          %cond3A_118 = arith.cmpi ne, %convert_element_type3A_116, %cond3A_117 : i32
          scf.if %cond3A_118 {
            %sub3A = arith.constant 2 : i32
            %sub3A_216 = arith.subi %add3A_107, %sub3A : i32
            %dma_wait3A_217 = arith.constant 0 : i32
            %dma_wait3A_218 = arith.constant 0 : i32
            %dma_wait3A_219 = arith.constant 0 : i32
            %dma_wait3A_220 = tpu.memref_slice %arg14[%dma_wait3A_217, %dma_wait3A_218, %dma_wait3A_219] : memref<2x40x128xf32, #tpu.memory_space<vmem>> -> memref<1x40x128xf32, #tpu.memory_space<vmem>>
            %dma_wait3A_221 = tpu.memref_squeeze %dma_wait3A_220 : memref<1x40x128xf32, #tpu.memory_space<vmem>> -> memref<40x128xf32, #tpu.memory_space<vmem>>
            %dma_wait3A_222 = arith.constant 0 : i32
            %dma_wait3A_223 = tpu.memref_slice %arg11[%sub3A_216, %dma_wait3A_222] : memref<50x40xi32, #tpu.memory_space<vmem>> -> memref<1x40xi32, #tpu.memory_space<vmem>>
            %dma_wait3A_224 = tpu.memref_squeeze %dma_wait3A_223 : memref<1x40xi32, #tpu.memory_space<vmem>> -> memref<40xi32, #tpu.memory_space<vmem>>
            %dma_wait3A_225 = arith.constant 0 : i32
            %dma_wait3A_226 = arith.constant 0 : i32
            %dma_wait3A_227 = tpu.memref_slice %arg9[%dma_wait3A_225, %dma_wait3A_226] : memref<10240x128xf32, #tpu.memory_space<vmem_shared>> -> memref<10240x128xf32, #tpu.memory_space<vmem_shared>>
            tpu.wait_indirect_dma semaphore(%arg20 : memref<!tpu.dma_semaphore, #tpu.memory_space<semaphore_mem>>) src(%dma_wait3A_221 : memref<40x128xf32, #tpu.memory_space<vmem>>) dst(%dma_wait3A_227 : memref<10240x128xf32, #tpu.memory_space<vmem_shared>>)
          } else {
          }
          %dma_wait3A_119 = arith.constant 0 : i32
          %dma_wait3A_120 = arith.constant 0 : i32
          %dma_wait3A_121 = arith.constant 0 : i32
          %dma_wait3A_122 = tpu.memref_slice %arg12[%dma_wait3A_119, %dma_wait3A_120, %dma_wait3A_121] : memref<2x40x128xf32, #tpu.memory_space<vmem>> -> memref<1x40x128xf32, #tpu.memory_space<vmem>>
          %dma_wait3A_123 = tpu.memref_squeeze %dma_wait3A_122 : memref<1x40x128xf32, #tpu.memory_space<vmem>> -> memref<40x128xf32, #tpu.memory_space<vmem>>
          %dma_wait3A_124 = arith.constant 0 : i32
          %dma_wait3A_125 = tpu.memref_slice %arg10[%add3A_107, %dma_wait3A_124] : memref<50x40xi32, #tpu.memory_space<vmem>> -> memref<1x40xi32, #tpu.memory_space<vmem>>
          %dma_wait3A_126 = tpu.memref_squeeze %dma_wait3A_125 : memref<1x40xi32, #tpu.memory_space<vmem>> -> memref<40xi32, #tpu.memory_space<vmem>>
          %dma_wait3A_127 = arith.constant 0 : i32
          %dma_wait3A_128 = arith.constant 0 : i32
          %dma_wait3A_129 = tpu.memref_slice %arg2[%dma_wait3A_127, %dma_wait3A_128] : memref<10000x128xf32, #tpu.memory_space<hbm>> -> memref<10000x128xf32, #tpu.memory_space<hbm>>
          tpu.wait_indirect_dma semaphore(%arg16 : memref<!tpu.dma_semaphore, #tpu.memory_space<semaphore_mem>>) src(%dma_wait3A_129 : memref<10000x128xf32, #tpu.memory_space<hbm>>) dst(%dma_wait3A_123 : memref<40x128xf32, #tpu.memory_space<vmem>>)
          %dma_wait3A_130 = arith.constant 0 : i32
          %dma_wait3A_131 = arith.constant 0 : i32
          %dma_wait3A_132 = arith.constant 0 : i32
          %dma_wait3A_133 = tpu.memref_slice %arg13[%dma_wait3A_130, %dma_wait3A_131, %dma_wait3A_132] : memref<2x40x128xf32, #tpu.memory_space<vmem>> -> memref<1x40x128xf32, #tpu.memory_space<vmem>>
          %dma_wait3A_134 = tpu.memref_squeeze %dma_wait3A_133 : memref<1x40x128xf32, #tpu.memory_space<vmem>> -> memref<40x128xf32, #tpu.memory_space<vmem>>
          %dma_wait3A_135 = arith.constant 0 : i32
          %dma_wait3A_136 = tpu.memref_slice %arg11[%add3A_107, %dma_wait3A_135] : memref<50x40xi32, #tpu.memory_space<vmem>> -> memref<1x40xi32, #tpu.memory_space<vmem>>
          %dma_wait3A_137 = tpu.memref_squeeze %dma_wait3A_136 : memref<1x40xi32, #tpu.memory_space<vmem>> -> memref<40xi32, #tpu.memory_space<vmem>>
          %dma_wait3A_138 = arith.constant 0 : i32
          %dma_wait3A_139 = arith.constant 0 : i32
          %dma_wait3A_140 = tpu.memref_slice %arg4[%dma_wait3A_138, %dma_wait3A_139] : memref<10000x128xf32, #tpu.memory_space<hbm>> -> memref<10000x128xf32, #tpu.memory_space<hbm>>
          tpu.wait_indirect_dma semaphore(%arg18 : memref<!tpu.dma_semaphore, #tpu.memory_space<semaphore_mem>>) src(%dma_wait3A_140 : memref<10000x128xf32, #tpu.memory_space<hbm>>) dst(%dma_wait3A_134 : memref<40x128xf32, #tpu.memory_space<vmem>>)
          %scan3A_141 = arith.constant 0 : i32
          %scan3A_142 = arith.constant 0 : i32
          %scan3A_143 = arith.constant 10 : i32
          %scan3A_144 = arith.addi %scan3A_142, %scan3A_143 : i32
          %scan3A_145 = arith.constant 1 : i32
          %scan3A_146 = scf.for %scan3A_216 = %scan3A_142 to %scan3A_144 step %scan3A_145 iter_args(%scan3A_217 = %scan3A_141) -> (i32)  : i32 {
            %mul3A_218 = arith.constant 4 : i32
            %mul3A_219 = arith.muli %scan3A_216, %mul3A_218 : i32
            %add3A_220 = arith.constant 0 : i32
            %add3A_221 = arith.addi %mul3A_219, %add3A_220 : i32
            %get3A = arith.constant 0 : i32
            %get3A_222 = arith.index_cast %get3A : i32 to index
            %get3A_223 = arith.index_cast %add3A_221 : i32 to index
            %get3A_224 = arith.constant 0 : index
            %get3A_225 = tpu.vector_load %arg12[%get3A_222, %get3A_223, %get3A_224] {strides = array<i32>} : memref<2x40x128xf32, #tpu.memory_space<vmem>>, vector<1x1x16xf32>,
            %get3A_226 = vector.shape_cast %get3A_225 : vector<1x1x16xf32> to vector<16xf32>
            %get3A_227 = arith.constant 0 : i32
            %get3A_228 = arith.index_cast %get3A_227 : i32 to index
            %get3A_229 = arith.index_cast %add3A_221 : i32 to index
            %get3A_230 = arith.constant 0 : index
            %get3A_231 = tpu.vector_load %arg13[%get3A_228, %get3A_229, %get3A_230] {strides = array<i32>} : memref<2x40x128xf32, #tpu.memory_space<vmem>>, vector<1x1x16xf32>,
            %get3A_232 = vector.shape_cast %get3A_231 : vector<1x1x16xf32> to vector<16xf32>
            %add3A_233 = arith.addf %get3A_226, %get3A_232 : vector<16xf32>
            %max3A = arith.constant 0.000000e+00 : f32
            %max3A_234 = vector.broadcast %max3A : f32 to vector<16xf32>
            %max3A_235 = arith.maximumf %add3A_233, %max3A_234 : vector<16xf32>
            %swap3A = arith.constant 0 : i32
            %swap3A_236 = arith.index_cast %swap3A : i32 to index
            %swap3A_237 = arith.index_cast %add3A_221 : i32 to index
            %swap3A_238 = arith.constant 0 : index
            %swap3A_239 = tpu.vector_load %arg14[%swap3A_236, %swap3A_237, %swap3A_238] {strides = array<i32>} : memref<2x40x128xf32, #tpu.memory_space<vmem>>, vector<1x1x16xf32>,
            %swap3A_240 = vector.shape_cast %swap3A_239 : vector<1x1x16xf32> to vector<16xf32>
            %swap3A_241 = vector.shape_cast %max3A_235 : vector<16xf32> to vector<1x1x16xf32>
            tpu.vector_store %arg14[%swap3A_236, %swap3A_237, %swap3A_238], %swap3A_241 {strides = array<i32>} : memref<2x40x128xf32, #tpu.memory_space<vmem>>, vector<1x1x16xf32>,
            %get3A_242 = arith.constant 0 : i32
            %get3A_243 = arith.index_cast %get3A_242 : i32 to index
            %get3A_244 = arith.index_cast %add3A_221 : i32 to index
            %get3A_245 = arith.constant 16 : index
            %get3A_246 = tpu.vector_load %arg12[%get3A_243, %get3A_244, %get3A_245] {strides = array<i32>} : memref<2x40x128xf32, #tpu.memory_space<vmem>>, vector<1x1x16xf32>,
            %get3A_247 = vector.shape_cast %get3A_246 : vector<1x1x16xf32> to vector<16xf32>
            %get3A_248 = arith.constant 0 : i32
            %get3A_249 = arith.index_cast %get3A_248 : i32 to index
            %get3A_250 = arith.index_cast %add3A_221 : i32 to index
            %get3A_251 = arith.constant 16 : index
            %get3A_252 = tpu.vector_load %arg13[%get3A_249, %get3A_250, %get3A_251] {strides = array<i32>} : memref<2x40x128xf32, #tpu.memory_space<vmem>>, vector<1x1x16xf32>,
            %get3A_253 = vector.shape_cast %get3A_252 : vector<1x1x16xf32> to vector<16xf32>
            %add3A_254 = arith.addf %get3A_247, %get3A_253 : vector<16xf32>
            %max3A_255 = arith.constant 0.000000e+00 : f32
            %max3A_256 = vector.broadcast %max3A_255 : f32 to vector<16xf32>
            %max3A_257 = arith.maximumf %add3A_254, %max3A_256 : vector<16xf32>
            %swap3A_258 = arith.constant 0 : i32
            %swap3A_259 = arith.index_cast %swap3A_258 : i32 to index
            %swap3A_260 = arith.index_cast %add3A_221 : i32 to index
            %swap3A_261 = arith.constant 16 : index
            %swap3A_262 = tpu.vector_load %arg14[%swap3A_259, %swap3A_260, %swap3A_261] {strides = array<i32>} : memref<2x40x128xf32, #tpu.memory_space<vmem>>, vector<1x1x16xf32>,
            %swap3A_263 = vector.shape_cast %swap3A_262 : vector<1x1x16xf32> to vector<16xf32>
            %swap3A_264 = vector.shape_cast %max3A_257 : vector<16xf32> to vector<1x1x16xf32>
            tpu.vector_store %arg14[%swap3A_259, %swap3A_260, %swap3A_261], %swap3A_264 {strides = array<i32>} : memref<2x40x128xf32, #tpu.memory_space<vmem>>, vector<1x1x16xf32>,
            %get3A_265 = arith.constant 0 : i32
            %get3A_266 = arith.index_cast %get3A_265 : i32 to index
            %get3A_267 = arith.index_cast %add3A_221 : i32 to index
            %get3A_268 = arith.constant 32 : index
            %get3A_269 = tpu.vector_load %arg12[%get3A_266, %get3A_267, %get3A_268] {strides = array<i32>} : memref<2x40x128xf32, #tpu.memory_space<vmem>>, vector<1x1x16xf32>,
            %get3A_270 = vector.shape_cast %get3A_269 : vector<1x1x16xf32> to vector<16xf32>
            %get3A_271 = arith.constant 0 : i32
            %get3A_272 = arith.index_cast %get3A_271 : i32 to index
            %get3A_273 = arith.index_cast %add3A_221 : i32 to index
            %get3A_274 = arith.constant 32 : index
            %get3A_275 = tpu.vector_load %arg13[%get3A_272, %get3A_273, %get3A_274] {strides = array<i32>} : memref<2x40x128xf32, #tpu.memory_space<vmem>>, vector<1x1x16xf32>,
            %get3A_276 = vector.shape_cast %get3A_275 : vector<1x1x16xf32> to vector<16xf32>
            %add3A_277 = arith.addf %get3A_270, %get3A_276 : vector<16xf32>
            %max3A_278 = arith.constant 0.000000e+00 : f32
            %max3A_279 = vector.broadcast %max3A_278 : f32 to vector<16xf32>
            %max3A_280 = arith.maximumf %add3A_277, %max3A_279 : vector<16xf32>
            %swap3A_281 = arith.constant 0 : i32
            %swap3A_282 = arith.index_cast %swap3A_281 : i32 to index
            %swap3A_283 = arith.index_cast %add3A_221 : i32 to index
            %swap3A_284 = arith.constant 32 : index
            %swap3A_285 = tpu.vector_load %arg14[%swap3A_282, %swap3A_283, %swap3A_284] {strides = array<i32>} : memref<2x40x128xf32, #tpu.memory_space<vmem>>, vector<1x1x16xf32>,
            %swap3A_286 = vector.shape_cast %swap3A_285 : vector<1x1x16xf32> to vector<16xf32>
            %swap3A_287 = vector.shape_cast %max3A_280 : vector<16xf32> to vector<1x1x16xf32>
            tpu.vector_store %arg14[%swap3A_282, %swap3A_283, %swap3A_284], %swap3A_287 {strides = array<i32>} : memref<2x40x128xf32, #tpu.memory_space<vmem>>, vector<1x1x16xf32>,
            %get3A_288 = arith.constant 0 : i32
            %get3A_289 = arith.index_cast %get3A_288 : i32 to index
            %get3A_290 = arith.index_cast %add3A_221 : i32 to index
            %get3A_291 = arith.constant 48 : index
            %get3A_292 = tpu.vector_load %arg12[%get3A_289, %get3A_290, %get3A_291] {strides = array<i32>} : memref<2x40x128xf32, #tpu.memory_space<vmem>>, vector<1x1x16xf32>,
            %get3A_293 = vector.shape_cast %get3A_292 : vector<1x1x16xf32> to vector<16xf32>
            %get3A_294 = arith.constant 0 : i32
            %get3A_295 = arith.index_cast %get3A_294 : i32 to index
            %get3A_296 = arith.index_cast %add3A_221 : i32 to index
            %get3A_297 = arith.constant 48 : index
            %get3A_298 = tpu.vector_load %arg13[%get3A_295, %get3A_296, %get3A_297] {strides = array<i32>} : memref<2x40x128xf32, #tpu.memory_space<vmem>>, vector<1x1x16xf32>,
            %get3A_299 = vector.shape_cast %get3A_298 : vector<1x1x16xf32> to vector<16xf32>
            %add3A_300 = arith.addf %get3A_293, %get3A_299 : vector<16xf32>
            %max3A_301 = arith.constant 0.000000e+00 : f32
            %max3A_302 = vector.broadcast %max3A_301 : f32 to vector<16xf32>
            %max3A_303 = arith.maximumf %add3A_300, %max3A_302 : vector<16xf32>
            %swap3A_304 = arith.constant 0 : i32
            %swap3A_305 = arith.index_cast %swap3A_304 : i32 to index
            %swap3A_306 = arith.index_cast %add3A_221 : i32 to index
            %swap3A_307 = arith.constant 48 : index
            %swap3A_308 = tpu.vector_load %arg14[%swap3A_305, %swap3A_306, %swap3A_307] {strides = array<i32>} : memref<2x40x128xf32, #tpu.memory_space<vmem>>, vector<1x1x16xf32>,
            %swap3A_309 = vector.shape_cast %swap3A_308 : vector<1x1x16xf32> to vector<16xf32>
            %swap3A_310 = vector.shape_cast %max3A_303 : vector<16xf32> to vector<1x1x16xf32>
            tpu.vector_store %arg14[%swap3A_305, %swap3A_306, %swap3A_307], %swap3A_310 {strides = array<i32>} : memref<2x40x128xf32, #tpu.memory_space<vmem>>, vector<1x1x16xf32>,
            %get3A_311 = arith.constant 0 : i32
            %get3A_312 = arith.index_cast %get3A_311 : i32 to index
            %get3A_313 = arith.index_cast %add3A_221 : i32 to index
            %get3A_314 = arith.constant 64 : index
            %get3A_315 = tpu.vector_load %arg12[%get3A_312, %get3A_313, %get3A_314] {strides = array<i32>} : memref<2x40x128xf32, #tpu.memory_space<vmem>>, vector<1x1x16xf32>,
            %get3A_316 = vector.shape_cast %get3A_315 : vector<1x1x16xf32> to vector<16xf32>
            %get3A_317 = arith.constant 0 : i32
            %get3A_318 = arith.index_cast %get3A_317 : i32 to index
            %get3A_319 = arith.index_cast %add3A_221 : i32 to index
            %get3A_320 = arith.constant 64 : index
            %get3A_321 = tpu.vector_load %arg13[%get3A_318, %get3A_319, %get3A_320] {strides = array<i32>} : memref<2x40x128xf32, #tpu.memory_space<vmem>>, vector<1x1x16xf32>,
            %get3A_322 = vector.shape_cast %get3A_321 : vector<1x1x16xf32> to vector<16xf32>
            %add3A_323 = arith.addf %get3A_316, %get3A_322 : vector<16xf32>
            %max3A_324 = arith.constant 0.000000e+00 : f32
            %max3A_325 = vector.broadcast %max3A_324 : f32 to vector<16xf32>
            %max3A_326 = arith.maximumf %add3A_323, %max3A_325 : vector<16xf32>
            %swap3A_327 = arith.constant 0 : i32
            %swap3A_328 = arith.index_cast %swap3A_327 : i32 to index
            %swap3A_329 = arith.index_cast %add3A_221 : i32 to index
            %swap3A_330 = arith.constant 64 : index
            %swap3A_331 = tpu.vector_load %arg14[%swap3A_328, %swap3A_329, %swap3A_330] {strides = array<i32>} : memref<2x40x128xf32, #tpu.memory_space<vmem>>, vector<1x1x16xf32>,
            %swap3A_332 = vector.shape_cast %swap3A_331 : vector<1x1x16xf32> to vector<16xf32>
            %swap3A_333 = vector.shape_cast %max3A_326 : vector<16xf32> to vector<1x1x16xf32>
            tpu.vector_store %arg14[%swap3A_328, %swap3A_329, %swap3A_330], %swap3A_333 {strides = array<i32>} : memref<2x40x128xf32, #tpu.memory_space<vmem>>, vector<1x1x16xf32>,
            %get3A_334 = arith.constant 0 : i32
            %get3A_335 = arith.index_cast %get3A_334 : i32 to index
            %get3A_336 = arith.index_cast %add3A_221 : i32 to index
            %get3A_337 = arith.constant 80 : index
            %get3A_338 = tpu.vector_load %arg12[%get3A_335, %get3A_336, %get3A_337] {strides = array<i32>} : memref<2x40x128xf32, #tpu.memory_space<vmem>>, vector<1x1x16xf32>,
            %get3A_339 = vector.shape_cast %get3A_338 : vector<1x1x16xf32> to vector<16xf32>
            %get3A_340 = arith.constant 0 : i32
            %get3A_341 = arith.index_cast %get3A_340 : i32 to index
            %get3A_342 = arith.index_cast %add3A_221 : i32 to index
            %get3A_343 = arith.constant 80 : index
            %get3A_344 = tpu.vector_load %arg13[%get3A_341, %get3A_342, %get3A_343] {strides = array<i32>} : memref<2x40x128xf32, #tpu.memory_space<vmem>>, vector<1x1x16xf32>,
            %get3A_345 = vector.shape_cast %get3A_344 : vector<1x1x16xf32> to vector<16xf32>
            %add3A_346 = arith.addf %get3A_339, %get3A_345 : vector<16xf32>
            %max3A_347 = arith.constant 0.000000e+00 : f32
            %max3A_348 = vector.broadcast %max3A_347 : f32 to vector<16xf32>
            %max3A_349 = arith.maximumf %add3A_346, %max3A_348 : vector<16xf32>
            %swap3A_350 = arith.constant 0 : i32
            %swap3A_351 = arith.index_cast %swap3A_350 : i32 to index
            %swap3A_352 = arith.index_cast %add3A_221 : i32 to index
            %swap3A_353 = arith.constant 80 : index
            %swap3A_354 = tpu.vector_load %arg14[%swap3A_351, %swap3A_352, %swap3A_353] {strides = array<i32>} : memref<2x40x128xf32, #tpu.memory_space<vmem>>, vector<1x1x16xf32>,
            %swap3A_355 = vector.shape_cast %swap3A_354 : vector<1x1x16xf32> to vector<16xf32>
            %swap3A_356 = vector.shape_cast %max3A_349 : vector<16xf32> to vector<1x1x16xf32>
            tpu.vector_store %arg14[%swap3A_351, %swap3A_352, %swap3A_353], %swap3A_356 {strides = array<i32>} : memref<2x40x128xf32, #tpu.memory_space<vmem>>, vector<1x1x16xf32>,
            %get3A_357 = arith.constant 0 : i32
            %get3A_358 = arith.index_cast %get3A_357 : i32 to index
            %get3A_359 = arith.index_cast %add3A_221 : i32 to index
            %get3A_360 = arith.constant 96 : index
            %get3A_361 = tpu.vector_load %arg12[%get3A_358, %get3A_359, %get3A_360] {strides = array<i32>} : memref<2x40x128xf32, #tpu.memory_space<vmem>>, vector<1x1x16xf32>,
            %get3A_362 = vector.shape_cast %get3A_361 : vector<1x1x16xf32> to vector<16xf32>
            %get3A_363 = arith.constant 0 : i32
            %get3A_364 = arith.index_cast %get3A_363 : i32 to index
            %get3A_365 = arith.index_cast %add3A_221 : i32 to index
            %get3A_366 = arith.constant 96 : index
            %get3A_367 = tpu.vector_load %arg13[%get3A_364, %get3A_365, %get3A_366] {strides = array<i32>} : memref<2x40x128xf32, #tpu.memory_space<vmem>>, vector<1x1x16xf32>,
            %get3A_368 = vector.shape_cast %get3A_367 : vector<1x1x16xf32> to vector<16xf32>
            %add3A_369 = arith.addf %get3A_362, %get3A_368 : vector<16xf32>
            %max3A_370 = arith.constant 0.000000e+00 : f32
            %max3A_371 = vector.broadcast %max3A_370 : f32 to vector<16xf32>
            %max3A_372 = arith.maximumf %add3A_369, %max3A_371 : vector<16xf32>
            %swap3A_373 = arith.constant 0 : i32
            %swap3A_374 = arith.index_cast %swap3A_373 : i32 to index
            %swap3A_375 = arith.index_cast %add3A_221 : i32 to index
            %swap3A_376 = arith.constant 96 : index
            %swap3A_377 = tpu.vector_load %arg14[%swap3A_374, %swap3A_375, %swap3A_376] {strides = array<i32>} : memref<2x40x128xf32, #tpu.memory_space<vmem>>, vector<1x1x16xf32>,
            %swap3A_378 = vector.shape_cast %swap3A_377 : vector<1x1x16xf32> to vector<16xf32>
            %swap3A_379 = vector.shape_cast %max3A_372 : vector<16xf32> to vector<1x1x16xf32>
            tpu.vector_store %arg14[%swap3A_374, %swap3A_375, %swap3A_376], %swap3A_379 {strides = array<i32>} : memref<2x40x128xf32, #tpu.memory_space<vmem>>, vector<1x1x16xf32>,
            %get3A_380 = arith.constant 0 : i32
            %get3A_381 = arith.index_cast %get3A_380 : i32 to index
            %get3A_382 = arith.index_cast %add3A_221 : i32 to index
            %get3A_383 = arith.constant 112 : index
            %get3A_384 = tpu.vector_load %arg12[%get3A_381, %get3A_382, %get3A_383] {strides = array<i32>} : memref<2x40x128xf32, #tpu.memory_space<vmem>>, vector<1x1x16xf32>,
            %get3A_385 = vector.shape_cast %get3A_384 : vector<1x1x16xf32> to vector<16xf32>
            %get3A_386 = arith.constant 0 : i32
            %get3A_387 = arith.index_cast %get3A_386 : i32 to index
            %get3A_388 = arith.index_cast %add3A_221 : i32 to index
            %get3A_389 = arith.constant 112 : index
            %get3A_390 = tpu.vector_load %arg13[%get3A_387, %get3A_388, %get3A_389] {strides = array<i32>} : memref<2x40x128xf32, #tpu.memory_space<vmem>>, vector<1x1x16xf32>,
            %get3A_391 = vector.shape_cast %get3A_390 : vector<1x1x16xf32> to vector<16xf32>
            %add3A_392 = arith.addf %get3A_385, %get3A_391 : vector<16xf32>
            %max3A_393 = arith.constant 0.000000e+00 : f32
            %max3A_394 = vector.broadcast %max3A_393 : f32 to vector<16xf32>
            %max3A_395 = arith.maximumf %add3A_392, %max3A_394 : vector<16xf32>
            %swap3A_396 = arith.constant 0 : i32
            %swap3A_397 = arith.index_cast %swap3A_396 : i32 to index
            %swap3A_398 = arith.index_cast %add3A_221 : i32 to index
            %swap3A_399 = arith.constant 112 : index
            %swap3A_400 = tpu.vector_load %arg14[%swap3A_397, %swap3A_398, %swap3A_399] {strides = array<i32>} : memref<2x40x128xf32, #tpu.memory_space<vmem>>, vector<1x1x16xf32>,
            %swap3A_401 = vector.shape_cast %swap3A_400 : vector<1x1x16xf32> to vector<16xf32>
            %swap3A_402 = vector.shape_cast %max3A_395 : vector<16xf32> to vector<1x1x16xf32>
            tpu.vector_store %arg14[%swap3A_397, %swap3A_398, %swap3A_399], %swap3A_402 {strides = array<i32>} : memref<2x40x128xf32, #tpu.memory_space<vmem>>, vector<1x1x16xf32>,
            %mul3A_403 = arith.constant 4 : i32
            %mul3A_404 = arith.muli %scan3A_216, %mul3A_403 : i32
            %add3A_405 = arith.constant 1 : i32
            %add3A_406 = arith.addi %mul3A_404, %add3A_405 : i32
            %get3A_407 = arith.constant 0 : i32
            %get3A_408 = arith.index_cast %get3A_407 : i32 to index
            %get3A_409 = arith.index_cast %add3A_406 : i32 to index
            %get3A_410 = arith.constant 0 : index
            %get3A_411 = tpu.vector_load %arg12[%get3A_408, %get3A_409, %get3A_410] {strides = array<i32>} : memref<2x40x128xf32, #tpu.memory_space<vmem>>, vector<1x1x16xf32>,
            %get3A_412 = vector.shape_cast %get3A_411 : vector<1x1x16xf32> to vector<16xf32>
            %get3A_413 = arith.constant 0 : i32
            %get3A_414 = arith.index_cast %get3A_413 : i32 to index
            %get3A_415 = arith.index_cast %add3A_406 : i32 to index
            %get3A_416 = arith.constant 0 : index
            %get3A_417 = tpu.vector_load %arg13[%get3A_414, %get3A_415, %get3A_416] {strides = array<i32>} : memref<2x40x128xf32, #tpu.memory_space<vmem>>, vector<1x1x16xf32>,
            %get3A_418 = vector.shape_cast %get3A_417 : vector<1x1x16xf32> to vector<16xf32>
            %add3A_419 = arith.addf %get3A_412, %get3A_418 : vector<16xf32>
            %max3A_420 = arith.constant 0.000000e+00 : f32
            %max3A_421 = vector.broadcast %max3A_420 : f32 to vector<16xf32>
            %max3A_422 = arith.maximumf %add3A_419, %max3A_421 : vector<16xf32>
            %swap3A_423 = arith.constant 0 : i32
            %swap3A_424 = arith.index_cast %swap3A_423 : i32 to index
            %swap3A_425 = arith.index_cast %add3A_406 : i32 to index
            %swap3A_426 = arith.constant 0 : index
            %swap3A_427 = tpu.vector_load %arg14[%swap3A_424, %swap3A_425, %swap3A_426] {strides = array<i32>} : memref<2x40x128xf32, #tpu.memory_space<vmem>>, vector<1x1x16xf32>,
            %swap3A_428 = vector.shape_cast %swap3A_427 : vector<1x1x16xf32> to vector<16xf32>
            %swap3A_429 = vector.shape_cast %max3A_422 : vector<16xf32> to vector<1x1x16xf32>
            tpu.vector_store %arg14[%swap3A_424, %swap3A_425, %swap3A_426], %swap3A_429 {strides = array<i32>} : memref<2x40x128xf32, #tpu.memory_space<vmem>>, vector<1x1x16xf32>,
            %get3A_430 = arith.constant 0 : i32
            %get3A_431 = arith.index_cast %get3A_430 : i32 to index
            %get3A_432 = arith.index_cast %add3A_406 : i32 to index
            %get3A_433 = arith.constant 16 : index
            %get3A_434 = tpu.vector_load %arg12[%get3A_431, %get3A_432, %get3A_433] {strides = array<i32>} : memref<2x40x128xf32, #tpu.memory_space<vmem>>, vector<1x1x16xf32>,
            %get3A_435 = vector.shape_cast %get3A_434 : vector<1x1x16xf32> to vector<16xf32>
            %get3A_436 = arith.constant 0 : i32
            %get3A_437 = arith.index_cast %get3A_436 : i32 to index
            %get3A_438 = arith.index_cast %add3A_406 : i32 to index
            %get3A_439 = arith.constant 16 : index
            %get3A_440 = tpu.vector_load %arg13[%get3A_437, %get3A_438, %get3A_439] {strides = array<i32>} : memref<2x40x128xf32, #tpu.memory_space<vmem>>, vector<1x1x16xf32>,
            %get3A_441 = vector.shape_cast %get3A_440 : vector<1x1x16xf32> to vector<16xf32>
            %add3A_442 = arith.addf %get3A_435, %get3A_441 : vector<16xf32>
            %max3A_443 = arith.constant 0.000000e+00 : f32
            %max3A_444 = vector.broadcast %max3A_443 : f32 to vector<16xf32>
            %max3A_445 = arith.maximumf %add3A_442, %max3A_444 : vector<16xf32>
            %swap3A_446 = arith.constant 0 : i32
            %swap3A_447 = arith.index_cast %swap3A_446 : i32 to index
            %swap3A_448 = arith.index_cast %add3A_406 : i32 to index
            %swap3A_449 = arith.constant 16 : index
            %swap3A_450 = tpu.vector_load %arg14[%swap3A_447, %swap3A_448, %swap3A_449] {strides = array<i32>} : memref<2x40x128xf32, #tpu.memory_space<vmem>>, vector<1x1x16xf32>,
            %swap3A_451 = vector.shape_cast %swap3A_450 : vector<1x1x16xf32> to vector<16xf32>
            %swap3A_452 = vector.shape_cast %max3A_445 : vector<16xf32> to vector<1x1x16xf32>
            tpu.vector_store %arg14[%swap3A_447, %swap3A_448, %swap3A_449], %swap3A_452 {strides = array<i32>} : memref<2x40x128xf32, #tpu.memory_space<vmem>>, vector<1x1x16xf32>,
            %get3A_453 = arith.constant 0 : i32
            %get3A_454 = arith.index_cast %get3A_453 : i32 to index
            %get3A_455 = arith.index_cast %add3A_406 : i32 to index
            %get3A_456 = arith.constant 32 : index
            %get3A_457 = tpu.vector_load %arg12[%get3A_454, %get3A_455, %get3A_456] {strides = array<i32>} : memref<2x40x128xf32, #tpu.memory_space<vmem>>, vector<1x1x16xf32>,
            %get3A_458 = vector.shape_cast %get3A_457 : vector<1x1x16xf32> to vector<16xf32>
            %get3A_459 = arith.constant 0 : i32
            %get3A_460 = arith.index_cast %get3A_459 : i32 to index
            %get3A_461 = arith.index_cast %add3A_406 : i32 to index
            %get3A_462 = arith.constant 32 : index
            %get3A_463 = tpu.vector_load %arg13[%get3A_460, %get3A_461, %get3A_462] {strides = array<i32>} : memref<2x40x128xf32, #tpu.memory_space<vmem>>, vector<1x1x16xf32>,
            %get3A_464 = vector.shape_cast %get3A_463 : vector<1x1x16xf32> to vector<16xf32>
            %add3A_465 = arith.addf %get3A_458, %get3A_464 : vector<16xf32>
            %max3A_466 = arith.constant 0.000000e+00 : f32
            %max3A_467 = vector.broadcast %max3A_466 : f32 to vector<16xf32>
            %max3A_468 = arith.maximumf %add3A_465, %max3A_467 : vector<16xf32>
            %swap3A_469 = arith.constant 0 : i32
            %swap3A_470 = arith.index_cast %swap3A_469 : i32 to index
            %swap3A_471 = arith.index_cast %add3A_406 : i32 to index
            %swap3A_472 = arith.constant 32 : index
            %swap3A_473 = tpu.vector_load %arg14[%swap3A_470, %swap3A_471, %swap3A_472] {strides = array<i32>} : memref<2x40x128xf32, #tpu.memory_space<vmem>>, vector<1x1x16xf32>,
            %swap3A_474 = vector.shape_cast %swap3A_473 : vector<1x1x16xf32> to vector<16xf32>
            %swap3A_475 = vector.shape_cast %max3A_468 : vector<16xf32> to vector<1x1x16xf32>
            tpu.vector_store %arg14[%swap3A_470, %swap3A_471, %swap3A_472], %swap3A_475 {strides = array<i32>} : memref<2x40x128xf32, #tpu.memory_space<vmem>>, vector<1x1x16xf32>,
            %get3A_476 = arith.constant 0 : i32
            %get3A_477 = arith.index_cast %get3A_476 : i32 to index
            %get3A_478 = arith.index_cast %add3A_406 : i32 to index
            %get3A_479 = arith.constant 48 : index
            %get3A_480 = tpu.vector_load %arg12[%get3A_477, %get3A_478, %get3A_479] {strides = array<i32>} : memref<2x40x128xf32, #tpu.memory_space<vmem>>, vector<1x1x16xf32>,
            %get3A_481 = vector.shape_cast %get3A_480 : vector<1x1x16xf32> to vector<16xf32>
            %get3A_482 = arith.constant 0 : i32
            %get3A_483 = arith.index_cast %get3A_482 : i32 to index
            %get3A_484 = arith.index_cast %add3A_406 : i32 to index
            %get3A_485 = arith.constant 48 : index
            %get3A_486 = tpu.vector_load %arg13[%get3A_483, %get3A_484, %get3A_485] {strides = array<i32>} : memref<2x40x128xf32, #tpu.memory_space<vmem>>, vector<1x1x16xf32>,
            %get3A_487 = vector.shape_cast %get3A_486 : vector<1x1x16xf32> to vector<16xf32>
            %add3A_488 = arith.addf %get3A_481, %get3A_487 : vector<16xf32>
            %max3A_489 = arith.constant 0.000000e+00 : f32
            %max3A_490 = vector.broadcast %max3A_489 : f32 to vector<16xf32>
            %max3A_491 = arith.maximumf %add3A_488, %max3A_490 : vector<16xf32>
            %swap3A_492 = arith.constant 0 : i32
            %swap3A_493 = arith.index_cast %swap3A_492 : i32 to index
            %swap3A_494 = arith.index_cast %add3A_406 : i32 to index
            %swap3A_495 = arith.constant 48 : index
            %swap3A_496 = tpu.vector_load %arg14[%swap3A_493, %swap3A_494, %swap3A_495] {strides = array<i32>} : memref<2x40x128xf32, #tpu.memory_space<vmem>>, vector<1x1x16xf32>,
            %swap3A_497 = vector.shape_cast %swap3A_496 : vector<1x1x16xf32> to vector<16xf32>
            %swap3A_498 = vector.shape_cast %max3A_491 : vector<16xf32> to vector<1x1x16xf32>
            tpu.vector_store %arg14[%swap3A_493, %swap3A_494, %swap3A_495], %swap3A_498 {strides = array<i32>} : memref<2x40x128xf32, #tpu.memory_space<vmem>>, vector<1x1x16xf32>,
            %get3A_499 = arith.constant 0 : i32
            %get3A_500 = arith.index_cast %get3A_499 : i32 to index
            %get3A_501 = arith.index_cast %add3A_406 : i32 to index
            %get3A_502 = arith.constant 64 : index
            %get3A_503 = tpu.vector_load %arg12[%get3A_500, %get3A_501, %get3A_502] {strides = array<i32>} : memref<2x40x128xf32, #tpu.memory_space<vmem>>, vector<1x1x16xf32>,
            %get3A_504 = vector.shape_cast %get3A_503 : vector<1x1x16xf32> to vector<16xf32>
            %get3A_505 = arith.constant 0 : i32
            %get3A_506 = arith.index_cast %get3A_505 : i32 to index
            %get3A_507 = arith.index_cast %add3A_406 : i32 to index
            %get3A_508 = arith.constant 64 : index
            %get3A_509 = tpu.vector_load %arg13[%get3A_506, %get3A_507, %get3A_508] {strides = array<i32>} : memref<2x40x128xf32, #tpu.memory_space<vmem>>, vector<1x1x16xf32>,
            %get3A_510 = vector.shape_cast %get3A_509 : vector<1x1x16xf32> to vector<16xf32>
            %add3A_511 = arith.addf %get3A_504, %get3A_510 : vector<16xf32>
            %max3A_512 = arith.constant 0.000000e+00 : f32
            %max3A_513 = vector.broadcast %max3A_512 : f32 to vector<16xf32>
            %max3A_514 = arith.maximumf %add3A_511, %max3A_513 : vector<16xf32>
            %swap3A_515 = arith.constant 0 : i32
            %swap3A_516 = arith.index_cast %swap3A_515 : i32 to index
            %swap3A_517 = arith.index_cast %add3A_406 : i32 to index
            %swap3A_518 = arith.constant 64 : index
            %swap3A_519 = tpu.vector_load %arg14[%swap3A_516, %swap3A_517, %swap3A_518] {strides = array<i32>} : memref<2x40x128xf32, #tpu.memory_space<vmem>>, vector<1x1x16xf32>,
            %swap3A_520 = vector.shape_cast %swap3A_519 : vector<1x1x16xf32> to vector<16xf32>
            %swap3A_521 = vector.shape_cast %max3A_514 : vector<16xf32> to vector<1x1x16xf32>
            tpu.vector_store %arg14[%swap3A_516, %swap3A_517, %swap3A_518], %swap3A_521 {strides = array<i32>} : memref<2x40x128xf32, #tpu.memory_space<vmem>>, vector<1x1x16xf32>,
            %get3A_522 = arith.constant 0 : i32
            %get3A_523 = arith.index_cast %get3A_522 : i32 to index
            %get3A_524 = arith.index_cast %add3A_406 : i32 to index
            %get3A_525 = arith.constant 80 : index
            %get3A_526 = tpu.vector_load %arg12[%get3A_523, %get3A_524, %get3A_525] {strides = array<i32>} : memref<2x40x128xf32, #tpu.memory_space<vmem>>, vector<1x1x16xf32>,
            %get3A_527 = vector.shape_cast %get3A_526 : vector<1x1x16xf32> to vector<16xf32>
            %get3A_528 = arith.constant 0 : i32
            %get3A_529 = arith.index_cast %get3A_528 : i32 to index
            %get3A_530 = arith.index_cast %add3A_406 : i32 to index
            %get3A_531 = arith.constant 80 : index
            %get3A_532 = tpu.vector_load %arg13[%get3A_529, %get3A_530, %get3A_531] {strides = array<i32>} : memref<2x40x128xf32, #tpu.memory_space<vmem>>, vector<1x1x16xf32>,
            %get3A_533 = vector.shape_cast %get3A_532 : vector<1x1x16xf32> to vector<16xf32>
            %add3A_534 = arith.addf %get3A_527, %get3A_533 : vector<16xf32>
            %max3A_535 = arith.constant 0.000000e+00 : f32
            %max3A_536 = vector.broadcast %max3A_535 : f32 to vector<16xf32>
            %max3A_537 = arith.maximumf %add3A_534, %max3A_536 : vector<16xf32>
            %swap3A_538 = arith.constant 0 : i32
            %swap3A_539 = arith.index_cast %swap3A_538 : i32 to index
            %swap3A_540 = arith.index_cast %add3A_406 : i32 to index
            %swap3A_541 = arith.constant 80 : index
            %swap3A_542 = tpu.vector_load %arg14[%swap3A_539, %swap3A_540, %swap3A_541] {strides = array<i32>} : memref<2x40x128xf32, #tpu.memory_space<vmem>>, vector<1x1x16xf32>,
            %swap3A_543 = vector.shape_cast %swap3A_542 : vector<1x1x16xf32> to vector<16xf32>
            %swap3A_544 = vector.shape_cast %max3A_537 : vector<16xf32> to vector<1x1x16xf32>
            tpu.vector_store %arg14[%swap3A_539, %swap3A_540, %swap3A_541], %swap3A_544 {strides = array<i32>} : memref<2x40x128xf32, #tpu.memory_space<vmem>>, vector<1x1x16xf32>,
            %get3A_545 = arith.constant 0 : i32
            %get3A_546 = arith.index_cast %get3A_545 : i32 to index
            %get3A_547 = arith.index_cast %add3A_406 : i32 to index
            %get3A_548 = arith.constant 96 : index
            %get3A_549 = tpu.vector_load %arg12[%get3A_546, %get3A_547, %get3A_548] {strides = array<i32>} : memref<2x40x128xf32, #tpu.memory_space<vmem>>, vector<1x1x16xf32>,
            %get3A_550 = vector.shape_cast %get3A_549 : vector<1x1x16xf32> to vector<16xf32>
            %get3A_551 = arith.constant 0 : i32
            %get3A_552 = arith.index_cast %get3A_551 : i32 to index
            %get3A_553 = arith.index_cast %add3A_406 : i32 to index
            %get3A_554 = arith.constant 96 : index
            %get3A_555 = tpu.vector_load %arg13[%get3A_552, %get3A_553, %get3A_554] {strides = array<i32>} : memref<2x40x128xf32, #tpu.memory_space<vmem>>, vector<1x1x16xf32>,
            %get3A_556 = vector.shape_cast %get3A_555 : vector<1x1x16xf32> to vector<16xf32>
            %add3A_557 = arith.addf %get3A_550, %get3A_556 : vector<16xf32>
            %max3A_558 = arith.constant 0.000000e+00 : f32
            %max3A_559 = vector.broadcast %max3A_558 : f32 to vector<16xf32>
            %max3A_560 = arith.maximumf %add3A_557, %max3A_559 : vector<16xf32>
            %swap3A_561 = arith.constant 0 : i32
            %swap3A_562 = arith.index_cast %swap3A_561 : i32 to index
            %swap3A_563 = arith.index_cast %add3A_406 : i32 to index
            %swap3A_564 = arith.constant 96 : index
            %swap3A_565 = tpu.vector_load %arg14[%swap3A_562, %swap3A_563, %swap3A_564] {strides = array<i32>} : memref<2x40x128xf32, #tpu.memory_space<vmem>>, vector<1x1x16xf32>,
            %swap3A_566 = vector.shape_cast %swap3A_565 : vector<1x1x16xf32> to vector<16xf32>
            %swap3A_567 = vector.shape_cast %max3A_560 : vector<16xf32> to vector<1x1x16xf32>
            tpu.vector_store %arg14[%swap3A_562, %swap3A_563, %swap3A_564], %swap3A_567 {strides = array<i32>} : memref<2x40x128xf32, #tpu.memory_space<vmem>>, vector<1x1x16xf32>,
            %get3A_568 = arith.constant 0 : i32
            %get3A_569 = arith.index_cast %get3A_568 : i32 to index
            %get3A_570 = arith.index_cast %add3A_406 : i32 to index
            %get3A_571 = arith.constant 112 : index
            %get3A_572 = tpu.vector_load %arg12[%get3A_569, %get3A_570, %get3A_571] {strides = array<i32>} : memref<2x40x128xf32, #tpu.memory_space<vmem>>, vector<1x1x16xf32>,
            %get3A_573 = vector.shape_cast %get3A_572 : vector<1x1x16xf32> to vector<16xf32>
            %get3A_574 = arith.constant 0 : i32
            %get3A_575 = arith.index_cast %get3A_574 : i32 to index
            %get3A_576 = arith.index_cast %add3A_406 : i32 to index
            %get3A_577 = arith.constant 112 : index
            %get3A_578 = tpu.vector_load %arg13[%get3A_575, %get3A_576, %get3A_577] {strides = array<i32>} : memref<2x40x128xf32, #tpu.memory_space<vmem>>, vector<1x1x16xf32>,
            %get3A_579 = vector.shape_cast %get3A_578 : vector<1x1x16xf32> to vector<16xf32>
            %add3A_580 = arith.addf %get3A_573, %get3A_579 : vector<16xf32>
            %max3A_581 = arith.constant 0.000000e+00 : f32
            %max3A_582 = vector.broadcast %max3A_581 : f32 to vector<16xf32>
            %max3A_583 = arith.maximumf %add3A_580, %max3A_582 : vector<16xf32>
            %swap3A_584 = arith.constant 0 : i32
            %swap3A_585 = arith.index_cast %swap3A_584 : i32 to index
            %swap3A_586 = arith.index_cast %add3A_406 : i32 to index
            %swap3A_587 = arith.constant 112 : index
            %swap3A_588 = tpu.vector_load %arg14[%swap3A_585, %swap3A_586, %swap3A_587] {strides = array<i32>} : memref<2x40x128xf32, #tpu.memory_space<vmem>>, vector<1x1x16xf32>,
            %swap3A_589 = vector.shape_cast %swap3A_588 : vector<1x1x16xf32> to vector<16xf32>
            %swap3A_590 = vector.shape_cast %max3A_583 : vector<16xf32> to vector<1x1x16xf32>
            tpu.vector_store %arg14[%swap3A_585, %swap3A_586, %swap3A_587], %swap3A_590 {strides = array<i32>} : memref<2x40x128xf32, #tpu.memory_space<vmem>>, vector<1x1x16xf32>,
            %mul3A_591 = arith.constant 4 : i32
            %mul3A_592 = arith.muli %scan3A_216, %mul3A_591 : i32
            %add3A_593 = arith.constant 2 : i32
            %add3A_594 = arith.addi %mul3A_592, %add3A_593 : i32
            %get3A_595 = arith.constant 0 : i32
            %get3A_596 = arith.index_cast %get3A_595 : i32 to index
            %get3A_597 = arith.index_cast %add3A_594 : i32 to index
            %get3A_598 = arith.constant 0 : index
            %get3A_599 = tpu.vector_load %arg12[%get3A_596, %get3A_597, %get3A_598] {strides = array<i32>} : memref<2x40x128xf32, #tpu.memory_space<vmem>>, vector<1x1x16xf32>,
            %get3A_600 = vector.shape_cast %get3A_599 : vector<1x1x16xf32> to vector<16xf32>
            %get3A_601 = arith.constant 0 : i32
            %get3A_602 = arith.index_cast %get3A_601 : i32 to index
            %get3A_603 = arith.index_cast %add3A_594 : i32 to index
            %get3A_604 = arith.constant 0 : index
            %get3A_605 = tpu.vector_load %arg13[%get3A_602, %get3A_603, %get3A_604] {strides = array<i32>} : memref<2x40x128xf32, #tpu.memory_space<vmem>>, vector<1x1x16xf32>,
            %get3A_606 = vector.shape_cast %get3A_605 : vector<1x1x16xf32> to vector<16xf32>
            %add3A_607 = arith.addf %get3A_600, %get3A_606 : vector<16xf32>
            %max3A_608 = arith.constant 0.000000e+00 : f32
            %max3A_609 = vector.broadcast %max3A_608 : f32 to vector<16xf32>
            %max3A_610 = arith.maximumf %add3A_607, %max3A_609 : vector<16xf32>
            %swap3A_611 = arith.constant 0 : i32
            %swap3A_612 = arith.index_cast %swap3A_611 : i32 to index
            %swap3A_613 = arith.index_cast %add3A_594 : i32 to index
            %swap3A_614 = arith.constant 0 : index
            %swap3A_615 = tpu.vector_load %arg14[%swap3A_612, %swap3A_613, %swap3A_614] {strides = array<i32>} : memref<2x40x128xf32, #tpu.memory_space<vmem>>, vector<1x1x16xf32>,
            %swap3A_616 = vector.shape_cast %swap3A_615 : vector<1x1x16xf32> to vector<16xf32>
            %swap3A_617 = vector.shape_cast %max3A_610 : vector<16xf32> to vector<1x1x16xf32>
            tpu.vector_store %arg14[%swap3A_612, %swap3A_613, %swap3A_614], %swap3A_617 {strides = array<i32>} : memref<2x40x128xf32, #tpu.memory_space<vmem>>, vector<1x1x16xf32>,
            %get3A_618 = arith.constant 0 : i32
            %get3A_619 = arith.index_cast %get3A_618 : i32 to index
            %get3A_620 = arith.index_cast %add3A_594 : i32 to index
            %get3A_621 = arith.constant 16 : index
            %get3A_622 = tpu.vector_load %arg12[%get3A_619, %get3A_620, %get3A_621] {strides = array<i32>} : memref<2x40x128xf32, #tpu.memory_space<vmem>>, vector<1x1x16xf32>,
            %get3A_623 = vector.shape_cast %get3A_622 : vector<1x1x16xf32> to vector<16xf32>
            %get3A_624 = arith.constant 0 : i32
            %get3A_625 = arith.index_cast %get3A_624 : i32 to index
            %get3A_626 = arith.index_cast %add3A_594 : i32 to index
            %get3A_627 = arith.constant 16 : index
            %get3A_628 = tpu.vector_load %arg13[%get3A_625, %get3A_626, %get3A_627] {strides = array<i32>} : memref<2x40x128xf32, #tpu.memory_space<vmem>>, vector<1x1x16xf32>,
            %get3A_629 = vector.shape_cast %get3A_628 : vector<1x1x16xf32> to vector<16xf32>
            %add3A_630 = arith.addf %get3A_623, %get3A_629 : vector<16xf32>
            %max3A_631 = arith.constant 0.000000e+00 : f32
            %max3A_632 = vector.broadcast %max3A_631 : f32 to vector<16xf32>
            %max3A_633 = arith.maximumf %add3A_630, %max3A_632 : vector<16xf32>
            %swap3A_634 = arith.constant 0 : i32
            %swap3A_635 = arith.index_cast %swap3A_634 : i32 to index
            %swap3A_636 = arith.index_cast %add3A_594 : i32 to index
            %swap3A_637 = arith.constant 16 : index
            %swap3A_638 = tpu.vector_load %arg14[%swap3A_635, %swap3A_636, %swap3A_637] {strides = array<i32>} : memref<2x40x128xf32, #tpu.memory_space<vmem>>, vector<1x1x16xf32>,
            %swap3A_639 = vector.shape_cast %swap3A_638 : vector<1x1x16xf32> to vector<16xf32>
            %swap3A_640 = vector.shape_cast %max3A_633 : vector<16xf32> to vector<1x1x16xf32>
            tpu.vector_store %arg14[%swap3A_635, %swap3A_636, %swap3A_637], %swap3A_640 {strides = array<i32>} : memref<2x40x128xf32, #tpu.memory_space<vmem>>, vector<1x1x16xf32>,
            %get3A_641 = arith.constant 0 : i32
            %get3A_642 = arith.index_cast %get3A_641 : i32 to index
            %get3A_643 = arith.index_cast %add3A_594 : i32 to index
            %get3A_644 = arith.constant 32 : index
            %get3A_645 = tpu.vector_load %arg12[%get3A_642, %get3A_643, %get3A_644] {strides = array<i32>} : memref<2x40x128xf32, #tpu.memory_space<vmem>>, vector<1x1x16xf32>,
            %get3A_646 = vector.shape_cast %get3A_645 : vector<1x1x16xf32> to vector<16xf32>
            %get3A_647 = arith.constant 0 : i32
            %get3A_648 = arith.index_cast %get3A_647 : i32 to index
            %get3A_649 = arith.index_cast %add3A_594 : i32 to index
            %get3A_650 = arith.constant 32 : index
            %get3A_651 = tpu.vector_load %arg13[%get3A_648, %get3A_649, %get3A_650] {strides = array<i32>} : memref<2x40x128xf32, #tpu.memory_space<vmem>>, vector<1x1x16xf32>,
            %get3A_652 = vector.shape_cast %get3A_651 : vector<1x1x16xf32> to vector<16xf32>
            %add3A_653 = arith.addf %get3A_646, %get3A_652 : vector<16xf32>
            %max3A_654 = arith.constant 0.000000e+00 : f32
            %max3A_655 = vector.broadcast %max3A_654 : f32 to vector<16xf32>
            %max3A_656 = arith.maximumf %add3A_653, %max3A_655 : vector<16xf32>
            %swap3A_657 = arith.constant 0 : i32
            %swap3A_658 = arith.index_cast %swap3A_657 : i32 to index
            %swap3A_659 = arith.index_cast %add3A_594 : i32 to index
            %swap3A_660 = arith.constant 32 : index
            %swap3A_661 = tpu.vector_load %arg14[%swap3A_658, %swap3A_659, %swap3A_660] {strides = array<i32>} : memref<2x40x128xf32, #tpu.memory_space<vmem>>, vector<1x1x16xf32>,
            %swap3A_662 = vector.shape_cast %swap3A_661 : vector<1x1x16xf32> to vector<16xf32>
            %swap3A_663 = vector.shape_cast %max3A_656 : vector<16xf32> to vector<1x1x16xf32>
            tpu.vector_store %arg14[%swap3A_658, %swap3A_659, %swap3A_660], %swap3A_663 {strides = array<i32>} : memref<2x40x128xf32, #tpu.memory_space<vmem>>, vector<1x1x16xf32>,
            %get3A_664 = arith.constant 0 : i32
            %get3A_665 = arith.index_cast %get3A_664 : i32 to index
            %get3A_666 = arith.index_cast %add3A_594 : i32 to index
            %get3A_667 = arith.constant 48 : index
            %get3A_668 = tpu.vector_load %arg12[%get3A_665, %get3A_666, %get3A_667] {strides = array<i32>} : memref<2x40x128xf32, #tpu.memory_space<vmem>>, vector<1x1x16xf32>,
            %get3A_669 = vector.shape_cast %get3A_668 : vector<1x1x16xf32> to vector<16xf32>
            %get3A_670 = arith.constant 0 : i32
            %get3A_671 = arith.index_cast %get3A_670 : i32 to index
            %get3A_672 = arith.index_cast %add3A_594 : i32 to index
            %get3A_673 = arith.constant 48 : index
            %get3A_674 = tpu.vector_load %arg13[%get3A_671, %get3A_672, %get3A_673] {strides = array<i32>} : memref<2x40x128xf32, #tpu.memory_space<vmem>>, vector<1x1x16xf32>,
            %get3A_675 = vector.shape_cast %get3A_674 : vector<1x1x16xf32> to vector<16xf32>
            %add3A_676 = arith.addf %get3A_669, %get3A_675 : vector<16xf32>
            %max3A_677 = arith.constant 0.000000e+00 : f32
            %max3A_678 = vector.broadcast %max3A_677 : f32 to vector<16xf32>
            %max3A_679 = arith.maximumf %add3A_676, %max3A_678 : vector<16xf32>
            %swap3A_680 = arith.constant 0 : i32
            %swap3A_681 = arith.index_cast %swap3A_680 : i32 to index
            %swap3A_682 = arith.index_cast %add3A_594 : i32 to index
            %swap3A_683 = arith.constant 48 : index
            %swap3A_684 = tpu.vector_load %arg14[%swap3A_681, %swap3A_682, %swap3A_683] {strides = array<i32>} : memref<2x40x128xf32, #tpu.memory_space<vmem>>, vector<1x1x16xf32>,
            %swap3A_685 = vector.shape_cast %swap3A_684 : vector<1x1x16xf32> to vector<16xf32>
            %swap3A_686 = vector.shape_cast %max3A_679 : vector<16xf32> to vector<1x1x16xf32>
            tpu.vector_store %arg14[%swap3A_681, %swap3A_682, %swap3A_683], %swap3A_686 {strides = array<i32>} : memref<2x40x128xf32, #tpu.memory_space<vmem>>, vector<1x1x16xf32>,
            %get3A_687 = arith.constant 0 : i32
            %get3A_688 = arith.index_cast %get3A_687 : i32 to index
            %get3A_689 = arith.index_cast %add3A_594 : i32 to index
            %get3A_690 = arith.constant 64 : index
            %get3A_691 = tpu.vector_load %arg12[%get3A_688, %get3A_689, %get3A_690] {strides = array<i32>} : memref<2x40x128xf32, #tpu.memory_space<vmem>>, vector<1x1x16xf32>,
            %get3A_692 = vector.shape_cast %get3A_691 : vector<1x1x16xf32> to vector<16xf32>
            %get3A_693 = arith.constant 0 : i32
            %get3A_694 = arith.index_cast %get3A_693 : i32 to index
            %get3A_695 = arith.index_cast %add3A_594 : i32 to index
            %get3A_696 = arith.constant 64 : index
            %get3A_697 = tpu.vector_load %arg13[%get3A_694, %get3A_695, %get3A_696] {strides = array<i32>} : memref<2x40x128xf32, #tpu.memory_space<vmem>>, vector<1x1x16xf32>,
            %get3A_698 = vector.shape_cast %get3A_697 : vector<1x1x16xf32> to vector<16xf32>
            %add3A_699 = arith.addf %get3A_692, %get3A_698 : vector<16xf32>
            %max3A_700 = arith.constant 0.000000e+00 : f32
            %max3A_701 = vector.broadcast %max3A_700 : f32 to vector<16xf32>
            %max3A_702 = arith.maximumf %add3A_699, %max3A_701 : vector<16xf32>
            %swap3A_703 = arith.constant 0 : i32
            %swap3A_704 = arith.index_cast %swap3A_703 : i32 to index
            %swap3A_705 = arith.index_cast %add3A_594 : i32 to index
            %swap3A_706 = arith.constant 64 : index
            %swap3A_707 = tpu.vector_load %arg14[%swap3A_704, %swap3A_705, %swap3A_706] {strides = array<i32>} : memref<2x40x128xf32, #tpu.memory_space<vmem>>, vector<1x1x16xf32>,
            %swap3A_708 = vector.shape_cast %swap3A_707 : vector<1x1x16xf32> to vector<16xf32>
            %swap3A_709 = vector.shape_cast %max3A_702 : vector<16xf32> to vector<1x1x16xf32>
            tpu.vector_store %arg14[%swap3A_704, %swap3A_705, %swap3A_706], %swap3A_709 {strides = array<i32>} : memref<2x40x128xf32, #tpu.memory_space<vmem>>, vector<1x1x16xf32>,
            %get3A_710 = arith.constant 0 : i32
            %get3A_711 = arith.index_cast %get3A_710 : i32 to index
            %get3A_712 = arith.index_cast %add3A_594 : i32 to index
            %get3A_713 = arith.constant 80 : index
            %get3A_714 = tpu.vector_load %arg12[%get3A_711, %get3A_712, %get3A_713] {strides = array<i32>} : memref<2x40x128xf32, #tpu.memory_space<vmem>>, vector<1x1x16xf32>,
            %get3A_715 = vector.shape_cast %get3A_714 : vector<1x1x16xf32> to vector<16xf32>
            %get3A_716 = arith.constant 0 : i32
            %get3A_717 = arith.index_cast %get3A_716 : i32 to index
            %get3A_718 = arith.index_cast %add3A_594 : i32 to index
            %get3A_719 = arith.constant 80 : index
            %get3A_720 = tpu.vector_load %arg13[%get3A_717, %get3A_718, %get3A_719] {strides = array<i32>} : memref<2x40x128xf32, #tpu.memory_space<vmem>>, vector<1x1x16xf32>,
            %get3A_721 = vector.shape_cast %get3A_720 : vector<1x1x16xf32> to vector<16xf32>
            %add3A_722 = arith.addf %get3A_715, %get3A_721 : vector<16xf32>
            %max3A_723 = arith.constant 0.000000e+00 : f32
            %max3A_724 = vector.broadcast %max3A_723 : f32 to vector<16xf32>
            %max3A_725 = arith.maximumf %add3A_722, %max3A_724 : vector<16xf32>
            %swap3A_726 = arith.constant 0 : i32
            %swap3A_727 = arith.index_cast %swap3A_726 : i32 to index
            %swap3A_728 = arith.index_cast %add3A_594 : i32 to index
            %swap3A_729 = arith.constant 80 : index
            %swap3A_730 = tpu.vector_load %arg14[%swap3A_727, %swap3A_728, %swap3A_729] {strides = array<i32>} : memref<2x40x128xf32, #tpu.memory_space<vmem>>, vector<1x1x16xf32>,
            %swap3A_731 = vector.shape_cast %swap3A_730 : vector<1x1x16xf32> to vector<16xf32>
            %swap3A_732 = vector.shape_cast %max3A_725 : vector<16xf32> to vector<1x1x16xf32>
            tpu.vector_store %arg14[%swap3A_727, %swap3A_728, %swap3A_729], %swap3A_732 {strides = array<i32>} : memref<2x40x128xf32, #tpu.memory_space<vmem>>, vector<1x1x16xf32>,
            %get3A_733 = arith.constant 0 : i32
            %get3A_734 = arith.index_cast %get3A_733 : i32 to index
            %get3A_735 = arith.index_cast %add3A_594 : i32 to index
            %get3A_736 = arith.constant 96 : index
            %get3A_737 = tpu.vector_load %arg12[%get3A_734, %get3A_735, %get3A_736] {strides = array<i32>} : memref<2x40x128xf32, #tpu.memory_space<vmem>>, vector<1x1x16xf32>,
            %get3A_738 = vector.shape_cast %get3A_737 : vector<1x1x16xf32> to vector<16xf32>
            %get3A_739 = arith.constant 0 : i32
            %get3A_740 = arith.index_cast %get3A_739 : i32 to index
            %get3A_741 = arith.index_cast %add3A_594 : i32 to index
            %get3A_742 = arith.constant 96 : index
            %get3A_743 = tpu.vector_load %arg13[%get3A_740, %get3A_741, %get3A_742] {strides = array<i32>} : memref<2x40x128xf32, #tpu.memory_space<vmem>>, vector<1x1x16xf32>,
            %get3A_744 = vector.shape_cast %get3A_743 : vector<1x1x16xf32> to vector<16xf32>
            %add3A_745 = arith.addf %get3A_738, %get3A_744 : vector<16xf32>
            %max3A_746 = arith.constant 0.000000e+00 : f32
            %max3A_747 = vector.broadcast %max3A_746 : f32 to vector<16xf32>
            %max3A_748 = arith.maximumf %add3A_745, %max3A_747 : vector<16xf32>
            %swap3A_749 = arith.constant 0 : i32
            %swap3A_750 = arith.index_cast %swap3A_749 : i32 to index
            %swap3A_751 = arith.index_cast %add3A_594 : i32 to index
            %swap3A_752 = arith.constant 96 : index
            %swap3A_753 = tpu.vector_load %arg14[%swap3A_750, %swap3A_751, %swap3A_752] {strides = array<i32>} : memref<2x40x128xf32, #tpu.memory_space<vmem>>, vector<1x1x16xf32>,
            %swap3A_754 = vector.shape_cast %swap3A_753 : vector<1x1x16xf32> to vector<16xf32>
            %swap3A_755 = vector.shape_cast %max3A_748 : vector<16xf32> to vector<1x1x16xf32>
            tpu.vector_store %arg14[%swap3A_750, %swap3A_751, %swap3A_752], %swap3A_755 {strides = array<i32>} : memref<2x40x128xf32, #tpu.memory_space<vmem>>, vector<1x1x16xf32>,
            %get3A_756 = arith.constant 0 : i32
            %get3A_757 = arith.index_cast %get3A_756 : i32 to index
            %get3A_758 = arith.index_cast %add3A_594 : i32 to index
            %get3A_759 = arith.constant 112 : index
            %get3A_760 = tpu.vector_load %arg12[%get3A_757, %get3A_758, %get3A_759] {strides = array<i32>} : memref<2x40x128xf32, #tpu.memory_space<vmem>>, vector<1x1x16xf32>,
            %get3A_761 = vector.shape_cast %get3A_760 : vector<1x1x16xf32> to vector<16xf32>
            %get3A_762 = arith.constant 0 : i32
            %get3A_763 = arith.index_cast %get3A_762 : i32 to index
            %get3A_764 = arith.index_cast %add3A_594 : i32 to index
            %get3A_765 = arith.constant 112 : index
            %get3A_766 = tpu.vector_load %arg13[%get3A_763, %get3A_764, %get3A_765] {strides = array<i32>} : memref<2x40x128xf32, #tpu.memory_space<vmem>>, vector<1x1x16xf32>,
            %get3A_767 = vector.shape_cast %get3A_766 : vector<1x1x16xf32> to vector<16xf32>
            %add3A_768 = arith.addf %get3A_761, %get3A_767 : vector<16xf32>
            %max3A_769 = arith.constant 0.000000e+00 : f32
            %max3A_770 = vector.broadcast %max3A_769 : f32 to vector<16xf32>
            %max3A_771 = arith.maximumf %add3A_768, %max3A_770 : vector<16xf32>
            %swap3A_772 = arith.constant 0 : i32
            %swap3A_773 = arith.index_cast %swap3A_772 : i32 to index
            %swap3A_774 = arith.index_cast %add3A_594 : i32 to index
            %swap3A_775 = arith.constant 112 : index
            %swap3A_776 = tpu.vector_load %arg14[%swap3A_773, %swap3A_774, %swap3A_775] {strides = array<i32>} : memref<2x40x128xf32, #tpu.memory_space<vmem>>, vector<1x1x16xf32>,
            %swap3A_777 = vector.shape_cast %swap3A_776 : vector<1x1x16xf32> to vector<16xf32>
            %swap3A_778 = vector.shape_cast %max3A_771 : vector<16xf32> to vector<1x1x16xf32>
            tpu.vector_store %arg14[%swap3A_773, %swap3A_774, %swap3A_775], %swap3A_778 {strides = array<i32>} : memref<2x40x128xf32, #tpu.memory_space<vmem>>, vector<1x1x16xf32>,
            %mul3A_779 = arith.constant 4 : i32
            %mul3A_780 = arith.muli %scan3A_216, %mul3A_779 : i32
            %add3A_781 = arith.constant 3 : i32
            %add3A_782 = arith.addi %mul3A_780, %add3A_781 : i32
            %get3A_783 = arith.constant 0 : i32
            %get3A_784 = arith.index_cast %get3A_783 : i32 to index
            %get3A_785 = arith.index_cast %add3A_782 : i32 to index
            %get3A_786 = arith.constant 0 : index
            %get3A_787 = tpu.vector_load %arg12[%get3A_784, %get3A_785, %get3A_786] {strides = array<i32>} : memref<2x40x128xf32, #tpu.memory_space<vmem>>, vector<1x1x16xf32>,
            %get3A_788 = vector.shape_cast %get3A_787 : vector<1x1x16xf32> to vector<16xf32>
            %get3A_789 = arith.constant 0 : i32
            %get3A_790 = arith.index_cast %get3A_789 : i32 to index
            %get3A_791 = arith.index_cast %add3A_782 : i32 to index
            %get3A_792 = arith.constant 0 : index
            %get3A_793 = tpu.vector_load %arg13[%get3A_790, %get3A_791, %get3A_792] {strides = array<i32>} : memref<2x40x128xf32, #tpu.memory_space<vmem>>, vector<1x1x16xf32>,
            %get3A_794 = vector.shape_cast %get3A_793 : vector<1x1x16xf32> to vector<16xf32>
            %add3A_795 = arith.addf %get3A_788, %get3A_794 : vector<16xf32>
            %max3A_796 = arith.constant 0.000000e+00 : f32
            %max3A_797 = vector.broadcast %max3A_796 : f32 to vector<16xf32>
            %max3A_798 = arith.maximumf %add3A_795, %max3A_797 : vector<16xf32>
            %swap3A_799 = arith.constant 0 : i32
            %swap3A_800 = arith.index_cast %swap3A_799 : i32 to index
            %swap3A_801 = arith.index_cast %add3A_782 : i32 to index
            %swap3A_802 = arith.constant 0 : index
            %swap3A_803 = tpu.vector_load %arg14[%swap3A_800, %swap3A_801, %swap3A_802] {strides = array<i32>} : memref<2x40x128xf32, #tpu.memory_space<vmem>>, vector<1x1x16xf32>,
            %swap3A_804 = vector.shape_cast %swap3A_803 : vector<1x1x16xf32> to vector<16xf32>
            %swap3A_805 = vector.shape_cast %max3A_798 : vector<16xf32> to vector<1x1x16xf32>
            tpu.vector_store %arg14[%swap3A_800, %swap3A_801, %swap3A_802], %swap3A_805 {strides = array<i32>} : memref<2x40x128xf32, #tpu.memory_space<vmem>>, vector<1x1x16xf32>,
            %get3A_806 = arith.constant 0 : i32
            %get3A_807 = arith.index_cast %get3A_806 : i32 to index
            %get3A_808 = arith.index_cast %add3A_782 : i32 to index
            %get3A_809 = arith.constant 16 : index
            %get3A_810 = tpu.vector_load %arg12[%get3A_807, %get3A_808, %get3A_809] {strides = array<i32>} : memref<2x40x128xf32, #tpu.memory_space<vmem>>, vector<1x1x16xf32>,
            %get3A_811 = vector.shape_cast %get3A_810 : vector<1x1x16xf32> to vector<16xf32>
            %get3A_812 = arith.constant 0 : i32
            %get3A_813 = arith.index_cast %get3A_812 : i32 to index
            %get3A_814 = arith.index_cast %add3A_782 : i32 to index
            %get3A_815 = arith.constant 16 : index
            %get3A_816 = tpu.vector_load %arg13[%get3A_813, %get3A_814, %get3A_815] {strides = array<i32>} : memref<2x40x128xf32, #tpu.memory_space<vmem>>, vector<1x1x16xf32>,
            %get3A_817 = vector.shape_cast %get3A_816 : vector<1x1x16xf32> to vector<16xf32>
            %add3A_818 = arith.addf %get3A_811, %get3A_817 : vector<16xf32>
            %max3A_819 = arith.constant 0.000000e+00 : f32
            %max3A_820 = vector.broadcast %max3A_819 : f32 to vector<16xf32>
            %max3A_821 = arith.maximumf %add3A_818, %max3A_820 : vector<16xf32>
            %swap3A_822 = arith.constant 0 : i32
            %swap3A_823 = arith.index_cast %swap3A_822 : i32 to index
            %swap3A_824 = arith.index_cast %add3A_782 : i32 to index
            %swap3A_825 = arith.constant 16 : index
            %swap3A_826 = tpu.vector_load %arg14[%swap3A_823, %swap3A_824, %swap3A_825] {strides = array<i32>} : memref<2x40x128xf32, #tpu.memory_space<vmem>>, vector<1x1x16xf32>,
            %swap3A_827 = vector.shape_cast %swap3A_826 : vector<1x1x16xf32> to vector<16xf32>
            %swap3A_828 = vector.shape_cast %max3A_821 : vector<16xf32> to vector<1x1x16xf32>
            tpu.vector_store %arg14[%swap3A_823, %swap3A_824, %swap3A_825], %swap3A_828 {strides = array<i32>} : memref<2x40x128xf32, #tpu.memory_space<vmem>>, vector<1x1x16xf32>,
            %get3A_829 = arith.constant 0 : i32
            %get3A_830 = arith.index_cast %get3A_829 : i32 to index
            %get3A_831 = arith.index_cast %add3A_782 : i32 to index
            %get3A_832 = arith.constant 32 : index
            %get3A_833 = tpu.vector_load %arg12[%get3A_830, %get3A_831, %get3A_832] {strides = array<i32>} : memref<2x40x128xf32, #tpu.memory_space<vmem>>, vector<1x1x16xf32>,
            %get3A_834 = vector.shape_cast %get3A_833 : vector<1x1x16xf32> to vector<16xf32>
            %get3A_835 = arith.constant 0 : i32
            %get3A_836 = arith.index_cast %get3A_835 : i32 to index
            %get3A_837 = arith.index_cast %add3A_782 : i32 to index
            %get3A_838 = arith.constant 32 : index
            %get3A_839 = tpu.vector_load %arg13[%get3A_836, %get3A_837, %get3A_838] {strides = array<i32>} : memref<2x40x128xf32, #tpu.memory_space<vmem>>, vector<1x1x16xf32>,
            %get3A_840 = vector.shape_cast %get3A_839 : vector<1x1x16xf32> to vector<16xf32>
            %add3A_841 = arith.addf %get3A_834, %get3A_840 : vector<16xf32>
            %max3A_842 = arith.constant 0.000000e+00 : f32
            %max3A_843 = vector.broadcast %max3A_842 : f32 to vector<16xf32>
            %max3A_844 = arith.maximumf %add3A_841, %max3A_843 : vector<16xf32>
            %swap3A_845 = arith.constant 0 : i32
            %swap3A_846 = arith.index_cast %swap3A_845 : i32 to index
            %swap3A_847 = arith.index_cast %add3A_782 : i32 to index
            %swap3A_848 = arith.constant 32 : index
            %swap3A_849 = tpu.vector_load %arg14[%swap3A_846, %swap3A_847, %swap3A_848] {strides = array<i32>} : memref<2x40x128xf32, #tpu.memory_space<vmem>>, vector<1x1x16xf32>,
            %swap3A_850 = vector.shape_cast %swap3A_849 : vector<1x1x16xf32> to vector<16xf32>
            %swap3A_851 = vector.shape_cast %max3A_844 : vector<16xf32> to vector<1x1x16xf32>
            tpu.vector_store %arg14[%swap3A_846, %swap3A_847, %swap3A_848], %swap3A_851 {strides = array<i32>} : memref<2x40x128xf32, #tpu.memory_space<vmem>>, vector<1x1x16xf32>,
            %get3A_852 = arith.constant 0 : i32
            %get3A_853 = arith.index_cast %get3A_852 : i32 to index
            %get3A_854 = arith.index_cast %add3A_782 : i32 to index
            %get3A_855 = arith.constant 48 : index
            %get3A_856 = tpu.vector_load %arg12[%get3A_853, %get3A_854, %get3A_855] {strides = array<i32>} : memref<2x40x128xf32, #tpu.memory_space<vmem>>, vector<1x1x16xf32>,
            %get3A_857 = vector.shape_cast %get3A_856 : vector<1x1x16xf32> to vector<16xf32>
            %get3A_858 = arith.constant 0 : i32
            %get3A_859 = arith.index_cast %get3A_858 : i32 to index
            %get3A_860 = arith.index_cast %add3A_782 : i32 to index
            %get3A_861 = arith.constant 48 : index
            %get3A_862 = tpu.vector_load %arg13[%get3A_859, %get3A_860, %get3A_861] {strides = array<i32>} : memref<2x40x128xf32, #tpu.memory_space<vmem>>, vector<1x1x16xf32>,
            %get3A_863 = vector.shape_cast %get3A_862 : vector<1x1x16xf32> to vector<16xf32>
            %add3A_864 = arith.addf %get3A_857, %get3A_863 : vector<16xf32>
            %max3A_865 = arith.constant 0.000000e+00 : f32
            %max3A_866 = vector.broadcast %max3A_865 : f32 to vector<16xf32>
            %max3A_867 = arith.maximumf %add3A_864, %max3A_866 : vector<16xf32>
            %swap3A_868 = arith.constant 0 : i32
            %swap3A_869 = arith.index_cast %swap3A_868 : i32 to index
            %swap3A_870 = arith.index_cast %add3A_782 : i32 to index
            %swap3A_871 = arith.constant 48 : index
            %swap3A_872 = tpu.vector_load %arg14[%swap3A_869, %swap3A_870, %swap3A_871] {strides = array<i32>} : memref<2x40x128xf32, #tpu.memory_space<vmem>>, vector<1x1x16xf32>,
            %swap3A_873 = vector.shape_cast %swap3A_872 : vector<1x1x16xf32> to vector<16xf32>
            %swap3A_874 = vector.shape_cast %max3A_867 : vector<16xf32> to vector<1x1x16xf32>
            tpu.vector_store %arg14[%swap3A_869, %swap3A_870, %swap3A_871], %swap3A_874 {strides = array<i32>} : memref<2x40x128xf32, #tpu.memory_space<vmem>>, vector<1x1x16xf32>,
            %get3A_875 = arith.constant 0 : i32
            %get3A_876 = arith.index_cast %get3A_875 : i32 to index
            %get3A_877 = arith.index_cast %add3A_782 : i32 to index
            %get3A_878 = arith.constant 64 : index
            %get3A_879 = tpu.vector_load %arg12[%get3A_876, %get3A_877, %get3A_878] {strides = array<i32>} : memref<2x40x128xf32, #tpu.memory_space<vmem>>, vector<1x1x16xf32>,
            %get3A_880 = vector.shape_cast %get3A_879 : vector<1x1x16xf32> to vector<16xf32>
            %get3A_881 = arith.constant 0 : i32
            %get3A_882 = arith.index_cast %get3A_881 : i32 to index
            %get3A_883 = arith.index_cast %add3A_782 : i32 to index
            %get3A_884 = arith.constant 64 : index
            %get3A_885 = tpu.vector_load %arg13[%get3A_882, %get3A_883, %get3A_884] {strides = array<i32>} : memref<2x40x128xf32, #tpu.memory_space<vmem>>, vector<1x1x16xf32>,
            %get3A_886 = vector.shape_cast %get3A_885 : vector<1x1x16xf32> to vector<16xf32>
            %add3A_887 = arith.addf %get3A_880, %get3A_886 : vector<16xf32>
            %max3A_888 = arith.constant 0.000000e+00 : f32
            %max3A_889 = vector.broadcast %max3A_888 : f32 to vector<16xf32>
            %max3A_890 = arith.maximumf %add3A_887, %max3A_889 : vector<16xf32>
            %swap3A_891 = arith.constant 0 : i32
            %swap3A_892 = arith.index_cast %swap3A_891 : i32 to index
            %swap3A_893 = arith.index_cast %add3A_782 : i32 to index
            %swap3A_894 = arith.constant 64 : index
            %swap3A_895 = tpu.vector_load %arg14[%swap3A_892, %swap3A_893, %swap3A_894] {strides = array<i32>} : memref<2x40x128xf32, #tpu.memory_space<vmem>>, vector<1x1x16xf32>,
            %swap3A_896 = vector.shape_cast %swap3A_895 : vector<1x1x16xf32> to vector<16xf32>
            %swap3A_897 = vector.shape_cast %max3A_890 : vector<16xf32> to vector<1x1x16xf32>
            tpu.vector_store %arg14[%swap3A_892, %swap3A_893, %swap3A_894], %swap3A_897 {strides = array<i32>} : memref<2x40x128xf32, #tpu.memory_space<vmem>>, vector<1x1x16xf32>,
            %get3A_898 = arith.constant 0 : i32
            %get3A_899 = arith.index_cast %get3A_898 : i32 to index
            %get3A_900 = arith.index_cast %add3A_782 : i32 to index
            %get3A_901 = arith.constant 80 : index
            %get3A_902 = tpu.vector_load %arg12[%get3A_899, %get3A_900, %get3A_901] {strides = array<i32>} : memref<2x40x128xf32, #tpu.memory_space<vmem>>, vector<1x1x16xf32>,
            %get3A_903 = vector.shape_cast %get3A_902 : vector<1x1x16xf32> to vector<16xf32>
            %get3A_904 = arith.constant 0 : i32
            %get3A_905 = arith.index_cast %get3A_904 : i32 to index
            %get3A_906 = arith.index_cast %add3A_782 : i32 to index
            %get3A_907 = arith.constant 80 : index
            %get3A_908 = tpu.vector_load %arg13[%get3A_905, %get3A_906, %get3A_907] {strides = array<i32>} : memref<2x40x128xf32, #tpu.memory_space<vmem>>, vector<1x1x16xf32>,
            %get3A_909 = vector.shape_cast %get3A_908 : vector<1x1x16xf32> to vector<16xf32>
            %add3A_910 = arith.addf %get3A_903, %get3A_909 : vector<16xf32>
            %max3A_911 = arith.constant 0.000000e+00 : f32
            %max3A_912 = vector.broadcast %max3A_911 : f32 to vector<16xf32>
            %max3A_913 = arith.maximumf %add3A_910, %max3A_912 : vector<16xf32>
            %swap3A_914 = arith.constant 0 : i32
            %swap3A_915 = arith.index_cast %swap3A_914 : i32 to index
            %swap3A_916 = arith.index_cast %add3A_782 : i32 to index
            %swap3A_917 = arith.constant 80 : index
            %swap3A_918 = tpu.vector_load %arg14[%swap3A_915, %swap3A_916, %swap3A_917] {strides = array<i32>} : memref<2x40x128xf32, #tpu.memory_space<vmem>>, vector<1x1x16xf32>,
            %swap3A_919 = vector.shape_cast %swap3A_918 : vector<1x1x16xf32> to vector<16xf32>
            %swap3A_920 = vector.shape_cast %max3A_913 : vector<16xf32> to vector<1x1x16xf32>
            tpu.vector_store %arg14[%swap3A_915, %swap3A_916, %swap3A_917], %swap3A_920 {strides = array<i32>} : memref<2x40x128xf32, #tpu.memory_space<vmem>>, vector<1x1x16xf32>,
            %get3A_921 = arith.constant 0 : i32
            %get3A_922 = arith.index_cast %get3A_921 : i32 to index
            %get3A_923 = arith.index_cast %add3A_782 : i32 to index
            %get3A_924 = arith.constant 96 : index
            %get3A_925 = tpu.vector_load %arg12[%get3A_922, %get3A_923, %get3A_924] {strides = array<i32>} : memref<2x40x128xf32, #tpu.memory_space<vmem>>, vector<1x1x16xf32>,
            %get3A_926 = vector.shape_cast %get3A_925 : vector<1x1x16xf32> to vector<16xf32>
            %get3A_927 = arith.constant 0 : i32
            %get3A_928 = arith.index_cast %get3A_927 : i32 to index
            %get3A_929 = arith.index_cast %add3A_782 : i32 to index
            %get3A_930 = arith.constant 96 : index
            %get3A_931 = tpu.vector_load %arg13[%get3A_928, %get3A_929, %get3A_930] {strides = array<i32>} : memref<2x40x128xf32, #tpu.memory_space<vmem>>, vector<1x1x16xf32>,
            %get3A_932 = vector.shape_cast %get3A_931 : vector<1x1x16xf32> to vector<16xf32>
            %add3A_933 = arith.addf %get3A_926, %get3A_932 : vector<16xf32>
            %max3A_934 = arith.constant 0.000000e+00 : f32
            %max3A_935 = vector.broadcast %max3A_934 : f32 to vector<16xf32>
            %max3A_936 = arith.maximumf %add3A_933, %max3A_935 : vector<16xf32>
            %swap3A_937 = arith.constant 0 : i32
            %swap3A_938 = arith.index_cast %swap3A_937 : i32 to index
            %swap3A_939 = arith.index_cast %add3A_782 : i32 to index
            %swap3A_940 = arith.constant 96 : index
            %swap3A_941 = tpu.vector_load %arg14[%swap3A_938, %swap3A_939, %swap3A_940] {strides = array<i32>} : memref<2x40x128xf32, #tpu.memory_space<vmem>>, vector<1x1x16xf32>,
            %swap3A_942 = vector.shape_cast %swap3A_941 : vector<1x1x16xf32> to vector<16xf32>
            %swap3A_943 = vector.shape_cast %max3A_936 : vector<16xf32> to vector<1x1x16xf32>
            tpu.vector_store %arg14[%swap3A_938, %swap3A_939, %swap3A_940], %swap3A_943 {strides = array<i32>} : memref<2x40x128xf32, #tpu.memory_space<vmem>>, vector<1x1x16xf32>,
            %get3A_944 = arith.constant 0 : i32
            %get3A_945 = arith.index_cast %get3A_944 : i32 to index
            %get3A_946 = arith.index_cast %add3A_782 : i32 to index
            %get3A_947 = arith.constant 112 : index
            %get3A_948 = tpu.vector_load %arg12[%get3A_945, %get3A_946, %get3A_947] {strides = array<i32>} : memref<2x40x128xf32, #tpu.memory_space<vmem>>, vector<1x1x16xf32>,
            %get3A_949 = vector.shape_cast %get3A_948 : vector<1x1x16xf32> to vector<16xf32>
            %get3A_950 = arith.constant 0 : i32
            %get3A_951 = arith.index_cast %get3A_950 : i32 to index
            %get3A_952 = arith.index_cast %add3A_782 : i32 to index
            %get3A_953 = arith.constant 112 : index
            %get3A_954 = tpu.vector_load %arg13[%get3A_951, %get3A_952, %get3A_953] {strides = array<i32>} : memref<2x40x128xf32, #tpu.memory_space<vmem>>, vector<1x1x16xf32>,
            %get3A_955 = vector.shape_cast %get3A_954 : vector<1x1x16xf32> to vector<16xf32>
            %add3A_956 = arith.addf %get3A_949, %get3A_955 : vector<16xf32>
            %max3A_957 = arith.constant 0.000000e+00 : f32
            %max3A_958 = vector.broadcast %max3A_957 : f32 to vector<16xf32>
            %max3A_959 = arith.maximumf %add3A_956, %max3A_958 : vector<16xf32>
            %swap3A_960 = arith.constant 0 : i32
            %swap3A_961 = arith.index_cast %swap3A_960 : i32 to index
            %swap3A_962 = arith.index_cast %add3A_782 : i32 to index
            %swap3A_963 = arith.constant 112 : index
            %swap3A_964 = tpu.vector_load %arg14[%swap3A_961, %swap3A_962, %swap3A_963] {strides = array<i32>} : memref<2x40x128xf32, #tpu.memory_space<vmem>>, vector<1x1x16xf32>,
            %swap3A_965 = vector.shape_cast %swap3A_964 : vector<1x1x16xf32> to vector<16xf32>
            %swap3A_966 = vector.shape_cast %max3A_959 : vector<16xf32> to vector<1x1x16xf32>
            tpu.vector_store %arg14[%swap3A_961, %swap3A_962, %swap3A_963], %swap3A_966 {strides = array<i32>} : memref<2x40x128xf32, #tpu.memory_space<vmem>>, vector<1x1x16xf32>,
            %scan3A_967 = arith.constant 0 : i32
            scf.yield %scan3A_967 : i32
          }
          %scan3A_147 = arith.constant 10 : i32
          %dma_start3A_148 = arith.constant 0 : i32
          %dma_start3A_149 = arith.constant 0 : i32
          %dma_start3A_150 = arith.constant 0 : i32
          %dma_start3A_151 = tpu.memref_slice %arg14[%dma_start3A_148, %dma_start3A_149, %dma_start3A_150] : memref<2x40x128xf32, #tpu.memory_space<vmem>> -> memref<1x40x128xf32, #tpu.memory_space<vmem>>
          %dma_start3A_152 = tpu.memref_squeeze %dma_start3A_151 : memref<1x40x128xf32, #tpu.memory_space<vmem>> -> memref<40x128xf32, #tpu.memory_space<vmem>>
          %dma_start3A_153 = arith.constant 0 : i32
          %dma_start3A_154 = tpu.memref_slice %arg11[%add3A_107, %dma_start3A_153] : memref<50x40xi32, #tpu.memory_space<vmem>> -> memref<1x40xi32, #tpu.memory_space<vmem>>
          %dma_start3A_155 = tpu.memref_squeeze %dma_start3A_154 : memref<1x40xi32, #tpu.memory_space<vmem>> -> memref<40xi32, #tpu.memory_space<vmem>>
          %dma_start3A_156 = arith.constant 0 : i32
          %dma_start3A_157 = arith.constant 0 : i32
          %dma_start3A_158 = tpu.memref_slice %arg9[%dma_start3A_156, %dma_start3A_157] : memref<10240x128xf32, #tpu.memory_space<vmem_shared>> -> memref<10240x128xf32, #tpu.memory_space<vmem_shared>>
          tpu.enqueue_indirect_dma source(%dma_start3A_152 : memref<40x128xf32, #tpu.memory_space<vmem>>) target(%dma_start3A_158 : memref<10240x128xf32, #tpu.memory_space<vmem_shared>>) offsets(%dma_start3A_155 : memref<40xi32, #tpu.memory_space<vmem>>) semaphore(%arg20 : memref<!tpu.dma_semaphore, #tpu.memory_space<semaphore_mem>>) {add = true}
          %mul3A_159 = arith.constant 2 : i32
          %mul3A_160 = arith.muli %scan3A_103, %mul3A_159 : i32
          %add3A_161 = arith.constant 1 : i32
          %add3A_162 = arith.addi %mul3A_160, %add3A_161 : i32
          %add3A_163 = arith.constant 1 : i32
          %add3A_164 = arith.addi %add3A_162, %add3A_163 : i32
          %lt3A_165 = arith.constant 50 : i32
          %lt3A_166 = arith.cmpi slt, %add3A_164, %lt3A_165 : i32
          %convert_element_type3A_167 = arith.extui %lt3A_166 : i1 to i32
          %cond3A_168 = arith.constant 0 : i32
          %cond3A_169 = arith.cmpi ne, %convert_element_type3A_167, %cond3A_168 : i32
          scf.if %cond3A_169 {
            %dma_start3A_216 = arith.constant 0 : i32
            %dma_start3A_217 = arith.constant 0 : i32
            %dma_start3A_218 = arith.constant 0 : i32
            %dma_start3A_219 = tpu.memref_slice %arg12[%dma_start3A_216, %dma_start3A_217, %dma_start3A_218] : memref<2x40x128xf32, #tpu.memory_space<vmem>> -> memref<1x40x128xf32, #tpu.memory_space<vmem>>
            %dma_start3A_220 = tpu.memref_squeeze %dma_start3A_219 : memref<1x40x128xf32, #tpu.memory_space<vmem>> -> memref<40x128xf32, #tpu.memory_space<vmem>>
            %dma_start3A_221 = arith.constant 0 : i32
            %dma_start3A_222 = tpu.memref_slice %arg10[%add3A_164, %dma_start3A_221] : memref<50x40xi32, #tpu.memory_space<vmem>> -> memref<1x40xi32, #tpu.memory_space<vmem>>
            %dma_start3A_223 = tpu.memref_squeeze %dma_start3A_222 : memref<1x40xi32, #tpu.memory_space<vmem>> -> memref<40xi32, #tpu.memory_space<vmem>>
            %dma_start3A_224 = arith.constant 0 : i32
            %dma_start3A_225 = arith.constant 0 : i32
            %dma_start3A_226 = tpu.memref_slice %arg2[%dma_start3A_224, %dma_start3A_225] : memref<10000x128xf32, #tpu.memory_space<hbm>> -> memref<10000x128xf32, #tpu.memory_space<hbm>>
            tpu.enqueue_indirect_dma source(%dma_start3A_226 : memref<10000x128xf32, #tpu.memory_space<hbm>>) target(%dma_start3A_220 : memref<40x128xf32, #tpu.memory_space<vmem>>) offsets(%dma_start3A_223 : memref<40xi32, #tpu.memory_space<vmem>>) semaphore(%arg16 : memref<!tpu.dma_semaphore, #tpu.memory_space<semaphore_mem>>)
            %dma_start3A_227 = arith.constant 0 : i32
            %dma_start3A_228 = arith.constant 0 : i32
            %dma_start3A_229 = arith.constant 0 : i32
            %dma_start3A_230 = tpu.memref_slice %arg13[%dma_start3A_227, %dma_start3A_228, %dma_start3A_229] : memref<2x40x128xf32, #tpu.memory_space<vmem>> -> memref<1x40x128xf32, #tpu.memory_space<vmem>>
            %dma_start3A_231 = tpu.memref_squeeze %dma_start3A_230 : memref<1x40x128xf32, #tpu.memory_space<vmem>> -> memref<40x128xf32, #tpu.memory_space<vmem>>
            %dma_start3A_232 = arith.constant 0 : i32
            %dma_start3A_233 = tpu.memref_slice %arg11[%add3A_164, %dma_start3A_232] : memref<50x40xi32, #tpu.memory_space<vmem>> -> memref<1x40xi32, #tpu.memory_space<vmem>>
            %dma_start3A_234 = tpu.memref_squeeze %dma_start3A_233 : memref<1x40xi32, #tpu.memory_space<vmem>> -> memref<40xi32, #tpu.memory_space<vmem>>
            %dma_start3A_235 = arith.constant 0 : i32
            %dma_start3A_236 = arith.constant 0 : i32
            %dma_start3A_237 = tpu.memref_slice %arg4[%dma_start3A_235, %dma_start3A_236] : memref<10000x128xf32, #tpu.memory_space<hbm>> -> memref<10000x128xf32, #tpu.memory_space<hbm>>
            tpu.enqueue_indirect_dma source(%dma_start3A_237 : memref<10000x128xf32, #tpu.memory_space<hbm>>) target(%dma_start3A_231 : memref<40x128xf32, #tpu.memory_space<vmem>>) offsets(%dma_start3A_234 : memref<40xi32, #tpu.memory_space<vmem>>) semaphore(%arg18 : memref<!tpu.dma_semaphore, #tpu.memory_space<semaphore_mem>>)
          } else {
          }
          %ge3A_170 = arith.constant 2 : i32
          %ge3A_171 = arith.cmpi sge, %add3A_162, %ge3A_170 : i32
          %convert_element_type3A_172 = arith.extui %ge3A_171 : i1 to i32
          %cond3A_173 = arith.constant 0 : i32
          %cond3A_174 = arith.cmpi ne, %convert_element_type3A_172, %cond3A_173 : i32
          scf.if %cond3A_174 {
            %sub3A = arith.constant 2 : i32
            %sub3A_216 = arith.subi %add3A_162, %sub3A : i32
            %dma_wait3A_217 = arith.constant 1 : i32
            %dma_wait3A_218 = arith.constant 0 : i32
            %dma_wait3A_219 = arith.constant 0 : i32
            %dma_wait3A_220 = tpu.memref_slice %arg14[%dma_wait3A_217, %dma_wait3A_218, %dma_wait3A_219] : memref<2x40x128xf32, #tpu.memory_space<vmem>> -> memref<1x40x128xf32, #tpu.memory_space<vmem>>
            %dma_wait3A_221 = tpu.memref_squeeze %dma_wait3A_220 : memref<1x40x128xf32, #tpu.memory_space<vmem>> -> memref<40x128xf32, #tpu.memory_space<vmem>>
            %dma_wait3A_222 = arith.constant 0 : i32
            %dma_wait3A_223 = tpu.memref_slice %arg11[%sub3A_216, %dma_wait3A_222] : memref<50x40xi32, #tpu.memory_space<vmem>> -> memref<1x40xi32, #tpu.memory_space<vmem>>
            %dma_wait3A_224 = tpu.memref_squeeze %dma_wait3A_223 : memref<1x40xi32, #tpu.memory_space<vmem>> -> memref<40xi32, #tpu.memory_space<vmem>>
            %dma_wait3A_225 = arith.constant 0 : i32
            %dma_wait3A_226 = arith.constant 0 : i32
            %dma_wait3A_227 = tpu.memref_slice %arg9[%dma_wait3A_225, %dma_wait3A_226] : memref<10240x128xf32, #tpu.memory_space<vmem_shared>> -> memref<10240x128xf32, #tpu.memory_space<vmem_shared>>
            tpu.wait_indirect_dma semaphore(%arg21 : memref<!tpu.dma_semaphore, #tpu.memory_space<semaphore_mem>>) src(%dma_wait3A_221 : memref<40x128xf32, #tpu.memory_space<vmem>>) dst(%dma_wait3A_227 : memref<10240x128xf32, #tpu.memory_space<vmem_shared>>)
          } else {
          }
          %dma_wait3A_175 = arith.constant 1 : i32
          %dma_wait3A_176 = arith.constant 0 : i32
          %dma_wait3A_177 = arith.constant 0 : i32
          %dma_wait3A_178 = tpu.memref_slice %arg12[%dma_wait3A_175, %dma_wait3A_176, %dma_wait3A_177] : memref<2x40x128xf32, #tpu.memory_space<vmem>> -> memref<1x40x128xf32, #tpu.memory_space<vmem>>
          %dma_wait3A_179 = tpu.memref_squeeze %dma_wait3A_178 : memref<1x40x128xf32, #tpu.memory_space<vmem>> -> memref<40x128xf32, #tpu.memory_space<vmem>>
          %dma_wait3A_180 = arith.constant 0 : i32
          %dma_wait3A_181 = tpu.memref_slice %arg10[%add3A_162, %dma_wait3A_180] : memref<50x40xi32, #tpu.memory_space<vmem>> -> memref<1x40xi32, #tpu.memory_space<vmem>>
          %dma_wait3A_182 = tpu.memref_squeeze %dma_wait3A_181 : memref<1x40xi32, #tpu.memory_space<vmem>> -> memref<40xi32, #tpu.memory_space<vmem>>
          %dma_wait3A_183 = arith.constant 0 : i32
          %dma_wait3A_184 = arith.constant 0 : i32
          %dma_wait3A_185 = tpu.memref_slice %arg2[%dma_wait3A_183, %dma_wait3A_184] : memref<10000x128xf32, #tpu.memory_space<hbm>> -> memref<10000x128xf32, #tpu.memory_space<hbm>>
          tpu.wait_indirect_dma semaphore(%arg17 : memref<!tpu.dma_semaphore, #tpu.memory_space<semaphore_mem>>) src(%dma_wait3A_185 : memref<10000x128xf32, #tpu.memory_space<hbm>>) dst(%dma_wait3A_179 : memref<40x128xf32, #tpu.memory_space<vmem>>)
          %dma_wait3A_186 = arith.constant 1 : i32
          %dma_wait3A_187 = arith.constant 0 : i32
          %dma_wait3A_188 = arith.constant 0 : i32
          %dma_wait3A_189 = tpu.memref_slice %arg13[%dma_wait3A_186, %dma_wait3A_187, %dma_wait3A_188] : memref<2x40x128xf32, #tpu.memory_space<vmem>> -> memref<1x40x128xf32, #tpu.memory_space<vmem>>
          %dma_wait3A_190 = tpu.memref_squeeze %dma_wait3A_189 : memref<1x40x128xf32, #tpu.memory_space<vmem>> -> memref<40x128xf32, #tpu.memory_space<vmem>>
          %dma_wait3A_191 = arith.constant 0 : i32
          %dma_wait3A_192 = tpu.memref_slice %arg11[%add3A_162, %dma_wait3A_191] : memref<50x40xi32, #tpu.memory_space<vmem>> -> memref<1x40xi32, #tpu.memory_space<vmem>>
          %dma_wait3A_193 = tpu.memref_squeeze %dma_wait3A_192 : memref<1x40xi32, #tpu.memory_space<vmem>> -> memref<40xi32, #tpu.memory_space<vmem>>
          %dma_wait3A_194 = arith.constant 0 : i32
          %dma_wait3A_195 = arith.constant 0 : i32
          %dma_wait3A_196 = tpu.memref_slice %arg4[%dma_wait3A_194, %dma_wait3A_195] : memref<10000x128xf32, #tpu.memory_space<hbm>> -> memref<10000x128xf32, #tpu.memory_space<hbm>>
          tpu.wait_indirect_dma semaphore(%arg19 : memref<!tpu.dma_semaphore, #tpu.memory_space<semaphore_mem>>) src(%dma_wait3A_196 : memref<10000x128xf32, #tpu.memory_space<hbm>>) dst(%dma_wait3A_190 : memref<40x128xf32, #tpu.memory_space<vmem>>)
          %scan3A_197 = arith.constant 0 : i32
          %scan3A_198 = arith.constant 0 : i32
          %scan3A_199 = arith.constant 10 : i32
          %scan3A_200 = arith.addi %scan3A_198, %scan3A_199 : i32
          %scan3A_201 = arith.constant 1 : i32
          %scan3A_202 = scf.for %scan3A_216 = %scan3A_198 to %scan3A_200 step %scan3A_201 iter_args(%scan3A_217 = %scan3A_197) -> (i32)  : i32 {
            %mul3A_218 = arith.constant 4 : i32
            %mul3A_219 = arith.muli %scan3A_216, %mul3A_218 : i32
            %add3A_220 = arith.constant 0 : i32
            %add3A_221 = arith.addi %mul3A_219, %add3A_220 : i32
            %get3A = arith.constant 1 : i32
            %get3A_222 = arith.index_cast %get3A : i32 to index
            %get3A_223 = arith.index_cast %add3A_221 : i32 to index
            %get3A_224 = arith.constant 0 : index
            %get3A_225 = tpu.vector_load %arg12[%get3A_222, %get3A_223, %get3A_224] {strides = array<i32>} : memref<2x40x128xf32, #tpu.memory_space<vmem>>, vector<1x1x16xf32>,
            %get3A_226 = vector.shape_cast %get3A_225 : vector<1x1x16xf32> to vector<16xf32>
            %get3A_227 = arith.constant 1 : i32
            %get3A_228 = arith.index_cast %get3A_227 : i32 to index
            %get3A_229 = arith.index_cast %add3A_221 : i32 to index
            %get3A_230 = arith.constant 0 : index
            %get3A_231 = tpu.vector_load %arg13[%get3A_228, %get3A_229, %get3A_230] {strides = array<i32>} : memref<2x40x128xf32, #tpu.memory_space<vmem>>, vector<1x1x16xf32>,
            %get3A_232 = vector.shape_cast %get3A_231 : vector<1x1x16xf32> to vector<16xf32>
            %add3A_233 = arith.addf %get3A_226, %get3A_232 : vector<16xf32>
            %max3A = arith.constant 0.000000e+00 : f32
            %max3A_234 = vector.broadcast %max3A : f32 to vector<16xf32>
            %max3A_235 = arith.maximumf %add3A_233, %max3A_234 : vector<16xf32>
            %swap3A = arith.constant 1 : i32
            %swap3A_236 = arith.index_cast %swap3A : i32 to index
            %swap3A_237 = arith.index_cast %add3A_221 : i32 to index
            %swap3A_238 = arith.constant 0 : index
            %swap3A_239 = tpu.vector_load %arg14[%swap3A_236, %swap3A_237, %swap3A_238] {strides = array<i32>} : memref<2x40x128xf32, #tpu.memory_space<vmem>>, vector<1x1x16xf32>,
            %swap3A_240 = vector.shape_cast %swap3A_239 : vector<1x1x16xf32> to vector<16xf32>
            %swap3A_241 = vector.shape_cast %max3A_235 : vector<16xf32> to vector<1x1x16xf32>
            tpu.vector_store %arg14[%swap3A_236, %swap3A_237, %swap3A_238], %swap3A_241 {strides = array<i32>} : memref<2x40x128xf32, #tpu.memory_space<vmem>>, vector<1x1x16xf32>,
            %get3A_242 = arith.constant 1 : i32
            %get3A_243 = arith.index_cast %get3A_242 : i32 to index
            %get3A_244 = arith.index_cast %add3A_221 : i32 to index
            %get3A_245 = arith.constant 16 : index
            %get3A_246 = tpu.vector_load %arg12[%get3A_243, %get3A_244, %get3A_245] {strides = array<i32>} : memref<2x40x128xf32, #tpu.memory_space<vmem>>, vector<1x1x16xf32>,
            %get3A_247 = vector.shape_cast %get3A_246 : vector<1x1x16xf32> to vector<16xf32>
            %get3A_248 = arith.constant 1 : i32
            %get3A_249 = arith.index_cast %get3A_248 : i32 to index
            %get3A_250 = arith.index_cast %add3A_221 : i32 to index
            %get3A_251 = arith.constant 16 : index
            %get3A_252 = tpu.vector_load %arg13[%get3A_249, %get3A_250, %get3A_251] {strides = array<i32>} : memref<2x40x128xf32, #tpu.memory_space<vmem>>, vector<1x1x16xf32>,
            %get3A_253 = vector.shape_cast %get3A_252 : vector<1x1x16xf32> to vector<16xf32>
            %add3A_254 = arith.addf %get3A_247, %get3A_253 : vector<16xf32>
            %max3A_255 = arith.constant 0.000000e+00 : f32
            %max3A_256 = vector.broadcast %max3A_255 : f32 to vector<16xf32>
            %max3A_257 = arith.maximumf %add3A_254, %max3A_256 : vector<16xf32>
            %swap3A_258 = arith.constant 1 : i32
            %swap3A_259 = arith.index_cast %swap3A_258 : i32 to index
            %swap3A_260 = arith.index_cast %add3A_221 : i32 to index
            %swap3A_261 = arith.constant 16 : index
            %swap3A_262 = tpu.vector_load %arg14[%swap3A_259, %swap3A_260, %swap3A_261] {strides = array<i32>} : memref<2x40x128xf32, #tpu.memory_space<vmem>>, vector<1x1x16xf32>,
            %swap3A_263 = vector.shape_cast %swap3A_262 : vector<1x1x16xf32> to vector<16xf32>
            %swap3A_264 = vector.shape_cast %max3A_257 : vector<16xf32> to vector<1x1x16xf32>
            tpu.vector_store %arg14[%swap3A_259, %swap3A_260, %swap3A_261], %swap3A_264 {strides = array<i32>} : memref<2x40x128xf32, #tpu.memory_space<vmem>>, vector<1x1x16xf32>,
            %get3A_265 = arith.constant 1 : i32
            %get3A_266 = arith.index_cast %get3A_265 : i32 to index
            %get3A_267 = arith.index_cast %add3A_221 : i32 to index
            %get3A_268 = arith.constant 32 : index
            %get3A_269 = tpu.vector_load %arg12[%get3A_266, %get3A_267, %get3A_268] {strides = array<i32>} : memref<2x40x128xf32, #tpu.memory_space<vmem>>, vector<1x1x16xf32>,
            %get3A_270 = vector.shape_cast %get3A_269 : vector<1x1x16xf32> to vector<16xf32>
            %get3A_271 = arith.constant 1 : i32
            %get3A_272 = arith.index_cast %get3A_271 : i32 to index
            %get3A_273 = arith.index_cast %add3A_221 : i32 to index
            %get3A_274 = arith.constant 32 : index
            %get3A_275 = tpu.vector_load %arg13[%get3A_272, %get3A_273, %get3A_274] {strides = array<i32>} : memref<2x40x128xf32, #tpu.memory_space<vmem>>, vector<1x1x16xf32>,
            %get3A_276 = vector.shape_cast %get3A_275 : vector<1x1x16xf32> to vector<16xf32>
            %add3A_277 = arith.addf %get3A_270, %get3A_276 : vector<16xf32>
            %max3A_278 = arith.constant 0.000000e+00 : f32
            %max3A_279 = vector.broadcast %max3A_278 : f32 to vector<16xf32>
            %max3A_280 = arith.maximumf %add3A_277, %max3A_279 : vector<16xf32>
            %swap3A_281 = arith.constant 1 : i32
            %swap3A_282 = arith.index_cast %swap3A_281 : i32 to index
            %swap3A_283 = arith.index_cast %add3A_221 : i32 to index
            %swap3A_284 = arith.constant 32 : index
            %swap3A_285 = tpu.vector_load %arg14[%swap3A_282, %swap3A_283, %swap3A_284] {strides = array<i32>} : memref<2x40x128xf32, #tpu.memory_space<vmem>>, vector<1x1x16xf32>,
            %swap3A_286 = vector.shape_cast %swap3A_285 : vector<1x1x16xf32> to vector<16xf32>
            %swap3A_287 = vector.shape_cast %max3A_280 : vector<16xf32> to vector<1x1x16xf32>
            tpu.vector_store %arg14[%swap3A_282, %swap3A_283, %swap3A_284], %swap3A_287 {strides = array<i32>} : memref<2x40x128xf32, #tpu.memory_space<vmem>>, vector<1x1x16xf32>,
            %get3A_288 = arith.constant 1 : i32
            %get3A_289 = arith.index_cast %get3A_288 : i32 to index
            %get3A_290 = arith.index_cast %add3A_221 : i32 to index
            %get3A_291 = arith.constant 48 : index
            %get3A_292 = tpu.vector_load %arg12[%get3A_289, %get3A_290, %get3A_291] {strides = array<i32>} : memref<2x40x128xf32, #tpu.memory_space<vmem>>, vector<1x1x16xf32>,
            %get3A_293 = vector.shape_cast %get3A_292 : vector<1x1x16xf32> to vector<16xf32>
            %get3A_294 = arith.constant 1 : i32
            %get3A_295 = arith.index_cast %get3A_294 : i32 to index
            %get3A_296 = arith.index_cast %add3A_221 : i32 to index
            %get3A_297 = arith.constant 48 : index
            %get3A_298 = tpu.vector_load %arg13[%get3A_295, %get3A_296, %get3A_297] {strides = array<i32>} : memref<2x40x128xf32, #tpu.memory_space<vmem>>, vector<1x1x16xf32>,
            %get3A_299 = vector.shape_cast %get3A_298 : vector<1x1x16xf32> to vector<16xf32>
            %add3A_300 = arith.addf %get3A_293, %get3A_299 : vector<16xf32>
            %max3A_301 = arith.constant 0.000000e+00 : f32
            %max3A_302 = vector.broadcast %max3A_301 : f32 to vector<16xf32>
            %max3A_303 = arith.maximumf %add3A_300, %max3A_302 : vector<16xf32>
            %swap3A_304 = arith.constant 1 : i32
            %swap3A_305 = arith.index_cast %swap3A_304 : i32 to index
            %swap3A_306 = arith.index_cast %add3A_221 : i32 to index
            %swap3A_307 = arith.constant 48 : index
            %swap3A_308 = tpu.vector_load %arg14[%swap3A_305, %swap3A_306, %swap3A_307] {strides = array<i32>} : memref<2x40x128xf32, #tpu.memory_space<vmem>>, vector<1x1x16xf32>,
            %swap3A_309 = vector.shape_cast %swap3A_308 : vector<1x1x16xf32> to vector<16xf32>
            %swap3A_310 = vector.shape_cast %max3A_303 : vector<16xf32> to vector<1x1x16xf32>
            tpu.vector_store %arg14[%swap3A_305, %swap3A_306, %swap3A_307], %swap3A_310 {strides = array<i32>} : memref<2x40x128xf32, #tpu.memory_space<vmem>>, vector<1x1x16xf32>,
            %get3A_311 = arith.constant 1 : i32
            %get3A_312 = arith.index_cast %get3A_311 : i32 to index
            %get3A_313 = arith.index_cast %add3A_221 : i32 to index
            %get3A_314 = arith.constant 64 : index
            %get3A_315 = tpu.vector_load %arg12[%get3A_312, %get3A_313, %get3A_314] {strides = array<i32>} : memref<2x40x128xf32, #tpu.memory_space<vmem>>, vector<1x1x16xf32>,
            %get3A_316 = vector.shape_cast %get3A_315 : vector<1x1x16xf32> to vector<16xf32>
            %get3A_317 = arith.constant 1 : i32
            %get3A_318 = arith.index_cast %get3A_317 : i32 to index
            %get3A_319 = arith.index_cast %add3A_221 : i32 to index
            %get3A_320 = arith.constant 64 : index
            %get3A_321 = tpu.vector_load %arg13[%get3A_318, %get3A_319, %get3A_320] {strides = array<i32>} : memref<2x40x128xf32, #tpu.memory_space<vmem>>, vector<1x1x16xf32>,
            %get3A_322 = vector.shape_cast %get3A_321 : vector<1x1x16xf32> to vector<16xf32>
            %add3A_323 = arith.addf %get3A_316, %get3A_322 : vector<16xf32>
            %max3A_324 = arith.constant 0.000000e+00 : f32
            %max3A_325 = vector.broadcast %max3A_324 : f32 to vector<16xf32>
            %max3A_326 = arith.maximumf %add3A_323, %max3A_325 : vector<16xf32>
            %swap3A_327 = arith.constant 1 : i32
            %swap3A_328 = arith.index_cast %swap3A_327 : i32 to index
            %swap3A_329 = arith.index_cast %add3A_221 : i32 to index
            %swap3A_330 = arith.constant 64 : index
            %swap3A_331 = tpu.vector_load %arg14[%swap3A_328, %swap3A_329, %swap3A_330] {strides = array<i32>} : memref<2x40x128xf32, #tpu.memory_space<vmem>>, vector<1x1x16xf32>,
            %swap3A_332 = vector.shape_cast %swap3A_331 : vector<1x1x16xf32> to vector<16xf32>
            %swap3A_333 = vector.shape_cast %max3A_326 : vector<16xf32> to vector<1x1x16xf32>
            tpu.vector_store %arg14[%swap3A_328, %swap3A_329, %swap3A_330], %swap3A_333 {strides = array<i32>} : memref<2x40x128xf32, #tpu.memory_space<vmem>>, vector<1x1x16xf32>,
            %get3A_334 = arith.constant 1 : i32
            %get3A_335 = arith.index_cast %get3A_334 : i32 to index
            %get3A_336 = arith.index_cast %add3A_221 : i32 to index
            %get3A_337 = arith.constant 80 : index
            %get3A_338 = tpu.vector_load %arg12[%get3A_335, %get3A_336, %get3A_337] {strides = array<i32>} : memref<2x40x128xf32, #tpu.memory_space<vmem>>, vector<1x1x16xf32>,
            %get3A_339 = vector.shape_cast %get3A_338 : vector<1x1x16xf32> to vector<16xf32>
            %get3A_340 = arith.constant 1 : i32
            %get3A_341 = arith.index_cast %get3A_340 : i32 to index
            %get3A_342 = arith.index_cast %add3A_221 : i32 to index
            %get3A_343 = arith.constant 80 : index
            %get3A_344 = tpu.vector_load %arg13[%get3A_341, %get3A_342, %get3A_343] {strides = array<i32>} : memref<2x40x128xf32, #tpu.memory_space<vmem>>, vector<1x1x16xf32>,
            %get3A_345 = vector.shape_cast %get3A_344 : vector<1x1x16xf32> to vector<16xf32>
            %add3A_346 = arith.addf %get3A_339, %get3A_345 : vector<16xf32>
            %max3A_347 = arith.constant 0.000000e+00 : f32
            %max3A_348 = vector.broadcast %max3A_347 : f32 to vector<16xf32>
            %max3A_349 = arith.maximumf %add3A_346, %max3A_348 : vector<16xf32>
            %swap3A_350 = arith.constant 1 : i32
            %swap3A_351 = arith.index_cast %swap3A_350 : i32 to index
            %swap3A_352 = arith.index_cast %add3A_221 : i32 to index
            %swap3A_353 = arith.constant 80 : index
            %swap3A_354 = tpu.vector_load %arg14[%swap3A_351, %swap3A_352, %swap3A_353] {strides = array<i32>} : memref<2x40x128xf32, #tpu.memory_space<vmem>>, vector<1x1x16xf32>,
            %swap3A_355 = vector.shape_cast %swap3A_354 : vector<1x1x16xf32> to vector<16xf32>
            %swap3A_356 = vector.shape_cast %max3A_349 : vector<16xf32> to vector<1x1x16xf32>
            tpu.vector_store %arg14[%swap3A_351, %swap3A_352, %swap3A_353], %swap3A_356 {strides = array<i32>} : memref<2x40x128xf32, #tpu.memory_space<vmem>>, vector<1x1x16xf32>,
            %get3A_357 = arith.constant 1 : i32
            %get3A_358 = arith.index_cast %get3A_357 : i32 to index
            %get3A_359 = arith.index_cast %add3A_221 : i32 to index
            %get3A_360 = arith.constant 96 : index
            %get3A_361 = tpu.vector_load %arg12[%get3A_358, %get3A_359, %get3A_360] {strides = array<i32>} : memref<2x40x128xf32, #tpu.memory_space<vmem>>, vector<1x1x16xf32>,
            %get3A_362 = vector.shape_cast %get3A_361 : vector<1x1x16xf32> to vector<16xf32>
            %get3A_363 = arith.constant 1 : i32
            %get3A_364 = arith.index_cast %get3A_363 : i32 to index
            %get3A_365 = arith.index_cast %add3A_221 : i32 to index
            %get3A_366 = arith.constant 96 : index
            %get3A_367 = tpu.vector_load %arg13[%get3A_364, %get3A_365, %get3A_366] {strides = array<i32>} : memref<2x40x128xf32, #tpu.memory_space<vmem>>, vector<1x1x16xf32>,
            %get3A_368 = vector.shape_cast %get3A_367 : vector<1x1x16xf32> to vector<16xf32>
            %add3A_369 = arith.addf %get3A_362, %get3A_368 : vector<16xf32>
            %max3A_370 = arith.constant 0.000000e+00 : f32
            %max3A_371 = vector.broadcast %max3A_370 : f32 to vector<16xf32>
            %max3A_372 = arith.maximumf %add3A_369, %max3A_371 : vector<16xf32>
            %swap3A_373 = arith.constant 1 : i32
            %swap3A_374 = arith.index_cast %swap3A_373 : i32 to index
            %swap3A_375 = arith.index_cast %add3A_221 : i32 to index
            %swap3A_376 = arith.constant 96 : index
            %swap3A_377 = tpu.vector_load %arg14[%swap3A_374, %swap3A_375, %swap3A_376] {strides = array<i32>} : memref<2x40x128xf32, #tpu.memory_space<vmem>>, vector<1x1x16xf32>,
            %swap3A_378 = vector.shape_cast %swap3A_377 : vector<1x1x16xf32> to vector<16xf32>
            %swap3A_379 = vector.shape_cast %max3A_372 : vector<16xf32> to vector<1x1x16xf32>
            tpu.vector_store %arg14[%swap3A_374, %swap3A_375, %swap3A_376], %swap3A_379 {strides = array<i32>} : memref<2x40x128xf32, #tpu.memory_space<vmem>>, vector<1x1x16xf32>,
            %get3A_380 = arith.constant 1 : i32
            %get3A_381 = arith.index_cast %get3A_380 : i32 to index
            %get3A_382 = arith.index_cast %add3A_221 : i32 to index
            %get3A_383 = arith.constant 112 : index
            %get3A_384 = tpu.vector_load %arg12[%get3A_381, %get3A_382, %get3A_383] {strides = array<i32>} : memref<2x40x128xf32, #tpu.memory_space<vmem>>, vector<1x1x16xf32>,
            %get3A_385 = vector.shape_cast %get3A_384 : vector<1x1x16xf32> to vector<16xf32>
            %get3A_386 = arith.constant 1 : i32
            %get3A_387 = arith.index_cast %get3A_386 : i32 to index
            %get3A_388 = arith.index_cast %add3A_221 : i32 to index
            %get3A_389 = arith.constant 112 : index
            %get3A_390 = tpu.vector_load %arg13[%get3A_387, %get3A_388, %get3A_389] {strides = array<i32>} : memref<2x40x128xf32, #tpu.memory_space<vmem>>, vector<1x1x16xf32>,
            %get3A_391 = vector.shape_cast %get3A_390 : vector<1x1x16xf32> to vector<16xf32>
            %add3A_392 = arith.addf %get3A_385, %get3A_391 : vector<16xf32>
            %max3A_393 = arith.constant 0.000000e+00 : f32
            %max3A_394 = vector.broadcast %max3A_393 : f32 to vector<16xf32>
            %max3A_395 = arith.maximumf %add3A_392, %max3A_394 : vector<16xf32>
            %swap3A_396 = arith.constant 1 : i32
            %swap3A_397 = arith.index_cast %swap3A_396 : i32 to index
            %swap3A_398 = arith.index_cast %add3A_221 : i32 to index
            %swap3A_399 = arith.constant 112 : index
            %swap3A_400 = tpu.vector_load %arg14[%swap3A_397, %swap3A_398, %swap3A_399] {strides = array<i32>} : memref<2x40x128xf32, #tpu.memory_space<vmem>>, vector<1x1x16xf32>,
            %swap3A_401 = vector.shape_cast %swap3A_400 : vector<1x1x16xf32> to vector<16xf32>
            %swap3A_402 = vector.shape_cast %max3A_395 : vector<16xf32> to vector<1x1x16xf32>
            tpu.vector_store %arg14[%swap3A_397, %swap3A_398, %swap3A_399], %swap3A_402 {strides = array<i32>} : memref<2x40x128xf32, #tpu.memory_space<vmem>>, vector<1x1x16xf32>,
            %mul3A_403 = arith.constant 4 : i32
            %mul3A_404 = arith.muli %scan3A_216, %mul3A_403 : i32
            %add3A_405 = arith.constant 1 : i32
            %add3A_406 = arith.addi %mul3A_404, %add3A_405 : i32
            %get3A_407 = arith.constant 1 : i32
            %get3A_408 = arith.index_cast %get3A_407 : i32 to index
            %get3A_409 = arith.index_cast %add3A_406 : i32 to index
            %get3A_410 = arith.constant 0 : index
            %get3A_411 = tpu.vector_load %arg12[%get3A_408, %get3A_409, %get3A_410] {strides = array<i32>} : memref<2x40x128xf32, #tpu.memory_space<vmem>>, vector<1x1x16xf32>,
            %get3A_412 = vector.shape_cast %get3A_411 : vector<1x1x16xf32> to vector<16xf32>
            %get3A_413 = arith.constant 1 : i32
            %get3A_414 = arith.index_cast %get3A_413 : i32 to index
            %get3A_415 = arith.index_cast %add3A_406 : i32 to index
            %get3A_416 = arith.constant 0 : index
            %get3A_417 = tpu.vector_load %arg13[%get3A_414, %get3A_415, %get3A_416] {strides = array<i32>} : memref<2x40x128xf32, #tpu.memory_space<vmem>>, vector<1x1x16xf32>,
            %get3A_418 = vector.shape_cast %get3A_417 : vector<1x1x16xf32> to vector<16xf32>
            %add3A_419 = arith.addf %get3A_412, %get3A_418 : vector<16xf32>
            %max3A_420 = arith.constant 0.000000e+00 : f32
            %max3A_421 = vector.broadcast %max3A_420 : f32 to vector<16xf32>
            %max3A_422 = arith.maximumf %add3A_419, %max3A_421 : vector<16xf32>
            %swap3A_423 = arith.constant 1 : i32
            %swap3A_424 = arith.index_cast %swap3A_423 : i32 to index
            %swap3A_425 = arith.index_cast %add3A_406 : i32 to index
            %swap3A_426 = arith.constant 0 : index
            %swap3A_427 = tpu.vector_load %arg14[%swap3A_424, %swap3A_425, %swap3A_426] {strides = array<i32>} : memref<2x40x128xf32, #tpu.memory_space<vmem>>, vector<1x1x16xf32>,
            %swap3A_428 = vector.shape_cast %swap3A_427 : vector<1x1x16xf32> to vector<16xf32>
            %swap3A_429 = vector.shape_cast %max3A_422 : vector<16xf32> to vector<1x1x16xf32>
            tpu.vector_store %arg14[%swap3A_424, %swap3A_425, %swap3A_426], %swap3A_429 {strides = array<i32>} : memref<2x40x128xf32, #tpu.memory_space<vmem>>, vector<1x1x16xf32>,
            %get3A_430 = arith.constant 1 : i32
            %get3A_431 = arith.index_cast %get3A_430 : i32 to index
            %get3A_432 = arith.index_cast %add3A_406 : i32 to index
            %get3A_433 = arith.constant 16 : index
            %get3A_434 = tpu.vector_load %arg12[%get3A_431, %get3A_432, %get3A_433] {strides = array<i32>} : memref<2x40x128xf32, #tpu.memory_space<vmem>>, vector<1x1x16xf32>,
            %get3A_435 = vector.shape_cast %get3A_434 : vector<1x1x16xf32> to vector<16xf32>
            %get3A_436 = arith.constant 1 : i32
            %get3A_437 = arith.index_cast %get3A_436 : i32 to index
            %get3A_438 = arith.index_cast %add3A_406 : i32 to index
            %get3A_439 = arith.constant 16 : index
            %get3A_440 = tpu.vector_load %arg13[%get3A_437, %get3A_438, %get3A_439] {strides = array<i32>} : memref<2x40x128xf32, #tpu.memory_space<vmem>>, vector<1x1x16xf32>,
            %get3A_441 = vector.shape_cast %get3A_440 : vector<1x1x16xf32> to vector<16xf32>
            %add3A_442 = arith.addf %get3A_435, %get3A_441 : vector<16xf32>
            %max3A_443 = arith.constant 0.000000e+00 : f32
            %max3A_444 = vector.broadcast %max3A_443 : f32 to vector<16xf32>
            %max3A_445 = arith.maximumf %add3A_442, %max3A_444 : vector<16xf32>
            %swap3A_446 = arith.constant 1 : i32
            %swap3A_447 = arith.index_cast %swap3A_446 : i32 to index
            %swap3A_448 = arith.index_cast %add3A_406 : i32 to index
            %swap3A_449 = arith.constant 16 : index
            %swap3A_450 = tpu.vector_load %arg14[%swap3A_447, %swap3A_448, %swap3A_449] {strides = array<i32>} : memref<2x40x128xf32, #tpu.memory_space<vmem>>, vector<1x1x16xf32>,
            %swap3A_451 = vector.shape_cast %swap3A_450 : vector<1x1x16xf32> to vector<16xf32>
            %swap3A_452 = vector.shape_cast %max3A_445 : vector<16xf32> to vector<1x1x16xf32>
            tpu.vector_store %arg14[%swap3A_447, %swap3A_448, %swap3A_449], %swap3A_452 {strides = array<i32>} : memref<2x40x128xf32, #tpu.memory_space<vmem>>, vector<1x1x16xf32>,
            %get3A_453 = arith.constant 1 : i32
            %get3A_454 = arith.index_cast %get3A_453 : i32 to index
            %get3A_455 = arith.index_cast %add3A_406 : i32 to index
            %get3A_456 = arith.constant 32 : index
            %get3A_457 = tpu.vector_load %arg12[%get3A_454, %get3A_455, %get3A_456] {strides = array<i32>} : memref<2x40x128xf32, #tpu.memory_space<vmem>>, vector<1x1x16xf32>,
            %get3A_458 = vector.shape_cast %get3A_457 : vector<1x1x16xf32> to vector<16xf32>
            %get3A_459 = arith.constant 1 : i32
            %get3A_460 = arith.index_cast %get3A_459 : i32 to index
            %get3A_461 = arith.index_cast %add3A_406 : i32 to index
            %get3A_462 = arith.constant 32 : index
            %get3A_463 = tpu.vector_load %arg13[%get3A_460, %get3A_461, %get3A_462] {strides = array<i32>} : memref<2x40x128xf32, #tpu.memory_space<vmem>>, vector<1x1x16xf32>,
            %get3A_464 = vector.shape_cast %get3A_463 : vector<1x1x16xf32> to vector<16xf32>
            %add3A_465 = arith.addf %get3A_458, %get3A_464 : vector<16xf32>
            %max3A_466 = arith.constant 0.000000e+00 : f32
            %max3A_467 = vector.broadcast %max3A_466 : f32 to vector<16xf32>
            %max3A_468 = arith.maximumf %add3A_465, %max3A_467 : vector<16xf32>
            %swap3A_469 = arith.constant 1 : i32
            %swap3A_470 = arith.index_cast %swap3A_469 : i32 to index
            %swap3A_471 = arith.index_cast %add3A_406 : i32 to index
            %swap3A_472 = arith.constant 32 : index
            %swap3A_473 = tpu.vector_load %arg14[%swap3A_470, %swap3A_471, %swap3A_472] {strides = array<i32>} : memref<2x40x128xf32, #tpu.memory_space<vmem>>, vector<1x1x16xf32>,
            %swap3A_474 = vector.shape_cast %swap3A_473 : vector<1x1x16xf32> to vector<16xf32>
            %swap3A_475 = vector.shape_cast %max3A_468 : vector<16xf32> to vector<1x1x16xf32>
            tpu.vector_store %arg14[%swap3A_470, %swap3A_471, %swap3A_472], %swap3A_475 {strides = array<i32>} : memref<2x40x128xf32, #tpu.memory_space<vmem>>, vector<1x1x16xf32>,
            %get3A_476 = arith.constant 1 : i32
            %get3A_477 = arith.index_cast %get3A_476 : i32 to index
            %get3A_478 = arith.index_cast %add3A_406 : i32 to index
            %get3A_479 = arith.constant 48 : index
            %get3A_480 = tpu.vector_load %arg12[%get3A_477, %get3A_478, %get3A_479] {strides = array<i32>} : memref<2x40x128xf32, #tpu.memory_space<vmem>>, vector<1x1x16xf32>,
            %get3A_481 = vector.shape_cast %get3A_480 : vector<1x1x16xf32> to vector<16xf32>
            %get3A_482 = arith.constant 1 : i32
            %get3A_483 = arith.index_cast %get3A_482 : i32 to index
            %get3A_484 = arith.index_cast %add3A_406 : i32 to index
            %get3A_485 = arith.constant 48 : index
            %get3A_486 = tpu.vector_load %arg13[%get3A_483, %get3A_484, %get3A_485] {strides = array<i32>} : memref<2x40x128xf32, #tpu.memory_space<vmem>>, vector<1x1x16xf32>,
            %get3A_487 = vector.shape_cast %get3A_486 : vector<1x1x16xf32> to vector<16xf32>
            %add3A_488 = arith.addf %get3A_481, %get3A_487 : vector<16xf32>
            %max3A_489 = arith.constant 0.000000e+00 : f32
            %max3A_490 = vector.broadcast %max3A_489 : f32 to vector<16xf32>
            %max3A_491 = arith.maximumf %add3A_488, %max3A_490 : vector<16xf32>
            %swap3A_492 = arith.constant 1 : i32
            %swap3A_493 = arith.index_cast %swap3A_492 : i32 to index
            %swap3A_494 = arith.index_cast %add3A_406 : i32 to index
            %swap3A_495 = arith.constant 48 : index
            %swap3A_496 = tpu.vector_load %arg14[%swap3A_493, %swap3A_494, %swap3A_495] {strides = array<i32>} : memref<2x40x128xf32, #tpu.memory_space<vmem>>, vector<1x1x16xf32>,
            %swap3A_497 = vector.shape_cast %swap3A_496 : vector<1x1x16xf32> to vector<16xf32>
            %swap3A_498 = vector.shape_cast %max3A_491 : vector<16xf32> to vector<1x1x16xf32>
            tpu.vector_store %arg14[%swap3A_493, %swap3A_494, %swap3A_495], %swap3A_498 {strides = array<i32>} : memref<2x40x128xf32, #tpu.memory_space<vmem>>, vector<1x1x16xf32>,
            %get3A_499 = arith.constant 1 : i32
            %get3A_500 = arith.index_cast %get3A_499 : i32 to index
            %get3A_501 = arith.index_cast %add3A_406 : i32 to index
            %get3A_502 = arith.constant 64 : index
            %get3A_503 = tpu.vector_load %arg12[%get3A_500, %get3A_501, %get3A_502] {strides = array<i32>} : memref<2x40x128xf32, #tpu.memory_space<vmem>>, vector<1x1x16xf32>,
            %get3A_504 = vector.shape_cast %get3A_503 : vector<1x1x16xf32> to vector<16xf32>
            %get3A_505 = arith.constant 1 : i32
            %get3A_506 = arith.index_cast %get3A_505 : i32 to index
            %get3A_507 = arith.index_cast %add3A_406 : i32 to index
            %get3A_508 = arith.constant 64 : index
            %get3A_509 = tpu.vector_load %arg13[%get3A_506, %get3A_507, %get3A_508] {strides = array<i32>} : memref<2x40x128xf32, #tpu.memory_space<vmem>>, vector<1x1x16xf32>,
            %get3A_510 = vector.shape_cast %get3A_509 : vector<1x1x16xf32> to vector<16xf32>
            %add3A_511 = arith.addf %get3A_504, %get3A_510 : vector<16xf32>
            %max3A_512 = arith.constant 0.000000e+00 : f32
            %max3A_513 = vector.broadcast %max3A_512 : f32 to vector<16xf32>
            %max3A_514 = arith.maximumf %add3A_511, %max3A_513 : vector<16xf32>
            %swap3A_515 = arith.constant 1 : i32
            %swap3A_516 = arith.index_cast %swap3A_515 : i32 to index
            %swap3A_517 = arith.index_cast %add3A_406 : i32 to index
            %swap3A_518 = arith.constant 64 : index
            %swap3A_519 = tpu.vector_load %arg14[%swap3A_516, %swap3A_517, %swap3A_518] {strides = array<i32>} : memref<2x40x128xf32, #tpu.memory_space<vmem>>, vector<1x1x16xf32>,
            %swap3A_520 = vector.shape_cast %swap3A_519 : vector<1x1x16xf32> to vector<16xf32>
            %swap3A_521 = vector.shape_cast %max3A_514 : vector<16xf32> to vector<1x1x16xf32>
            tpu.vector_store %arg14[%swap3A_516, %swap3A_517, %swap3A_518], %swap3A_521 {strides = array<i32>} : memref<2x40x128xf32, #tpu.memory_space<vmem>>, vector<1x1x16xf32>,
            %get3A_522 = arith.constant 1 : i32
            %get3A_523 = arith.index_cast %get3A_522 : i32 to index
            %get3A_524 = arith.index_cast %add3A_406 : i32 to index
            %get3A_525 = arith.constant 80 : index
            %get3A_526 = tpu.vector_load %arg12[%get3A_523, %get3A_524, %get3A_525] {strides = array<i32>} : memref<2x40x128xf32, #tpu.memory_space<vmem>>, vector<1x1x16xf32>,
            %get3A_527 = vector.shape_cast %get3A_526 : vector<1x1x16xf32> to vector<16xf32>
            %get3A_528 = arith.constant 1 : i32
            %get3A_529 = arith.index_cast %get3A_528 : i32 to index
            %get3A_530 = arith.index_cast %add3A_406 : i32 to index
            %get3A_531 = arith.constant 80 : index
            %get3A_532 = tpu.vector_load %arg13[%get3A_529, %get3A_530, %get3A_531] {strides = array<i32>} : memref<2x40x128xf32, #tpu.memory_space<vmem>>, vector<1x1x16xf32>,
            %get3A_533 = vector.shape_cast %get3A_532 : vector<1x1x16xf32> to vector<16xf32>
            %add3A_534 = arith.addf %get3A_527, %get3A_533 : vector<16xf32>
            %max3A_535 = arith.constant 0.000000e+00 : f32
            %max3A_536 = vector.broadcast %max3A_535 : f32 to vector<16xf32>
            %max3A_537 = arith.maximumf %add3A_534, %max3A_536 : vector<16xf32>
            %swap3A_538 = arith.constant 1 : i32
            %swap3A_539 = arith.index_cast %swap3A_538 : i32 to index
            %swap3A_540 = arith.index_cast %add3A_406 : i32 to index
            %swap3A_541 = arith.constant 80 : index
            %swap3A_542 = tpu.vector_load %arg14[%swap3A_539, %swap3A_540, %swap3A_541] {strides = array<i32>} : memref<2x40x128xf32, #tpu.memory_space<vmem>>, vector<1x1x16xf32>,
            %swap3A_543 = vector.shape_cast %swap3A_542 : vector<1x1x16xf32> to vector<16xf32>
            %swap3A_544 = vector.shape_cast %max3A_537 : vector<16xf32> to vector<1x1x16xf32>
            tpu.vector_store %arg14[%swap3A_539, %swap3A_540, %swap3A_541], %swap3A_544 {strides = array<i32>} : memref<2x40x128xf32, #tpu.memory_space<vmem>>, vector<1x1x16xf32>,
            %get3A_545 = arith.constant 1 : i32
            %get3A_546 = arith.index_cast %get3A_545 : i32 to index
            %get3A_547 = arith.index_cast %add3A_406 : i32 to index
            %get3A_548 = arith.constant 96 : index
            %get3A_549 = tpu.vector_load %arg12[%get3A_546, %get3A_547, %get3A_548] {strides = array<i32>} : memref<2x40x128xf32, #tpu.memory_space<vmem>>, vector<1x1x16xf32>,
            %get3A_550 = vector.shape_cast %get3A_549 : vector<1x1x16xf32> to vector<16xf32>
            %get3A_551 = arith.constant 1 : i32
            %get3A_552 = arith.index_cast %get3A_551 : i32 to index
            %get3A_553 = arith.index_cast %add3A_406 : i32 to index
            %get3A_554 = arith.constant 96 : index
            %get3A_555 = tpu.vector_load %arg13[%get3A_552, %get3A_553, %get3A_554] {strides = array<i32>} : memref<2x40x128xf32, #tpu.memory_space<vmem>>, vector<1x1x16xf32>,
            %get3A_556 = vector.shape_cast %get3A_555 : vector<1x1x16xf32> to vector<16xf32>
            %add3A_557 = arith.addf %get3A_550, %get3A_556 : vector<16xf32>
            %max3A_558 = arith.constant 0.000000e+00 : f32
            %max3A_559 = vector.broadcast %max3A_558 : f32 to vector<16xf32>
            %max3A_560 = arith.maximumf %add3A_557, %max3A_559 : vector<16xf32>
            %swap3A_561 = arith.constant 1 : i32
            %swap3A_562 = arith.index_cast %swap3A_561 : i32 to index
            %swap3A_563 = arith.index_cast %add3A_406 : i32 to index
            %swap3A_564 = arith.constant 96 : index
            %swap3A_565 = tpu.vector_load %arg14[%swap3A_562, %swap3A_563, %swap3A_564] {strides = array<i32>} : memref<2x40x128xf32, #tpu.memory_space<vmem>>, vector<1x1x16xf32>,
            %swap3A_566 = vector.shape_cast %swap3A_565 : vector<1x1x16xf32> to vector<16xf32>
            %swap3A_567 = vector.shape_cast %max3A_560 : vector<16xf32> to vector<1x1x16xf32>
            tpu.vector_store %arg14[%swap3A_562, %swap3A_563, %swap3A_564], %swap3A_567 {strides = array<i32>} : memref<2x40x128xf32, #tpu.memory_space<vmem>>, vector<1x1x16xf32>,
            %get3A_568 = arith.constant 1 : i32
            %get3A_569 = arith.index_cast %get3A_568 : i32 to index
            %get3A_570 = arith.index_cast %add3A_406 : i32 to index
            %get3A_571 = arith.constant 112 : index
            %get3A_572 = tpu.vector_load %arg12[%get3A_569, %get3A_570, %get3A_571] {strides = array<i32>} : memref<2x40x128xf32, #tpu.memory_space<vmem>>, vector<1x1x16xf32>,
            %get3A_573 = vector.shape_cast %get3A_572 : vector<1x1x16xf32> to vector<16xf32>
            %get3A_574 = arith.constant 1 : i32
            %get3A_575 = arith.index_cast %get3A_574 : i32 to index
            %get3A_576 = arith.index_cast %add3A_406 : i32 to index
            %get3A_577 = arith.constant 112 : index
            %get3A_578 = tpu.vector_load %arg13[%get3A_575, %get3A_576, %get3A_577] {strides = array<i32>} : memref<2x40x128xf32, #tpu.memory_space<vmem>>, vector<1x1x16xf32>,
            %get3A_579 = vector.shape_cast %get3A_578 : vector<1x1x16xf32> to vector<16xf32>
            %add3A_580 = arith.addf %get3A_573, %get3A_579 : vector<16xf32>
            %max3A_581 = arith.constant 0.000000e+00 : f32
            %max3A_582 = vector.broadcast %max3A_581 : f32 to vector<16xf32>
            %max3A_583 = arith.maximumf %add3A_580, %max3A_582 : vector<16xf32>
            %swap3A_584 = arith.constant 1 : i32
            %swap3A_585 = arith.index_cast %swap3A_584 : i32 to index
            %swap3A_586 = arith.index_cast %add3A_406 : i32 to index
            %swap3A_587 = arith.constant 112 : index
            %swap3A_588 = tpu.vector_load %arg14[%swap3A_585, %swap3A_586, %swap3A_587] {strides = array<i32>} : memref<2x40x128xf32, #tpu.memory_space<vmem>>, vector<1x1x16xf32>,
            %swap3A_589 = vector.shape_cast %swap3A_588 : vector<1x1x16xf32> to vector<16xf32>
            %swap3A_590 = vector.shape_cast %max3A_583 : vector<16xf32> to vector<1x1x16xf32>
            tpu.vector_store %arg14[%swap3A_585, %swap3A_586, %swap3A_587], %swap3A_590 {strides = array<i32>} : memref<2x40x128xf32, #tpu.memory_space<vmem>>, vector<1x1x16xf32>,
            %mul3A_591 = arith.constant 4 : i32
            %mul3A_592 = arith.muli %scan3A_216, %mul3A_591 : i32
            %add3A_593 = arith.constant 2 : i32
            %add3A_594 = arith.addi %mul3A_592, %add3A_593 : i32
            %get3A_595 = arith.constant 1 : i32
            %get3A_596 = arith.index_cast %get3A_595 : i32 to index
            %get3A_597 = arith.index_cast %add3A_594 : i32 to index
            %get3A_598 = arith.constant 0 : index
            %get3A_599 = tpu.vector_load %arg12[%get3A_596, %get3A_597, %get3A_598] {strides = array<i32>} : memref<2x40x128xf32, #tpu.memory_space<vmem>>, vector<1x1x16xf32>,
            %get3A_600 = vector.shape_cast %get3A_599 : vector<1x1x16xf32> to vector<16xf32>
            %get3A_601 = arith.constant 1 : i32
            %get3A_602 = arith.index_cast %get3A_601 : i32 to index
            %get3A_603 = arith.index_cast %add3A_594 : i32 to index
            %get3A_604 = arith.constant 0 : index
            %get3A_605 = tpu.vector_load %arg13[%get3A_602, %get3A_603, %get3A_604] {strides = array<i32>} : memref<2x40x128xf32, #tpu.memory_space<vmem>>, vector<1x1x16xf32>,
            %get3A_606 = vector.shape_cast %get3A_605 : vector<1x1x16xf32> to vector<16xf32>
            %add3A_607 = arith.addf %get3A_600, %get3A_606 : vector<16xf32>
            %max3A_608 = arith.constant 0.000000e+00 : f32
            %max3A_609 = vector.broadcast %max3A_608 : f32 to vector<16xf32>
            %max3A_610 = arith.maximumf %add3A_607, %max3A_609 : vector<16xf32>
            %swap3A_611 = arith.constant 1 : i32
            %swap3A_612 = arith.index_cast %swap3A_611 : i32 to index
            %swap3A_613 = arith.index_cast %add3A_594 : i32 to index
            %swap3A_614 = arith.constant 0 : index
            %swap3A_615 = tpu.vector_load %arg14[%swap3A_612, %swap3A_613, %swap3A_614] {strides = array<i32>} : memref<2x40x128xf32, #tpu.memory_space<vmem>>, vector<1x1x16xf32>,
            %swap3A_616 = vector.shape_cast %swap3A_615 : vector<1x1x16xf32> to vector<16xf32>
            %swap3A_617 = vector.shape_cast %max3A_610 : vector<16xf32> to vector<1x1x16xf32>
            tpu.vector_store %arg14[%swap3A_612, %swap3A_613, %swap3A_614], %swap3A_617 {strides = array<i32>} : memref<2x40x128xf32, #tpu.memory_space<vmem>>, vector<1x1x16xf32>,
            %get3A_618 = arith.constant 1 : i32
            %get3A_619 = arith.index_cast %get3A_618 : i32 to index
            %get3A_620 = arith.index_cast %add3A_594 : i32 to index
            %get3A_621 = arith.constant 16 : index
            %get3A_622 = tpu.vector_load %arg12[%get3A_619, %get3A_620, %get3A_621] {strides = array<i32>} : memref<2x40x128xf32, #tpu.memory_space<vmem>>, vector<1x1x16xf32>,
            %get3A_623 = vector.shape_cast %get3A_622 : vector<1x1x16xf32> to vector<16xf32>
            %get3A_624 = arith.constant 1 : i32
            %get3A_625 = arith.index_cast %get3A_624 : i32 to index
            %get3A_626 = arith.index_cast %add3A_594 : i32 to index
            %get3A_627 = arith.constant 16 : index
            %get3A_628 = tpu.vector_load %arg13[%get3A_625, %get3A_626, %get3A_627] {strides = array<i32>} : memref<2x40x128xf32, #tpu.memory_space<vmem>>, vector<1x1x16xf32>,
            %get3A_629 = vector.shape_cast %get3A_628 : vector<1x1x16xf32> to vector<16xf32>
            %add3A_630 = arith.addf %get3A_623, %get3A_629 : vector<16xf32>
            %max3A_631 = arith.constant 0.000000e+00 : f32
            %max3A_632 = vector.broadcast %max3A_631 : f32 to vector<16xf32>
            %max3A_633 = arith.maximumf %add3A_630, %max3A_632 : vector<16xf32>
            %swap3A_634 = arith.constant 1 : i32
            %swap3A_635 = arith.index_cast %swap3A_634 : i32 to index
            %swap3A_636 = arith.index_cast %add3A_594 : i32 to index
            %swap3A_637 = arith.constant 16 : index
            %swap3A_638 = tpu.vector_load %arg14[%swap3A_635, %swap3A_636, %swap3A_637] {strides = array<i32>} : memref<2x40x128xf32, #tpu.memory_space<vmem>>, vector<1x1x16xf32>,
            %swap3A_639 = vector.shape_cast %swap3A_638 : vector<1x1x16xf32> to vector<16xf32>
            %swap3A_640 = vector.shape_cast %max3A_633 : vector<16xf32> to vector<1x1x16xf32>
            tpu.vector_store %arg14[%swap3A_635, %swap3A_636, %swap3A_637], %swap3A_640 {strides = array<i32>} : memref<2x40x128xf32, #tpu.memory_space<vmem>>, vector<1x1x16xf32>,
            %get3A_641 = arith.constant 1 : i32
            %get3A_642 = arith.index_cast %get3A_641 : i32 to index
            %get3A_643 = arith.index_cast %add3A_594 : i32 to index
            %get3A_644 = arith.constant 32 : index
            %get3A_645 = tpu.vector_load %arg12[%get3A_642, %get3A_643, %get3A_644] {strides = array<i32>} : memref<2x40x128xf32, #tpu.memory_space<vmem>>, vector<1x1x16xf32>,
            %get3A_646 = vector.shape_cast %get3A_645 : vector<1x1x16xf32> to vector<16xf32>
            %get3A_647 = arith.constant 1 : i32
            %get3A_648 = arith.index_cast %get3A_647 : i32 to index
            %get3A_649 = arith.index_cast %add3A_594 : i32 to index
            %get3A_650 = arith.constant 32 : index
            %get3A_651 = tpu.vector_load %arg13[%get3A_648, %get3A_649, %get3A_650] {strides = array<i32>} : memref<2x40x128xf32, #tpu.memory_space<vmem>>, vector<1x1x16xf32>,
            %get3A_652 = vector.shape_cast %get3A_651 : vector<1x1x16xf32> to vector<16xf32>
            %add3A_653 = arith.addf %get3A_646, %get3A_652 : vector<16xf32>
            %max3A_654 = arith.constant 0.000000e+00 : f32
            %max3A_655 = vector.broadcast %max3A_654 : f32 to vector<16xf32>
            %max3A_656 = arith.maximumf %add3A_653, %max3A_655 : vector<16xf32>
            %swap3A_657 = arith.constant 1 : i32
            %swap3A_658 = arith.index_cast %swap3A_657 : i32 to index
            %swap3A_659 = arith.index_cast %add3A_594 : i32 to index
            %swap3A_660 = arith.constant 32 : index
            %swap3A_661 = tpu.vector_load %arg14[%swap3A_658, %swap3A_659, %swap3A_660] {strides = array<i32>} : memref<2x40x128xf32, #tpu.memory_space<vmem>>, vector<1x1x16xf32>,
            %swap3A_662 = vector.shape_cast %swap3A_661 : vector<1x1x16xf32> to vector<16xf32>
            %swap3A_663 = vector.shape_cast %max3A_656 : vector<16xf32> to vector<1x1x16xf32>
            tpu.vector_store %arg14[%swap3A_658, %swap3A_659, %swap3A_660], %swap3A_663 {strides = array<i32>} : memref<2x40x128xf32, #tpu.memory_space<vmem>>, vector<1x1x16xf32>,
            %get3A_664 = arith.constant 1 : i32
            %get3A_665 = arith.index_cast %get3A_664 : i32 to index
            %get3A_666 = arith.index_cast %add3A_594 : i32 to index
            %get3A_667 = arith.constant 48 : index
            %get3A_668 = tpu.vector_load %arg12[%get3A_665, %get3A_666, %get3A_667] {strides = array<i32>} : memref<2x40x128xf32, #tpu.memory_space<vmem>>, vector<1x1x16xf32>,
            %get3A_669 = vector.shape_cast %get3A_668 : vector<1x1x16xf32> to vector<16xf32>
            %get3A_670 = arith.constant 1 : i32
            %get3A_671 = arith.index_cast %get3A_670 : i32 to index
            %get3A_672 = arith.index_cast %add3A_594 : i32 to index
            %get3A_673 = arith.constant 48 : index
            %get3A_674 = tpu.vector_load %arg13[%get3A_671, %get3A_672, %get3A_673] {strides = array<i32>} : memref<2x40x128xf32, #tpu.memory_space<vmem>>, vector<1x1x16xf32>,
            %get3A_675 = vector.shape_cast %get3A_674 : vector<1x1x16xf32> to vector<16xf32>
            %add3A_676 = arith.addf %get3A_669, %get3A_675 : vector<16xf32>
            %max3A_677 = arith.constant 0.000000e+00 : f32
            %max3A_678 = vector.broadcast %max3A_677 : f32 to vector<16xf32>
            %max3A_679 = arith.maximumf %add3A_676, %max3A_678 : vector<16xf32>
            %swap3A_680 = arith.constant 1 : i32
            %swap3A_681 = arith.index_cast %swap3A_680 : i32 to index
            %swap3A_682 = arith.index_cast %add3A_594 : i32 to index
            %swap3A_683 = arith.constant 48 : index
            %swap3A_684 = tpu.vector_load %arg14[%swap3A_681, %swap3A_682, %swap3A_683] {strides = array<i32>} : memref<2x40x128xf32, #tpu.memory_space<vmem>>, vector<1x1x16xf32>,
            %swap3A_685 = vector.shape_cast %swap3A_684 : vector<1x1x16xf32> to vector<16xf32>
            %swap3A_686 = vector.shape_cast %max3A_679 : vector<16xf32> to vector<1x1x16xf32>
            tpu.vector_store %arg14[%swap3A_681, %swap3A_682, %swap3A_683], %swap3A_686 {strides = array<i32>} : memref<2x40x128xf32, #tpu.memory_space<vmem>>, vector<1x1x16xf32>,
            %get3A_687 = arith.constant 1 : i32
            %get3A_688 = arith.index_cast %get3A_687 : i32 to index
            %get3A_689 = arith.index_cast %add3A_594 : i32 to index
            %get3A_690 = arith.constant 64 : index
            %get3A_691 = tpu.vector_load %arg12[%get3A_688, %get3A_689, %get3A_690] {strides = array<i32>} : memref<2x40x128xf32, #tpu.memory_space<vmem>>, vector<1x1x16xf32>,
            %get3A_692 = vector.shape_cast %get3A_691 : vector<1x1x16xf32> to vector<16xf32>
            %get3A_693 = arith.constant 1 : i32
            %get3A_694 = arith.index_cast %get3A_693 : i32 to index
            %get3A_695 = arith.index_cast %add3A_594 : i32 to index
            %get3A_696 = arith.constant 64 : index
            %get3A_697 = tpu.vector_load %arg13[%get3A_694, %get3A_695, %get3A_696] {strides = array<i32>} : memref<2x40x128xf32, #tpu.memory_space<vmem>>, vector<1x1x16xf32>,
            %get3A_698 = vector.shape_cast %get3A_697 : vector<1x1x16xf32> to vector<16xf32>
            %add3A_699 = arith.addf %get3A_692, %get3A_698 : vector<16xf32>
            %max3A_700 = arith.constant 0.000000e+00 : f32
            %max3A_701 = vector.broadcast %max3A_700 : f32 to vector<16xf32>
            %max3A_702 = arith.maximumf %add3A_699, %max3A_701 : vector<16xf32>
            %swap3A_703 = arith.constant 1 : i32
            %swap3A_704 = arith.index_cast %swap3A_703 : i32 to index
            %swap3A_705 = arith.index_cast %add3A_594 : i32 to index
            %swap3A_706 = arith.constant 64 : index
            %swap3A_707 = tpu.vector_load %arg14[%swap3A_704, %swap3A_705, %swap3A_706] {strides = array<i32>} : memref<2x40x128xf32, #tpu.memory_space<vmem>>, vector<1x1x16xf32>,
            %swap3A_708 = vector.shape_cast %swap3A_707 : vector<1x1x16xf32> to vector<16xf32>
            %swap3A_709 = vector.shape_cast %max3A_702 : vector<16xf32> to vector<1x1x16xf32>
            tpu.vector_store %arg14[%swap3A_704, %swap3A_705, %swap3A_706], %swap3A_709 {strides = array<i32>} : memref<2x40x128xf32, #tpu.memory_space<vmem>>, vector<1x1x16xf32>,
            %get3A_710 = arith.constant 1 : i32
            %get3A_711 = arith.index_cast %get3A_710 : i32 to index
            %get3A_712 = arith.index_cast %add3A_594 : i32 to index
            %get3A_713 = arith.constant 80 : index
            %get3A_714 = tpu.vector_load %arg12[%get3A_711, %get3A_712, %get3A_713] {strides = array<i32>} : memref<2x40x128xf32, #tpu.memory_space<vmem>>, vector<1x1x16xf32>,
            %get3A_715 = vector.shape_cast %get3A_714 : vector<1x1x16xf32> to vector<16xf32>
            %get3A_716 = arith.constant 1 : i32
            %get3A_717 = arith.index_cast %get3A_716 : i32 to index
            %get3A_718 = arith.index_cast %add3A_594 : i32 to index
            %get3A_719 = arith.constant 80 : index
            %get3A_720 = tpu.vector_load %arg13[%get3A_717, %get3A_718, %get3A_719] {strides = array<i32>} : memref<2x40x128xf32, #tpu.memory_space<vmem>>, vector<1x1x16xf32>,
            %get3A_721 = vector.shape_cast %get3A_720 : vector<1x1x16xf32> to vector<16xf32>
            %add3A_722 = arith.addf %get3A_715, %get3A_721 : vector<16xf32>
            %max3A_723 = arith.constant 0.000000e+00 : f32
            %max3A_724 = vector.broadcast %max3A_723 : f32 to vector<16xf32>
            %max3A_725 = arith.maximumf %add3A_722, %max3A_724 : vector<16xf32>
            %swap3A_726 = arith.constant 1 : i32
            %swap3A_727 = arith.index_cast %swap3A_726 : i32 to index
            %swap3A_728 = arith.index_cast %add3A_594 : i32 to index
            %swap3A_729 = arith.constant 80 : index
            %swap3A_730 = tpu.vector_load %arg14[%swap3A_727, %swap3A_728, %swap3A_729] {strides = array<i32>} : memref<2x40x128xf32, #tpu.memory_space<vmem>>, vector<1x1x16xf32>,
            %swap3A_731 = vector.shape_cast %swap3A_730 : vector<1x1x16xf32> to vector<16xf32>
            %swap3A_732 = vector.shape_cast %max3A_725 : vector<16xf32> to vector<1x1x16xf32>
            tpu.vector_store %arg14[%swap3A_727, %swap3A_728, %swap3A_729], %swap3A_732 {strides = array<i32>} : memref<2x40x128xf32, #tpu.memory_space<vmem>>, vector<1x1x16xf32>,
            %get3A_733 = arith.constant 1 : i32
            %get3A_734 = arith.index_cast %get3A_733 : i32 to index
            %get3A_735 = arith.index_cast %add3A_594 : i32 to index
            %get3A_736 = arith.constant 96 : index
            %get3A_737 = tpu.vector_load %arg12[%get3A_734, %get3A_735, %get3A_736] {strides = array<i32>} : memref<2x40x128xf32, #tpu.memory_space<vmem>>, vector<1x1x16xf32>,
            %get3A_738 = vector.shape_cast %get3A_737 : vector<1x1x16xf32> to vector<16xf32>
            %get3A_739 = arith.constant 1 : i32
            %get3A_740 = arith.index_cast %get3A_739 : i32 to index
            %get3A_741 = arith.index_cast %add3A_594 : i32 to index
            %get3A_742 = arith.constant 96 : index
            %get3A_743 = tpu.vector_load %arg13[%get3A_740, %get3A_741, %get3A_742] {strides = array<i32>} : memref<2x40x128xf32, #tpu.memory_space<vmem>>, vector<1x1x16xf32>,
            %get3A_744 = vector.shape_cast %get3A_743 : vector<1x1x16xf32> to vector<16xf32>
            %add3A_745 = arith.addf %get3A_738, %get3A_744 : vector<16xf32>
            %max3A_746 = arith.constant 0.000000e+00 : f32
            %max3A_747 = vector.broadcast %max3A_746 : f32 to vector<16xf32>
            %max3A_748 = arith.maximumf %add3A_745, %max3A_747 : vector<16xf32>
            %swap3A_749 = arith.constant 1 : i32
            %swap3A_750 = arith.index_cast %swap3A_749 : i32 to index
            %swap3A_751 = arith.index_cast %add3A_594 : i32 to index
            %swap3A_752 = arith.constant 96 : index
            %swap3A_753 = tpu.vector_load %arg14[%swap3A_750, %swap3A_751, %swap3A_752] {strides = array<i32>} : memref<2x40x128xf32, #tpu.memory_space<vmem>>, vector<1x1x16xf32>,
            %swap3A_754 = vector.shape_cast %swap3A_753 : vector<1x1x16xf32> to vector<16xf32>
            %swap3A_755 = vector.shape_cast %max3A_748 : vector<16xf32> to vector<1x1x16xf32>
            tpu.vector_store %arg14[%swap3A_750, %swap3A_751, %swap3A_752], %swap3A_755 {strides = array<i32>} : memref<2x40x128xf32, #tpu.memory_space<vmem>>, vector<1x1x16xf32>,
            %get3A_756 = arith.constant 1 : i32
            %get3A_757 = arith.index_cast %get3A_756 : i32 to index
            %get3A_758 = arith.index_cast %add3A_594 : i32 to index
            %get3A_759 = arith.constant 112 : index
            %get3A_760 = tpu.vector_load %arg12[%get3A_757, %get3A_758, %get3A_759] {strides = array<i32>} : memref<2x40x128xf32, #tpu.memory_space<vmem>>, vector<1x1x16xf32>,
            %get3A_761 = vector.shape_cast %get3A_760 : vector<1x1x16xf32> to vector<16xf32>
            %get3A_762 = arith.constant 1 : i32
            %get3A_763 = arith.index_cast %get3A_762 : i32 to index
            %get3A_764 = arith.index_cast %add3A_594 : i32 to index
            %get3A_765 = arith.constant 112 : index
            %get3A_766 = tpu.vector_load %arg13[%get3A_763, %get3A_764, %get3A_765] {strides = array<i32>} : memref<2x40x128xf32, #tpu.memory_space<vmem>>, vector<1x1x16xf32>,
            %get3A_767 = vector.shape_cast %get3A_766 : vector<1x1x16xf32> to vector<16xf32>
            %add3A_768 = arith.addf %get3A_761, %get3A_767 : vector<16xf32>
            %max3A_769 = arith.constant 0.000000e+00 : f32
            %max3A_770 = vector.broadcast %max3A_769 : f32 to vector<16xf32>
            %max3A_771 = arith.maximumf %add3A_768, %max3A_770 : vector<16xf32>
            %swap3A_772 = arith.constant 1 : i32
            %swap3A_773 = arith.index_cast %swap3A_772 : i32 to index
            %swap3A_774 = arith.index_cast %add3A_594 : i32 to index
            %swap3A_775 = arith.constant 112 : index
            %swap3A_776 = tpu.vector_load %arg14[%swap3A_773, %swap3A_774, %swap3A_775] {strides = array<i32>} : memref<2x40x128xf32, #tpu.memory_space<vmem>>, vector<1x1x16xf32>,
            %swap3A_777 = vector.shape_cast %swap3A_776 : vector<1x1x16xf32> to vector<16xf32>
            %swap3A_778 = vector.shape_cast %max3A_771 : vector<16xf32> to vector<1x1x16xf32>
            tpu.vector_store %arg14[%swap3A_773, %swap3A_774, %swap3A_775], %swap3A_778 {strides = array<i32>} : memref<2x40x128xf32, #tpu.memory_space<vmem>>, vector<1x1x16xf32>,
            %mul3A_779 = arith.constant 4 : i32
            %mul3A_780 = arith.muli %scan3A_216, %mul3A_779 : i32
            %add3A_781 = arith.constant 3 : i32
            %add3A_782 = arith.addi %mul3A_780, %add3A_781 : i32
            %get3A_783 = arith.constant 1 : i32
            %get3A_784 = arith.index_cast %get3A_783 : i32 to index
            %get3A_785 = arith.index_cast %add3A_782 : i32 to index
            %get3A_786 = arith.constant 0 : index
            %get3A_787 = tpu.vector_load %arg12[%get3A_784, %get3A_785, %get3A_786] {strides = array<i32>} : memref<2x40x128xf32, #tpu.memory_space<vmem>>, vector<1x1x16xf32>,
            %get3A_788 = vector.shape_cast %get3A_787 : vector<1x1x16xf32> to vector<16xf32>
            %get3A_789 = arith.constant 1 : i32
            %get3A_790 = arith.index_cast %get3A_789 : i32 to index
            %get3A_791 = arith.index_cast %add3A_782 : i32 to index
            %get3A_792 = arith.constant 0 : index
            %get3A_793 = tpu.vector_load %arg13[%get3A_790, %get3A_791, %get3A_792] {strides = array<i32>} : memref<2x40x128xf32, #tpu.memory_space<vmem>>, vector<1x1x16xf32>,
            %get3A_794 = vector.shape_cast %get3A_793 : vector<1x1x16xf32> to vector<16xf32>
            %add3A_795 = arith.addf %get3A_788, %get3A_794 : vector<16xf32>
            %max3A_796 = arith.constant 0.000000e+00 : f32
            %max3A_797 = vector.broadcast %max3A_796 : f32 to vector<16xf32>
            %max3A_798 = arith.maximumf %add3A_795, %max3A_797 : vector<16xf32>
            %swap3A_799 = arith.constant 1 : i32
            %swap3A_800 = arith.index_cast %swap3A_799 : i32 to index
            %swap3A_801 = arith.index_cast %add3A_782 : i32 to index
            %swap3A_802 = arith.constant 0 : index
            %swap3A_803 = tpu.vector_load %arg14[%swap3A_800, %swap3A_801, %swap3A_802] {strides = array<i32>} : memref<2x40x128xf32, #tpu.memory_space<vmem>>, vector<1x1x16xf32>,
            %swap3A_804 = vector.shape_cast %swap3A_803 : vector<1x1x16xf32> to vector<16xf32>
            %swap3A_805 = vector.shape_cast %max3A_798 : vector<16xf32> to vector<1x1x16xf32>
            tpu.vector_store %arg14[%swap3A_800, %swap3A_801, %swap3A_802], %swap3A_805 {strides = array<i32>} : memref<2x40x128xf32, #tpu.memory_space<vmem>>, vector<1x1x16xf32>,
            %get3A_806 = arith.constant 1 : i32
            %get3A_807 = arith.index_cast %get3A_806 : i32 to index
            %get3A_808 = arith.index_cast %add3A_782 : i32 to index
            %get3A_809 = arith.constant 16 : index
            %get3A_810 = tpu.vector_load %arg12[%get3A_807, %get3A_808, %get3A_809] {strides = array<i32>} : memref<2x40x128xf32, #tpu.memory_space<vmem>>, vector<1x1x16xf32>,
            %get3A_811 = vector.shape_cast %get3A_810 : vector<1x1x16xf32> to vector<16xf32>
            %get3A_812 = arith.constant 1 : i32
            %get3A_813 = arith.index_cast %get3A_812 : i32 to index
            %get3A_814 = arith.index_cast %add3A_782 : i32 to index
            %get3A_815 = arith.constant 16 : index
            %get3A_816 = tpu.vector_load %arg13[%get3A_813, %get3A_814, %get3A_815] {strides = array<i32>} : memref<2x40x128xf32, #tpu.memory_space<vmem>>, vector<1x1x16xf32>,
            %get3A_817 = vector.shape_cast %get3A_816 : vector<1x1x16xf32> to vector<16xf32>
            %add3A_818 = arith.addf %get3A_811, %get3A_817 : vector<16xf32>
            %max3A_819 = arith.constant 0.000000e+00 : f32
            %max3A_820 = vector.broadcast %max3A_819 : f32 to vector<16xf32>
            %max3A_821 = arith.maximumf %add3A_818, %max3A_820 : vector<16xf32>
            %swap3A_822 = arith.constant 1 : i32
            %swap3A_823 = arith.index_cast %swap3A_822 : i32 to index
            %swap3A_824 = arith.index_cast %add3A_782 : i32 to index
            %swap3A_825 = arith.constant 16 : index
            %swap3A_826 = tpu.vector_load %arg14[%swap3A_823, %swap3A_824, %swap3A_825] {strides = array<i32>} : memref<2x40x128xf32, #tpu.memory_space<vmem>>, vector<1x1x16xf32>,
            %swap3A_827 = vector.shape_cast %swap3A_826 : vector<1x1x16xf32> to vector<16xf32>
            %swap3A_828 = vector.shape_cast %max3A_821 : vector<16xf32> to vector<1x1x16xf32>
            tpu.vector_store %arg14[%swap3A_823, %swap3A_824, %swap3A_825], %swap3A_828 {strides = array<i32>} : memref<2x40x128xf32, #tpu.memory_space<vmem>>, vector<1x1x16xf32>,
            %get3A_829 = arith.constant 1 : i32
            %get3A_830 = arith.index_cast %get3A_829 : i32 to index
            %get3A_831 = arith.index_cast %add3A_782 : i32 to index
            %get3A_832 = arith.constant 32 : index
            %get3A_833 = tpu.vector_load %arg12[%get3A_830, %get3A_831, %get3A_832] {strides = array<i32>} : memref<2x40x128xf32, #tpu.memory_space<vmem>>, vector<1x1x16xf32>,
            %get3A_834 = vector.shape_cast %get3A_833 : vector<1x1x16xf32> to vector<16xf32>
            %get3A_835 = arith.constant 1 : i32
            %get3A_836 = arith.index_cast %get3A_835 : i32 to index
            %get3A_837 = arith.index_cast %add3A_782 : i32 to index
            %get3A_838 = arith.constant 32 : index
            %get3A_839 = tpu.vector_load %arg13[%get3A_836, %get3A_837, %get3A_838] {strides = array<i32>} : memref<2x40x128xf32, #tpu.memory_space<vmem>>, vector<1x1x16xf32>,
            %get3A_840 = vector.shape_cast %get3A_839 : vector<1x1x16xf32> to vector<16xf32>
            %add3A_841 = arith.addf %get3A_834, %get3A_840 : vector<16xf32>
            %max3A_842 = arith.constant 0.000000e+00 : f32
            %max3A_843 = vector.broadcast %max3A_842 : f32 to vector<16xf32>
            %max3A_844 = arith.maximumf %add3A_841, %max3A_843 : vector<16xf32>
            %swap3A_845 = arith.constant 1 : i32
            %swap3A_846 = arith.index_cast %swap3A_845 : i32 to index
            %swap3A_847 = arith.index_cast %add3A_782 : i32 to index
            %swap3A_848 = arith.constant 32 : index
            %swap3A_849 = tpu.vector_load %arg14[%swap3A_846, %swap3A_847, %swap3A_848] {strides = array<i32>} : memref<2x40x128xf32, #tpu.memory_space<vmem>>, vector<1x1x16xf32>,
            %swap3A_850 = vector.shape_cast %swap3A_849 : vector<1x1x16xf32> to vector<16xf32>
            %swap3A_851 = vector.shape_cast %max3A_844 : vector<16xf32> to vector<1x1x16xf32>
            tpu.vector_store %arg14[%swap3A_846, %swap3A_847, %swap3A_848], %swap3A_851 {strides = array<i32>} : memref<2x40x128xf32, #tpu.memory_space<vmem>>, vector<1x1x16xf32>,
            %get3A_852 = arith.constant 1 : i32
            %get3A_853 = arith.index_cast %get3A_852 : i32 to index
            %get3A_854 = arith.index_cast %add3A_782 : i32 to index
            %get3A_855 = arith.constant 48 : index
            %get3A_856 = tpu.vector_load %arg12[%get3A_853, %get3A_854, %get3A_855] {strides = array<i32>} : memref<2x40x128xf32, #tpu.memory_space<vmem>>, vector<1x1x16xf32>,
            %get3A_857 = vector.shape_cast %get3A_856 : vector<1x1x16xf32> to vector<16xf32>
            %get3A_858 = arith.constant 1 : i32
            %get3A_859 = arith.index_cast %get3A_858 : i32 to index
            %get3A_860 = arith.index_cast %add3A_782 : i32 to index
            %get3A_861 = arith.constant 48 : index
            %get3A_862 = tpu.vector_load %arg13[%get3A_859, %get3A_860, %get3A_861] {strides = array<i32>} : memref<2x40x128xf32, #tpu.memory_space<vmem>>, vector<1x1x16xf32>,
            %get3A_863 = vector.shape_cast %get3A_862 : vector<1x1x16xf32> to vector<16xf32>
            %add3A_864 = arith.addf %get3A_857, %get3A_863 : vector<16xf32>
            %max3A_865 = arith.constant 0.000000e+00 : f32
            %max3A_866 = vector.broadcast %max3A_865 : f32 to vector<16xf32>
            %max3A_867 = arith.maximumf %add3A_864, %max3A_866 : vector<16xf32>
            %swap3A_868 = arith.constant 1 : i32
            %swap3A_869 = arith.index_cast %swap3A_868 : i32 to index
            %swap3A_870 = arith.index_cast %add3A_782 : i32 to index
            %swap3A_871 = arith.constant 48 : index
            %swap3A_872 = tpu.vector_load %arg14[%swap3A_869, %swap3A_870, %swap3A_871] {strides = array<i32>} : memref<2x40x128xf32, #tpu.memory_space<vmem>>, vector<1x1x16xf32>,
            %swap3A_873 = vector.shape_cast %swap3A_872 : vector<1x1x16xf32> to vector<16xf32>
            %swap3A_874 = vector.shape_cast %max3A_867 : vector<16xf32> to vector<1x1x16xf32>
            tpu.vector_store %arg14[%swap3A_869, %swap3A_870, %swap3A_871], %swap3A_874 {strides = array<i32>} : memref<2x40x128xf32, #tpu.memory_space<vmem>>, vector<1x1x16xf32>,
            %get3A_875 = arith.constant 1 : i32
            %get3A_876 = arith.index_cast %get3A_875 : i32 to index
            %get3A_877 = arith.index_cast %add3A_782 : i32 to index
            %get3A_878 = arith.constant 64 : index
            %get3A_879 = tpu.vector_load %arg12[%get3A_876, %get3A_877, %get3A_878] {strides = array<i32>} : memref<2x40x128xf32, #tpu.memory_space<vmem>>, vector<1x1x16xf32>,
            %get3A_880 = vector.shape_cast %get3A_879 : vector<1x1x16xf32> to vector<16xf32>
            %get3A_881 = arith.constant 1 : i32
            %get3A_882 = arith.index_cast %get3A_881 : i32 to index
            %get3A_883 = arith.index_cast %add3A_782 : i32 to index
            %get3A_884 = arith.constant 64 : index
            %get3A_885 = tpu.vector_load %arg13[%get3A_882, %get3A_883, %get3A_884] {strides = array<i32>} : memref<2x40x128xf32, #tpu.memory_space<vmem>>, vector<1x1x16xf32>,
            %get3A_886 = vector.shape_cast %get3A_885 : vector<1x1x16xf32> to vector<16xf32>
            %add3A_887 = arith.addf %get3A_880, %get3A_886 : vector<16xf32>
            %max3A_888 = arith.constant 0.000000e+00 : f32
            %max3A_889 = vector.broadcast %max3A_888 : f32 to vector<16xf32>
            %max3A_890 = arith.maximumf %add3A_887, %max3A_889 : vector<16xf32>
            %swap3A_891 = arith.constant 1 : i32
            %swap3A_892 = arith.index_cast %swap3A_891 : i32 to index
            %swap3A_893 = arith.index_cast %add3A_782 : i32 to index
            %swap3A_894 = arith.constant 64 : index
            %swap3A_895 = tpu.vector_load %arg14[%swap3A_892, %swap3A_893, %swap3A_894] {strides = array<i32>} : memref<2x40x128xf32, #tpu.memory_space<vmem>>, vector<1x1x16xf32>,
            %swap3A_896 = vector.shape_cast %swap3A_895 : vector<1x1x16xf32> to vector<16xf32>
            %swap3A_897 = vector.shape_cast %max3A_890 : vector<16xf32> to vector<1x1x16xf32>
            tpu.vector_store %arg14[%swap3A_892, %swap3A_893, %swap3A_894], %swap3A_897 {strides = array<i32>} : memref<2x40x128xf32, #tpu.memory_space<vmem>>, vector<1x1x16xf32>,
            %get3A_898 = arith.constant 1 : i32
            %get3A_899 = arith.index_cast %get3A_898 : i32 to index
            %get3A_900 = arith.index_cast %add3A_782 : i32 to index
            %get3A_901 = arith.constant 80 : index
            %get3A_902 = tpu.vector_load %arg12[%get3A_899, %get3A_900, %get3A_901] {strides = array<i32>} : memref<2x40x128xf32, #tpu.memory_space<vmem>>, vector<1x1x16xf32>,
            %get3A_903 = vector.shape_cast %get3A_902 : vector<1x1x16xf32> to vector<16xf32>
            %get3A_904 = arith.constant 1 : i32
            %get3A_905 = arith.index_cast %get3A_904 : i32 to index
            %get3A_906 = arith.index_cast %add3A_782 : i32 to index
            %get3A_907 = arith.constant 80 : index
            %get3A_908 = tpu.vector_load %arg13[%get3A_905, %get3A_906, %get3A_907] {strides = array<i32>} : memref<2x40x128xf32, #tpu.memory_space<vmem>>, vector<1x1x16xf32>,
            %get3A_909 = vector.shape_cast %get3A_908 : vector<1x1x16xf32> to vector<16xf32>
            %add3A_910 = arith.addf %get3A_903, %get3A_909 : vector<16xf32>
            %max3A_911 = arith.constant 0.000000e+00 : f32
            %max3A_912 = vector.broadcast %max3A_911 : f32 to vector<16xf32>
            %max3A_913 = arith.maximumf %add3A_910, %max3A_912 : vector<16xf32>
            %swap3A_914 = arith.constant 1 : i32
            %swap3A_915 = arith.index_cast %swap3A_914 : i32 to index
            %swap3A_916 = arith.index_cast %add3A_782 : i32 to index
            %swap3A_917 = arith.constant 80 : index
            %swap3A_918 = tpu.vector_load %arg14[%swap3A_915, %swap3A_916, %swap3A_917] {strides = array<i32>} : memref<2x40x128xf32, #tpu.memory_space<vmem>>, vector<1x1x16xf32>,
            %swap3A_919 = vector.shape_cast %swap3A_918 : vector<1x1x16xf32> to vector<16xf32>
            %swap3A_920 = vector.shape_cast %max3A_913 : vector<16xf32> to vector<1x1x16xf32>
            tpu.vector_store %arg14[%swap3A_915, %swap3A_916, %swap3A_917], %swap3A_920 {strides = array<i32>} : memref<2x40x128xf32, #tpu.memory_space<vmem>>, vector<1x1x16xf32>,
            %get3A_921 = arith.constant 1 : i32
            %get3A_922 = arith.index_cast %get3A_921 : i32 to index
            %get3A_923 = arith.index_cast %add3A_782 : i32 to index
            %get3A_924 = arith.constant 96 : index
            %get3A_925 = tpu.vector_load %arg12[%get3A_922, %get3A_923, %get3A_924] {strides = array<i32>} : memref<2x40x128xf32, #tpu.memory_space<vmem>>, vector<1x1x16xf32>,
            %get3A_926 = vector.shape_cast %get3A_925 : vector<1x1x16xf32> to vector<16xf32>
            %get3A_927 = arith.constant 1 : i32
            %get3A_928 = arith.index_cast %get3A_927 : i32 to index
            %get3A_929 = arith.index_cast %add3A_782 : i32 to index
            %get3A_930 = arith.constant 96 : index
            %get3A_931 = tpu.vector_load %arg13[%get3A_928, %get3A_929, %get3A_930] {strides = array<i32>} : memref<2x40x128xf32, #tpu.memory_space<vmem>>, vector<1x1x16xf32>,
            %get3A_932 = vector.shape_cast %get3A_931 : vector<1x1x16xf32> to vector<16xf32>
            %add3A_933 = arith.addf %get3A_926, %get3A_932 : vector<16xf32>
            %max3A_934 = arith.constant 0.000000e+00 : f32
            %max3A_935 = vector.broadcast %max3A_934 : f32 to vector<16xf32>
            %max3A_936 = arith.maximumf %add3A_933, %max3A_935 : vector<16xf32>
            %swap3A_937 = arith.constant 1 : i32
            %swap3A_938 = arith.index_cast %swap3A_937 : i32 to index
            %swap3A_939 = arith.index_cast %add3A_782 : i32 to index
            %swap3A_940 = arith.constant 96 : index
            %swap3A_941 = tpu.vector_load %arg14[%swap3A_938, %swap3A_939, %swap3A_940] {strides = array<i32>} : memref<2x40x128xf32, #tpu.memory_space<vmem>>, vector<1x1x16xf32>,
            %swap3A_942 = vector.shape_cast %swap3A_941 : vector<1x1x16xf32> to vector<16xf32>
            %swap3A_943 = vector.shape_cast %max3A_936 : vector<16xf32> to vector<1x1x16xf32>
            tpu.vector_store %arg14[%swap3A_938, %swap3A_939, %swap3A_940], %swap3A_943 {strides = array<i32>} : memref<2x40x128xf32, #tpu.memory_space<vmem>>, vector<1x1x16xf32>,
            %get3A_944 = arith.constant 1 : i32
            %get3A_945 = arith.index_cast %get3A_944 : i32 to index
            %get3A_946 = arith.index_cast %add3A_782 : i32 to index
            %get3A_947 = arith.constant 112 : index
            %get3A_948 = tpu.vector_load %arg12[%get3A_945, %get3A_946, %get3A_947] {strides = array<i32>} : memref<2x40x128xf32, #tpu.memory_space<vmem>>, vector<1x1x16xf32>,
            %get3A_949 = vector.shape_cast %get3A_948 : vector<1x1x16xf32> to vector<16xf32>
            %get3A_950 = arith.constant 1 : i32
            %get3A_951 = arith.index_cast %get3A_950 : i32 to index
            %get3A_952 = arith.index_cast %add3A_782 : i32 to index
            %get3A_953 = arith.constant 112 : index
            %get3A_954 = tpu.vector_load %arg13[%get3A_951, %get3A_952, %get3A_953] {strides = array<i32>} : memref<2x40x128xf32, #tpu.memory_space<vmem>>, vector<1x1x16xf32>,
            %get3A_955 = vector.shape_cast %get3A_954 : vector<1x1x16xf32> to vector<16xf32>
            %add3A_956 = arith.addf %get3A_949, %get3A_955 : vector<16xf32>
            %max3A_957 = arith.constant 0.000000e+00 : f32
            %max3A_958 = vector.broadcast %max3A_957 : f32 to vector<16xf32>
            %max3A_959 = arith.maximumf %add3A_956, %max3A_958 : vector<16xf32>
            %swap3A_960 = arith.constant 1 : i32
            %swap3A_961 = arith.index_cast %swap3A_960 : i32 to index
            %swap3A_962 = arith.index_cast %add3A_782 : i32 to index
            %swap3A_963 = arith.constant 112 : index
            %swap3A_964 = tpu.vector_load %arg14[%swap3A_961, %swap3A_962, %swap3A_963] {strides = array<i32>} : memref<2x40x128xf32, #tpu.memory_space<vmem>>, vector<1x1x16xf32>,
            %swap3A_965 = vector.shape_cast %swap3A_964 : vector<1x1x16xf32> to vector<16xf32>
            %swap3A_966 = vector.shape_cast %max3A_959 : vector<16xf32> to vector<1x1x16xf32>
            tpu.vector_store %arg14[%swap3A_961, %swap3A_962, %swap3A_963], %swap3A_966 {strides = array<i32>} : memref<2x40x128xf32, #tpu.memory_space<vmem>>, vector<1x1x16xf32>,
            %scan3A_967 = arith.constant 0 : i32
            scf.yield %scan3A_967 : i32
          }
          %scan3A_203 = arith.constant 10 : i32
          %dma_start3A_204 = arith.constant 1 : i32
          %dma_start3A_205 = arith.constant 0 : i32
          %dma_start3A_206 = arith.constant 0 : i32
          %dma_start3A_207 = tpu.memref_slice %arg14[%dma_start3A_204, %dma_start3A_205, %dma_start3A_206] : memref<2x40x128xf32, #tpu.memory_space<vmem>> -> memref<1x40x128xf32, #tpu.memory_space<vmem>>
          %dma_start3A_208 = tpu.memref_squeeze %dma_start3A_207 : memref<1x40x128xf32, #tpu.memory_space<vmem>> -> memref<40x128xf32, #tpu.memory_space<vmem>>
          %dma_start3A_209 = arith.constant 0 : i32
          %dma_start3A_210 = tpu.memref_slice %arg11[%add3A_162, %dma_start3A_209] : memref<50x40xi32, #tpu.memory_space<vmem>> -> memref<1x40xi32, #tpu.memory_space<vmem>>
          %dma_start3A_211 = tpu.memref_squeeze %dma_start3A_210 : memref<1x40xi32, #tpu.memory_space<vmem>> -> memref<40xi32, #tpu.memory_space<vmem>>
          %dma_start3A_212 = arith.constant 0 : i32
          %dma_start3A_213 = arith.constant 0 : i32
          %dma_start3A_214 = tpu.memref_slice %arg9[%dma_start3A_212, %dma_start3A_213] : memref<10240x128xf32, #tpu.memory_space<vmem_shared>> -> memref<10240x128xf32, #tpu.memory_space<vmem_shared>>
          tpu.enqueue_indirect_dma source(%dma_start3A_208 : memref<40x128xf32, #tpu.memory_space<vmem>>) target(%dma_start3A_214 : memref<10240x128xf32, #tpu.memory_space<vmem_shared>>) offsets(%dma_start3A_211 : memref<40xi32, #tpu.memory_space<vmem>>) semaphore(%arg21 : memref<!tpu.dma_semaphore, #tpu.memory_space<semaphore_mem>>) {add = true}
          %scan3A_215 = arith.constant 0 : i32
          scf.yield %scan3A_215 : i32
        }
        %scan3A_101 = arith.constant 25 : i32
        %scan3A_102 = arith.constant 0 : i32
        scf.yield %scan3A_102 : i32
      }
      %scan3A_31 = arith.constant 10 : i32
      %dma_wait3A_32 = arith.constant 0 : i32
      %dma_wait3A_33 = arith.constant 48 : i32
      %dma_wait3A_34 = arith.constant 0 : i32
      %dma_wait3A_35 = arith.constant 0 : i32
      %dma_wait3A_36 = tpu.memref_slice %arg14[%dma_wait3A_32, %dma_wait3A_34, %dma_wait3A_35] : memref<2x40x128xf32, #tpu.memory_space<vmem>> -> memref<1x40x128xf32, #tpu.memory_space<vmem>>
      %dma_wait3A_37 = tpu.memref_squeeze %dma_wait3A_36 : memref<1x40x128xf32, #tpu.memory_space<vmem>> -> memref<40x128xf32, #tpu.memory_space<vmem>>
      %dma_wait3A_38 = arith.constant 0 : i32
      %dma_wait3A_39 = tpu.memref_slice %arg11[%dma_wait3A_33, %dma_wait3A_38] : memref<50x40xi32, #tpu.memory_space<vmem>> -> memref<1x40xi32, #tpu.memory_space<vmem>>
      %dma_wait3A_40 = tpu.memref_squeeze %dma_wait3A_39 : memref<1x40xi32, #tpu.memory_space<vmem>> -> memref<40xi32, #tpu.memory_space<vmem>>
      %dma_wait3A_41 = arith.constant 0 : i32
      %dma_wait3A_42 = arith.constant 0 : i32
      %dma_wait3A_43 = tpu.memref_slice %arg9[%dma_wait3A_41, %dma_wait3A_42] : memref<10240x128xf32, #tpu.memory_space<vmem_shared>> -> memref<10240x128xf32, #tpu.memory_space<vmem_shared>>
      tpu.wait_indirect_dma semaphore(%arg20 : memref<!tpu.dma_semaphore, #tpu.memory_space<semaphore_mem>>) src(%dma_wait3A_37 : memref<40x128xf32, #tpu.memory_space<vmem>>) dst(%dma_wait3A_43 : memref<10240x128xf32, #tpu.memory_space<vmem_shared>>)
      %dma_wait3A_44 = arith.constant 1 : i32
      %dma_wait3A_45 = arith.constant 49 : i32
      %dma_wait3A_46 = arith.constant 0 : i32
      %dma_wait3A_47 = arith.constant 0 : i32
      %dma_wait3A_48 = tpu.memref_slice %arg14[%dma_wait3A_44, %dma_wait3A_46, %dma_wait3A_47] : memref<2x40x128xf32, #tpu.memory_space<vmem>> -> memref<1x40x128xf32, #tpu.memory_space<vmem>>
      %dma_wait3A_49 = tpu.memref_squeeze %dma_wait3A_48 : memref<1x40x128xf32, #tpu.memory_space<vmem>> -> memref<40x128xf32, #tpu.memory_space<vmem>>
      %dma_wait3A_50 = arith.constant 0 : i32
      %dma_wait3A_51 = tpu.memref_slice %arg11[%dma_wait3A_45, %dma_wait3A_50] : memref<50x40xi32, #tpu.memory_space<vmem>> -> memref<1x40xi32, #tpu.memory_space<vmem>>
      %dma_wait3A_52 = tpu.memref_squeeze %dma_wait3A_51 : memref<1x40xi32, #tpu.memory_space<vmem>> -> memref<40xi32, #tpu.memory_space<vmem>>
      %dma_wait3A_53 = arith.constant 0 : i32
      %dma_wait3A_54 = arith.constant 0 : i32
      %dma_wait3A_55 = tpu.memref_slice %arg9[%dma_wait3A_53, %dma_wait3A_54] : memref<10240x128xf32, #tpu.memory_space<vmem_shared>> -> memref<10240x128xf32, #tpu.memory_space<vmem_shared>>
      tpu.wait_indirect_dma semaphore(%arg21 : memref<!tpu.dma_semaphore, #tpu.memory_space<semaphore_mem>>) src(%dma_wait3A_49 : memref<40x128xf32, #tpu.memory_space<vmem>>) dst(%dma_wait3A_55 : memref<10240x128xf32, #tpu.memory_space<vmem_shared>>)
      %barrier3A_56 = arith.constant 0 : index
      tpu.barrier barrier_id(%barrier3A_56)
      %lt3A = arith.constant 15 : i32
      %lt3A_57 = arith.cmpi slt, %arg1, %lt3A : i32
      %convert_element_type3A_58 = arith.extui %lt3A_57 : i1 to i32
      %cond3A_59 = arith.constant 0 : i32
      %cond3A_60 = arith.cmpi ne, %convert_element_type3A_58, %cond3A_59 : i32
      scf.if %cond3A_60 {
        %mul3A_66 = arith.constant 640 : i32
        %mul3A_67 = arith.muli %arg1, %mul3A_66 : i32
        %mul3A_68 = arith.constant 640 : i32
        %mul3A_69 = arith.muli %arg1, %mul3A_68 : i32
        "tpu.region"() ({
          %run_scoped3A = tpu.sem_alloc : memref<!tpu.dma_semaphore, #tpu.memory_space<semaphore_mem>>
          %dma_start3A = arith.constant 0 : i32
          %dma_start3A_70 = tpu.memref_slice %arg8[%arg0, %mul3A_69, %dma_start3A] : memref<2x10000x128xf32, #tpu.memory_space<hbm>> -> memref<1x640x128xf32, #tpu.memory_space<hbm>>
          %dma_start3A_71 = tpu.memref_squeeze %dma_start3A_70 : memref<1x640x128xf32, #tpu.memory_space<hbm>> -> memref<640x128xf32, #tpu.memory_space<hbm>>
          %dma_start3A_72 = arith.constant 0 : i32
          %dma_start3A_73 = tpu.memref_slice %arg9[%mul3A_67, %dma_start3A_72] : memref<10240x128xf32, #tpu.memory_space<vmem_shared>> -> memref<640x128xf32, #tpu.memory_space<vmem_shared>>
          tpu.enqueue_dma source(%dma_start3A_73 : memref<640x128xf32, #tpu.memory_space<vmem_shared>>) target(%dma_start3A_71 : memref<640x128xf32, #tpu.memory_space<hbm>>) target_semaphore(%run_scoped3A : memref<!tpu.dma_semaphore, #tpu.memory_space<semaphore_mem>>)
          %dma_wait3A_74 = arith.constant 0 : i32
          %dma_wait3A_75 = tpu.memref_slice %arg8[%arg0, %mul3A_69, %dma_wait3A_74] : memref<2x10000x128xf32, #tpu.memory_space<hbm>> -> memref<1x640x128xf32, #tpu.memory_space<hbm>>
          %dma_wait3A_76 = tpu.memref_squeeze %dma_wait3A_75 : memref<1x640x128xf32, #tpu.memory_space<hbm>> -> memref<640x128xf32, #tpu.memory_space<hbm>>
          %dma_wait3A_77 = arith.constant 0 : i32
          %dma_wait3A_78 = tpu.memref_slice %arg9[%mul3A_67, %dma_wait3A_77] : memref<10240x128xf32, #tpu.memory_space<vmem_shared>> -> memref<640x128xf32, #tpu.memory_space<vmem_shared>>
          tpu.wait_dma2 semaphore(%run_scoped3A : memref<!tpu.dma_semaphore, #tpu.memory_space<semaphore_mem>>) src(%dma_wait3A_78 : memref<640x128xf32, #tpu.memory_space<vmem_shared>>) dst(%dma_wait3A_76 : memref<640x128xf32, #tpu.memory_space<hbm>>)
          tpu.yield
        }) : () -> ()
      } else {
      }
      %eq3A_61 = arith.constant 15 : i32
      %eq3A_62 = arith.cmpi eq, %arg1, %eq3A_61 : i32
      %convert_element_type3A_63 = arith.extui %eq3A_62 : i1 to i32
      %cond3A_64 = arith.constant 0 : i32
      %cond3A_65 = arith.cmpi ne, %convert_element_type3A_63, %cond3A_64 : i32
      scf.if %cond3A_65 {
        "tpu.region"() ({
          %run_scoped3A = tpu.sem_alloc : memref<!tpu.dma_semaphore, #tpu.memory_space<semaphore_mem>>
          %dma_start3A = arith.constant 9600 : i32
          %dma_start3A_66 = arith.constant 0 : i32
          %dma_start3A_67 = tpu.memref_slice %arg8[%arg0, %dma_start3A, %dma_start3A_66] : memref<2x10000x128xf32, #tpu.memory_space<hbm>> -> memref<1x400x128xf32, #tpu.memory_space<hbm>>
          %dma_start3A_68 = tpu.memref_squeeze %dma_start3A_67 : memref<1x400x128xf32, #tpu.memory_space<hbm>> -> memref<400x128xf32, #tpu.memory_space<hbm>>
          %dma_start3A_69 = arith.constant 9600 : i32
          %dma_start3A_70 = arith.constant 0 : i32
          %dma_start3A_71 = tpu.memref_slice %arg9[%dma_start3A_69, %dma_start3A_70] : memref<10240x128xf32, #tpu.memory_space<vmem_shared>> -> memref<400x128xf32, #tpu.memory_space<vmem_shared>>
          tpu.enqueue_dma source(%dma_start3A_71 : memref<400x128xf32, #tpu.memory_space<vmem_shared>>) target(%dma_start3A_68 : memref<400x128xf32, #tpu.memory_space<hbm>>) target_semaphore(%run_scoped3A : memref<!tpu.dma_semaphore, #tpu.memory_space<semaphore_mem>>)
          %dma_wait3A_72 = arith.constant 9600 : i32
          %dma_wait3A_73 = arith.constant 0 : i32
          %dma_wait3A_74 = tpu.memref_slice %arg8[%arg0, %dma_wait3A_72, %dma_wait3A_73] : memref<2x10000x128xf32, #tpu.memory_space<hbm>> -> memref<1x400x128xf32, #tpu.memory_space<hbm>>
          %dma_wait3A_75 = tpu.memref_squeeze %dma_wait3A_74 : memref<1x400x128xf32, #tpu.memory_space<hbm>> -> memref<400x128xf32, #tpu.memory_space<hbm>>
          %dma_wait3A_76 = arith.constant 9600 : i32
          %dma_wait3A_77 = arith.constant 0 : i32
          %dma_wait3A_78 = tpu.memref_slice %arg9[%dma_wait3A_76, %dma_wait3A_77] : memref<10240x128xf32, #tpu.memory_space<vmem_shared>> -> memref<400x128xf32, #tpu.memory_space<vmem_shared>>
          tpu.wait_dma2 semaphore(%run_scoped3A : memref<!tpu.dma_semaphore, #tpu.memory_space<semaphore_mem>>) src(%dma_wait3A_78 : memref<400x128xf32, #tpu.memory_space<vmem_shared>>) dst(%dma_wait3A_75 : memref<400x128xf32, #tpu.memory_space<hbm>>)
          tpu.yield
        }) : () -> ()
      } else {
      }
    } else {
    }
    %eq3A_9 = arith.constant 1 : i32
    %eq3A_10 = arith.cmpi eq, %arg0, %eq3A_9 : i32
    %convert_element_type3A_11 = arith.extui %eq3A_10 : i1 to i32
    %cond3A_12 = arith.constant 0 : i32
    %cond3A_13 = arith.cmpi ne, %convert_element_type3A_11, %cond3A_12 : i32
    scf.if %cond3A_13 {
      %scan3A_14 = arith.constant 0 : i32
      %scan3A_15 = arith.constant 0 : i32
      %scan3A_16 = arith.constant 20 : i32
      %scan3A_17 = arith.addi %scan3A_15, %scan3A_16 : i32
      %scan3A_18 = arith.constant 1 : i32
      %scan3A_19 = scf.for %scan3A_66 = %scan3A_15 to %scan3A_17 step %scan3A_18 iter_args(%scan3A_67 = %scan3A_14) -> (i32)  : i32 {
        %mul3A_68 = arith.constant 640 : i32
        %mul3A_69 = arith.muli %arg1, %mul3A_68 : i32
        %mul3A_70 = arith.constant 32 : i32
        %mul3A_71 = arith.muli %scan3A_66, %mul3A_70 : i32
        %add3A = arith.addi %mul3A_69, %mul3A_71 : i32
        %dma_start3A = arith.constant 0 : i32
        %dma_start3A_72 = tpu.memref_slice %arg9[%add3A, %dma_start3A] : memref<10240x128xf32, #tpu.memory_space<vmem_shared>> -> memref<32x128xf32, #tpu.memory_space<vmem_shared>>
        %dma_start3A_73 = arith.constant 0 : i32
        %dma_start3A_74 = tpu.memref_slice %arg9[%add3A, %dma_start3A_73] : memref<10240x128xf32, #tpu.memory_space<vmem_shared>> -> memref<32x128xf32, #tpu.memory_space<vmem_shared>>
        tpu.enqueue_dma source(%arg15 : memref<32x128xf32, #tpu.memory_space<vmem>>) target(%dma_start3A_74 : memref<32x128xf32, #tpu.memory_space<vmem_shared>>) target_semaphore(%arg20 : memref<!tpu.dma_semaphore, #tpu.memory_space<semaphore_mem>>)
        %gt3A = arith.constant 0 : i32
        %gt3A_75 = arith.cmpi sgt, %scan3A_66, %gt3A : i32
        %convert_element_type3A_76 = arith.extui %gt3A_75 : i1 to i32
        %cond3A_77 = arith.constant 0 : i32
        %cond3A_78 = arith.cmpi ne, %convert_element_type3A_76, %cond3A_77 : i32
        scf.if %cond3A_78 {
          %mul3A_80 = arith.constant 640 : i32
          %mul3A_81 = arith.muli %arg1, %mul3A_80 : i32
          %dma_wait3A_82 = arith.constant 0 : i32
          %dma_wait3A_83 = tpu.memref_slice %arg9[%mul3A_81, %dma_wait3A_82] : memref<10240x128xf32, #tpu.memory_space<vmem_shared>> -> memref<32x128xf32, #tpu.memory_space<vmem_shared>>
          %dma_wait3A_84 = arith.constant 0 : i32
          %dma_wait3A_85 = tpu.memref_slice %arg9[%mul3A_81, %dma_wait3A_84] : memref<10240x128xf32, #tpu.memory_space<vmem_shared>> -> memref<32x128xf32, #tpu.memory_space<vmem_shared>>
          tpu.wait_dma2 semaphore(%arg20 : memref<!tpu.dma_semaphore, #tpu.memory_space<semaphore_mem>>) src(%arg15 : memref<32x128xf32, #tpu.memory_space<vmem>>) dst(%dma_wait3A_85 : memref<32x128xf32, #tpu.memory_space<vmem_shared>>)
        } else {
        }
        %scan3A_79 = arith.constant 0 : i32
        scf.yield %scan3A_79 : i32
      }
      %scan3A_20 = arith.constant 20 : i32
      %mul3A = arith.constant 640 : i32
      %mul3A_21 = arith.muli %arg1, %mul3A : i32
      %dma_wait3A = arith.constant 0 : i32
      %dma_wait3A_22 = tpu.memref_slice %arg9[%mul3A_21, %dma_wait3A] : memref<10240x128xf32, #tpu.memory_space<vmem_shared>> -> memref<32x128xf32, #tpu.memory_space<vmem_shared>>
      %dma_wait3A_23 = arith.constant 0 : i32
      %dma_wait3A_24 = tpu.memref_slice %arg9[%mul3A_21, %dma_wait3A_23] : memref<10240x128xf32, #tpu.memory_space<vmem_shared>> -> memref<32x128xf32, #tpu.memory_space<vmem_shared>>
      tpu.wait_dma2 semaphore(%arg20 : memref<!tpu.dma_semaphore, #tpu.memory_space<semaphore_mem>>) src(%arg15 : memref<32x128xf32, #tpu.memory_space<vmem>>) dst(%dma_wait3A_24 : memref<32x128xf32, #tpu.memory_space<vmem_shared>>)
      %barrier3A = arith.constant 0 : index
      tpu.barrier barrier_id(%barrier3A)
      %scan3A_25 = arith.constant 0 : i32
      %scan3A_26 = arith.constant 0 : i32
      %scan3A_27 = arith.constant 10 : i32
      %scan3A_28 = arith.addi %scan3A_26, %scan3A_27 : i32
      %scan3A_29 = arith.constant 1 : i32
      %scan3A_30 = scf.for %scan3A_66 = %scan3A_26 to %scan3A_28 step %scan3A_29 iter_args(%scan3A_67 = %scan3A_25) -> (i32)  : i32 {
        %gt3A = arith.constant 0 : i32
        %gt3A_68 = arith.cmpi sgt, %scan3A_66, %gt3A : i32
        %convert_element_type3A_69 = arith.extui %gt3A_68 : i1 to i32
        %cond3A_70 = arith.constant 0 : i32
        %cond3A_71 = arith.cmpi ne, %convert_element_type3A_69, %cond3A_70 : i32
        scf.if %cond3A_71 {
          %dma_wait3A_103 = arith.constant 0 : i32
          %dma_wait3A_104 = arith.constant 48 : i32
          %dma_wait3A_105 = arith.constant 0 : i32
          %dma_wait3A_106 = arith.constant 0 : i32
          %dma_wait3A_107 = tpu.memref_slice %arg14[%dma_wait3A_103, %dma_wait3A_105, %dma_wait3A_106] : memref<2x40x128xf32, #tpu.memory_space<vmem>> -> memref<1x40x128xf32, #tpu.memory_space<vmem>>
          %dma_wait3A_108 = tpu.memref_squeeze %dma_wait3A_107 : memref<1x40x128xf32, #tpu.memory_space<vmem>> -> memref<40x128xf32, #tpu.memory_space<vmem>>
          %dma_wait3A_109 = arith.constant 0 : i32
          %dma_wait3A_110 = tpu.memref_slice %arg11[%dma_wait3A_104, %dma_wait3A_109] : memref<50x40xi32, #tpu.memory_space<vmem>> -> memref<1x40xi32, #tpu.memory_space<vmem>>
          %dma_wait3A_111 = tpu.memref_squeeze %dma_wait3A_110 : memref<1x40xi32, #tpu.memory_space<vmem>> -> memref<40xi32, #tpu.memory_space<vmem>>
          %dma_wait3A_112 = arith.constant 0 : i32
          %dma_wait3A_113 = arith.constant 0 : i32
          %dma_wait3A_114 = tpu.memref_slice %arg9[%dma_wait3A_112, %dma_wait3A_113] : memref<10240x128xf32, #tpu.memory_space<vmem_shared>> -> memref<10240x128xf32, #tpu.memory_space<vmem_shared>>
          tpu.wait_indirect_dma semaphore(%arg20 : memref<!tpu.dma_semaphore, #tpu.memory_space<semaphore_mem>>) src(%dma_wait3A_108 : memref<40x128xf32, #tpu.memory_space<vmem>>) dst(%dma_wait3A_114 : memref<10240x128xf32, #tpu.memory_space<vmem_shared>>)
          %dma_wait3A_115 = arith.constant 1 : i32
          %dma_wait3A_116 = arith.constant 49 : i32
          %dma_wait3A_117 = arith.constant 0 : i32
          %dma_wait3A_118 = arith.constant 0 : i32
          %dma_wait3A_119 = tpu.memref_slice %arg14[%dma_wait3A_115, %dma_wait3A_117, %dma_wait3A_118] : memref<2x40x128xf32, #tpu.memory_space<vmem>> -> memref<1x40x128xf32, #tpu.memory_space<vmem>>
          %dma_wait3A_120 = tpu.memref_squeeze %dma_wait3A_119 : memref<1x40x128xf32, #tpu.memory_space<vmem>> -> memref<40x128xf32, #tpu.memory_space<vmem>>
          %dma_wait3A_121 = arith.constant 0 : i32
          %dma_wait3A_122 = tpu.memref_slice %arg11[%dma_wait3A_116, %dma_wait3A_121] : memref<50x40xi32, #tpu.memory_space<vmem>> -> memref<1x40xi32, #tpu.memory_space<vmem>>
          %dma_wait3A_123 = tpu.memref_squeeze %dma_wait3A_122 : memref<1x40xi32, #tpu.memory_space<vmem>> -> memref<40xi32, #tpu.memory_space<vmem>>
          %dma_wait3A_124 = arith.constant 0 : i32
          %dma_wait3A_125 = arith.constant 0 : i32
          %dma_wait3A_126 = tpu.memref_slice %arg9[%dma_wait3A_124, %dma_wait3A_125] : memref<10240x128xf32, #tpu.memory_space<vmem_shared>> -> memref<10240x128xf32, #tpu.memory_space<vmem_shared>>
          tpu.wait_indirect_dma semaphore(%arg21 : memref<!tpu.dma_semaphore, #tpu.memory_space<semaphore_mem>>) src(%dma_wait3A_120 : memref<40x128xf32, #tpu.memory_space<vmem>>) dst(%dma_wait3A_126 : memref<10240x128xf32, #tpu.memory_space<vmem_shared>>)
        } else {
        }
        "tpu.region"() ({
          %run_scoped3A = tpu.sem_alloc : memref<!tpu.dma_semaphore, #tpu.memory_space<semaphore_mem>>
          %dma_start3A_103 = arith.constant 0 : i32
          %dma_start3A_104 = arith.constant 0 : i32
          %dma_start3A_105 = tpu.memref_slice %arg6[%arg1, %scan3A_66, %dma_start3A_103, %dma_start3A_104] : memref<16x10x50x40xi32, #tpu.memory_space<hbm>> -> memref<1x1x50x40xi32, #tpu.memory_space<hbm>>
          %dma_start3A_106 = tpu.memref_squeeze %dma_start3A_105 : memref<1x1x50x40xi32, #tpu.memory_space<hbm>> -> memref<50x40xi32, #tpu.memory_space<hbm>>
          %dma_start3A_107 = arith.constant 0 : i32
          %dma_start3A_108 = arith.constant 0 : i32
          %dma_start3A_109 = tpu.memref_slice %arg6[%arg1, %scan3A_66, %dma_start3A_107, %dma_start3A_108] : memref<16x10x50x40xi32, #tpu.memory_space<hbm>> -> memref<1x1x50x40xi32, #tpu.memory_space<hbm>>
          %dma_start3A_110 = tpu.memref_squeeze %dma_start3A_109 : memref<1x1x50x40xi32, #tpu.memory_space<hbm>> -> memref<50x40xi32, #tpu.memory_space<hbm>>
          tpu.enqueue_dma source(%dma_start3A_110 : memref<50x40xi32, #tpu.memory_space<hbm>>) target(%arg10 : memref<50x40xi32, #tpu.memory_space<vmem>>) target_semaphore(%run_scoped3A : memref<!tpu.dma_semaphore, #tpu.memory_space<semaphore_mem>>)
          %dma_wait3A_111 = arith.constant 0 : i32
          %dma_wait3A_112 = arith.constant 0 : i32
          %dma_wait3A_113 = tpu.memref_slice %arg6[%arg1, %scan3A_66, %dma_wait3A_111, %dma_wait3A_112] : memref<16x10x50x40xi32, #tpu.memory_space<hbm>> -> memref<1x1x50x40xi32, #tpu.memory_space<hbm>>
          %dma_wait3A_114 = tpu.memref_squeeze %dma_wait3A_113 : memref<1x1x50x40xi32, #tpu.memory_space<hbm>> -> memref<50x40xi32, #tpu.memory_space<hbm>>
          %dma_wait3A_115 = arith.constant 0 : i32
          %dma_wait3A_116 = arith.constant 0 : i32
          %dma_wait3A_117 = tpu.memref_slice %arg6[%arg1, %scan3A_66, %dma_wait3A_115, %dma_wait3A_116] : memref<16x10x50x40xi32, #tpu.memory_space<hbm>> -> memref<1x1x50x40xi32, #tpu.memory_space<hbm>>
          %dma_wait3A_118 = tpu.memref_squeeze %dma_wait3A_117 : memref<1x1x50x40xi32, #tpu.memory_space<hbm>> -> memref<50x40xi32, #tpu.memory_space<hbm>>
          tpu.wait_dma2 semaphore(%run_scoped3A : memref<!tpu.dma_semaphore, #tpu.memory_space<semaphore_mem>>) src(%dma_wait3A_118 : memref<50x40xi32, #tpu.memory_space<hbm>>) dst(%arg10 : memref<50x40xi32, #tpu.memory_space<vmem>>)
          tpu.yield
        }) : () -> ()
        "tpu.region"() ({
          %run_scoped3A = tpu.sem_alloc : memref<!tpu.dma_semaphore, #tpu.memory_space<semaphore_mem>>
          %dma_start3A_103 = arith.constant 0 : i32
          %dma_start3A_104 = arith.constant 0 : i32
          %dma_start3A_105 = tpu.memref_slice %arg7[%arg1, %scan3A_66, %dma_start3A_103, %dma_start3A_104] : memref<16x10x50x40xi32, #tpu.memory_space<hbm>> -> memref<1x1x50x40xi32, #tpu.memory_space<hbm>>
          %dma_start3A_106 = tpu.memref_squeeze %dma_start3A_105 : memref<1x1x50x40xi32, #tpu.memory_space<hbm>> -> memref<50x40xi32, #tpu.memory_space<hbm>>
          %dma_start3A_107 = arith.constant 0 : i32
          %dma_start3A_108 = arith.constant 0 : i32
          %dma_start3A_109 = tpu.memref_slice %arg7[%arg1, %scan3A_66, %dma_start3A_107, %dma_start3A_108] : memref<16x10x50x40xi32, #tpu.memory_space<hbm>> -> memref<1x1x50x40xi32, #tpu.memory_space<hbm>>
          %dma_start3A_110 = tpu.memref_squeeze %dma_start3A_109 : memref<1x1x50x40xi32, #tpu.memory_space<hbm>> -> memref<50x40xi32, #tpu.memory_space<hbm>>
          tpu.enqueue_dma source(%dma_start3A_110 : memref<50x40xi32, #tpu.memory_space<hbm>>) target(%arg11 : memref<50x40xi32, #tpu.memory_space<vmem>>) target_semaphore(%run_scoped3A : memref<!tpu.dma_semaphore, #tpu.memory_space<semaphore_mem>>)
          %dma_wait3A_111 = arith.constant 0 : i32
          %dma_wait3A_112 = arith.constant 0 : i32
          %dma_wait3A_113 = tpu.memref_slice %arg7[%arg1, %scan3A_66, %dma_wait3A_111, %dma_wait3A_112] : memref<16x10x50x40xi32, #tpu.memory_space<hbm>> -> memref<1x1x50x40xi32, #tpu.memory_space<hbm>>
          %dma_wait3A_114 = tpu.memref_squeeze %dma_wait3A_113 : memref<1x1x50x40xi32, #tpu.memory_space<hbm>> -> memref<50x40xi32, #tpu.memory_space<hbm>>
          %dma_wait3A_115 = arith.constant 0 : i32
          %dma_wait3A_116 = arith.constant 0 : i32
          %dma_wait3A_117 = tpu.memref_slice %arg7[%arg1, %scan3A_66, %dma_wait3A_115, %dma_wait3A_116] : memref<16x10x50x40xi32, #tpu.memory_space<hbm>> -> memref<1x1x50x40xi32, #tpu.memory_space<hbm>>
          %dma_wait3A_118 = tpu.memref_squeeze %dma_wait3A_117 : memref<1x1x50x40xi32, #tpu.memory_space<hbm>> -> memref<50x40xi32, #tpu.memory_space<hbm>>
          tpu.wait_dma2 semaphore(%run_scoped3A : memref<!tpu.dma_semaphore, #tpu.memory_space<semaphore_mem>>) src(%dma_wait3A_118 : memref<50x40xi32, #tpu.memory_space<hbm>>) dst(%arg11 : memref<50x40xi32, #tpu.memory_space<vmem>>)
          tpu.yield
        }) : () -> ()
        %dma_start3A = arith.constant 0 : i32
        %dma_start3A_72 = arith.constant 0 : i32
        %dma_start3A_73 = arith.constant 0 : i32
        %dma_start3A_74 = arith.constant 0 : i32
        %dma_start3A_75 = tpu.memref_slice %arg12[%dma_start3A_72, %dma_start3A_73, %dma_start3A_74] : memref<2x40x128xf32, #tpu.memory_space<vmem>> -> memref<1x40x128xf32, #tpu.memory_space<vmem>>
        %dma_start3A_76 = tpu.memref_squeeze %dma_start3A_75 : memref<1x40x128xf32, #tpu.memory_space<vmem>> -> memref<40x128xf32, #tpu.memory_space<vmem>>
        %dma_start3A_77 = arith.constant 0 : i32
        %dma_start3A_78 = tpu.memref_slice %arg10[%dma_start3A, %dma_start3A_77] : memref<50x40xi32, #tpu.memory_space<vmem>> -> memref<1x40xi32, #tpu.memory_space<vmem>>
        %dma_start3A_79 = tpu.memref_squeeze %dma_start3A_78 : memref<1x40xi32, #tpu.memory_space<vmem>> -> memref<40xi32, #tpu.memory_space<vmem>>
        %dma_start3A_80 = arith.constant 0 : i32
        %dma_start3A_81 = arith.constant 0 : i32
        %dma_start3A_82 = tpu.memref_slice %arg3[%dma_start3A_80, %dma_start3A_81] : memref<10000x128xf32, #tpu.memory_space<hbm>> -> memref<10000x128xf32, #tpu.memory_space<hbm>>
        tpu.enqueue_indirect_dma source(%dma_start3A_82 : memref<10000x128xf32, #tpu.memory_space<hbm>>) target(%dma_start3A_76 : memref<40x128xf32, #tpu.memory_space<vmem>>) offsets(%dma_start3A_79 : memref<40xi32, #tpu.memory_space<vmem>>) semaphore(%arg16 : memref<!tpu.dma_semaphore, #tpu.memory_space<semaphore_mem>>)
        %dma_start3A_83 = arith.constant 0 : i32
        %dma_start3A_84 = arith.constant 0 : i32
        %dma_start3A_85 = arith.constant 0 : i32
        %dma_start3A_86 = arith.constant 0 : i32
        %dma_start3A_87 = tpu.memref_slice %arg13[%dma_start3A_84, %dma_start3A_85, %dma_start3A_86] : memref<2x40x128xf32, #tpu.memory_space<vmem>> -> memref<1x40x128xf32, #tpu.memory_space<vmem>>
        %dma_start3A_88 = tpu.memref_squeeze %dma_start3A_87 : memref<1x40x128xf32, #tpu.memory_space<vmem>> -> memref<40x128xf32, #tpu.memory_space<vmem>>
        %dma_start3A_89 = arith.constant 0 : i32
        %dma_start3A_90 = tpu.memref_slice %arg11[%dma_start3A_83, %dma_start3A_89] : memref<50x40xi32, #tpu.memory_space<vmem>> -> memref<1x40xi32, #tpu.memory_space<vmem>>
        %dma_start3A_91 = tpu.memref_squeeze %dma_start3A_90 : memref<1x40xi32, #tpu.memory_space<vmem>> -> memref<40xi32, #tpu.memory_space<vmem>>
        %dma_start3A_92 = arith.constant 0 : i32
        %dma_start3A_93 = arith.constant 0 : i32
        %dma_start3A_94 = tpu.memref_slice %arg5[%dma_start3A_92, %dma_start3A_93] : memref<10000x128xf32, #tpu.memory_space<hbm>> -> memref<10000x128xf32, #tpu.memory_space<hbm>>
        tpu.enqueue_indirect_dma source(%dma_start3A_94 : memref<10000x128xf32, #tpu.memory_space<hbm>>) target(%dma_start3A_88 : memref<40x128xf32, #tpu.memory_space<vmem>>) offsets(%dma_start3A_91 : memref<40xi32, #tpu.memory_space<vmem>>) semaphore(%arg18 : memref<!tpu.dma_semaphore, #tpu.memory_space<semaphore_mem>>)
        %scan3A_95 = arith.constant 0 : i32
        %scan3A_96 = arith.constant 0 : i32
        %scan3A_97 = arith.constant 25 : i32
        %scan3A_98 = arith.addi %scan3A_96, %scan3A_97 : i32
        %scan3A_99 = arith.constant 1 : i32
        %scan3A_100 = scf.for %scan3A_103 = %scan3A_96 to %scan3A_98 step %scan3A_99 iter_args(%scan3A_104 = %scan3A_95) -> (i32)  : i32 {
          %mul3A_105 = arith.constant 2 : i32
          %mul3A_106 = arith.muli %scan3A_103, %mul3A_105 : i32
          %add3A = arith.constant 0 : i32
          %add3A_107 = arith.addi %mul3A_106, %add3A : i32
          %add3A_108 = arith.constant 1 : i32
          %add3A_109 = arith.addi %add3A_107, %add3A_108 : i32
          %lt3A_110 = arith.constant 50 : i32
          %lt3A_111 = arith.cmpi slt, %add3A_109, %lt3A_110 : i32
          %convert_element_type3A_112 = arith.extui %lt3A_111 : i1 to i32
          %cond3A_113 = arith.constant 0 : i32
          %cond3A_114 = arith.cmpi ne, %convert_element_type3A_112, %cond3A_113 : i32
          scf.if %cond3A_114 {
            %dma_start3A_216 = arith.constant 1 : i32
            %dma_start3A_217 = arith.constant 0 : i32
            %dma_start3A_218 = arith.constant 0 : i32
            %dma_start3A_219 = tpu.memref_slice %arg12[%dma_start3A_216, %dma_start3A_217, %dma_start3A_218] : memref<2x40x128xf32, #tpu.memory_space<vmem>> -> memref<1x40x128xf32, #tpu.memory_space<vmem>>
            %dma_start3A_220 = tpu.memref_squeeze %dma_start3A_219 : memref<1x40x128xf32, #tpu.memory_space<vmem>> -> memref<40x128xf32, #tpu.memory_space<vmem>>
            %dma_start3A_221 = arith.constant 0 : i32
            %dma_start3A_222 = tpu.memref_slice %arg10[%add3A_109, %dma_start3A_221] : memref<50x40xi32, #tpu.memory_space<vmem>> -> memref<1x40xi32, #tpu.memory_space<vmem>>
            %dma_start3A_223 = tpu.memref_squeeze %dma_start3A_222 : memref<1x40xi32, #tpu.memory_space<vmem>> -> memref<40xi32, #tpu.memory_space<vmem>>
            %dma_start3A_224 = arith.constant 0 : i32
            %dma_start3A_225 = arith.constant 0 : i32
            %dma_start3A_226 = tpu.memref_slice %arg3[%dma_start3A_224, %dma_start3A_225] : memref<10000x128xf32, #tpu.memory_space<hbm>> -> memref<10000x128xf32, #tpu.memory_space<hbm>>
            tpu.enqueue_indirect_dma source(%dma_start3A_226 : memref<10000x128xf32, #tpu.memory_space<hbm>>) target(%dma_start3A_220 : memref<40x128xf32, #tpu.memory_space<vmem>>) offsets(%dma_start3A_223 : memref<40xi32, #tpu.memory_space<vmem>>) semaphore(%arg17 : memref<!tpu.dma_semaphore, #tpu.memory_space<semaphore_mem>>)
            %dma_start3A_227 = arith.constant 1 : i32
            %dma_start3A_228 = arith.constant 0 : i32
            %dma_start3A_229 = arith.constant 0 : i32
            %dma_start3A_230 = tpu.memref_slice %arg13[%dma_start3A_227, %dma_start3A_228, %dma_start3A_229] : memref<2x40x128xf32, #tpu.memory_space<vmem>> -> memref<1x40x128xf32, #tpu.memory_space<vmem>>
            %dma_start3A_231 = tpu.memref_squeeze %dma_start3A_230 : memref<1x40x128xf32, #tpu.memory_space<vmem>> -> memref<40x128xf32, #tpu.memory_space<vmem>>
            %dma_start3A_232 = arith.constant 0 : i32
            %dma_start3A_233 = tpu.memref_slice %arg11[%add3A_109, %dma_start3A_232] : memref<50x40xi32, #tpu.memory_space<vmem>> -> memref<1x40xi32, #tpu.memory_space<vmem>>
            %dma_start3A_234 = tpu.memref_squeeze %dma_start3A_233 : memref<1x40xi32, #tpu.memory_space<vmem>> -> memref<40xi32, #tpu.memory_space<vmem>>
            %dma_start3A_235 = arith.constant 0 : i32
            %dma_start3A_236 = arith.constant 0 : i32
            %dma_start3A_237 = tpu.memref_slice %arg5[%dma_start3A_235, %dma_start3A_236] : memref<10000x128xf32, #tpu.memory_space<hbm>> -> memref<10000x128xf32, #tpu.memory_space<hbm>>
            tpu.enqueue_indirect_dma source(%dma_start3A_237 : memref<10000x128xf32, #tpu.memory_space<hbm>>) target(%dma_start3A_231 : memref<40x128xf32, #tpu.memory_space<vmem>>) offsets(%dma_start3A_234 : memref<40xi32, #tpu.memory_space<vmem>>) semaphore(%arg19 : memref<!tpu.dma_semaphore, #tpu.memory_space<semaphore_mem>>)
          } else {
          }
          %ge3A = arith.constant 2 : i32
          %ge3A_115 = arith.cmpi sge, %add3A_107, %ge3A : i32
          %convert_element_type3A_116 = arith.extui %ge3A_115 : i1 to i32
          %cond3A_117 = arith.constant 0 : i32
          %cond3A_118 = arith.cmpi ne, %convert_element_type3A_116, %cond3A_117 : i32
          scf.if %cond3A_118 {
            %sub3A = arith.constant 2 : i32
            %sub3A_216 = arith.subi %add3A_107, %sub3A : i32
            %dma_wait3A_217 = arith.constant 0 : i32
            %dma_wait3A_218 = arith.constant 0 : i32
            %dma_wait3A_219 = arith.constant 0 : i32
            %dma_wait3A_220 = tpu.memref_slice %arg14[%dma_wait3A_217, %dma_wait3A_218, %dma_wait3A_219] : memref<2x40x128xf32, #tpu.memory_space<vmem>> -> memref<1x40x128xf32, #tpu.memory_space<vmem>>
            %dma_wait3A_221 = tpu.memref_squeeze %dma_wait3A_220 : memref<1x40x128xf32, #tpu.memory_space<vmem>> -> memref<40x128xf32, #tpu.memory_space<vmem>>
            %dma_wait3A_222 = arith.constant 0 : i32
            %dma_wait3A_223 = tpu.memref_slice %arg11[%sub3A_216, %dma_wait3A_222] : memref<50x40xi32, #tpu.memory_space<vmem>> -> memref<1x40xi32, #tpu.memory_space<vmem>>
            %dma_wait3A_224 = tpu.memref_squeeze %dma_wait3A_223 : memref<1x40xi32, #tpu.memory_space<vmem>> -> memref<40xi32, #tpu.memory_space<vmem>>
            %dma_wait3A_225 = arith.constant 0 : i32
            %dma_wait3A_226 = arith.constant 0 : i32
            %dma_wait3A_227 = tpu.memref_slice %arg9[%dma_wait3A_225, %dma_wait3A_226] : memref<10240x128xf32, #tpu.memory_space<vmem_shared>> -> memref<10240x128xf32, #tpu.memory_space<vmem_shared>>
            tpu.wait_indirect_dma semaphore(%arg20 : memref<!tpu.dma_semaphore, #tpu.memory_space<semaphore_mem>>) src(%dma_wait3A_221 : memref<40x128xf32, #tpu.memory_space<vmem>>) dst(%dma_wait3A_227 : memref<10240x128xf32, #tpu.memory_space<vmem_shared>>)
          } else {
          }
          %dma_wait3A_119 = arith.constant 0 : i32
          %dma_wait3A_120 = arith.constant 0 : i32
          %dma_wait3A_121 = arith.constant 0 : i32
          %dma_wait3A_122 = tpu.memref_slice %arg12[%dma_wait3A_119, %dma_wait3A_120, %dma_wait3A_121] : memref<2x40x128xf32, #tpu.memory_space<vmem>> -> memref<1x40x128xf32, #tpu.memory_space<vmem>>
          %dma_wait3A_123 = tpu.memref_squeeze %dma_wait3A_122 : memref<1x40x128xf32, #tpu.memory_space<vmem>> -> memref<40x128xf32, #tpu.memory_space<vmem>>
          %dma_wait3A_124 = arith.constant 0 : i32
          %dma_wait3A_125 = tpu.memref_slice %arg10[%add3A_107, %dma_wait3A_124] : memref<50x40xi32, #tpu.memory_space<vmem>> -> memref<1x40xi32, #tpu.memory_space<vmem>>
          %dma_wait3A_126 = tpu.memref_squeeze %dma_wait3A_125 : memref<1x40xi32, #tpu.memory_space<vmem>> -> memref<40xi32, #tpu.memory_space<vmem>>
          %dma_wait3A_127 = arith.constant 0 : i32
          %dma_wait3A_128 = arith.constant 0 : i32
          %dma_wait3A_129 = tpu.memref_slice %arg3[%dma_wait3A_127, %dma_wait3A_128] : memref<10000x128xf32, #tpu.memory_space<hbm>> -> memref<10000x128xf32, #tpu.memory_space<hbm>>
          tpu.wait_indirect_dma semaphore(%arg16 : memref<!tpu.dma_semaphore, #tpu.memory_space<semaphore_mem>>) src(%dma_wait3A_129 : memref<10000x128xf32, #tpu.memory_space<hbm>>) dst(%dma_wait3A_123 : memref<40x128xf32, #tpu.memory_space<vmem>>)
          %dma_wait3A_130 = arith.constant 0 : i32
          %dma_wait3A_131 = arith.constant 0 : i32
          %dma_wait3A_132 = arith.constant 0 : i32
          %dma_wait3A_133 = tpu.memref_slice %arg13[%dma_wait3A_130, %dma_wait3A_131, %dma_wait3A_132] : memref<2x40x128xf32, #tpu.memory_space<vmem>> -> memref<1x40x128xf32, #tpu.memory_space<vmem>>
          %dma_wait3A_134 = tpu.memref_squeeze %dma_wait3A_133 : memref<1x40x128xf32, #tpu.memory_space<vmem>> -> memref<40x128xf32, #tpu.memory_space<vmem>>
          %dma_wait3A_135 = arith.constant 0 : i32
          %dma_wait3A_136 = tpu.memref_slice %arg11[%add3A_107, %dma_wait3A_135] : memref<50x40xi32, #tpu.memory_space<vmem>> -> memref<1x40xi32, #tpu.memory_space<vmem>>
          %dma_wait3A_137 = tpu.memref_squeeze %dma_wait3A_136 : memref<1x40xi32, #tpu.memory_space<vmem>> -> memref<40xi32, #tpu.memory_space<vmem>>
          %dma_wait3A_138 = arith.constant 0 : i32
          %dma_wait3A_139 = arith.constant 0 : i32
          %dma_wait3A_140 = tpu.memref_slice %arg5[%dma_wait3A_138, %dma_wait3A_139] : memref<10000x128xf32, #tpu.memory_space<hbm>> -> memref<10000x128xf32, #tpu.memory_space<hbm>>
          tpu.wait_indirect_dma semaphore(%arg18 : memref<!tpu.dma_semaphore, #tpu.memory_space<semaphore_mem>>) src(%dma_wait3A_140 : memref<10000x128xf32, #tpu.memory_space<hbm>>) dst(%dma_wait3A_134 : memref<40x128xf32, #tpu.memory_space<vmem>>)
          %scan3A_141 = arith.constant 0 : i32
          %scan3A_142 = arith.constant 0 : i32
          %scan3A_143 = arith.constant 10 : i32
          %scan3A_144 = arith.addi %scan3A_142, %scan3A_143 : i32
          %scan3A_145 = arith.constant 1 : i32
          %scan3A_146 = scf.for %scan3A_216 = %scan3A_142 to %scan3A_144 step %scan3A_145 iter_args(%scan3A_217 = %scan3A_141) -> (i32)  : i32 {
            %mul3A_218 = arith.constant 4 : i32
            %mul3A_219 = arith.muli %scan3A_216, %mul3A_218 : i32
            %add3A_220 = arith.constant 0 : i32
            %add3A_221 = arith.addi %mul3A_219, %add3A_220 : i32
            %get3A = arith.constant 0 : i32
            %get3A_222 = arith.index_cast %get3A : i32 to index
            %get3A_223 = arith.index_cast %add3A_221 : i32 to index
            %get3A_224 = arith.constant 0 : index
            %get3A_225 = tpu.vector_load %arg12[%get3A_222, %get3A_223, %get3A_224] {strides = array<i32>} : memref<2x40x128xf32, #tpu.memory_space<vmem>>, vector<1x1x16xf32>,
            %get3A_226 = vector.shape_cast %get3A_225 : vector<1x1x16xf32> to vector<16xf32>
            %get3A_227 = arith.constant 0 : i32
            %get3A_228 = arith.index_cast %get3A_227 : i32 to index
            %get3A_229 = arith.index_cast %add3A_221 : i32 to index
            %get3A_230 = arith.constant 0 : index
            %get3A_231 = tpu.vector_load %arg13[%get3A_228, %get3A_229, %get3A_230] {strides = array<i32>} : memref<2x40x128xf32, #tpu.memory_space<vmem>>, vector<1x1x16xf32>,
            %get3A_232 = vector.shape_cast %get3A_231 : vector<1x1x16xf32> to vector<16xf32>
            %add3A_233 = arith.addf %get3A_226, %get3A_232 : vector<16xf32>
            %max3A = arith.constant 0.000000e+00 : f32
            %max3A_234 = vector.broadcast %max3A : f32 to vector<16xf32>
            %max3A_235 = arith.maximumf %add3A_233, %max3A_234 : vector<16xf32>
            %swap3A = arith.constant 0 : i32
            %swap3A_236 = arith.index_cast %swap3A : i32 to index
            %swap3A_237 = arith.index_cast %add3A_221 : i32 to index
            %swap3A_238 = arith.constant 0 : index
            %swap3A_239 = tpu.vector_load %arg14[%swap3A_236, %swap3A_237, %swap3A_238] {strides = array<i32>} : memref<2x40x128xf32, #tpu.memory_space<vmem>>, vector<1x1x16xf32>,
            %swap3A_240 = vector.shape_cast %swap3A_239 : vector<1x1x16xf32> to vector<16xf32>
            %swap3A_241 = vector.shape_cast %max3A_235 : vector<16xf32> to vector<1x1x16xf32>
            tpu.vector_store %arg14[%swap3A_236, %swap3A_237, %swap3A_238], %swap3A_241 {strides = array<i32>} : memref<2x40x128xf32, #tpu.memory_space<vmem>>, vector<1x1x16xf32>,
            %get3A_242 = arith.constant 0 : i32
            %get3A_243 = arith.index_cast %get3A_242 : i32 to index
            %get3A_244 = arith.index_cast %add3A_221 : i32 to index
            %get3A_245 = arith.constant 16 : index
            %get3A_246 = tpu.vector_load %arg12[%get3A_243, %get3A_244, %get3A_245] {strides = array<i32>} : memref<2x40x128xf32, #tpu.memory_space<vmem>>, vector<1x1x16xf32>,
            %get3A_247 = vector.shape_cast %get3A_246 : vector<1x1x16xf32> to vector<16xf32>
            %get3A_248 = arith.constant 0 : i32
            %get3A_249 = arith.index_cast %get3A_248 : i32 to index
            %get3A_250 = arith.index_cast %add3A_221 : i32 to index
            %get3A_251 = arith.constant 16 : index
            %get3A_252 = tpu.vector_load %arg13[%get3A_249, %get3A_250, %get3A_251] {strides = array<i32>} : memref<2x40x128xf32, #tpu.memory_space<vmem>>, vector<1x1x16xf32>,
            %get3A_253 = vector.shape_cast %get3A_252 : vector<1x1x16xf32> to vector<16xf32>
            %add3A_254 = arith.addf %get3A_247, %get3A_253 : vector<16xf32>
            %max3A_255 = arith.constant 0.000000e+00 : f32
            %max3A_256 = vector.broadcast %max3A_255 : f32 to vector<16xf32>
            %max3A_257 = arith.maximumf %add3A_254, %max3A_256 : vector<16xf32>
            %swap3A_258 = arith.constant 0 : i32
            %swap3A_259 = arith.index_cast %swap3A_258 : i32 to index
            %swap3A_260 = arith.index_cast %add3A_221 : i32 to index
            %swap3A_261 = arith.constant 16 : index
            %swap3A_262 = tpu.vector_load %arg14[%swap3A_259, %swap3A_260, %swap3A_261] {strides = array<i32>} : memref<2x40x128xf32, #tpu.memory_space<vmem>>, vector<1x1x16xf32>,
            %swap3A_263 = vector.shape_cast %swap3A_262 : vector<1x1x16xf32> to vector<16xf32>
            %swap3A_264 = vector.shape_cast %max3A_257 : vector<16xf32> to vector<1x1x16xf32>
            tpu.vector_store %arg14[%swap3A_259, %swap3A_260, %swap3A_261], %swap3A_264 {strides = array<i32>} : memref<2x40x128xf32, #tpu.memory_space<vmem>>, vector<1x1x16xf32>,
            %get3A_265 = arith.constant 0 : i32
            %get3A_266 = arith.index_cast %get3A_265 : i32 to index
            %get3A_267 = arith.index_cast %add3A_221 : i32 to index
            %get3A_268 = arith.constant 32 : index
            %get3A_269 = tpu.vector_load %arg12[%get3A_266, %get3A_267, %get3A_268] {strides = array<i32>} : memref<2x40x128xf32, #tpu.memory_space<vmem>>, vector<1x1x16xf32>,
            %get3A_270 = vector.shape_cast %get3A_269 : vector<1x1x16xf32> to vector<16xf32>
            %get3A_271 = arith.constant 0 : i32
            %get3A_272 = arith.index_cast %get3A_271 : i32 to index
            %get3A_273 = arith.index_cast %add3A_221 : i32 to index
            %get3A_274 = arith.constant 32 : index
            %get3A_275 = tpu.vector_load %arg13[%get3A_272, %get3A_273, %get3A_274] {strides = array<i32>} : memref<2x40x128xf32, #tpu.memory_space<vmem>>, vector<1x1x16xf32>,
            %get3A_276 = vector.shape_cast %get3A_275 : vector<1x1x16xf32> to vector<16xf32>
            %add3A_277 = arith.addf %get3A_270, %get3A_276 : vector<16xf32>
            %max3A_278 = arith.constant 0.000000e+00 : f32
            %max3A_279 = vector.broadcast %max3A_278 : f32 to vector<16xf32>
            %max3A_280 = arith.maximumf %add3A_277, %max3A_279 : vector<16xf32>
            %swap3A_281 = arith.constant 0 : i32
            %swap3A_282 = arith.index_cast %swap3A_281 : i32 to index
            %swap3A_283 = arith.index_cast %add3A_221 : i32 to index
            %swap3A_284 = arith.constant 32 : index
            %swap3A_285 = tpu.vector_load %arg14[%swap3A_282, %swap3A_283, %swap3A_284] {strides = array<i32>} : memref<2x40x128xf32, #tpu.memory_space<vmem>>, vector<1x1x16xf32>,
            %swap3A_286 = vector.shape_cast %swap3A_285 : vector<1x1x16xf32> to vector<16xf32>
            %swap3A_287 = vector.shape_cast %max3A_280 : vector<16xf32> to vector<1x1x16xf32>
            tpu.vector_store %arg14[%swap3A_282, %swap3A_283, %swap3A_284], %swap3A_287 {strides = array<i32>} : memref<2x40x128xf32, #tpu.memory_space<vmem>>, vector<1x1x16xf32>,
            %get3A_288 = arith.constant 0 : i32
            %get3A_289 = arith.index_cast %get3A_288 : i32 to index
            %get3A_290 = arith.index_cast %add3A_221 : i32 to index
            %get3A_291 = arith.constant 48 : index
            %get3A_292 = tpu.vector_load %arg12[%get3A_289, %get3A_290, %get3A_291] {strides = array<i32>} : memref<2x40x128xf32, #tpu.memory_space<vmem>>, vector<1x1x16xf32>,
            %get3A_293 = vector.shape_cast %get3A_292 : vector<1x1x16xf32> to vector<16xf32>
            %get3A_294 = arith.constant 0 : i32
            %get3A_295 = arith.index_cast %get3A_294 : i32 to index
            %get3A_296 = arith.index_cast %add3A_221 : i32 to index
            %get3A_297 = arith.constant 48 : index
            %get3A_298 = tpu.vector_load %arg13[%get3A_295, %get3A_296, %get3A_297] {strides = array<i32>} : memref<2x40x128xf32, #tpu.memory_space<vmem>>, vector<1x1x16xf32>,
            %get3A_299 = vector.shape_cast %get3A_298 : vector<1x1x16xf32> to vector<16xf32>
            %add3A_300 = arith.addf %get3A_293, %get3A_299 : vector<16xf32>
            %max3A_301 = arith.constant 0.000000e+00 : f32
            %max3A_302 = vector.broadcast %max3A_301 : f32 to vector<16xf32>
            %max3A_303 = arith.maximumf %add3A_300, %max3A_302 : vector<16xf32>
            %swap3A_304 = arith.constant 0 : i32
            %swap3A_305 = arith.index_cast %swap3A_304 : i32 to index
            %swap3A_306 = arith.index_cast %add3A_221 : i32 to index
            %swap3A_307 = arith.constant 48 : index
            %swap3A_308 = tpu.vector_load %arg14[%swap3A_305, %swap3A_306, %swap3A_307] {strides = array<i32>} : memref<2x40x128xf32, #tpu.memory_space<vmem>>, vector<1x1x16xf32>,
            %swap3A_309 = vector.shape_cast %swap3A_308 : vector<1x1x16xf32> to vector<16xf32>
            %swap3A_310 = vector.shape_cast %max3A_303 : vector<16xf32> to vector<1x1x16xf32>
            tpu.vector_store %arg14[%swap3A_305, %swap3A_306, %swap3A_307], %swap3A_310 {strides = array<i32>} : memref<2x40x128xf32, #tpu.memory_space<vmem>>, vector<1x1x16xf32>,
            %get3A_311 = arith.constant 0 : i32
            %get3A_312 = arith.index_cast %get3A_311 : i32 to index
            %get3A_313 = arith.index_cast %add3A_221 : i32 to index
            %get3A_314 = arith.constant 64 : index
            %get3A_315 = tpu.vector_load %arg12[%get3A_312, %get3A_313, %get3A_314] {strides = array<i32>} : memref<2x40x128xf32, #tpu.memory_space<vmem>>, vector<1x1x16xf32>,
            %get3A_316 = vector.shape_cast %get3A_315 : vector<1x1x16xf32> to vector<16xf32>
            %get3A_317 = arith.constant 0 : i32
            %get3A_318 = arith.index_cast %get3A_317 : i32 to index
            %get3A_319 = arith.index_cast %add3A_221 : i32 to index
            %get3A_320 = arith.constant 64 : index
            %get3A_321 = tpu.vector_load %arg13[%get3A_318, %get3A_319, %get3A_320] {strides = array<i32>} : memref<2x40x128xf32, #tpu.memory_space<vmem>>, vector<1x1x16xf32>,
            %get3A_322 = vector.shape_cast %get3A_321 : vector<1x1x16xf32> to vector<16xf32>
            %add3A_323 = arith.addf %get3A_316, %get3A_322 : vector<16xf32>
            %max3A_324 = arith.constant 0.000000e+00 : f32
            %max3A_325 = vector.broadcast %max3A_324 : f32 to vector<16xf32>
            %max3A_326 = arith.maximumf %add3A_323, %max3A_325 : vector<16xf32>
            %swap3A_327 = arith.constant 0 : i32
            %swap3A_328 = arith.index_cast %swap3A_327 : i32 to index
            %swap3A_329 = arith.index_cast %add3A_221 : i32 to index
            %swap3A_330 = arith.constant 64 : index
            %swap3A_331 = tpu.vector_load %arg14[%swap3A_328, %swap3A_329, %swap3A_330] {strides = array<i32>} : memref<2x40x128xf32, #tpu.memory_space<vmem>>, vector<1x1x16xf32>,
            %swap3A_332 = vector.shape_cast %swap3A_331 : vector<1x1x16xf32> to vector<16xf32>
            %swap3A_333 = vector.shape_cast %max3A_326 : vector<16xf32> to vector<1x1x16xf32>
            tpu.vector_store %arg14[%swap3A_328, %swap3A_329, %swap3A_330], %swap3A_333 {strides = array<i32>} : memref<2x40x128xf32, #tpu.memory_space<vmem>>, vector<1x1x16xf32>,
            %get3A_334 = arith.constant 0 : i32
            %get3A_335 = arith.index_cast %get3A_334 : i32 to index
            %get3A_336 = arith.index_cast %add3A_221 : i32 to index
            %get3A_337 = arith.constant 80 : index
            %get3A_338 = tpu.vector_load %arg12[%get3A_335, %get3A_336, %get3A_337] {strides = array<i32>} : memref<2x40x128xf32, #tpu.memory_space<vmem>>, vector<1x1x16xf32>,
            %get3A_339 = vector.shape_cast %get3A_338 : vector<1x1x16xf32> to vector<16xf32>
            %get3A_340 = arith.constant 0 : i32
            %get3A_341 = arith.index_cast %get3A_340 : i32 to index
            %get3A_342 = arith.index_cast %add3A_221 : i32 to index
            %get3A_343 = arith.constant 80 : index
            %get3A_344 = tpu.vector_load %arg13[%get3A_341, %get3A_342, %get3A_343] {strides = array<i32>} : memref<2x40x128xf32, #tpu.memory_space<vmem>>, vector<1x1x16xf32>,
            %get3A_345 = vector.shape_cast %get3A_344 : vector<1x1x16xf32> to vector<16xf32>
            %add3A_346 = arith.addf %get3A_339, %get3A_345 : vector<16xf32>
            %max3A_347 = arith.constant 0.000000e+00 : f32
            %max3A_348 = vector.broadcast %max3A_347 : f32 to vector<16xf32>
            %max3A_349 = arith.maximumf %add3A_346, %max3A_348 : vector<16xf32>
            %swap3A_350 = arith.constant 0 : i32
            %swap3A_351 = arith.index_cast %swap3A_350 : i32 to index
            %swap3A_352 = arith.index_cast %add3A_221 : i32 to index
            %swap3A_353 = arith.constant 80 : index
            %swap3A_354 = tpu.vector_load %arg14[%swap3A_351, %swap3A_352, %swap3A_353] {strides = array<i32>} : memref<2x40x128xf32, #tpu.memory_space<vmem>>, vector<1x1x16xf32>,
            %swap3A_355 = vector.shape_cast %swap3A_354 : vector<1x1x16xf32> to vector<16xf32>
            %swap3A_356 = vector.shape_cast %max3A_349 : vector<16xf32> to vector<1x1x16xf32>
            tpu.vector_store %arg14[%swap3A_351, %swap3A_352, %swap3A_353], %swap3A_356 {strides = array<i32>} : memref<2x40x128xf32, #tpu.memory_space<vmem>>, vector<1x1x16xf32>,
            %get3A_357 = arith.constant 0 : i32
            %get3A_358 = arith.index_cast %get3A_357 : i32 to index
            %get3A_359 = arith.index_cast %add3A_221 : i32 to index
            %get3A_360 = arith.constant 96 : index
            %get3A_361 = tpu.vector_load %arg12[%get3A_358, %get3A_359, %get3A_360] {strides = array<i32>} : memref<2x40x128xf32, #tpu.memory_space<vmem>>, vector<1x1x16xf32>,
            %get3A_362 = vector.shape_cast %get3A_361 : vector<1x1x16xf32> to vector<16xf32>
            %get3A_363 = arith.constant 0 : i32
            %get3A_364 = arith.index_cast %get3A_363 : i32 to index
            %get3A_365 = arith.index_cast %add3A_221 : i32 to index
            %get3A_366 = arith.constant 96 : index
            %get3A_367 = tpu.vector_load %arg13[%get3A_364, %get3A_365, %get3A_366] {strides = array<i32>} : memref<2x40x128xf32, #tpu.memory_space<vmem>>, vector<1x1x16xf32>,
            %get3A_368 = vector.shape_cast %get3A_367 : vector<1x1x16xf32> to vector<16xf32>
            %add3A_369 = arith.addf %get3A_362, %get3A_368 : vector<16xf32>
            %max3A_370 = arith.constant 0.000000e+00 : f32
            %max3A_371 = vector.broadcast %max3A_370 : f32 to vector<16xf32>
            %max3A_372 = arith.maximumf %add3A_369, %max3A_371 : vector<16xf32>
            %swap3A_373 = arith.constant 0 : i32
            %swap3A_374 = arith.index_cast %swap3A_373 : i32 to index
            %swap3A_375 = arith.index_cast %add3A_221 : i32 to index
            %swap3A_376 = arith.constant 96 : index
            %swap3A_377 = tpu.vector_load %arg14[%swap3A_374, %swap3A_375, %swap3A_376] {strides = array<i32>} : memref<2x40x128xf32, #tpu.memory_space<vmem>>, vector<1x1x16xf32>,
            %swap3A_378 = vector.shape_cast %swap3A_377 : vector<1x1x16xf32> to vector<16xf32>
            %swap3A_379 = vector.shape_cast %max3A_372 : vector<16xf32> to vector<1x1x16xf32>
            tpu.vector_store %arg14[%swap3A_374, %swap3A_375, %swap3A_376], %swap3A_379 {strides = array<i32>} : memref<2x40x128xf32, #tpu.memory_space<vmem>>, vector<1x1x16xf32>,
            %get3A_380 = arith.constant 0 : i32
            %get3A_381 = arith.index_cast %get3A_380 : i32 to index
            %get3A_382 = arith.index_cast %add3A_221 : i32 to index
            %get3A_383 = arith.constant 112 : index
            %get3A_384 = tpu.vector_load %arg12[%get3A_381, %get3A_382, %get3A_383] {strides = array<i32>} : memref<2x40x128xf32, #tpu.memory_space<vmem>>, vector<1x1x16xf32>,
            %get3A_385 = vector.shape_cast %get3A_384 : vector<1x1x16xf32> to vector<16xf32>
            %get3A_386 = arith.constant 0 : i32
            %get3A_387 = arith.index_cast %get3A_386 : i32 to index
            %get3A_388 = arith.index_cast %add3A_221 : i32 to index
            %get3A_389 = arith.constant 112 : index
            %get3A_390 = tpu.vector_load %arg13[%get3A_387, %get3A_388, %get3A_389] {strides = array<i32>} : memref<2x40x128xf32, #tpu.memory_space<vmem>>, vector<1x1x16xf32>,
            %get3A_391 = vector.shape_cast %get3A_390 : vector<1x1x16xf32> to vector<16xf32>
            %add3A_392 = arith.addf %get3A_385, %get3A_391 : vector<16xf32>
            %max3A_393 = arith.constant 0.000000e+00 : f32
            %max3A_394 = vector.broadcast %max3A_393 : f32 to vector<16xf32>
            %max3A_395 = arith.maximumf %add3A_392, %max3A_394 : vector<16xf32>
            %swap3A_396 = arith.constant 0 : i32
            %swap3A_397 = arith.index_cast %swap3A_396 : i32 to index
            %swap3A_398 = arith.index_cast %add3A_221 : i32 to index
            %swap3A_399 = arith.constant 112 : index
            %swap3A_400 = tpu.vector_load %arg14[%swap3A_397, %swap3A_398, %swap3A_399] {strides = array<i32>} : memref<2x40x128xf32, #tpu.memory_space<vmem>>, vector<1x1x16xf32>,
            %swap3A_401 = vector.shape_cast %swap3A_400 : vector<1x1x16xf32> to vector<16xf32>
            %swap3A_402 = vector.shape_cast %max3A_395 : vector<16xf32> to vector<1x1x16xf32>
            tpu.vector_store %arg14[%swap3A_397, %swap3A_398, %swap3A_399], %swap3A_402 {strides = array<i32>} : memref<2x40x128xf32, #tpu.memory_space<vmem>>, vector<1x1x16xf32>,
            %mul3A_403 = arith.constant 4 : i32
            %mul3A_404 = arith.muli %scan3A_216, %mul3A_403 : i32
            %add3A_405 = arith.constant 1 : i32
            %add3A_406 = arith.addi %mul3A_404, %add3A_405 : i32
            %get3A_407 = arith.constant 0 : i32
            %get3A_408 = arith.index_cast %get3A_407 : i32 to index
            %get3A_409 = arith.index_cast %add3A_406 : i32 to index
            %get3A_410 = arith.constant 0 : index
            %get3A_411 = tpu.vector_load %arg12[%get3A_408, %get3A_409, %get3A_410] {strides = array<i32>} : memref<2x40x128xf32, #tpu.memory_space<vmem>>, vector<1x1x16xf32>,
            %get3A_412 = vector.shape_cast %get3A_411 : vector<1x1x16xf32> to vector<16xf32>
            %get3A_413 = arith.constant 0 : i32
            %get3A_414 = arith.index_cast %get3A_413 : i32 to index
            %get3A_415 = arith.index_cast %add3A_406 : i32 to index
            %get3A_416 = arith.constant 0 : index
            %get3A_417 = tpu.vector_load %arg13[%get3A_414, %get3A_415, %get3A_416] {strides = array<i32>} : memref<2x40x128xf32, #tpu.memory_space<vmem>>, vector<1x1x16xf32>,
            %get3A_418 = vector.shape_cast %get3A_417 : vector<1x1x16xf32> to vector<16xf32>
            %add3A_419 = arith.addf %get3A_412, %get3A_418 : vector<16xf32>
            %max3A_420 = arith.constant 0.000000e+00 : f32
            %max3A_421 = vector.broadcast %max3A_420 : f32 to vector<16xf32>
            %max3A_422 = arith.maximumf %add3A_419, %max3A_421 : vector<16xf32>
            %swap3A_423 = arith.constant 0 : i32
            %swap3A_424 = arith.index_cast %swap3A_423 : i32 to index
            %swap3A_425 = arith.index_cast %add3A_406 : i32 to index
            %swap3A_426 = arith.constant 0 : index
            %swap3A_427 = tpu.vector_load %arg14[%swap3A_424, %swap3A_425, %swap3A_426] {strides = array<i32>} : memref<2x40x128xf32, #tpu.memory_space<vmem>>, vector<1x1x16xf32>,
            %swap3A_428 = vector.shape_cast %swap3A_427 : vector<1x1x16xf32> to vector<16xf32>
            %swap3A_429 = vector.shape_cast %max3A_422 : vector<16xf32> to vector<1x1x16xf32>
            tpu.vector_store %arg14[%swap3A_424, %swap3A_425, %swap3A_426], %swap3A_429 {strides = array<i32>} : memref<2x40x128xf32, #tpu.memory_space<vmem>>, vector<1x1x16xf32>,
            %get3A_430 = arith.constant 0 : i32
            %get3A_431 = arith.index_cast %get3A_430 : i32 to index
            %get3A_432 = arith.index_cast %add3A_406 : i32 to index
            %get3A_433 = arith.constant 16 : index
            %get3A_434 = tpu.vector_load %arg12[%get3A_431, %get3A_432, %get3A_433] {strides = array<i32>} : memref<2x40x128xf32, #tpu.memory_space<vmem>>, vector<1x1x16xf32>,
            %get3A_435 = vector.shape_cast %get3A_434 : vector<1x1x16xf32> to vector<16xf32>
            %get3A_436 = arith.constant 0 : i32
            %get3A_437 = arith.index_cast %get3A_436 : i32 to index
            %get3A_438 = arith.index_cast %add3A_406 : i32 to index
            %get3A_439 = arith.constant 16 : index
            %get3A_440 = tpu.vector_load %arg13[%get3A_437, %get3A_438, %get3A_439] {strides = array<i32>} : memref<2x40x128xf32, #tpu.memory_space<vmem>>, vector<1x1x16xf32>,
            %get3A_441 = vector.shape_cast %get3A_440 : vector<1x1x16xf32> to vector<16xf32>
            %add3A_442 = arith.addf %get3A_435, %get3A_441 : vector<16xf32>
            %max3A_443 = arith.constant 0.000000e+00 : f32
            %max3A_444 = vector.broadcast %max3A_443 : f32 to vector<16xf32>
            %max3A_445 = arith.maximumf %add3A_442, %max3A_444 : vector<16xf32>
            %swap3A_446 = arith.constant 0 : i32
            %swap3A_447 = arith.index_cast %swap3A_446 : i32 to index
            %swap3A_448 = arith.index_cast %add3A_406 : i32 to index
            %swap3A_449 = arith.constant 16 : index
            %swap3A_450 = tpu.vector_load %arg14[%swap3A_447, %swap3A_448, %swap3A_449] {strides = array<i32>} : memref<2x40x128xf32, #tpu.memory_space<vmem>>, vector<1x1x16xf32>,
            %swap3A_451 = vector.shape_cast %swap3A_450 : vector<1x1x16xf32> to vector<16xf32>
            %swap3A_452 = vector.shape_cast %max3A_445 : vector<16xf32> to vector<1x1x16xf32>
            tpu.vector_store %arg14[%swap3A_447, %swap3A_448, %swap3A_449], %swap3A_452 {strides = array<i32>} : memref<2x40x128xf32, #tpu.memory_space<vmem>>, vector<1x1x16xf32>,
            %get3A_453 = arith.constant 0 : i32
            %get3A_454 = arith.index_cast %get3A_453 : i32 to index
            %get3A_455 = arith.index_cast %add3A_406 : i32 to index
            %get3A_456 = arith.constant 32 : index
            %get3A_457 = tpu.vector_load %arg12[%get3A_454, %get3A_455, %get3A_456] {strides = array<i32>} : memref<2x40x128xf32, #tpu.memory_space<vmem>>, vector<1x1x16xf32>,
            %get3A_458 = vector.shape_cast %get3A_457 : vector<1x1x16xf32> to vector<16xf32>
            %get3A_459 = arith.constant 0 : i32
            %get3A_460 = arith.index_cast %get3A_459 : i32 to index
            %get3A_461 = arith.index_cast %add3A_406 : i32 to index
            %get3A_462 = arith.constant 32 : index
            %get3A_463 = tpu.vector_load %arg13[%get3A_460, %get3A_461, %get3A_462] {strides = array<i32>} : memref<2x40x128xf32, #tpu.memory_space<vmem>>, vector<1x1x16xf32>,
            %get3A_464 = vector.shape_cast %get3A_463 : vector<1x1x16xf32> to vector<16xf32>
            %add3A_465 = arith.addf %get3A_458, %get3A_464 : vector<16xf32>
            %max3A_466 = arith.constant 0.000000e+00 : f32
            %max3A_467 = vector.broadcast %max3A_466 : f32 to vector<16xf32>
            %max3A_468 = arith.maximumf %add3A_465, %max3A_467 : vector<16xf32>
            %swap3A_469 = arith.constant 0 : i32
            %swap3A_470 = arith.index_cast %swap3A_469 : i32 to index
            %swap3A_471 = arith.index_cast %add3A_406 : i32 to index
            %swap3A_472 = arith.constant 32 : index
            %swap3A_473 = tpu.vector_load %arg14[%swap3A_470, %swap3A_471, %swap3A_472] {strides = array<i32>} : memref<2x40x128xf32, #tpu.memory_space<vmem>>, vector<1x1x16xf32>,
            %swap3A_474 = vector.shape_cast %swap3A_473 : vector<1x1x16xf32> to vector<16xf32>
            %swap3A_475 = vector.shape_cast %max3A_468 : vector<16xf32> to vector<1x1x16xf32>
            tpu.vector_store %arg14[%swap3A_470, %swap3A_471, %swap3A_472], %swap3A_475 {strides = array<i32>} : memref<2x40x128xf32, #tpu.memory_space<vmem>>, vector<1x1x16xf32>,
            %get3A_476 = arith.constant 0 : i32
            %get3A_477 = arith.index_cast %get3A_476 : i32 to index
            %get3A_478 = arith.index_cast %add3A_406 : i32 to index
            %get3A_479 = arith.constant 48 : index
            %get3A_480 = tpu.vector_load %arg12[%get3A_477, %get3A_478, %get3A_479] {strides = array<i32>} : memref<2x40x128xf32, #tpu.memory_space<vmem>>, vector<1x1x16xf32>,
            %get3A_481 = vector.shape_cast %get3A_480 : vector<1x1x16xf32> to vector<16xf32>
            %get3A_482 = arith.constant 0 : i32
            %get3A_483 = arith.index_cast %get3A_482 : i32 to index
            %get3A_484 = arith.index_cast %add3A_406 : i32 to index
            %get3A_485 = arith.constant 48 : index
            %get3A_486 = tpu.vector_load %arg13[%get3A_483, %get3A_484, %get3A_485] {strides = array<i32>} : memref<2x40x128xf32, #tpu.memory_space<vmem>>, vector<1x1x16xf32>,
            %get3A_487 = vector.shape_cast %get3A_486 : vector<1x1x16xf32> to vector<16xf32>
            %add3A_488 = arith.addf %get3A_481, %get3A_487 : vector<16xf32>
            %max3A_489 = arith.constant 0.000000e+00 : f32
            %max3A_490 = vector.broadcast %max3A_489 : f32 to vector<16xf32>
            %max3A_491 = arith.maximumf %add3A_488, %max3A_490 : vector<16xf32>
            %swap3A_492 = arith.constant 0 : i32
            %swap3A_493 = arith.index_cast %swap3A_492 : i32 to index
            %swap3A_494 = arith.index_cast %add3A_406 : i32 to index
            %swap3A_495 = arith.constant 48 : index
            %swap3A_496 = tpu.vector_load %arg14[%swap3A_493, %swap3A_494, %swap3A_495] {strides = array<i32>} : memref<2x40x128xf32, #tpu.memory_space<vmem>>, vector<1x1x16xf32>,
            %swap3A_497 = vector.shape_cast %swap3A_496 : vector<1x1x16xf32> to vector<16xf32>
            %swap3A_498 = vector.shape_cast %max3A_491 : vector<16xf32> to vector<1x1x16xf32>
            tpu.vector_store %arg14[%swap3A_493, %swap3A_494, %swap3A_495], %swap3A_498 {strides = array<i32>} : memref<2x40x128xf32, #tpu.memory_space<vmem>>, vector<1x1x16xf32>,
            %get3A_499 = arith.constant 0 : i32
            %get3A_500 = arith.index_cast %get3A_499 : i32 to index
            %get3A_501 = arith.index_cast %add3A_406 : i32 to index
            %get3A_502 = arith.constant 64 : index
            %get3A_503 = tpu.vector_load %arg12[%get3A_500, %get3A_501, %get3A_502] {strides = array<i32>} : memref<2x40x128xf32, #tpu.memory_space<vmem>>, vector<1x1x16xf32>,
            %get3A_504 = vector.shape_cast %get3A_503 : vector<1x1x16xf32> to vector<16xf32>
            %get3A_505 = arith.constant 0 : i32
            %get3A_506 = arith.index_cast %get3A_505 : i32 to index
            %get3A_507 = arith.index_cast %add3A_406 : i32 to index
            %get3A_508 = arith.constant 64 : index
            %get3A_509 = tpu.vector_load %arg13[%get3A_506, %get3A_507, %get3A_508] {strides = array<i32>} : memref<2x40x128xf32, #tpu.memory_space<vmem>>, vector<1x1x16xf32>,
            %get3A_510 = vector.shape_cast %get3A_509 : vector<1x1x16xf32> to vector<16xf32>
            %add3A_511 = arith.addf %get3A_504, %get3A_510 : vector<16xf32>
            %max3A_512 = arith.constant 0.000000e+00 : f32
            %max3A_513 = vector.broadcast %max3A_512 : f32 to vector<16xf32>
            %max3A_514 = arith.maximumf %add3A_511, %max3A_513 : vector<16xf32>
            %swap3A_515 = arith.constant 0 : i32
            %swap3A_516 = arith.index_cast %swap3A_515 : i32 to index
            %swap3A_517 = arith.index_cast %add3A_406 : i32 to index
            %swap3A_518 = arith.constant 64 : index
            %swap3A_519 = tpu.vector_load %arg14[%swap3A_516, %swap3A_517, %swap3A_518] {strides = array<i32>} : memref<2x40x128xf32, #tpu.memory_space<vmem>>, vector<1x1x16xf32>,
            %swap3A_520 = vector.shape_cast %swap3A_519 : vector<1x1x16xf32> to vector<16xf32>
            %swap3A_521 = vector.shape_cast %max3A_514 : vector<16xf32> to vector<1x1x16xf32>
            tpu.vector_store %arg14[%swap3A_516, %swap3A_517, %swap3A_518], %swap3A_521 {strides = array<i32>} : memref<2x40x128xf32, #tpu.memory_space<vmem>>, vector<1x1x16xf32>,
            %get3A_522 = arith.constant 0 : i32
            %get3A_523 = arith.index_cast %get3A_522 : i32 to index
            %get3A_524 = arith.index_cast %add3A_406 : i32 to index
            %get3A_525 = arith.constant 80 : index
            %get3A_526 = tpu.vector_load %arg12[%get3A_523, %get3A_524, %get3A_525] {strides = array<i32>} : memref<2x40x128xf32, #tpu.memory_space<vmem>>, vector<1x1x16xf32>,
            %get3A_527 = vector.shape_cast %get3A_526 : vector<1x1x16xf32> to vector<16xf32>
            %get3A_528 = arith.constant 0 : i32
            %get3A_529 = arith.index_cast %get3A_528 : i32 to index
            %get3A_530 = arith.index_cast %add3A_406 : i32 to index
            %get3A_531 = arith.constant 80 : index
            %get3A_532 = tpu.vector_load %arg13[%get3A_529, %get3A_530, %get3A_531] {strides = array<i32>} : memref<2x40x128xf32, #tpu.memory_space<vmem>>, vector<1x1x16xf32>,
            %get3A_533 = vector.shape_cast %get3A_532 : vector<1x1x16xf32> to vector<16xf32>
            %add3A_534 = arith.addf %get3A_527, %get3A_533 : vector<16xf32>
            %max3A_535 = arith.constant 0.000000e+00 : f32
            %max3A_536 = vector.broadcast %max3A_535 : f32 to vector<16xf32>
            %max3A_537 = arith.maximumf %add3A_534, %max3A_536 : vector<16xf32>
            %swap3A_538 = arith.constant 0 : i32
            %swap3A_539 = arith.index_cast %swap3A_538 : i32 to index
            %swap3A_540 = arith.index_cast %add3A_406 : i32 to index
            %swap3A_541 = arith.constant 80 : index
            %swap3A_542 = tpu.vector_load %arg14[%swap3A_539, %swap3A_540, %swap3A_541] {strides = array<i32>} : memref<2x40x128xf32, #tpu.memory_space<vmem>>, vector<1x1x16xf32>,
            %swap3A_543 = vector.shape_cast %swap3A_542 : vector<1x1x16xf32> to vector<16xf32>
            %swap3A_544 = vector.shape_cast %max3A_537 : vector<16xf32> to vector<1x1x16xf32>
            tpu.vector_store %arg14[%swap3A_539, %swap3A_540, %swap3A_541], %swap3A_544 {strides = array<i32>} : memref<2x40x128xf32, #tpu.memory_space<vmem>>, vector<1x1x16xf32>,
            %get3A_545 = arith.constant 0 : i32
            %get3A_546 = arith.index_cast %get3A_545 : i32 to index
            %get3A_547 = arith.index_cast %add3A_406 : i32 to index
            %get3A_548 = arith.constant 96 : index
            %get3A_549 = tpu.vector_load %arg12[%get3A_546, %get3A_547, %get3A_548] {strides = array<i32>} : memref<2x40x128xf32, #tpu.memory_space<vmem>>, vector<1x1x16xf32>,
            %get3A_550 = vector.shape_cast %get3A_549 : vector<1x1x16xf32> to vector<16xf32>
            %get3A_551 = arith.constant 0 : i32
            %get3A_552 = arith.index_cast %get3A_551 : i32 to index
            %get3A_553 = arith.index_cast %add3A_406 : i32 to index
            %get3A_554 = arith.constant 96 : index
            %get3A_555 = tpu.vector_load %arg13[%get3A_552, %get3A_553, %get3A_554] {strides = array<i32>} : memref<2x40x128xf32, #tpu.memory_space<vmem>>, vector<1x1x16xf32>,
            %get3A_556 = vector.shape_cast %get3A_555 : vector<1x1x16xf32> to vector<16xf32>
            %add3A_557 = arith.addf %get3A_550, %get3A_556 : vector<16xf32>
            %max3A_558 = arith.constant 0.000000e+00 : f32
            %max3A_559 = vector.broadcast %max3A_558 : f32 to vector<16xf32>
            %max3A_560 = arith.maximumf %add3A_557, %max3A_559 : vector<16xf32>
            %swap3A_561 = arith.constant 0 : i32
            %swap3A_562 = arith.index_cast %swap3A_561 : i32 to index
            %swap3A_563 = arith.index_cast %add3A_406 : i32 to index
            %swap3A_564 = arith.constant 96 : index
            %swap3A_565 = tpu.vector_load %arg14[%swap3A_562, %swap3A_563, %swap3A_564] {strides = array<i32>} : memref<2x40x128xf32, #tpu.memory_space<vmem>>, vector<1x1x16xf32>,
            %swap3A_566 = vector.shape_cast %swap3A_565 : vector<1x1x16xf32> to vector<16xf32>
            %swap3A_567 = vector.shape_cast %max3A_560 : vector<16xf32> to vector<1x1x16xf32>
            tpu.vector_store %arg14[%swap3A_562, %swap3A_563, %swap3A_564], %swap3A_567 {strides = array<i32>} : memref<2x40x128xf32, #tpu.memory_space<vmem>>, vector<1x1x16xf32>,
            %get3A_568 = arith.constant 0 : i32
            %get3A_569 = arith.index_cast %get3A_568 : i32 to index
            %get3A_570 = arith.index_cast %add3A_406 : i32 to index
            %get3A_571 = arith.constant 112 : index
            %get3A_572 = tpu.vector_load %arg12[%get3A_569, %get3A_570, %get3A_571] {strides = array<i32>} : memref<2x40x128xf32, #tpu.memory_space<vmem>>, vector<1x1x16xf32>,
            %get3A_573 = vector.shape_cast %get3A_572 : vector<1x1x16xf32> to vector<16xf32>
            %get3A_574 = arith.constant 0 : i32
            %get3A_575 = arith.index_cast %get3A_574 : i32 to index
            %get3A_576 = arith.index_cast %add3A_406 : i32 to index
            %get3A_577 = arith.constant 112 : index
            %get3A_578 = tpu.vector_load %arg13[%get3A_575, %get3A_576, %get3A_577] {strides = array<i32>} : memref<2x40x128xf32, #tpu.memory_space<vmem>>, vector<1x1x16xf32>,
            %get3A_579 = vector.shape_cast %get3A_578 : vector<1x1x16xf32> to vector<16xf32>
            %add3A_580 = arith.addf %get3A_573, %get3A_579 : vector<16xf32>
            %max3A_581 = arith.constant 0.000000e+00 : f32
            %max3A_582 = vector.broadcast %max3A_581 : f32 to vector<16xf32>
            %max3A_583 = arith.maximumf %add3A_580, %max3A_582 : vector<16xf32>
            %swap3A_584 = arith.constant 0 : i32
            %swap3A_585 = arith.index_cast %swap3A_584 : i32 to index
            %swap3A_586 = arith.index_cast %add3A_406 : i32 to index
            %swap3A_587 = arith.constant 112 : index
            %swap3A_588 = tpu.vector_load %arg14[%swap3A_585, %swap3A_586, %swap3A_587] {strides = array<i32>} : memref<2x40x128xf32, #tpu.memory_space<vmem>>, vector<1x1x16xf32>,
            %swap3A_589 = vector.shape_cast %swap3A_588 : vector<1x1x16xf32> to vector<16xf32>
            %swap3A_590 = vector.shape_cast %max3A_583 : vector<16xf32> to vector<1x1x16xf32>
            tpu.vector_store %arg14[%swap3A_585, %swap3A_586, %swap3A_587], %swap3A_590 {strides = array<i32>} : memref<2x40x128xf32, #tpu.memory_space<vmem>>, vector<1x1x16xf32>,
            %mul3A_591 = arith.constant 4 : i32
            %mul3A_592 = arith.muli %scan3A_216, %mul3A_591 : i32
            %add3A_593 = arith.constant 2 : i32
            %add3A_594 = arith.addi %mul3A_592, %add3A_593 : i32
            %get3A_595 = arith.constant 0 : i32
            %get3A_596 = arith.index_cast %get3A_595 : i32 to index
            %get3A_597 = arith.index_cast %add3A_594 : i32 to index
            %get3A_598 = arith.constant 0 : index
            %get3A_599 = tpu.vector_load %arg12[%get3A_596, %get3A_597, %get3A_598] {strides = array<i32>} : memref<2x40x128xf32, #tpu.memory_space<vmem>>, vector<1x1x16xf32>,
            %get3A_600 = vector.shape_cast %get3A_599 : vector<1x1x16xf32> to vector<16xf32>
            %get3A_601 = arith.constant 0 : i32
            %get3A_602 = arith.index_cast %get3A_601 : i32 to index
            %get3A_603 = arith.index_cast %add3A_594 : i32 to index
            %get3A_604 = arith.constant 0 : index
            %get3A_605 = tpu.vector_load %arg13[%get3A_602, %get3A_603, %get3A_604] {strides = array<i32>} : memref<2x40x128xf32, #tpu.memory_space<vmem>>, vector<1x1x16xf32>,
            %get3A_606 = vector.shape_cast %get3A_605 : vector<1x1x16xf32> to vector<16xf32>
            %add3A_607 = arith.addf %get3A_600, %get3A_606 : vector<16xf32>
            %max3A_608 = arith.constant 0.000000e+00 : f32
            %max3A_609 = vector.broadcast %max3A_608 : f32 to vector<16xf32>
            %max3A_610 = arith.maximumf %add3A_607, %max3A_609 : vector<16xf32>
            %swap3A_611 = arith.constant 0 : i32
            %swap3A_612 = arith.index_cast %swap3A_611 : i32 to index
            %swap3A_613 = arith.index_cast %add3A_594 : i32 to index
            %swap3A_614 = arith.constant 0 : index
            %swap3A_615 = tpu.vector_load %arg14[%swap3A_612, %swap3A_613, %swap3A_614] {strides = array<i32>} : memref<2x40x128xf32, #tpu.memory_space<vmem>>, vector<1x1x16xf32>,
            %swap3A_616 = vector.shape_cast %swap3A_615 : vector<1x1x16xf32> to vector<16xf32>
            %swap3A_617 = vector.shape_cast %max3A_610 : vector<16xf32> to vector<1x1x16xf32>
            tpu.vector_store %arg14[%swap3A_612, %swap3A_613, %swap3A_614], %swap3A_617 {strides = array<i32>} : memref<2x40x128xf32, #tpu.memory_space<vmem>>, vector<1x1x16xf32>,
            %get3A_618 = arith.constant 0 : i32
            %get3A_619 = arith.index_cast %get3A_618 : i32 to index
            %get3A_620 = arith.index_cast %add3A_594 : i32 to index
            %get3A_621 = arith.constant 16 : index
            %get3A_622 = tpu.vector_load %arg12[%get3A_619, %get3A_620, %get3A_621] {strides = array<i32>} : memref<2x40x128xf32, #tpu.memory_space<vmem>>, vector<1x1x16xf32>,
            %get3A_623 = vector.shape_cast %get3A_622 : vector<1x1x16xf32> to vector<16xf32>
            %get3A_624 = arith.constant 0 : i32
            %get3A_625 = arith.index_cast %get3A_624 : i32 to index
            %get3A_626 = arith.index_cast %add3A_594 : i32 to index
            %get3A_627 = arith.constant 16 : index
            %get3A_628 = tpu.vector_load %arg13[%get3A_625, %get3A_626, %get3A_627] {strides = array<i32>} : memref<2x40x128xf32, #tpu.memory_space<vmem>>, vector<1x1x16xf32>,
            %get3A_629 = vector.shape_cast %get3A_628 : vector<1x1x16xf32> to vector<16xf32>
            %add3A_630 = arith.addf %get3A_623, %get3A_629 : vector<16xf32>
            %max3A_631 = arith.constant 0.000000e+00 : f32
            %max3A_632 = vector.broadcast %max3A_631 : f32 to vector<16xf32>
            %max3A_633 = arith.maximumf %add3A_630, %max3A_632 : vector<16xf32>
            %swap3A_634 = arith.constant 0 : i32
            %swap3A_635 = arith.index_cast %swap3A_634 : i32 to index
            %swap3A_636 = arith.index_cast %add3A_594 : i32 to index
            %swap3A_637 = arith.constant 16 : index
            %swap3A_638 = tpu.vector_load %arg14[%swap3A_635, %swap3A_636, %swap3A_637] {strides = array<i32>} : memref<2x40x128xf32, #tpu.memory_space<vmem>>, vector<1x1x16xf32>,
            %swap3A_639 = vector.shape_cast %swap3A_638 : vector<1x1x16xf32> to vector<16xf32>
            %swap3A_640 = vector.shape_cast %max3A_633 : vector<16xf32> to vector<1x1x16xf32>
            tpu.vector_store %arg14[%swap3A_635, %swap3A_636, %swap3A_637], %swap3A_640 {strides = array<i32>} : memref<2x40x128xf32, #tpu.memory_space<vmem>>, vector<1x1x16xf32>,
            %get3A_641 = arith.constant 0 : i32
            %get3A_642 = arith.index_cast %get3A_641 : i32 to index
            %get3A_643 = arith.index_cast %add3A_594 : i32 to index
            %get3A_644 = arith.constant 32 : index
            %get3A_645 = tpu.vector_load %arg12[%get3A_642, %get3A_643, %get3A_644] {strides = array<i32>} : memref<2x40x128xf32, #tpu.memory_space<vmem>>, vector<1x1x16xf32>,
            %get3A_646 = vector.shape_cast %get3A_645 : vector<1x1x16xf32> to vector<16xf32>
            %get3A_647 = arith.constant 0 : i32
            %get3A_648 = arith.index_cast %get3A_647 : i32 to index
            %get3A_649 = arith.index_cast %add3A_594 : i32 to index
            %get3A_650 = arith.constant 32 : index
            %get3A_651 = tpu.vector_load %arg13[%get3A_648, %get3A_649, %get3A_650] {strides = array<i32>} : memref<2x40x128xf32, #tpu.memory_space<vmem>>, vector<1x1x16xf32>,
            %get3A_652 = vector.shape_cast %get3A_651 : vector<1x1x16xf32> to vector<16xf32>
            %add3A_653 = arith.addf %get3A_646, %get3A_652 : vector<16xf32>
            %max3A_654 = arith.constant 0.000000e+00 : f32
            %max3A_655 = vector.broadcast %max3A_654 : f32 to vector<16xf32>
            %max3A_656 = arith.maximumf %add3A_653, %max3A_655 : vector<16xf32>
            %swap3A_657 = arith.constant 0 : i32
            %swap3A_658 = arith.index_cast %swap3A_657 : i32 to index
            %swap3A_659 = arith.index_cast %add3A_594 : i32 to index
            %swap3A_660 = arith.constant 32 : index
            %swap3A_661 = tpu.vector_load %arg14[%swap3A_658, %swap3A_659, %swap3A_660] {strides = array<i32>} : memref<2x40x128xf32, #tpu.memory_space<vmem>>, vector<1x1x16xf32>,
            %swap3A_662 = vector.shape_cast %swap3A_661 : vector<1x1x16xf32> to vector<16xf32>
            %swap3A_663 = vector.shape_cast %max3A_656 : vector<16xf32> to vector<1x1x16xf32>
            tpu.vector_store %arg14[%swap3A_658, %swap3A_659, %swap3A_660], %swap3A_663 {strides = array<i32>} : memref<2x40x128xf32, #tpu.memory_space<vmem>>, vector<1x1x16xf32>,
            %get3A_664 = arith.constant 0 : i32
            %get3A_665 = arith.index_cast %get3A_664 : i32 to index
            %get3A_666 = arith.index_cast %add3A_594 : i32 to index
            %get3A_667 = arith.constant 48 : index
            %get3A_668 = tpu.vector_load %arg12[%get3A_665, %get3A_666, %get3A_667] {strides = array<i32>} : memref<2x40x128xf32, #tpu.memory_space<vmem>>, vector<1x1x16xf32>,
            %get3A_669 = vector.shape_cast %get3A_668 : vector<1x1x16xf32> to vector<16xf32>
            %get3A_670 = arith.constant 0 : i32
            %get3A_671 = arith.index_cast %get3A_670 : i32 to index
            %get3A_672 = arith.index_cast %add3A_594 : i32 to index
            %get3A_673 = arith.constant 48 : index
            %get3A_674 = tpu.vector_load %arg13[%get3A_671, %get3A_672, %get3A_673] {strides = array<i32>} : memref<2x40x128xf32, #tpu.memory_space<vmem>>, vector<1x1x16xf32>,
            %get3A_675 = vector.shape_cast %get3A_674 : vector<1x1x16xf32> to vector<16xf32>
            %add3A_676 = arith.addf %get3A_669, %get3A_675 : vector<16xf32>
            %max3A_677 = arith.constant 0.000000e+00 : f32
            %max3A_678 = vector.broadcast %max3A_677 : f32 to vector<16xf32>
            %max3A_679 = arith.maximumf %add3A_676, %max3A_678 : vector<16xf32>
            %swap3A_680 = arith.constant 0 : i32
            %swap3A_681 = arith.index_cast %swap3A_680 : i32 to index
            %swap3A_682 = arith.index_cast %add3A_594 : i32 to index
            %swap3A_683 = arith.constant 48 : index
            %swap3A_684 = tpu.vector_load %arg14[%swap3A_681, %swap3A_682, %swap3A_683] {strides = array<i32>} : memref<2x40x128xf32, #tpu.memory_space<vmem>>, vector<1x1x16xf32>,
            %swap3A_685 = vector.shape_cast %swap3A_684 : vector<1x1x16xf32> to vector<16xf32>
            %swap3A_686 = vector.shape_cast %max3A_679 : vector<16xf32> to vector<1x1x16xf32>
            tpu.vector_store %arg14[%swap3A_681, %swap3A_682, %swap3A_683], %swap3A_686 {strides = array<i32>} : memref<2x40x128xf32, #tpu.memory_space<vmem>>, vector<1x1x16xf32>,
            %get3A_687 = arith.constant 0 : i32
            %get3A_688 = arith.index_cast %get3A_687 : i32 to index
            %get3A_689 = arith.index_cast %add3A_594 : i32 to index
            %get3A_690 = arith.constant 64 : index
            %get3A_691 = tpu.vector_load %arg12[%get3A_688, %get3A_689, %get3A_690] {strides = array<i32>} : memref<2x40x128xf32, #tpu.memory_space<vmem>>, vector<1x1x16xf32>,
            %get3A_692 = vector.shape_cast %get3A_691 : vector<1x1x16xf32> to vector<16xf32>
            %get3A_693 = arith.constant 0 : i32
            %get3A_694 = arith.index_cast %get3A_693 : i32 to index
            %get3A_695 = arith.index_cast %add3A_594 : i32 to index
            %get3A_696 = arith.constant 64 : index
            %get3A_697 = tpu.vector_load %arg13[%get3A_694, %get3A_695, %get3A_696] {strides = array<i32>} : memref<2x40x128xf32, #tpu.memory_space<vmem>>, vector<1x1x16xf32>,
            %get3A_698 = vector.shape_cast %get3A_697 : vector<1x1x16xf32> to vector<16xf32>
            %add3A_699 = arith.addf %get3A_692, %get3A_698 : vector<16xf32>
            %max3A_700 = arith.constant 0.000000e+00 : f32
            %max3A_701 = vector.broadcast %max3A_700 : f32 to vector<16xf32>
            %max3A_702 = arith.maximumf %add3A_699, %max3A_701 : vector<16xf32>
            %swap3A_703 = arith.constant 0 : i32
            %swap3A_704 = arith.index_cast %swap3A_703 : i32 to index
            %swap3A_705 = arith.index_cast %add3A_594 : i32 to index
            %swap3A_706 = arith.constant 64 : index
            %swap3A_707 = tpu.vector_load %arg14[%swap3A_704, %swap3A_705, %swap3A_706] {strides = array<i32>} : memref<2x40x128xf32, #tpu.memory_space<vmem>>, vector<1x1x16xf32>,
            %swap3A_708 = vector.shape_cast %swap3A_707 : vector<1x1x16xf32> to vector<16xf32>
            %swap3A_709 = vector.shape_cast %max3A_702 : vector<16xf32> to vector<1x1x16xf32>
            tpu.vector_store %arg14[%swap3A_704, %swap3A_705, %swap3A_706], %swap3A_709 {strides = array<i32>} : memref<2x40x128xf32, #tpu.memory_space<vmem>>, vector<1x1x16xf32>,
            %get3A_710 = arith.constant 0 : i32
            %get3A_711 = arith.index_cast %get3A_710 : i32 to index
            %get3A_712 = arith.index_cast %add3A_594 : i32 to index
            %get3A_713 = arith.constant 80 : index
            %get3A_714 = tpu.vector_load %arg12[%get3A_711, %get3A_712, %get3A_713] {strides = array<i32>} : memref<2x40x128xf32, #tpu.memory_space<vmem>>, vector<1x1x16xf32>,
            %get3A_715 = vector.shape_cast %get3A_714 : vector<1x1x16xf32> to vector<16xf32>
            %get3A_716 = arith.constant 0 : i32
            %get3A_717 = arith.index_cast %get3A_716 : i32 to index
            %get3A_718 = arith.index_cast %add3A_594 : i32 to index
            %get3A_719 = arith.constant 80 : index
            %get3A_720 = tpu.vector_load %arg13[%get3A_717, %get3A_718, %get3A_719] {strides = array<i32>} : memref<2x40x128xf32, #tpu.memory_space<vmem>>, vector<1x1x16xf32>,
            %get3A_721 = vector.shape_cast %get3A_720 : vector<1x1x16xf32> to vector<16xf32>
            %add3A_722 = arith.addf %get3A_715, %get3A_721 : vector<16xf32>
            %max3A_723 = arith.constant 0.000000e+00 : f32
            %max3A_724 = vector.broadcast %max3A_723 : f32 to vector<16xf32>
            %max3A_725 = arith.maximumf %add3A_722, %max3A_724 : vector<16xf32>
            %swap3A_726 = arith.constant 0 : i32
            %swap3A_727 = arith.index_cast %swap3A_726 : i32 to index
            %swap3A_728 = arith.index_cast %add3A_594 : i32 to index
            %swap3A_729 = arith.constant 80 : index
            %swap3A_730 = tpu.vector_load %arg14[%swap3A_727, %swap3A_728, %swap3A_729] {strides = array<i32>} : memref<2x40x128xf32, #tpu.memory_space<vmem>>, vector<1x1x16xf32>,
            %swap3A_731 = vector.shape_cast %swap3A_730 : vector<1x1x16xf32> to vector<16xf32>
            %swap3A_732 = vector.shape_cast %max3A_725 : vector<16xf32> to vector<1x1x16xf32>
            tpu.vector_store %arg14[%swap3A_727, %swap3A_728, %swap3A_729], %swap3A_732 {strides = array<i32>} : memref<2x40x128xf32, #tpu.memory_space<vmem>>, vector<1x1x16xf32>,
            %get3A_733 = arith.constant 0 : i32
            %get3A_734 = arith.index_cast %get3A_733 : i32 to index
            %get3A_735 = arith.index_cast %add3A_594 : i32 to index
            %get3A_736 = arith.constant 96 : index
            %get3A_737 = tpu.vector_load %arg12[%get3A_734, %get3A_735, %get3A_736] {strides = array<i32>} : memref<2x40x128xf32, #tpu.memory_space<vmem>>, vector<1x1x16xf32>,
            %get3A_738 = vector.shape_cast %get3A_737 : vector<1x1x16xf32> to vector<16xf32>
            %get3A_739 = arith.constant 0 : i32
            %get3A_740 = arith.index_cast %get3A_739 : i32 to index
            %get3A_741 = arith.index_cast %add3A_594 : i32 to index
            %get3A_742 = arith.constant 96 : index
            %get3A_743 = tpu.vector_load %arg13[%get3A_740, %get3A_741, %get3A_742] {strides = array<i32>} : memref<2x40x128xf32, #tpu.memory_space<vmem>>, vector<1x1x16xf32>,
            %get3A_744 = vector.shape_cast %get3A_743 : vector<1x1x16xf32> to vector<16xf32>
            %add3A_745 = arith.addf %get3A_738, %get3A_744 : vector<16xf32>
            %max3A_746 = arith.constant 0.000000e+00 : f32
            %max3A_747 = vector.broadcast %max3A_746 : f32 to vector<16xf32>
            %max3A_748 = arith.maximumf %add3A_745, %max3A_747 : vector<16xf32>
            %swap3A_749 = arith.constant 0 : i32
            %swap3A_750 = arith.index_cast %swap3A_749 : i32 to index
            %swap3A_751 = arith.index_cast %add3A_594 : i32 to index
            %swap3A_752 = arith.constant 96 : index
            %swap3A_753 = tpu.vector_load %arg14[%swap3A_750, %swap3A_751, %swap3A_752] {strides = array<i32>} : memref<2x40x128xf32, #tpu.memory_space<vmem>>, vector<1x1x16xf32>,
            %swap3A_754 = vector.shape_cast %swap3A_753 : vector<1x1x16xf32> to vector<16xf32>
            %swap3A_755 = vector.shape_cast %max3A_748 : vector<16xf32> to vector<1x1x16xf32>
            tpu.vector_store %arg14[%swap3A_750, %swap3A_751, %swap3A_752], %swap3A_755 {strides = array<i32>} : memref<2x40x128xf32, #tpu.memory_space<vmem>>, vector<1x1x16xf32>,
            %get3A_756 = arith.constant 0 : i32
            %get3A_757 = arith.index_cast %get3A_756 : i32 to index
            %get3A_758 = arith.index_cast %add3A_594 : i32 to index
            %get3A_759 = arith.constant 112 : index
            %get3A_760 = tpu.vector_load %arg12[%get3A_757, %get3A_758, %get3A_759] {strides = array<i32>} : memref<2x40x128xf32, #tpu.memory_space<vmem>>, vector<1x1x16xf32>,
            %get3A_761 = vector.shape_cast %get3A_760 : vector<1x1x16xf32> to vector<16xf32>
            %get3A_762 = arith.constant 0 : i32
            %get3A_763 = arith.index_cast %get3A_762 : i32 to index
            %get3A_764 = arith.index_cast %add3A_594 : i32 to index
            %get3A_765 = arith.constant 112 : index
            %get3A_766 = tpu.vector_load %arg13[%get3A_763, %get3A_764, %get3A_765] {strides = array<i32>} : memref<2x40x128xf32, #tpu.memory_space<vmem>>, vector<1x1x16xf32>,
            %get3A_767 = vector.shape_cast %get3A_766 : vector<1x1x16xf32> to vector<16xf32>
            %add3A_768 = arith.addf %get3A_761, %get3A_767 : vector<16xf32>
            %max3A_769 = arith.constant 0.000000e+00 : f32
            %max3A_770 = vector.broadcast %max3A_769 : f32 to vector<16xf32>
            %max3A_771 = arith.maximumf %add3A_768, %max3A_770 : vector<16xf32>
            %swap3A_772 = arith.constant 0 : i32
            %swap3A_773 = arith.index_cast %swap3A_772 : i32 to index
            %swap3A_774 = arith.index_cast %add3A_594 : i32 to index
            %swap3A_775 = arith.constant 112 : index
            %swap3A_776 = tpu.vector_load %arg14[%swap3A_773, %swap3A_774, %swap3A_775] {strides = array<i32>} : memref<2x40x128xf32, #tpu.memory_space<vmem>>, vector<1x1x16xf32>,
            %swap3A_777 = vector.shape_cast %swap3A_776 : vector<1x1x16xf32> to vector<16xf32>
            %swap3A_778 = vector.shape_cast %max3A_771 : vector<16xf32> to vector<1x1x16xf32>
            tpu.vector_store %arg14[%swap3A_773, %swap3A_774, %swap3A_775], %swap3A_778 {strides = array<i32>} : memref<2x40x128xf32, #tpu.memory_space<vmem>>, vector<1x1x16xf32>,
            %mul3A_779 = arith.constant 4 : i32
            %mul3A_780 = arith.muli %scan3A_216, %mul3A_779 : i32
            %add3A_781 = arith.constant 3 : i32
            %add3A_782 = arith.addi %mul3A_780, %add3A_781 : i32
            %get3A_783 = arith.constant 0 : i32
            %get3A_784 = arith.index_cast %get3A_783 : i32 to index
            %get3A_785 = arith.index_cast %add3A_782 : i32 to index
            %get3A_786 = arith.constant 0 : index
            %get3A_787 = tpu.vector_load %arg12[%get3A_784, %get3A_785, %get3A_786] {strides = array<i32>} : memref<2x40x128xf32, #tpu.memory_space<vmem>>, vector<1x1x16xf32>,
            %get3A_788 = vector.shape_cast %get3A_787 : vector<1x1x16xf32> to vector<16xf32>
            %get3A_789 = arith.constant 0 : i32
            %get3A_790 = arith.index_cast %get3A_789 : i32 to index
            %get3A_791 = arith.index_cast %add3A_782 : i32 to index
            %get3A_792 = arith.constant 0 : index
            %get3A_793 = tpu.vector_load %arg13[%get3A_790, %get3A_791, %get3A_792] {strides = array<i32>} : memref<2x40x128xf32, #tpu.memory_space<vmem>>, vector<1x1x16xf32>,
            %get3A_794 = vector.shape_cast %get3A_793 : vector<1x1x16xf32> to vector<16xf32>
            %add3A_795 = arith.addf %get3A_788, %get3A_794 : vector<16xf32>
            %max3A_796 = arith.constant 0.000000e+00 : f32
            %max3A_797 = vector.broadcast %max3A_796 : f32 to vector<16xf32>
            %max3A_798 = arith.maximumf %add3A_795, %max3A_797 : vector<16xf32>
            %swap3A_799 = arith.constant 0 : i32
            %swap3A_800 = arith.index_cast %swap3A_799 : i32 to index
            %swap3A_801 = arith.index_cast %add3A_782 : i32 to index
            %swap3A_802 = arith.constant 0 : index
            %swap3A_803 = tpu.vector_load %arg14[%swap3A_800, %swap3A_801, %swap3A_802] {strides = array<i32>} : memref<2x40x128xf32, #tpu.memory_space<vmem>>, vector<1x1x16xf32>,
            %swap3A_804 = vector.shape_cast %swap3A_803 : vector<1x1x16xf32> to vector<16xf32>
            %swap3A_805 = vector.shape_cast %max3A_798 : vector<16xf32> to vector<1x1x16xf32>
            tpu.vector_store %arg14[%swap3A_800, %swap3A_801, %swap3A_802], %swap3A_805 {strides = array<i32>} : memref<2x40x128xf32, #tpu.memory_space<vmem>>, vector<1x1x16xf32>,
            %get3A_806 = arith.constant 0 : i32
            %get3A_807 = arith.index_cast %get3A_806 : i32 to index
            %get3A_808 = arith.index_cast %add3A_782 : i32 to index
            %get3A_809 = arith.constant 16 : index
            %get3A_810 = tpu.vector_load %arg12[%get3A_807, %get3A_808, %get3A_809] {strides = array<i32>} : memref<2x40x128xf32, #tpu.memory_space<vmem>>, vector<1x1x16xf32>,
            %get3A_811 = vector.shape_cast %get3A_810 : vector<1x1x16xf32> to vector<16xf32>
            %get3A_812 = arith.constant 0 : i32
            %get3A_813 = arith.index_cast %get3A_812 : i32 to index
            %get3A_814 = arith.index_cast %add3A_782 : i32 to index
            %get3A_815 = arith.constant 16 : index
            %get3A_816 = tpu.vector_load %arg13[%get3A_813, %get3A_814, %get3A_815] {strides = array<i32>} : memref<2x40x128xf32, #tpu.memory_space<vmem>>, vector<1x1x16xf32>,
            %get3A_817 = vector.shape_cast %get3A_816 : vector<1x1x16xf32> to vector<16xf32>
            %add3A_818 = arith.addf %get3A_811, %get3A_817 : vector<16xf32>
            %max3A_819 = arith.constant 0.000000e+00 : f32
            %max3A_820 = vector.broadcast %max3A_819 : f32 to vector<16xf32>
            %max3A_821 = arith.maximumf %add3A_818, %max3A_820 : vector<16xf32>
            %swap3A_822 = arith.constant 0 : i32
            %swap3A_823 = arith.index_cast %swap3A_822 : i32 to index
            %swap3A_824 = arith.index_cast %add3A_782 : i32 to index
            %swap3A_825 = arith.constant 16 : index
            %swap3A_826 = tpu.vector_load %arg14[%swap3A_823, %swap3A_824, %swap3A_825] {strides = array<i32>} : memref<2x40x128xf32, #tpu.memory_space<vmem>>, vector<1x1x16xf32>,
            %swap3A_827 = vector.shape_cast %swap3A_826 : vector<1x1x16xf32> to vector<16xf32>
            %swap3A_828 = vector.shape_cast %max3A_821 : vector<16xf32> to vector<1x1x16xf32>
            tpu.vector_store %arg14[%swap3A_823, %swap3A_824, %swap3A_825], %swap3A_828 {strides = array<i32>} : memref<2x40x128xf32, #tpu.memory_space<vmem>>, vector<1x1x16xf32>,
            %get3A_829 = arith.constant 0 : i32
            %get3A_830 = arith.index_cast %get3A_829 : i32 to index
            %get3A_831 = arith.index_cast %add3A_782 : i32 to index
            %get3A_832 = arith.constant 32 : index
            %get3A_833 = tpu.vector_load %arg12[%get3A_830, %get3A_831, %get3A_832] {strides = array<i32>} : memref<2x40x128xf32, #tpu.memory_space<vmem>>, vector<1x1x16xf32>,
            %get3A_834 = vector.shape_cast %get3A_833 : vector<1x1x16xf32> to vector<16xf32>
            %get3A_835 = arith.constant 0 : i32
            %get3A_836 = arith.index_cast %get3A_835 : i32 to index
            %get3A_837 = arith.index_cast %add3A_782 : i32 to index
            %get3A_838 = arith.constant 32 : index
            %get3A_839 = tpu.vector_load %arg13[%get3A_836, %get3A_837, %get3A_838] {strides = array<i32>} : memref<2x40x128xf32, #tpu.memory_space<vmem>>, vector<1x1x16xf32>,
            %get3A_840 = vector.shape_cast %get3A_839 : vector<1x1x16xf32> to vector<16xf32>
            %add3A_841 = arith.addf %get3A_834, %get3A_840 : vector<16xf32>
            %max3A_842 = arith.constant 0.000000e+00 : f32
            %max3A_843 = vector.broadcast %max3A_842 : f32 to vector<16xf32>
            %max3A_844 = arith.maximumf %add3A_841, %max3A_843 : vector<16xf32>
            %swap3A_845 = arith.constant 0 : i32
            %swap3A_846 = arith.index_cast %swap3A_845 : i32 to index
            %swap3A_847 = arith.index_cast %add3A_782 : i32 to index
            %swap3A_848 = arith.constant 32 : index
            %swap3A_849 = tpu.vector_load %arg14[%swap3A_846, %swap3A_847, %swap3A_848] {strides = array<i32>} : memref<2x40x128xf32, #tpu.memory_space<vmem>>, vector<1x1x16xf32>,
            %swap3A_850 = vector.shape_cast %swap3A_849 : vector<1x1x16xf32> to vector<16xf32>
            %swap3A_851 = vector.shape_cast %max3A_844 : vector<16xf32> to vector<1x1x16xf32>
            tpu.vector_store %arg14[%swap3A_846, %swap3A_847, %swap3A_848], %swap3A_851 {strides = array<i32>} : memref<2x40x128xf32, #tpu.memory_space<vmem>>, vector<1x1x16xf32>,
            %get3A_852 = arith.constant 0 : i32
            %get3A_853 = arith.index_cast %get3A_852 : i32 to index
            %get3A_854 = arith.index_cast %add3A_782 : i32 to index
            %get3A_855 = arith.constant 48 : index
            %get3A_856 = tpu.vector_load %arg12[%get3A_853, %get3A_854, %get3A_855] {strides = array<i32>} : memref<2x40x128xf32, #tpu.memory_space<vmem>>, vector<1x1x16xf32>,
            %get3A_857 = vector.shape_cast %get3A_856 : vector<1x1x16xf32> to vector<16xf32>
            %get3A_858 = arith.constant 0 : i32
            %get3A_859 = arith.index_cast %get3A_858 : i32 to index
            %get3A_860 = arith.index_cast %add3A_782 : i32 to index
            %get3A_861 = arith.constant 48 : index
            %get3A_862 = tpu.vector_load %arg13[%get3A_859, %get3A_860, %get3A_861] {strides = array<i32>} : memref<2x40x128xf32, #tpu.memory_space<vmem>>, vector<1x1x16xf32>,
            %get3A_863 = vector.shape_cast %get3A_862 : vector<1x1x16xf32> to vector<16xf32>
            %add3A_864 = arith.addf %get3A_857, %get3A_863 : vector<16xf32>
            %max3A_865 = arith.constant 0.000000e+00 : f32
            %max3A_866 = vector.broadcast %max3A_865 : f32 to vector<16xf32>
            %max3A_867 = arith.maximumf %add3A_864, %max3A_866 : vector<16xf32>
            %swap3A_868 = arith.constant 0 : i32
            %swap3A_869 = arith.index_cast %swap3A_868 : i32 to index
            %swap3A_870 = arith.index_cast %add3A_782 : i32 to index
            %swap3A_871 = arith.constant 48 : index
            %swap3A_872 = tpu.vector_load %arg14[%swap3A_869, %swap3A_870, %swap3A_871] {strides = array<i32>} : memref<2x40x128xf32, #tpu.memory_space<vmem>>, vector<1x1x16xf32>,
            %swap3A_873 = vector.shape_cast %swap3A_872 : vector<1x1x16xf32> to vector<16xf32>
            %swap3A_874 = vector.shape_cast %max3A_867 : vector<16xf32> to vector<1x1x16xf32>
            tpu.vector_store %arg14[%swap3A_869, %swap3A_870, %swap3A_871], %swap3A_874 {strides = array<i32>} : memref<2x40x128xf32, #tpu.memory_space<vmem>>, vector<1x1x16xf32>,
            %get3A_875 = arith.constant 0 : i32
            %get3A_876 = arith.index_cast %get3A_875 : i32 to index
            %get3A_877 = arith.index_cast %add3A_782 : i32 to index
            %get3A_878 = arith.constant 64 : index
            %get3A_879 = tpu.vector_load %arg12[%get3A_876, %get3A_877, %get3A_878] {strides = array<i32>} : memref<2x40x128xf32, #tpu.memory_space<vmem>>, vector<1x1x16xf32>,
            %get3A_880 = vector.shape_cast %get3A_879 : vector<1x1x16xf32> to vector<16xf32>
            %get3A_881 = arith.constant 0 : i32
            %get3A_882 = arith.index_cast %get3A_881 : i32 to index
            %get3A_883 = arith.index_cast %add3A_782 : i32 to index
            %get3A_884 = arith.constant 64 : index
            %get3A_885 = tpu.vector_load %arg13[%get3A_882, %get3A_883, %get3A_884] {strides = array<i32>} : memref<2x40x128xf32, #tpu.memory_space<vmem>>, vector<1x1x16xf32>,
            %get3A_886 = vector.shape_cast %get3A_885 : vector<1x1x16xf32> to vector<16xf32>
            %add3A_887 = arith.addf %get3A_880, %get3A_886 : vector<16xf32>
            %max3A_888 = arith.constant 0.000000e+00 : f32
            %max3A_889 = vector.broadcast %max3A_888 : f32 to vector<16xf32>
            %max3A_890 = arith.maximumf %add3A_887, %max3A_889 : vector<16xf32>
            %swap3A_891 = arith.constant 0 : i32
            %swap3A_892 = arith.index_cast %swap3A_891 : i32 to index
            %swap3A_893 = arith.index_cast %add3A_782 : i32 to index
            %swap3A_894 = arith.constant 64 : index
            %swap3A_895 = tpu.vector_load %arg14[%swap3A_892, %swap3A_893, %swap3A_894] {strides = array<i32>} : memref<2x40x128xf32, #tpu.memory_space<vmem>>, vector<1x1x16xf32>,
            %swap3A_896 = vector.shape_cast %swap3A_895 : vector<1x1x16xf32> to vector<16xf32>
            %swap3A_897 = vector.shape_cast %max3A_890 : vector<16xf32> to vector<1x1x16xf32>
            tpu.vector_store %arg14[%swap3A_892, %swap3A_893, %swap3A_894], %swap3A_897 {strides = array<i32>} : memref<2x40x128xf32, #tpu.memory_space<vmem>>, vector<1x1x16xf32>,
            %get3A_898 = arith.constant 0 : i32
            %get3A_899 = arith.index_cast %get3A_898 : i32 to index
            %get3A_900 = arith.index_cast %add3A_782 : i32 to index
            %get3A_901 = arith.constant 80 : index
            %get3A_902 = tpu.vector_load %arg12[%get3A_899, %get3A_900, %get3A_901] {strides = array<i32>} : memref<2x40x128xf32, #tpu.memory_space<vmem>>, vector<1x1x16xf32>,
            %get3A_903 = vector.shape_cast %get3A_902 : vector<1x1x16xf32> to vector<16xf32>
            %get3A_904 = arith.constant 0 : i32
            %get3A_905 = arith.index_cast %get3A_904 : i32 to index
            %get3A_906 = arith.index_cast %add3A_782 : i32 to index
            %get3A_907 = arith.constant 80 : index
            %get3A_908 = tpu.vector_load %arg13[%get3A_905, %get3A_906, %get3A_907] {strides = array<i32>} : memref<2x40x128xf32, #tpu.memory_space<vmem>>, vector<1x1x16xf32>,
            %get3A_909 = vector.shape_cast %get3A_908 : vector<1x1x16xf32> to vector<16xf32>
            %add3A_910 = arith.addf %get3A_903, %get3A_909 : vector<16xf32>
            %max3A_911 = arith.constant 0.000000e+00 : f32
            %max3A_912 = vector.broadcast %max3A_911 : f32 to vector<16xf32>
            %max3A_913 = arith.maximumf %add3A_910, %max3A_912 : vector<16xf32>
            %swap3A_914 = arith.constant 0 : i32
            %swap3A_915 = arith.index_cast %swap3A_914 : i32 to index
            %swap3A_916 = arith.index_cast %add3A_782 : i32 to index
            %swap3A_917 = arith.constant 80 : index
            %swap3A_918 = tpu.vector_load %arg14[%swap3A_915, %swap3A_916, %swap3A_917] {strides = array<i32>} : memref<2x40x128xf32, #tpu.memory_space<vmem>>, vector<1x1x16xf32>,
            %swap3A_919 = vector.shape_cast %swap3A_918 : vector<1x1x16xf32> to vector<16xf32>
            %swap3A_920 = vector.shape_cast %max3A_913 : vector<16xf32> to vector<1x1x16xf32>
            tpu.vector_store %arg14[%swap3A_915, %swap3A_916, %swap3A_917], %swap3A_920 {strides = array<i32>} : memref<2x40x128xf32, #tpu.memory_space<vmem>>, vector<1x1x16xf32>,
            %get3A_921 = arith.constant 0 : i32
            %get3A_922 = arith.index_cast %get3A_921 : i32 to index
            %get3A_923 = arith.index_cast %add3A_782 : i32 to index
            %get3A_924 = arith.constant 96 : index
            %get3A_925 = tpu.vector_load %arg12[%get3A_922, %get3A_923, %get3A_924] {strides = array<i32>} : memref<2x40x128xf32, #tpu.memory_space<vmem>>, vector<1x1x16xf32>,
            %get3A_926 = vector.shape_cast %get3A_925 : vector<1x1x16xf32> to vector<16xf32>
            %get3A_927 = arith.constant 0 : i32
            %get3A_928 = arith.index_cast %get3A_927 : i32 to index
            %get3A_929 = arith.index_cast %add3A_782 : i32 to index
            %get3A_930 = arith.constant 96 : index
            %get3A_931 = tpu.vector_load %arg13[%get3A_928, %get3A_929, %get3A_930] {strides = array<i32>} : memref<2x40x128xf32, #tpu.memory_space<vmem>>, vector<1x1x16xf32>,
            %get3A_932 = vector.shape_cast %get3A_931 : vector<1x1x16xf32> to vector<16xf32>
            %add3A_933 = arith.addf %get3A_926, %get3A_932 : vector<16xf32>
            %max3A_934 = arith.constant 0.000000e+00 : f32
            %max3A_935 = vector.broadcast %max3A_934 : f32 to vector<16xf32>
            %max3A_936 = arith.maximumf %add3A_933, %max3A_935 : vector<16xf32>
            %swap3A_937 = arith.constant 0 : i32
            %swap3A_938 = arith.index_cast %swap3A_937 : i32 to index
            %swap3A_939 = arith.index_cast %add3A_782 : i32 to index
            %swap3A_940 = arith.constant 96 : index
            %swap3A_941 = tpu.vector_load %arg14[%swap3A_938, %swap3A_939, %swap3A_940] {strides = array<i32>} : memref<2x40x128xf32, #tpu.memory_space<vmem>>, vector<1x1x16xf32>,
            %swap3A_942 = vector.shape_cast %swap3A_941 : vector<1x1x16xf32> to vector<16xf32>
            %swap3A_943 = vector.shape_cast %max3A_936 : vector<16xf32> to vector<1x1x16xf32>
            tpu.vector_store %arg14[%swap3A_938, %swap3A_939, %swap3A_940], %swap3A_943 {strides = array<i32>} : memref<2x40x128xf32, #tpu.memory_space<vmem>>, vector<1x1x16xf32>,
            %get3A_944 = arith.constant 0 : i32
            %get3A_945 = arith.index_cast %get3A_944 : i32 to index
            %get3A_946 = arith.index_cast %add3A_782 : i32 to index
            %get3A_947 = arith.constant 112 : index
            %get3A_948 = tpu.vector_load %arg12[%get3A_945, %get3A_946, %get3A_947] {strides = array<i32>} : memref<2x40x128xf32, #tpu.memory_space<vmem>>, vector<1x1x16xf32>,
            %get3A_949 = vector.shape_cast %get3A_948 : vector<1x1x16xf32> to vector<16xf32>
            %get3A_950 = arith.constant 0 : i32
            %get3A_951 = arith.index_cast %get3A_950 : i32 to index
            %get3A_952 = arith.index_cast %add3A_782 : i32 to index
            %get3A_953 = arith.constant 112 : index
            %get3A_954 = tpu.vector_load %arg13[%get3A_951, %get3A_952, %get3A_953] {strides = array<i32>} : memref<2x40x128xf32, #tpu.memory_space<vmem>>, vector<1x1x16xf32>,
            %get3A_955 = vector.shape_cast %get3A_954 : vector<1x1x16xf32> to vector<16xf32>
            %add3A_956 = arith.addf %get3A_949, %get3A_955 : vector<16xf32>
            %max3A_957 = arith.constant 0.000000e+00 : f32
            %max3A_958 = vector.broadcast %max3A_957 : f32 to vector<16xf32>
            %max3A_959 = arith.maximumf %add3A_956, %max3A_958 : vector<16xf32>
            %swap3A_960 = arith.constant 0 : i32
            %swap3A_961 = arith.index_cast %swap3A_960 : i32 to index
            %swap3A_962 = arith.index_cast %add3A_782 : i32 to index
            %swap3A_963 = arith.constant 112 : index
            %swap3A_964 = tpu.vector_load %arg14[%swap3A_961, %swap3A_962, %swap3A_963] {strides = array<i32>} : memref<2x40x128xf32, #tpu.memory_space<vmem>>, vector<1x1x16xf32>,
            %swap3A_965 = vector.shape_cast %swap3A_964 : vector<1x1x16xf32> to vector<16xf32>
            %swap3A_966 = vector.shape_cast %max3A_959 : vector<16xf32> to vector<1x1x16xf32>
            tpu.vector_store %arg14[%swap3A_961, %swap3A_962, %swap3A_963], %swap3A_966 {strides = array<i32>} : memref<2x40x128xf32, #tpu.memory_space<vmem>>, vector<1x1x16xf32>,
            %scan3A_967 = arith.constant 0 : i32
            scf.yield %scan3A_967 : i32
          }
          %scan3A_147 = arith.constant 10 : i32
          %dma_start3A_148 = arith.constant 0 : i32
          %dma_start3A_149 = arith.constant 0 : i32
          %dma_start3A_150 = arith.constant 0 : i32
          %dma_start3A_151 = tpu.memref_slice %arg14[%dma_start3A_148, %dma_start3A_149, %dma_start3A_150] : memref<2x40x128xf32, #tpu.memory_space<vmem>> -> memref<1x40x128xf32, #tpu.memory_space<vmem>>
          %dma_start3A_152 = tpu.memref_squeeze %dma_start3A_151 : memref<1x40x128xf32, #tpu.memory_space<vmem>> -> memref<40x128xf32, #tpu.memory_space<vmem>>
          %dma_start3A_153 = arith.constant 0 : i32
          %dma_start3A_154 = tpu.memref_slice %arg11[%add3A_107, %dma_start3A_153] : memref<50x40xi32, #tpu.memory_space<vmem>> -> memref<1x40xi32, #tpu.memory_space<vmem>>
          %dma_start3A_155 = tpu.memref_squeeze %dma_start3A_154 : memref<1x40xi32, #tpu.memory_space<vmem>> -> memref<40xi32, #tpu.memory_space<vmem>>
          %dma_start3A_156 = arith.constant 0 : i32
          %dma_start3A_157 = arith.constant 0 : i32
          %dma_start3A_158 = tpu.memref_slice %arg9[%dma_start3A_156, %dma_start3A_157] : memref<10240x128xf32, #tpu.memory_space<vmem_shared>> -> memref<10240x128xf32, #tpu.memory_space<vmem_shared>>
          tpu.enqueue_indirect_dma source(%dma_start3A_152 : memref<40x128xf32, #tpu.memory_space<vmem>>) target(%dma_start3A_158 : memref<10240x128xf32, #tpu.memory_space<vmem_shared>>) offsets(%dma_start3A_155 : memref<40xi32, #tpu.memory_space<vmem>>) semaphore(%arg20 : memref<!tpu.dma_semaphore, #tpu.memory_space<semaphore_mem>>) {add = true}
          %mul3A_159 = arith.constant 2 : i32
          %mul3A_160 = arith.muli %scan3A_103, %mul3A_159 : i32
          %add3A_161 = arith.constant 1 : i32
          %add3A_162 = arith.addi %mul3A_160, %add3A_161 : i32
          %add3A_163 = arith.constant 1 : i32
          %add3A_164 = arith.addi %add3A_162, %add3A_163 : i32
          %lt3A_165 = arith.constant 50 : i32
          %lt3A_166 = arith.cmpi slt, %add3A_164, %lt3A_165 : i32
          %convert_element_type3A_167 = arith.extui %lt3A_166 : i1 to i32
          %cond3A_168 = arith.constant 0 : i32
          %cond3A_169 = arith.cmpi ne, %convert_element_type3A_167, %cond3A_168 : i32
          scf.if %cond3A_169 {
            %dma_start3A_216 = arith.constant 0 : i32
            %dma_start3A_217 = arith.constant 0 : i32
            %dma_start3A_218 = arith.constant 0 : i32
            %dma_start3A_219 = tpu.memref_slice %arg12[%dma_start3A_216, %dma_start3A_217, %dma_start3A_218] : memref<2x40x128xf32, #tpu.memory_space<vmem>> -> memref<1x40x128xf32, #tpu.memory_space<vmem>>
            %dma_start3A_220 = tpu.memref_squeeze %dma_start3A_219 : memref<1x40x128xf32, #tpu.memory_space<vmem>> -> memref<40x128xf32, #tpu.memory_space<vmem>>
            %dma_start3A_221 = arith.constant 0 : i32
            %dma_start3A_222 = tpu.memref_slice %arg10[%add3A_164, %dma_start3A_221] : memref<50x40xi32, #tpu.memory_space<vmem>> -> memref<1x40xi32, #tpu.memory_space<vmem>>
            %dma_start3A_223 = tpu.memref_squeeze %dma_start3A_222 : memref<1x40xi32, #tpu.memory_space<vmem>> -> memref<40xi32, #tpu.memory_space<vmem>>
            %dma_start3A_224 = arith.constant 0 : i32
            %dma_start3A_225 = arith.constant 0 : i32
            %dma_start3A_226 = tpu.memref_slice %arg3[%dma_start3A_224, %dma_start3A_225] : memref<10000x128xf32, #tpu.memory_space<hbm>> -> memref<10000x128xf32, #tpu.memory_space<hbm>>
            tpu.enqueue_indirect_dma source(%dma_start3A_226 : memref<10000x128xf32, #tpu.memory_space<hbm>>) target(%dma_start3A_220 : memref<40x128xf32, #tpu.memory_space<vmem>>) offsets(%dma_start3A_223 : memref<40xi32, #tpu.memory_space<vmem>>) semaphore(%arg16 : memref<!tpu.dma_semaphore, #tpu.memory_space<semaphore_mem>>)
            %dma_start3A_227 = arith.constant 0 : i32
            %dma_start3A_228 = arith.constant 0 : i32
            %dma_start3A_229 = arith.constant 0 : i32
            %dma_start3A_230 = tpu.memref_slice %arg13[%dma_start3A_227, %dma_start3A_228, %dma_start3A_229] : memref<2x40x128xf32, #tpu.memory_space<vmem>> -> memref<1x40x128xf32, #tpu.memory_space<vmem>>
            %dma_start3A_231 = tpu.memref_squeeze %dma_start3A_230 : memref<1x40x128xf32, #tpu.memory_space<vmem>> -> memref<40x128xf32, #tpu.memory_space<vmem>>
            %dma_start3A_232 = arith.constant 0 : i32
            %dma_start3A_233 = tpu.memref_slice %arg11[%add3A_164, %dma_start3A_232] : memref<50x40xi32, #tpu.memory_space<vmem>> -> memref<1x40xi32, #tpu.memory_space<vmem>>
            %dma_start3A_234 = tpu.memref_squeeze %dma_start3A_233 : memref<1x40xi32, #tpu.memory_space<vmem>> -> memref<40xi32, #tpu.memory_space<vmem>>
            %dma_start3A_235 = arith.constant 0 : i32
            %dma_start3A_236 = arith.constant 0 : i32
            %dma_start3A_237 = tpu.memref_slice %arg5[%dma_start3A_235, %dma_start3A_236] : memref<10000x128xf32, #tpu.memory_space<hbm>> -> memref<10000x128xf32, #tpu.memory_space<hbm>>
            tpu.enqueue_indirect_dma source(%dma_start3A_237 : memref<10000x128xf32, #tpu.memory_space<hbm>>) target(%dma_start3A_231 : memref<40x128xf32, #tpu.memory_space<vmem>>) offsets(%dma_start3A_234 : memref<40xi32, #tpu.memory_space<vmem>>) semaphore(%arg18 : memref<!tpu.dma_semaphore, #tpu.memory_space<semaphore_mem>>)
          } else {
          }
          %ge3A_170 = arith.constant 2 : i32
          %ge3A_171 = arith.cmpi sge, %add3A_162, %ge3A_170 : i32
          %convert_element_type3A_172 = arith.extui %ge3A_171 : i1 to i32
          %cond3A_173 = arith.constant 0 : i32
          %cond3A_174 = arith.cmpi ne, %convert_element_type3A_172, %cond3A_173 : i32
          scf.if %cond3A_174 {
            %sub3A = arith.constant 2 : i32
            %sub3A_216 = arith.subi %add3A_162, %sub3A : i32
            %dma_wait3A_217 = arith.constant 1 : i32
            %dma_wait3A_218 = arith.constant 0 : i32
            %dma_wait3A_219 = arith.constant 0 : i32
            %dma_wait3A_220 = tpu.memref_slice %arg14[%dma_wait3A_217, %dma_wait3A_218, %dma_wait3A_219] : memref<2x40x128xf32, #tpu.memory_space<vmem>> -> memref<1x40x128xf32, #tpu.memory_space<vmem>>
            %dma_wait3A_221 = tpu.memref_squeeze %dma_wait3A_220 : memref<1x40x128xf32, #tpu.memory_space<vmem>> -> memref<40x128xf32, #tpu.memory_space<vmem>>
            %dma_wait3A_222 = arith.constant 0 : i32
            %dma_wait3A_223 = tpu.memref_slice %arg11[%sub3A_216, %dma_wait3A_222] : memref<50x40xi32, #tpu.memory_space<vmem>> -> memref<1x40xi32, #tpu.memory_space<vmem>>
            %dma_wait3A_224 = tpu.memref_squeeze %dma_wait3A_223 : memref<1x40xi32, #tpu.memory_space<vmem>> -> memref<40xi32, #tpu.memory_space<vmem>>
            %dma_wait3A_225 = arith.constant 0 : i32
            %dma_wait3A_226 = arith.constant 0 : i32
            %dma_wait3A_227 = tpu.memref_slice %arg9[%dma_wait3A_225, %dma_wait3A_226] : memref<10240x128xf32, #tpu.memory_space<vmem_shared>> -> memref<10240x128xf32, #tpu.memory_space<vmem_shared>>
            tpu.wait_indirect_dma semaphore(%arg21 : memref<!tpu.dma_semaphore, #tpu.memory_space<semaphore_mem>>) src(%dma_wait3A_221 : memref<40x128xf32, #tpu.memory_space<vmem>>) dst(%dma_wait3A_227 : memref<10240x128xf32, #tpu.memory_space<vmem_shared>>)
          } else {
          }
          %dma_wait3A_175 = arith.constant 1 : i32
          %dma_wait3A_176 = arith.constant 0 : i32
          %dma_wait3A_177 = arith.constant 0 : i32
          %dma_wait3A_178 = tpu.memref_slice %arg12[%dma_wait3A_175, %dma_wait3A_176, %dma_wait3A_177] : memref<2x40x128xf32, #tpu.memory_space<vmem>> -> memref<1x40x128xf32, #tpu.memory_space<vmem>>
          %dma_wait3A_179 = tpu.memref_squeeze %dma_wait3A_178 : memref<1x40x128xf32, #tpu.memory_space<vmem>> -> memref<40x128xf32, #tpu.memory_space<vmem>>
          %dma_wait3A_180 = arith.constant 0 : i32
          %dma_wait3A_181 = tpu.memref_slice %arg10[%add3A_162, %dma_wait3A_180] : memref<50x40xi32, #tpu.memory_space<vmem>> -> memref<1x40xi32, #tpu.memory_space<vmem>>
          %dma_wait3A_182 = tpu.memref_squeeze %dma_wait3A_181 : memref<1x40xi32, #tpu.memory_space<vmem>> -> memref<40xi32, #tpu.memory_space<vmem>>
          %dma_wait3A_183 = arith.constant 0 : i32
          %dma_wait3A_184 = arith.constant 0 : i32
          %dma_wait3A_185 = tpu.memref_slice %arg3[%dma_wait3A_183, %dma_wait3A_184] : memref<10000x128xf32, #tpu.memory_space<hbm>> -> memref<10000x128xf32, #tpu.memory_space<hbm>>
          tpu.wait_indirect_dma semaphore(%arg17 : memref<!tpu.dma_semaphore, #tpu.memory_space<semaphore_mem>>) src(%dma_wait3A_185 : memref<10000x128xf32, #tpu.memory_space<hbm>>) dst(%dma_wait3A_179 : memref<40x128xf32, #tpu.memory_space<vmem>>)
          %dma_wait3A_186 = arith.constant 1 : i32
          %dma_wait3A_187 = arith.constant 0 : i32
          %dma_wait3A_188 = arith.constant 0 : i32
          %dma_wait3A_189 = tpu.memref_slice %arg13[%dma_wait3A_186, %dma_wait3A_187, %dma_wait3A_188] : memref<2x40x128xf32, #tpu.memory_space<vmem>> -> memref<1x40x128xf32, #tpu.memory_space<vmem>>
          %dma_wait3A_190 = tpu.memref_squeeze %dma_wait3A_189 : memref<1x40x128xf32, #tpu.memory_space<vmem>> -> memref<40x128xf32, #tpu.memory_space<vmem>>
          %dma_wait3A_191 = arith.constant 0 : i32
          %dma_wait3A_192 = tpu.memref_slice %arg11[%add3A_162, %dma_wait3A_191] : memref<50x40xi32, #tpu.memory_space<vmem>> -> memref<1x40xi32, #tpu.memory_space<vmem>>
          %dma_wait3A_193 = tpu.memref_squeeze %dma_wait3A_192 : memref<1x40xi32, #tpu.memory_space<vmem>> -> memref<40xi32, #tpu.memory_space<vmem>>
          %dma_wait3A_194 = arith.constant 0 : i32
          %dma_wait3A_195 = arith.constant 0 : i32
          %dma_wait3A_196 = tpu.memref_slice %arg5[%dma_wait3A_194, %dma_wait3A_195] : memref<10000x128xf32, #tpu.memory_space<hbm>> -> memref<10000x128xf32, #tpu.memory_space<hbm>>
          tpu.wait_indirect_dma semaphore(%arg19 : memref<!tpu.dma_semaphore, #tpu.memory_space<semaphore_mem>>) src(%dma_wait3A_196 : memref<10000x128xf32, #tpu.memory_space<hbm>>) dst(%dma_wait3A_190 : memref<40x128xf32, #tpu.memory_space<vmem>>)
          %scan3A_197 = arith.constant 0 : i32
          %scan3A_198 = arith.constant 0 : i32
          %scan3A_199 = arith.constant 10 : i32
          %scan3A_200 = arith.addi %scan3A_198, %scan3A_199 : i32
          %scan3A_201 = arith.constant 1 : i32
          %scan3A_202 = scf.for %scan3A_216 = %scan3A_198 to %scan3A_200 step %scan3A_201 iter_args(%scan3A_217 = %scan3A_197) -> (i32)  : i32 {
            %mul3A_218 = arith.constant 4 : i32
            %mul3A_219 = arith.muli %scan3A_216, %mul3A_218 : i32
            %add3A_220 = arith.constant 0 : i32
            %add3A_221 = arith.addi %mul3A_219, %add3A_220 : i32
            %get3A = arith.constant 1 : i32
            %get3A_222 = arith.index_cast %get3A : i32 to index
            %get3A_223 = arith.index_cast %add3A_221 : i32 to index
            %get3A_224 = arith.constant 0 : index
            %get3A_225 = tpu.vector_load %arg12[%get3A_222, %get3A_223, %get3A_224] {strides = array<i32>} : memref<2x40x128xf32, #tpu.memory_space<vmem>>, vector<1x1x16xf32>,
            %get3A_226 = vector.shape_cast %get3A_225 : vector<1x1x16xf32> to vector<16xf32>
            %get3A_227 = arith.constant 1 : i32
            %get3A_228 = arith.index_cast %get3A_227 : i32 to index
            %get3A_229 = arith.index_cast %add3A_221 : i32 to index
            %get3A_230 = arith.constant 0 : index
            %get3A_231 = tpu.vector_load %arg13[%get3A_228, %get3A_229, %get3A_230] {strides = array<i32>} : memref<2x40x128xf32, #tpu.memory_space<vmem>>, vector<1x1x16xf32>,
            %get3A_232 = vector.shape_cast %get3A_231 : vector<1x1x16xf32> to vector<16xf32>
            %add3A_233 = arith.addf %get3A_226, %get3A_232 : vector<16xf32>
            %max3A = arith.constant 0.000000e+00 : f32
            %max3A_234 = vector.broadcast %max3A : f32 to vector<16xf32>
            %max3A_235 = arith.maximumf %add3A_233, %max3A_234 : vector<16xf32>
            %swap3A = arith.constant 1 : i32
            %swap3A_236 = arith.index_cast %swap3A : i32 to index
            %swap3A_237 = arith.index_cast %add3A_221 : i32 to index
            %swap3A_238 = arith.constant 0 : index
            %swap3A_239 = tpu.vector_load %arg14[%swap3A_236, %swap3A_237, %swap3A_238] {strides = array<i32>} : memref<2x40x128xf32, #tpu.memory_space<vmem>>, vector<1x1x16xf32>,
            %swap3A_240 = vector.shape_cast %swap3A_239 : vector<1x1x16xf32> to vector<16xf32>
            %swap3A_241 = vector.shape_cast %max3A_235 : vector<16xf32> to vector<1x1x16xf32>
            tpu.vector_store %arg14[%swap3A_236, %swap3A_237, %swap3A_238], %swap3A_241 {strides = array<i32>} : memref<2x40x128xf32, #tpu.memory_space<vmem>>, vector<1x1x16xf32>,
            %get3A_242 = arith.constant 1 : i32
            %get3A_243 = arith.index_cast %get3A_242 : i32 to index
            %get3A_244 = arith.index_cast %add3A_221 : i32 to index
            %get3A_245 = arith.constant 16 : index
            %get3A_246 = tpu.vector_load %arg12[%get3A_243, %get3A_244, %get3A_245] {strides = array<i32>} : memref<2x40x128xf32, #tpu.memory_space<vmem>>, vector<1x1x16xf32>,
            %get3A_247 = vector.shape_cast %get3A_246 : vector<1x1x16xf32> to vector<16xf32>
            %get3A_248 = arith.constant 1 : i32
            %get3A_249 = arith.index_cast %get3A_248 : i32 to index
            %get3A_250 = arith.index_cast %add3A_221 : i32 to index
            %get3A_251 = arith.constant 16 : index
            %get3A_252 = tpu.vector_load %arg13[%get3A_249, %get3A_250, %get3A_251] {strides = array<i32>} : memref<2x40x128xf32, #tpu.memory_space<vmem>>, vector<1x1x16xf32>,
            %get3A_253 = vector.shape_cast %get3A_252 : vector<1x1x16xf32> to vector<16xf32>
            %add3A_254 = arith.addf %get3A_247, %get3A_253 : vector<16xf32>
            %max3A_255 = arith.constant 0.000000e+00 : f32
            %max3A_256 = vector.broadcast %max3A_255 : f32 to vector<16xf32>
            %max3A_257 = arith.maximumf %add3A_254, %max3A_256 : vector<16xf32>
            %swap3A_258 = arith.constant 1 : i32
            %swap3A_259 = arith.index_cast %swap3A_258 : i32 to index
            %swap3A_260 = arith.index_cast %add3A_221 : i32 to index
            %swap3A_261 = arith.constant 16 : index
            %swap3A_262 = tpu.vector_load %arg14[%swap3A_259, %swap3A_260, %swap3A_261] {strides = array<i32>} : memref<2x40x128xf32, #tpu.memory_space<vmem>>, vector<1x1x16xf32>,
            %swap3A_263 = vector.shape_cast %swap3A_262 : vector<1x1x16xf32> to vector<16xf32>
            %swap3A_264 = vector.shape_cast %max3A_257 : vector<16xf32> to vector<1x1x16xf32>
            tpu.vector_store %arg14[%swap3A_259, %swap3A_260, %swap3A_261], %swap3A_264 {strides = array<i32>} : memref<2x40x128xf32, #tpu.memory_space<vmem>>, vector<1x1x16xf32>,
            %get3A_265 = arith.constant 1 : i32
            %get3A_266 = arith.index_cast %get3A_265 : i32 to index
            %get3A_267 = arith.index_cast %add3A_221 : i32 to index
            %get3A_268 = arith.constant 32 : index
            %get3A_269 = tpu.vector_load %arg12[%get3A_266, %get3A_267, %get3A_268] {strides = array<i32>} : memref<2x40x128xf32, #tpu.memory_space<vmem>>, vector<1x1x16xf32>,
            %get3A_270 = vector.shape_cast %get3A_269 : vector<1x1x16xf32> to vector<16xf32>
            %get3A_271 = arith.constant 1 : i32
            %get3A_272 = arith.index_cast %get3A_271 : i32 to index
            %get3A_273 = arith.index_cast %add3A_221 : i32 to index
            %get3A_274 = arith.constant 32 : index
            %get3A_275 = tpu.vector_load %arg13[%get3A_272, %get3A_273, %get3A_274] {strides = array<i32>} : memref<2x40x128xf32, #tpu.memory_space<vmem>>, vector<1x1x16xf32>,
            %get3A_276 = vector.shape_cast %get3A_275 : vector<1x1x16xf32> to vector<16xf32>
            %add3A_277 = arith.addf %get3A_270, %get3A_276 : vector<16xf32>
            %max3A_278 = arith.constant 0.000000e+00 : f32
            %max3A_279 = vector.broadcast %max3A_278 : f32 to vector<16xf32>
            %max3A_280 = arith.maximumf %add3A_277, %max3A_279 : vector<16xf32>
            %swap3A_281 = arith.constant 1 : i32
            %swap3A_282 = arith.index_cast %swap3A_281 : i32 to index
            %swap3A_283 = arith.index_cast %add3A_221 : i32 to index
            %swap3A_284 = arith.constant 32 : index
            %swap3A_285 = tpu.vector_load %arg14[%swap3A_282, %swap3A_283, %swap3A_284] {strides = array<i32>} : memref<2x40x128xf32, #tpu.memory_space<vmem>>, vector<1x1x16xf32>,
            %swap3A_286 = vector.shape_cast %swap3A_285 : vector<1x1x16xf32> to vector<16xf32>
            %swap3A_287 = vector.shape_cast %max3A_280 : vector<16xf32> to vector<1x1x16xf32>
            tpu.vector_store %arg14[%swap3A_282, %swap3A_283, %swap3A_284], %swap3A_287 {strides = array<i32>} : memref<2x40x128xf32, #tpu.memory_space<vmem>>, vector<1x1x16xf32>,
            %get3A_288 = arith.constant 1 : i32
            %get3A_289 = arith.index_cast %get3A_288 : i32 to index
            %get3A_290 = arith.index_cast %add3A_221 : i32 to index
            %get3A_291 = arith.constant 48 : index
            %get3A_292 = tpu.vector_load %arg12[%get3A_289, %get3A_290, %get3A_291] {strides = array<i32>} : memref<2x40x128xf32, #tpu.memory_space<vmem>>, vector<1x1x16xf32>,
            %get3A_293 = vector.shape_cast %get3A_292 : vector<1x1x16xf32> to vector<16xf32>
            %get3A_294 = arith.constant 1 : i32
            %get3A_295 = arith.index_cast %get3A_294 : i32 to index
            %get3A_296 = arith.index_cast %add3A_221 : i32 to index
            %get3A_297 = arith.constant 48 : index
            %get3A_298 = tpu.vector_load %arg13[%get3A_295, %get3A_296, %get3A_297] {strides = array<i32>} : memref<2x40x128xf32, #tpu.memory_space<vmem>>, vector<1x1x16xf32>,
            %get3A_299 = vector.shape_cast %get3A_298 : vector<1x1x16xf32> to vector<16xf32>
            %add3A_300 = arith.addf %get3A_293, %get3A_299 : vector<16xf32>
            %max3A_301 = arith.constant 0.000000e+00 : f32
            %max3A_302 = vector.broadcast %max3A_301 : f32 to vector<16xf32>
            %max3A_303 = arith.maximumf %add3A_300, %max3A_302 : vector<16xf32>
            %swap3A_304 = arith.constant 1 : i32
            %swap3A_305 = arith.index_cast %swap3A_304 : i32 to index
            %swap3A_306 = arith.index_cast %add3A_221 : i32 to index
            %swap3A_307 = arith.constant 48 : index
            %swap3A_308 = tpu.vector_load %arg14[%swap3A_305, %swap3A_306, %swap3A_307] {strides = array<i32>} : memref<2x40x128xf32, #tpu.memory_space<vmem>>, vector<1x1x16xf32>,
            %swap3A_309 = vector.shape_cast %swap3A_308 : vector<1x1x16xf32> to vector<16xf32>
            %swap3A_310 = vector.shape_cast %max3A_303 : vector<16xf32> to vector<1x1x16xf32>
            tpu.vector_store %arg14[%swap3A_305, %swap3A_306, %swap3A_307], %swap3A_310 {strides = array<i32>} : memref<2x40x128xf32, #tpu.memory_space<vmem>>, vector<1x1x16xf32>,
            %get3A_311 = arith.constant 1 : i32
            %get3A_312 = arith.index_cast %get3A_311 : i32 to index
            %get3A_313 = arith.index_cast %add3A_221 : i32 to index
            %get3A_314 = arith.constant 64 : index
            %get3A_315 = tpu.vector_load %arg12[%get3A_312, %get3A_313, %get3A_314] {strides = array<i32>} : memref<2x40x128xf32, #tpu.memory_space<vmem>>, vector<1x1x16xf32>,
            %get3A_316 = vector.shape_cast %get3A_315 : vector<1x1x16xf32> to vector<16xf32>
            %get3A_317 = arith.constant 1 : i32
            %get3A_318 = arith.index_cast %get3A_317 : i32 to index
            %get3A_319 = arith.index_cast %add3A_221 : i32 to index
            %get3A_320 = arith.constant 64 : index
            %get3A_321 = tpu.vector_load %arg13[%get3A_318, %get3A_319, %get3A_320] {strides = array<i32>} : memref<2x40x128xf32, #tpu.memory_space<vmem>>, vector<1x1x16xf32>,
            %get3A_322 = vector.shape_cast %get3A_321 : vector<1x1x16xf32> to vector<16xf32>
            %add3A_323 = arith.addf %get3A_316, %get3A_322 : vector<16xf32>
            %max3A_324 = arith.constant 0.000000e+00 : f32
            %max3A_325 = vector.broadcast %max3A_324 : f32 to vector<16xf32>
            %max3A_326 = arith.maximumf %add3A_323, %max3A_325 : vector<16xf32>
            %swap3A_327 = arith.constant 1 : i32
            %swap3A_328 = arith.index_cast %swap3A_327 : i32 to index
            %swap3A_329 = arith.index_cast %add3A_221 : i32 to index
            %swap3A_330 = arith.constant 64 : index
            %swap3A_331 = tpu.vector_load %arg14[%swap3A_328, %swap3A_329, %swap3A_330] {strides = array<i32>} : memref<2x40x128xf32, #tpu.memory_space<vmem>>, vector<1x1x16xf32>,
            %swap3A_332 = vector.shape_cast %swap3A_331 : vector<1x1x16xf32> to vector<16xf32>
            %swap3A_333 = vector.shape_cast %max3A_326 : vector<16xf32> to vector<1x1x16xf32>
            tpu.vector_store %arg14[%swap3A_328, %swap3A_329, %swap3A_330], %swap3A_333 {strides = array<i32>} : memref<2x40x128xf32, #tpu.memory_space<vmem>>, vector<1x1x16xf32>,
            %get3A_334 = arith.constant 1 : i32
            %get3A_335 = arith.index_cast %get3A_334 : i32 to index
            %get3A_336 = arith.index_cast %add3A_221 : i32 to index
            %get3A_337 = arith.constant 80 : index
            %get3A_338 = tpu.vector_load %arg12[%get3A_335, %get3A_336, %get3A_337] {strides = array<i32>} : memref<2x40x128xf32, #tpu.memory_space<vmem>>, vector<1x1x16xf32>,
            %get3A_339 = vector.shape_cast %get3A_338 : vector<1x1x16xf32> to vector<16xf32>
            %get3A_340 = arith.constant 1 : i32
            %get3A_341 = arith.index_cast %get3A_340 : i32 to index
            %get3A_342 = arith.index_cast %add3A_221 : i32 to index
            %get3A_343 = arith.constant 80 : index
            %get3A_344 = tpu.vector_load %arg13[%get3A_341, %get3A_342, %get3A_343] {strides = array<i32>} : memref<2x40x128xf32, #tpu.memory_space<vmem>>, vector<1x1x16xf32>,
            %get3A_345 = vector.shape_cast %get3A_344 : vector<1x1x16xf32> to vector<16xf32>
            %add3A_346 = arith.addf %get3A_339, %get3A_345 : vector<16xf32>
            %max3A_347 = arith.constant 0.000000e+00 : f32
            %max3A_348 = vector.broadcast %max3A_347 : f32 to vector<16xf32>
            %max3A_349 = arith.maximumf %add3A_346, %max3A_348 : vector<16xf32>
            %swap3A_350 = arith.constant 1 : i32
            %swap3A_351 = arith.index_cast %swap3A_350 : i32 to index
            %swap3A_352 = arith.index_cast %add3A_221 : i32 to index
            %swap3A_353 = arith.constant 80 : index
            %swap3A_354 = tpu.vector_load %arg14[%swap3A_351, %swap3A_352, %swap3A_353] {strides = array<i32>} : memref<2x40x128xf32, #tpu.memory_space<vmem>>, vector<1x1x16xf32>,
            %swap3A_355 = vector.shape_cast %swap3A_354 : vector<1x1x16xf32> to vector<16xf32>
            %swap3A_356 = vector.shape_cast %max3A_349 : vector<16xf32> to vector<1x1x16xf32>
            tpu.vector_store %arg14[%swap3A_351, %swap3A_352, %swap3A_353], %swap3A_356 {strides = array<i32>} : memref<2x40x128xf32, #tpu.memory_space<vmem>>, vector<1x1x16xf32>,
            %get3A_357 = arith.constant 1 : i32
            %get3A_358 = arith.index_cast %get3A_357 : i32 to index
            %get3A_359 = arith.index_cast %add3A_221 : i32 to index
            %get3A_360 = arith.constant 96 : index
            %get3A_361 = tpu.vector_load %arg12[%get3A_358, %get3A_359, %get3A_360] {strides = array<i32>} : memref<2x40x128xf32, #tpu.memory_space<vmem>>, vector<1x1x16xf32>,
            %get3A_362 = vector.shape_cast %get3A_361 : vector<1x1x16xf32> to vector<16xf32>
            %get3A_363 = arith.constant 1 : i32
            %get3A_364 = arith.index_cast %get3A_363 : i32 to index
            %get3A_365 = arith.index_cast %add3A_221 : i32 to index
            %get3A_366 = arith.constant 96 : index
            %get3A_367 = tpu.vector_load %arg13[%get3A_364, %get3A_365, %get3A_366] {strides = array<i32>} : memref<2x40x128xf32, #tpu.memory_space<vmem>>, vector<1x1x16xf32>,
            %get3A_368 = vector.shape_cast %get3A_367 : vector<1x1x16xf32> to vector<16xf32>
            %add3A_369 = arith.addf %get3A_362, %get3A_368 : vector<16xf32>
            %max3A_370 = arith.constant 0.000000e+00 : f32
            %max3A_371 = vector.broadcast %max3A_370 : f32 to vector<16xf32>
            %max3A_372 = arith.maximumf %add3A_369, %max3A_371 : vector<16xf32>
            %swap3A_373 = arith.constant 1 : i32
            %swap3A_374 = arith.index_cast %swap3A_373 : i32 to index
            %swap3A_375 = arith.index_cast %add3A_221 : i32 to index
            %swap3A_376 = arith.constant 96 : index
            %swap3A_377 = tpu.vector_load %arg14[%swap3A_374, %swap3A_375, %swap3A_376] {strides = array<i32>} : memref<2x40x128xf32, #tpu.memory_space<vmem>>, vector<1x1x16xf32>,
            %swap3A_378 = vector.shape_cast %swap3A_377 : vector<1x1x16xf32> to vector<16xf32>
            %swap3A_379 = vector.shape_cast %max3A_372 : vector<16xf32> to vector<1x1x16xf32>
            tpu.vector_store %arg14[%swap3A_374, %swap3A_375, %swap3A_376], %swap3A_379 {strides = array<i32>} : memref<2x40x128xf32, #tpu.memory_space<vmem>>, vector<1x1x16xf32>,
            %get3A_380 = arith.constant 1 : i32
            %get3A_381 = arith.index_cast %get3A_380 : i32 to index
            %get3A_382 = arith.index_cast %add3A_221 : i32 to index
            %get3A_383 = arith.constant 112 : index
            %get3A_384 = tpu.vector_load %arg12[%get3A_381, %get3A_382, %get3A_383] {strides = array<i32>} : memref<2x40x128xf32, #tpu.memory_space<vmem>>, vector<1x1x16xf32>,
            %get3A_385 = vector.shape_cast %get3A_384 : vector<1x1x16xf32> to vector<16xf32>
            %get3A_386 = arith.constant 1 : i32
            %get3A_387 = arith.index_cast %get3A_386 : i32 to index
            %get3A_388 = arith.index_cast %add3A_221 : i32 to index
            %get3A_389 = arith.constant 112 : index
            %get3A_390 = tpu.vector_load %arg13[%get3A_387, %get3A_388, %get3A_389] {strides = array<i32>} : memref<2x40x128xf32, #tpu.memory_space<vmem>>, vector<1x1x16xf32>,
            %get3A_391 = vector.shape_cast %get3A_390 : vector<1x1x16xf32> to vector<16xf32>
            %add3A_392 = arith.addf %get3A_385, %get3A_391 : vector<16xf32>
            %max3A_393 = arith.constant 0.000000e+00 : f32
            %max3A_394 = vector.broadcast %max3A_393 : f32 to vector<16xf32>
            %max3A_395 = arith.maximumf %add3A_392, %max3A_394 : vector<16xf32>
            %swap3A_396 = arith.constant 1 : i32
            %swap3A_397 = arith.index_cast %swap3A_396 : i32 to index
            %swap3A_398 = arith.index_cast %add3A_221 : i32 to index
            %swap3A_399 = arith.constant 112 : index
            %swap3A_400 = tpu.vector_load %arg14[%swap3A_397, %swap3A_398, %swap3A_399] {strides = array<i32>} : memref<2x40x128xf32, #tpu.memory_space<vmem>>, vector<1x1x16xf32>,
            %swap3A_401 = vector.shape_cast %swap3A_400 : vector<1x1x16xf32> to vector<16xf32>
            %swap3A_402 = vector.shape_cast %max3A_395 : vector<16xf32> to vector<1x1x16xf32>
            tpu.vector_store %arg14[%swap3A_397, %swap3A_398, %swap3A_399], %swap3A_402 {strides = array<i32>} : memref<2x40x128xf32, #tpu.memory_space<vmem>>, vector<1x1x16xf32>,
            %mul3A_403 = arith.constant 4 : i32
            %mul3A_404 = arith.muli %scan3A_216, %mul3A_403 : i32
            %add3A_405 = arith.constant 1 : i32
            %add3A_406 = arith.addi %mul3A_404, %add3A_405 : i32
            %get3A_407 = arith.constant 1 : i32
            %get3A_408 = arith.index_cast %get3A_407 : i32 to index
            %get3A_409 = arith.index_cast %add3A_406 : i32 to index
            %get3A_410 = arith.constant 0 : index
            %get3A_411 = tpu.vector_load %arg12[%get3A_408, %get3A_409, %get3A_410] {strides = array<i32>} : memref<2x40x128xf32, #tpu.memory_space<vmem>>, vector<1x1x16xf32>,
            %get3A_412 = vector.shape_cast %get3A_411 : vector<1x1x16xf32> to vector<16xf32>
            %get3A_413 = arith.constant 1 : i32
            %get3A_414 = arith.index_cast %get3A_413 : i32 to index
            %get3A_415 = arith.index_cast %add3A_406 : i32 to index
            %get3A_416 = arith.constant 0 : index
            %get3A_417 = tpu.vector_load %arg13[%get3A_414, %get3A_415, %get3A_416] {strides = array<i32>} : memref<2x40x128xf32, #tpu.memory_space<vmem>>, vector<1x1x16xf32>,
            %get3A_418 = vector.shape_cast %get3A_417 : vector<1x1x16xf32> to vector<16xf32>
            %add3A_419 = arith.addf %get3A_412, %get3A_418 : vector<16xf32>
            %max3A_420 = arith.constant 0.000000e+00 : f32
            %max3A_421 = vector.broadcast %max3A_420 : f32 to vector<16xf32>
            %max3A_422 = arith.maximumf %add3A_419, %max3A_421 : vector<16xf32>
            %swap3A_423 = arith.constant 1 : i32
            %swap3A_424 = arith.index_cast %swap3A_423 : i32 to index
            %swap3A_425 = arith.index_cast %add3A_406 : i32 to index
            %swap3A_426 = arith.constant 0 : index
            %swap3A_427 = tpu.vector_load %arg14[%swap3A_424, %swap3A_425, %swap3A_426] {strides = array<i32>} : memref<2x40x128xf32, #tpu.memory_space<vmem>>, vector<1x1x16xf32>,
            %swap3A_428 = vector.shape_cast %swap3A_427 : vector<1x1x16xf32> to vector<16xf32>
            %swap3A_429 = vector.shape_cast %max3A_422 : vector<16xf32> to vector<1x1x16xf32>
            tpu.vector_store %arg14[%swap3A_424, %swap3A_425, %swap3A_426], %swap3A_429 {strides = array<i32>} : memref<2x40x128xf32, #tpu.memory_space<vmem>>, vector<1x1x16xf32>,
            %get3A_430 = arith.constant 1 : i32
            %get3A_431 = arith.index_cast %get3A_430 : i32 to index
            %get3A_432 = arith.index_cast %add3A_406 : i32 to index
            %get3A_433 = arith.constant 16 : index
            %get3A_434 = tpu.vector_load %arg12[%get3A_431, %get3A_432, %get3A_433] {strides = array<i32>} : memref<2x40x128xf32, #tpu.memory_space<vmem>>, vector<1x1x16xf32>,
            %get3A_435 = vector.shape_cast %get3A_434 : vector<1x1x16xf32> to vector<16xf32>
            %get3A_436 = arith.constant 1 : i32
            %get3A_437 = arith.index_cast %get3A_436 : i32 to index
            %get3A_438 = arith.index_cast %add3A_406 : i32 to index
            %get3A_439 = arith.constant 16 : index
            %get3A_440 = tpu.vector_load %arg13[%get3A_437, %get3A_438, %get3A_439] {strides = array<i32>} : memref<2x40x128xf32, #tpu.memory_space<vmem>>, vector<1x1x16xf32>,
            %get3A_441 = vector.shape_cast %get3A_440 : vector<1x1x16xf32> to vector<16xf32>
            %add3A_442 = arith.addf %get3A_435, %get3A_441 : vector<16xf32>
            %max3A_443 = arith.constant 0.000000e+00 : f32
            %max3A_444 = vector.broadcast %max3A_443 : f32 to vector<16xf32>
            %max3A_445 = arith.maximumf %add3A_442, %max3A_444 : vector<16xf32>
            %swap3A_446 = arith.constant 1 : i32
            %swap3A_447 = arith.index_cast %swap3A_446 : i32 to index
            %swap3A_448 = arith.index_cast %add3A_406 : i32 to index
            %swap3A_449 = arith.constant 16 : index
            %swap3A_450 = tpu.vector_load %arg14[%swap3A_447, %swap3A_448, %swap3A_449] {strides = array<i32>} : memref<2x40x128xf32, #tpu.memory_space<vmem>>, vector<1x1x16xf32>,
            %swap3A_451 = vector.shape_cast %swap3A_450 : vector<1x1x16xf32> to vector<16xf32>
            %swap3A_452 = vector.shape_cast %max3A_445 : vector<16xf32> to vector<1x1x16xf32>
            tpu.vector_store %arg14[%swap3A_447, %swap3A_448, %swap3A_449], %swap3A_452 {strides = array<i32>} : memref<2x40x128xf32, #tpu.memory_space<vmem>>, vector<1x1x16xf32>,
            %get3A_453 = arith.constant 1 : i32
            %get3A_454 = arith.index_cast %get3A_453 : i32 to index
            %get3A_455 = arith.index_cast %add3A_406 : i32 to index
            %get3A_456 = arith.constant 32 : index
            %get3A_457 = tpu.vector_load %arg12[%get3A_454, %get3A_455, %get3A_456] {strides = array<i32>} : memref<2x40x128xf32, #tpu.memory_space<vmem>>, vector<1x1x16xf32>,
            %get3A_458 = vector.shape_cast %get3A_457 : vector<1x1x16xf32> to vector<16xf32>
            %get3A_459 = arith.constant 1 : i32
            %get3A_460 = arith.index_cast %get3A_459 : i32 to index
            %get3A_461 = arith.index_cast %add3A_406 : i32 to index
            %get3A_462 = arith.constant 32 : index
            %get3A_463 = tpu.vector_load %arg13[%get3A_460, %get3A_461, %get3A_462] {strides = array<i32>} : memref<2x40x128xf32, #tpu.memory_space<vmem>>, vector<1x1x16xf32>,
            %get3A_464 = vector.shape_cast %get3A_463 : vector<1x1x16xf32> to vector<16xf32>
            %add3A_465 = arith.addf %get3A_458, %get3A_464 : vector<16xf32>
            %max3A_466 = arith.constant 0.000000e+00 : f32
            %max3A_467 = vector.broadcast %max3A_466 : f32 to vector<16xf32>
            %max3A_468 = arith.maximumf %add3A_465, %max3A_467 : vector<16xf32>
            %swap3A_469 = arith.constant 1 : i32
            %swap3A_470 = arith.index_cast %swap3A_469 : i32 to index
            %swap3A_471 = arith.index_cast %add3A_406 : i32 to index
            %swap3A_472 = arith.constant 32 : index
            %swap3A_473 = tpu.vector_load %arg14[%swap3A_470, %swap3A_471, %swap3A_472] {strides = array<i32>} : memref<2x40x128xf32, #tpu.memory_space<vmem>>, vector<1x1x16xf32>,
            %swap3A_474 = vector.shape_cast %swap3A_473 : vector<1x1x16xf32> to vector<16xf32>
            %swap3A_475 = vector.shape_cast %max3A_468 : vector<16xf32> to vector<1x1x16xf32>
            tpu.vector_store %arg14[%swap3A_470, %swap3A_471, %swap3A_472], %swap3A_475 {strides = array<i32>} : memref<2x40x128xf32, #tpu.memory_space<vmem>>, vector<1x1x16xf32>,
            %get3A_476 = arith.constant 1 : i32
            %get3A_477 = arith.index_cast %get3A_476 : i32 to index
            %get3A_478 = arith.index_cast %add3A_406 : i32 to index
            %get3A_479 = arith.constant 48 : index
            %get3A_480 = tpu.vector_load %arg12[%get3A_477, %get3A_478, %get3A_479] {strides = array<i32>} : memref<2x40x128xf32, #tpu.memory_space<vmem>>, vector<1x1x16xf32>,
            %get3A_481 = vector.shape_cast %get3A_480 : vector<1x1x16xf32> to vector<16xf32>
            %get3A_482 = arith.constant 1 : i32
            %get3A_483 = arith.index_cast %get3A_482 : i32 to index
            %get3A_484 = arith.index_cast %add3A_406 : i32 to index
            %get3A_485 = arith.constant 48 : index
            %get3A_486 = tpu.vector_load %arg13[%get3A_483, %get3A_484, %get3A_485] {strides = array<i32>} : memref<2x40x128xf32, #tpu.memory_space<vmem>>, vector<1x1x16xf32>,
            %get3A_487 = vector.shape_cast %get3A_486 : vector<1x1x16xf32> to vector<16xf32>
            %add3A_488 = arith.addf %get3A_481, %get3A_487 : vector<16xf32>
            %max3A_489 = arith.constant 0.000000e+00 : f32
            %max3A_490 = vector.broadcast %max3A_489 : f32 to vector<16xf32>
            %max3A_491 = arith.maximumf %add3A_488, %max3A_490 : vector<16xf32>
            %swap3A_492 = arith.constant 1 : i32
            %swap3A_493 = arith.index_cast %swap3A_492 : i32 to index
            %swap3A_494 = arith.index_cast %add3A_406 : i32 to index
            %swap3A_495 = arith.constant 48 : index
            %swap3A_496 = tpu.vector_load %arg14[%swap3A_493, %swap3A_494, %swap3A_495] {strides = array<i32>} : memref<2x40x128xf32, #tpu.memory_space<vmem>>, vector<1x1x16xf32>,
            %swap3A_497 = vector.shape_cast %swap3A_496 : vector<1x1x16xf32> to vector<16xf32>
            %swap3A_498 = vector.shape_cast %max3A_491 : vector<16xf32> to vector<1x1x16xf32>
            tpu.vector_store %arg14[%swap3A_493, %swap3A_494, %swap3A_495], %swap3A_498 {strides = array<i32>} : memref<2x40x128xf32, #tpu.memory_space<vmem>>, vector<1x1x16xf32>,
            %get3A_499 = arith.constant 1 : i32
            %get3A_500 = arith.index_cast %get3A_499 : i32 to index
            %get3A_501 = arith.index_cast %add3A_406 : i32 to index
            %get3A_502 = arith.constant 64 : index
            %get3A_503 = tpu.vector_load %arg12[%get3A_500, %get3A_501, %get3A_502] {strides = array<i32>} : memref<2x40x128xf32, #tpu.memory_space<vmem>>, vector<1x1x16xf32>,
            %get3A_504 = vector.shape_cast %get3A_503 : vector<1x1x16xf32> to vector<16xf32>
            %get3A_505 = arith.constant 1 : i32
            %get3A_506 = arith.index_cast %get3A_505 : i32 to index
            %get3A_507 = arith.index_cast %add3A_406 : i32 to index
            %get3A_508 = arith.constant 64 : index
            %get3A_509 = tpu.vector_load %arg13[%get3A_506, %get3A_507, %get3A_508] {strides = array<i32>} : memref<2x40x128xf32, #tpu.memory_space<vmem>>, vector<1x1x16xf32>,
            %get3A_510 = vector.shape_cast %get3A_509 : vector<1x1x16xf32> to vector<16xf32>
            %add3A_511 = arith.addf %get3A_504, %get3A_510 : vector<16xf32>
            %max3A_512 = arith.constant 0.000000e+00 : f32
            %max3A_513 = vector.broadcast %max3A_512 : f32 to vector<16xf32>
            %max3A_514 = arith.maximumf %add3A_511, %max3A_513 : vector<16xf32>
            %swap3A_515 = arith.constant 1 : i32
            %swap3A_516 = arith.index_cast %swap3A_515 : i32 to index
            %swap3A_517 = arith.index_cast %add3A_406 : i32 to index
            %swap3A_518 = arith.constant 64 : index
            %swap3A_519 = tpu.vector_load %arg14[%swap3A_516, %swap3A_517, %swap3A_518] {strides = array<i32>} : memref<2x40x128xf32, #tpu.memory_space<vmem>>, vector<1x1x16xf32>,
            %swap3A_520 = vector.shape_cast %swap3A_519 : vector<1x1x16xf32> to vector<16xf32>
            %swap3A_521 = vector.shape_cast %max3A_514 : vector<16xf32> to vector<1x1x16xf32>
            tpu.vector_store %arg14[%swap3A_516, %swap3A_517, %swap3A_518], %swap3A_521 {strides = array<i32>} : memref<2x40x128xf32, #tpu.memory_space<vmem>>, vector<1x1x16xf32>,
            %get3A_522 = arith.constant 1 : i32
            %get3A_523 = arith.index_cast %get3A_522 : i32 to index
            %get3A_524 = arith.index_cast %add3A_406 : i32 to index
            %get3A_525 = arith.constant 80 : index
            %get3A_526 = tpu.vector_load %arg12[%get3A_523, %get3A_524, %get3A_525] {strides = array<i32>} : memref<2x40x128xf32, #tpu.memory_space<vmem>>, vector<1x1x16xf32>,
            %get3A_527 = vector.shape_cast %get3A_526 : vector<1x1x16xf32> to vector<16xf32>
            %get3A_528 = arith.constant 1 : i32
            %get3A_529 = arith.index_cast %get3A_528 : i32 to index
            %get3A_530 = arith.index_cast %add3A_406 : i32 to index
            %get3A_531 = arith.constant 80 : index
            %get3A_532 = tpu.vector_load %arg13[%get3A_529, %get3A_530, %get3A_531] {strides = array<i32>} : memref<2x40x128xf32, #tpu.memory_space<vmem>>, vector<1x1x16xf32>,
            %get3A_533 = vector.shape_cast %get3A_532 : vector<1x1x16xf32> to vector<16xf32>
            %add3A_534 = arith.addf %get3A_527, %get3A_533 : vector<16xf32>
            %max3A_535 = arith.constant 0.000000e+00 : f32
            %max3A_536 = vector.broadcast %max3A_535 : f32 to vector<16xf32>
            %max3A_537 = arith.maximumf %add3A_534, %max3A_536 : vector<16xf32>
            %swap3A_538 = arith.constant 1 : i32
            %swap3A_539 = arith.index_cast %swap3A_538 : i32 to index
            %swap3A_540 = arith.index_cast %add3A_406 : i32 to index
            %swap3A_541 = arith.constant 80 : index
            %swap3A_542 = tpu.vector_load %arg14[%swap3A_539, %swap3A_540, %swap3A_541] {strides = array<i32>} : memref<2x40x128xf32, #tpu.memory_space<vmem>>, vector<1x1x16xf32>,
            %swap3A_543 = vector.shape_cast %swap3A_542 : vector<1x1x16xf32> to vector<16xf32>
            %swap3A_544 = vector.shape_cast %max3A_537 : vector<16xf32> to vector<1x1x16xf32>
            tpu.vector_store %arg14[%swap3A_539, %swap3A_540, %swap3A_541], %swap3A_544 {strides = array<i32>} : memref<2x40x128xf32, #tpu.memory_space<vmem>>, vector<1x1x16xf32>,
            %get3A_545 = arith.constant 1 : i32
            %get3A_546 = arith.index_cast %get3A_545 : i32 to index
            %get3A_547 = arith.index_cast %add3A_406 : i32 to index
            %get3A_548 = arith.constant 96 : index
            %get3A_549 = tpu.vector_load %arg12[%get3A_546, %get3A_547, %get3A_548] {strides = array<i32>} : memref<2x40x128xf32, #tpu.memory_space<vmem>>, vector<1x1x16xf32>,
            %get3A_550 = vector.shape_cast %get3A_549 : vector<1x1x16xf32> to vector<16xf32>
            %get3A_551 = arith.constant 1 : i32
            %get3A_552 = arith.index_cast %get3A_551 : i32 to index
            %get3A_553 = arith.index_cast %add3A_406 : i32 to index
            %get3A_554 = arith.constant 96 : index
            %get3A_555 = tpu.vector_load %arg13[%get3A_552, %get3A_553, %get3A_554] {strides = array<i32>} : memref<2x40x128xf32, #tpu.memory_space<vmem>>, vector<1x1x16xf32>,
            %get3A_556 = vector.shape_cast %get3A_555 : vector<1x1x16xf32> to vector<16xf32>
            %add3A_557 = arith.addf %get3A_550, %get3A_556 : vector<16xf32>
            %max3A_558 = arith.constant 0.000000e+00 : f32
            %max3A_559 = vector.broadcast %max3A_558 : f32 to vector<16xf32>
            %max3A_560 = arith.maximumf %add3A_557, %max3A_559 : vector<16xf32>
            %swap3A_561 = arith.constant 1 : i32
            %swap3A_562 = arith.index_cast %swap3A_561 : i32 to index
            %swap3A_563 = arith.index_cast %add3A_406 : i32 to index
            %swap3A_564 = arith.constant 96 : index
            %swap3A_565 = tpu.vector_load %arg14[%swap3A_562, %swap3A_563, %swap3A_564] {strides = array<i32>} : memref<2x40x128xf32, #tpu.memory_space<vmem>>, vector<1x1x16xf32>,
            %swap3A_566 = vector.shape_cast %swap3A_565 : vector<1x1x16xf32> to vector<16xf32>
            %swap3A_567 = vector.shape_cast %max3A_560 : vector<16xf32> to vector<1x1x16xf32>
            tpu.vector_store %arg14[%swap3A_562, %swap3A_563, %swap3A_564], %swap3A_567 {strides = array<i32>} : memref<2x40x128xf32, #tpu.memory_space<vmem>>, vector<1x1x16xf32>,
            %get3A_568 = arith.constant 1 : i32
            %get3A_569 = arith.index_cast %get3A_568 : i32 to index
            %get3A_570 = arith.index_cast %add3A_406 : i32 to index
            %get3A_571 = arith.constant 112 : index
            %get3A_572 = tpu.vector_load %arg12[%get3A_569, %get3A_570, %get3A_571] {strides = array<i32>} : memref<2x40x128xf32, #tpu.memory_space<vmem>>, vector<1x1x16xf32>,
            %get3A_573 = vector.shape_cast %get3A_572 : vector<1x1x16xf32> to vector<16xf32>
            %get3A_574 = arith.constant 1 : i32
            %get3A_575 = arith.index_cast %get3A_574 : i32 to index
            %get3A_576 = arith.index_cast %add3A_406 : i32 to index
            %get3A_577 = arith.constant 112 : index
            %get3A_578 = tpu.vector_load %arg13[%get3A_575, %get3A_576, %get3A_577] {strides = array<i32>} : memref<2x40x128xf32, #tpu.memory_space<vmem>>, vector<1x1x16xf32>,
            %get3A_579 = vector.shape_cast %get3A_578 : vector<1x1x16xf32> to vector<16xf32>
            %add3A_580 = arith.addf %get3A_573, %get3A_579 : vector<16xf32>
            %max3A_581 = arith.constant 0.000000e+00 : f32
            %max3A_582 = vector.broadcast %max3A_581 : f32 to vector<16xf32>
            %max3A_583 = arith.maximumf %add3A_580, %max3A_582 : vector<16xf32>
            %swap3A_584 = arith.constant 1 : i32
            %swap3A_585 = arith.index_cast %swap3A_584 : i32 to index
            %swap3A_586 = arith.index_cast %add3A_406 : i32 to index
            %swap3A_587 = arith.constant 112 : index
            %swap3A_588 = tpu.vector_load %arg14[%swap3A_585, %swap3A_586, %swap3A_587] {strides = array<i32>} : memref<2x40x128xf32, #tpu.memory_space<vmem>>, vector<1x1x16xf32>,
            %swap3A_589 = vector.shape_cast %swap3A_588 : vector<1x1x16xf32> to vector<16xf32>
            %swap3A_590 = vector.shape_cast %max3A_583 : vector<16xf32> to vector<1x1x16xf32>
            tpu.vector_store %arg14[%swap3A_585, %swap3A_586, %swap3A_587], %swap3A_590 {strides = array<i32>} : memref<2x40x128xf32, #tpu.memory_space<vmem>>, vector<1x1x16xf32>,
            %mul3A_591 = arith.constant 4 : i32
            %mul3A_592 = arith.muli %scan3A_216, %mul3A_591 : i32
            %add3A_593 = arith.constant 2 : i32
            %add3A_594 = arith.addi %mul3A_592, %add3A_593 : i32
            %get3A_595 = arith.constant 1 : i32
            %get3A_596 = arith.index_cast %get3A_595 : i32 to index
            %get3A_597 = arith.index_cast %add3A_594 : i32 to index
            %get3A_598 = arith.constant 0 : index
            %get3A_599 = tpu.vector_load %arg12[%get3A_596, %get3A_597, %get3A_598] {strides = array<i32>} : memref<2x40x128xf32, #tpu.memory_space<vmem>>, vector<1x1x16xf32>,
            %get3A_600 = vector.shape_cast %get3A_599 : vector<1x1x16xf32> to vector<16xf32>
            %get3A_601 = arith.constant 1 : i32
            %get3A_602 = arith.index_cast %get3A_601 : i32 to index
            %get3A_603 = arith.index_cast %add3A_594 : i32 to index
            %get3A_604 = arith.constant 0 : index
            %get3A_605 = tpu.vector_load %arg13[%get3A_602, %get3A_603, %get3A_604] {strides = array<i32>} : memref<2x40x128xf32, #tpu.memory_space<vmem>>, vector<1x1x16xf32>,
            %get3A_606 = vector.shape_cast %get3A_605 : vector<1x1x16xf32> to vector<16xf32>
            %add3A_607 = arith.addf %get3A_600, %get3A_606 : vector<16xf32>
            %max3A_608 = arith.constant 0.000000e+00 : f32
            %max3A_609 = vector.broadcast %max3A_608 : f32 to vector<16xf32>
            %max3A_610 = arith.maximumf %add3A_607, %max3A_609 : vector<16xf32>
            %swap3A_611 = arith.constant 1 : i32
            %swap3A_612 = arith.index_cast %swap3A_611 : i32 to index
            %swap3A_613 = arith.index_cast %add3A_594 : i32 to index
            %swap3A_614 = arith.constant 0 : index
            %swap3A_615 = tpu.vector_load %arg14[%swap3A_612, %swap3A_613, %swap3A_614] {strides = array<i32>} : memref<2x40x128xf32, #tpu.memory_space<vmem>>, vector<1x1x16xf32>,
            %swap3A_616 = vector.shape_cast %swap3A_615 : vector<1x1x16xf32> to vector<16xf32>
            %swap3A_617 = vector.shape_cast %max3A_610 : vector<16xf32> to vector<1x1x16xf32>
            tpu.vector_store %arg14[%swap3A_612, %swap3A_613, %swap3A_614], %swap3A_617 {strides = array<i32>} : memref<2x40x128xf32, #tpu.memory_space<vmem>>, vector<1x1x16xf32>,
            %get3A_618 = arith.constant 1 : i32
            %get3A_619 = arith.index_cast %get3A_618 : i32 to index
            %get3A_620 = arith.index_cast %add3A_594 : i32 to index
            %get3A_621 = arith.constant 16 : index
            %get3A_622 = tpu.vector_load %arg12[%get3A_619, %get3A_620, %get3A_621] {strides = array<i32>} : memref<2x40x128xf32, #tpu.memory_space<vmem>>, vector<1x1x16xf32>,
            %get3A_623 = vector.shape_cast %get3A_622 : vector<1x1x16xf32> to vector<16xf32>
            %get3A_624 = arith.constant 1 : i32
            %get3A_625 = arith.index_cast %get3A_624 : i32 to index
            %get3A_626 = arith.index_cast %add3A_594 : i32 to index
            %get3A_627 = arith.constant 16 : index
            %get3A_628 = tpu.vector_load %arg13[%get3A_625, %get3A_626, %get3A_627] {strides = array<i32>} : memref<2x40x128xf32, #tpu.memory_space<vmem>>, vector<1x1x16xf32>,
            %get3A_629 = vector.shape_cast %get3A_628 : vector<1x1x16xf32> to vector<16xf32>
            %add3A_630 = arith.addf %get3A_623, %get3A_629 : vector<16xf32>
            %max3A_631 = arith.constant 0.000000e+00 : f32
            %max3A_632 = vector.broadcast %max3A_631 : f32 to vector<16xf32>
            %max3A_633 = arith.maximumf %add3A_630, %max3A_632 : vector<16xf32>
            %swap3A_634 = arith.constant 1 : i32
            %swap3A_635 = arith.index_cast %swap3A_634 : i32 to index
            %swap3A_636 = arith.index_cast %add3A_594 : i32 to index
            %swap3A_637 = arith.constant 16 : index
            %swap3A_638 = tpu.vector_load %arg14[%swap3A_635, %swap3A_636, %swap3A_637] {strides = array<i32>} : memref<2x40x128xf32, #tpu.memory_space<vmem>>, vector<1x1x16xf32>,
            %swap3A_639 = vector.shape_cast %swap3A_638 : vector<1x1x16xf32> to vector<16xf32>
            %swap3A_640 = vector.shape_cast %max3A_633 : vector<16xf32> to vector<1x1x16xf32>
            tpu.vector_store %arg14[%swap3A_635, %swap3A_636, %swap3A_637], %swap3A_640 {strides = array<i32>} : memref<2x40x128xf32, #tpu.memory_space<vmem>>, vector<1x1x16xf32>,
            %get3A_641 = arith.constant 1 : i32
            %get3A_642 = arith.index_cast %get3A_641 : i32 to index
            %get3A_643 = arith.index_cast %add3A_594 : i32 to index
            %get3A_644 = arith.constant 32 : index
            %get3A_645 = tpu.vector_load %arg12[%get3A_642, %get3A_643, %get3A_644] {strides = array<i32>} : memref<2x40x128xf32, #tpu.memory_space<vmem>>, vector<1x1x16xf32>,
            %get3A_646 = vector.shape_cast %get3A_645 : vector<1x1x16xf32> to vector<16xf32>
            %get3A_647 = arith.constant 1 : i32
            %get3A_648 = arith.index_cast %get3A_647 : i32 to index
            %get3A_649 = arith.index_cast %add3A_594 : i32 to index
            %get3A_650 = arith.constant 32 : index
            %get3A_651 = tpu.vector_load %arg13[%get3A_648, %get3A_649, %get3A_650] {strides = array<i32>} : memref<2x40x128xf32, #tpu.memory_space<vmem>>, vector<1x1x16xf32>,
            %get3A_652 = vector.shape_cast %get3A_651 : vector<1x1x16xf32> to vector<16xf32>
            %add3A_653 = arith.addf %get3A_646, %get3A_652 : vector<16xf32>
            %max3A_654 = arith.constant 0.000000e+00 : f32
            %max3A_655 = vector.broadcast %max3A_654 : f32 to vector<16xf32>
            %max3A_656 = arith.maximumf %add3A_653, %max3A_655 : vector<16xf32>
            %swap3A_657 = arith.constant 1 : i32
            %swap3A_658 = arith.index_cast %swap3A_657 : i32 to index
            %swap3A_659 = arith.index_cast %add3A_594 : i32 to index
            %swap3A_660 = arith.constant 32 : index
            %swap3A_661 = tpu.vector_load %arg14[%swap3A_658, %swap3A_659, %swap3A_660] {strides = array<i32>} : memref<2x40x128xf32, #tpu.memory_space<vmem>>, vector<1x1x16xf32>,
            %swap3A_662 = vector.shape_cast %swap3A_661 : vector<1x1x16xf32> to vector<16xf32>
            %swap3A_663 = vector.shape_cast %max3A_656 : vector<16xf32> to vector<1x1x16xf32>
            tpu.vector_store %arg14[%swap3A_658, %swap3A_659, %swap3A_660], %swap3A_663 {strides = array<i32>} : memref<2x40x128xf32, #tpu.memory_space<vmem>>, vector<1x1x16xf32>,
            %get3A_664 = arith.constant 1 : i32
            %get3A_665 = arith.index_cast %get3A_664 : i32 to index
            %get3A_666 = arith.index_cast %add3A_594 : i32 to index
            %get3A_667 = arith.constant 48 : index
            %get3A_668 = tpu.vector_load %arg12[%get3A_665, %get3A_666, %get3A_667] {strides = array<i32>} : memref<2x40x128xf32, #tpu.memory_space<vmem>>, vector<1x1x16xf32>,
            %get3A_669 = vector.shape_cast %get3A_668 : vector<1x1x16xf32> to vector<16xf32>
            %get3A_670 = arith.constant 1 : i32
            %get3A_671 = arith.index_cast %get3A_670 : i32 to index
            %get3A_672 = arith.index_cast %add3A_594 : i32 to index
            %get3A_673 = arith.constant 48 : index
            %get3A_674 = tpu.vector_load %arg13[%get3A_671, %get3A_672, %get3A_673] {strides = array<i32>} : memref<2x40x128xf32, #tpu.memory_space<vmem>>, vector<1x1x16xf32>,
            %get3A_675 = vector.shape_cast %get3A_674 : vector<1x1x16xf32> to vector<16xf32>
            %add3A_676 = arith.addf %get3A_669, %get3A_675 : vector<16xf32>
            %max3A_677 = arith.constant 0.000000e+00 : f32
            %max3A_678 = vector.broadcast %max3A_677 : f32 to vector<16xf32>
            %max3A_679 = arith.maximumf %add3A_676, %max3A_678 : vector<16xf32>
            %swap3A_680 = arith.constant 1 : i32
            %swap3A_681 = arith.index_cast %swap3A_680 : i32 to index
            %swap3A_682 = arith.index_cast %add3A_594 : i32 to index
            %swap3A_683 = arith.constant 48 : index
            %swap3A_684 = tpu.vector_load %arg14[%swap3A_681, %swap3A_682, %swap3A_683] {strides = array<i32>} : memref<2x40x128xf32, #tpu.memory_space<vmem>>, vector<1x1x16xf32>,
            %swap3A_685 = vector.shape_cast %swap3A_684 : vector<1x1x16xf32> to vector<16xf32>
            %swap3A_686 = vector.shape_cast %max3A_679 : vector<16xf32> to vector<1x1x16xf32>
            tpu.vector_store %arg14[%swap3A_681, %swap3A_682, %swap3A_683], %swap3A_686 {strides = array<i32>} : memref<2x40x128xf32, #tpu.memory_space<vmem>>, vector<1x1x16xf32>,
            %get3A_687 = arith.constant 1 : i32
            %get3A_688 = arith.index_cast %get3A_687 : i32 to index
            %get3A_689 = arith.index_cast %add3A_594 : i32 to index
            %get3A_690 = arith.constant 64 : index
            %get3A_691 = tpu.vector_load %arg12[%get3A_688, %get3A_689, %get3A_690] {strides = array<i32>} : memref<2x40x128xf32, #tpu.memory_space<vmem>>, vector<1x1x16xf32>,
            %get3A_692 = vector.shape_cast %get3A_691 : vector<1x1x16xf32> to vector<16xf32>
            %get3A_693 = arith.constant 1 : i32
            %get3A_694 = arith.index_cast %get3A_693 : i32 to index
            %get3A_695 = arith.index_cast %add3A_594 : i32 to index
            %get3A_696 = arith.constant 64 : index
            %get3A_697 = tpu.vector_load %arg13[%get3A_694, %get3A_695, %get3A_696] {strides = array<i32>} : memref<2x40x128xf32, #tpu.memory_space<vmem>>, vector<1x1x16xf32>,
            %get3A_698 = vector.shape_cast %get3A_697 : vector<1x1x16xf32> to vector<16xf32>
            %add3A_699 = arith.addf %get3A_692, %get3A_698 : vector<16xf32>
            %max3A_700 = arith.constant 0.000000e+00 : f32
            %max3A_701 = vector.broadcast %max3A_700 : f32 to vector<16xf32>
            %max3A_702 = arith.maximumf %add3A_699, %max3A_701 : vector<16xf32>
            %swap3A_703 = arith.constant 1 : i32
            %swap3A_704 = arith.index_cast %swap3A_703 : i32 to index
            %swap3A_705 = arith.index_cast %add3A_594 : i32 to index
            %swap3A_706 = arith.constant 64 : index
            %swap3A_707 = tpu.vector_load %arg14[%swap3A_704, %swap3A_705, %swap3A_706] {strides = array<i32>} : memref<2x40x128xf32, #tpu.memory_space<vmem>>, vector<1x1x16xf32>,
            %swap3A_708 = vector.shape_cast %swap3A_707 : vector<1x1x16xf32> to vector<16xf32>
            %swap3A_709 = vector.shape_cast %max3A_702 : vector<16xf32> to vector<1x1x16xf32>
            tpu.vector_store %arg14[%swap3A_704, %swap3A_705, %swap3A_706], %swap3A_709 {strides = array<i32>} : memref<2x40x128xf32, #tpu.memory_space<vmem>>, vector<1x1x16xf32>,
            %get3A_710 = arith.constant 1 : i32
            %get3A_711 = arith.index_cast %get3A_710 : i32 to index
            %get3A_712 = arith.index_cast %add3A_594 : i32 to index
            %get3A_713 = arith.constant 80 : index
            %get3A_714 = tpu.vector_load %arg12[%get3A_711, %get3A_712, %get3A_713] {strides = array<i32>} : memref<2x40x128xf32, #tpu.memory_space<vmem>>, vector<1x1x16xf32>,
            %get3A_715 = vector.shape_cast %get3A_714 : vector<1x1x16xf32> to vector<16xf32>
            %get3A_716 = arith.constant 1 : i32
            %get3A_717 = arith.index_cast %get3A_716 : i32 to index
            %get3A_718 = arith.index_cast %add3A_594 : i32 to index
            %get3A_719 = arith.constant 80 : index
            %get3A_720 = tpu.vector_load %arg13[%get3A_717, %get3A_718, %get3A_719] {strides = array<i32>} : memref<2x40x128xf32, #tpu.memory_space<vmem>>, vector<1x1x16xf32>,
            %get3A_721 = vector.shape_cast %get3A_720 : vector<1x1x16xf32> to vector<16xf32>
            %add3A_722 = arith.addf %get3A_715, %get3A_721 : vector<16xf32>
            %max3A_723 = arith.constant 0.000000e+00 : f32
            %max3A_724 = vector.broadcast %max3A_723 : f32 to vector<16xf32>
            %max3A_725 = arith.maximumf %add3A_722, %max3A_724 : vector<16xf32>
            %swap3A_726 = arith.constant 1 : i32
            %swap3A_727 = arith.index_cast %swap3A_726 : i32 to index
            %swap3A_728 = arith.index_cast %add3A_594 : i32 to index
            %swap3A_729 = arith.constant 80 : index
            %swap3A_730 = tpu.vector_load %arg14[%swap3A_727, %swap3A_728, %swap3A_729] {strides = array<i32>} : memref<2x40x128xf32, #tpu.memory_space<vmem>>, vector<1x1x16xf32>,
            %swap3A_731 = vector.shape_cast %swap3A_730 : vector<1x1x16xf32> to vector<16xf32>
            %swap3A_732 = vector.shape_cast %max3A_725 : vector<16xf32> to vector<1x1x16xf32>
            tpu.vector_store %arg14[%swap3A_727, %swap3A_728, %swap3A_729], %swap3A_732 {strides = array<i32>} : memref<2x40x128xf32, #tpu.memory_space<vmem>>, vector<1x1x16xf32>,
            %get3A_733 = arith.constant 1 : i32
            %get3A_734 = arith.index_cast %get3A_733 : i32 to index
            %get3A_735 = arith.index_cast %add3A_594 : i32 to index
            %get3A_736 = arith.constant 96 : index
            %get3A_737 = tpu.vector_load %arg12[%get3A_734, %get3A_735, %get3A_736] {strides = array<i32>} : memref<2x40x128xf32, #tpu.memory_space<vmem>>, vector<1x1x16xf32>,
            %get3A_738 = vector.shape_cast %get3A_737 : vector<1x1x16xf32> to vector<16xf32>
            %get3A_739 = arith.constant 1 : i32
            %get3A_740 = arith.index_cast %get3A_739 : i32 to index
            %get3A_741 = arith.index_cast %add3A_594 : i32 to index
            %get3A_742 = arith.constant 96 : index
            %get3A_743 = tpu.vector_load %arg13[%get3A_740, %get3A_741, %get3A_742] {strides = array<i32>} : memref<2x40x128xf32, #tpu.memory_space<vmem>>, vector<1x1x16xf32>,
            %get3A_744 = vector.shape_cast %get3A_743 : vector<1x1x16xf32> to vector<16xf32>
            %add3A_745 = arith.addf %get3A_738, %get3A_744 : vector<16xf32>
            %max3A_746 = arith.constant 0.000000e+00 : f32
            %max3A_747 = vector.broadcast %max3A_746 : f32 to vector<16xf32>
            %max3A_748 = arith.maximumf %add3A_745, %max3A_747 : vector<16xf32>
            %swap3A_749 = arith.constant 1 : i32
            %swap3A_750 = arith.index_cast %swap3A_749 : i32 to index
            %swap3A_751 = arith.index_cast %add3A_594 : i32 to index
            %swap3A_752 = arith.constant 96 : index
            %swap3A_753 = tpu.vector_load %arg14[%swap3A_750, %swap3A_751, %swap3A_752] {strides = array<i32>} : memref<2x40x128xf32, #tpu.memory_space<vmem>>, vector<1x1x16xf32>,
            %swap3A_754 = vector.shape_cast %swap3A_753 : vector<1x1x16xf32> to vector<16xf32>
            %swap3A_755 = vector.shape_cast %max3A_748 : vector<16xf32> to vector<1x1x16xf32>
            tpu.vector_store %arg14[%swap3A_750, %swap3A_751, %swap3A_752], %swap3A_755 {strides = array<i32>} : memref<2x40x128xf32, #tpu.memory_space<vmem>>, vector<1x1x16xf32>,
            %get3A_756 = arith.constant 1 : i32
            %get3A_757 = arith.index_cast %get3A_756 : i32 to index
            %get3A_758 = arith.index_cast %add3A_594 : i32 to index
            %get3A_759 = arith.constant 112 : index
            %get3A_760 = tpu.vector_load %arg12[%get3A_757, %get3A_758, %get3A_759] {strides = array<i32>} : memref<2x40x128xf32, #tpu.memory_space<vmem>>, vector<1x1x16xf32>,
            %get3A_761 = vector.shape_cast %get3A_760 : vector<1x1x16xf32> to vector<16xf32>
            %get3A_762 = arith.constant 1 : i32
            %get3A_763 = arith.index_cast %get3A_762 : i32 to index
            %get3A_764 = arith.index_cast %add3A_594 : i32 to index
            %get3A_765 = arith.constant 112 : index
            %get3A_766 = tpu.vector_load %arg13[%get3A_763, %get3A_764, %get3A_765] {strides = array<i32>} : memref<2x40x128xf32, #tpu.memory_space<vmem>>, vector<1x1x16xf32>,
            %get3A_767 = vector.shape_cast %get3A_766 : vector<1x1x16xf32> to vector<16xf32>
            %add3A_768 = arith.addf %get3A_761, %get3A_767 : vector<16xf32>
            %max3A_769 = arith.constant 0.000000e+00 : f32
            %max3A_770 = vector.broadcast %max3A_769 : f32 to vector<16xf32>
            %max3A_771 = arith.maximumf %add3A_768, %max3A_770 : vector<16xf32>
            %swap3A_772 = arith.constant 1 : i32
            %swap3A_773 = arith.index_cast %swap3A_772 : i32 to index
            %swap3A_774 = arith.index_cast %add3A_594 : i32 to index
            %swap3A_775 = arith.constant 112 : index
            %swap3A_776 = tpu.vector_load %arg14[%swap3A_773, %swap3A_774, %swap3A_775] {strides = array<i32>} : memref<2x40x128xf32, #tpu.memory_space<vmem>>, vector<1x1x16xf32>,
            %swap3A_777 = vector.shape_cast %swap3A_776 : vector<1x1x16xf32> to vector<16xf32>
            %swap3A_778 = vector.shape_cast %max3A_771 : vector<16xf32> to vector<1x1x16xf32>
            tpu.vector_store %arg14[%swap3A_773, %swap3A_774, %swap3A_775], %swap3A_778 {strides = array<i32>} : memref<2x40x128xf32, #tpu.memory_space<vmem>>, vector<1x1x16xf32>,
            %mul3A_779 = arith.constant 4 : i32
            %mul3A_780 = arith.muli %scan3A_216, %mul3A_779 : i32
            %add3A_781 = arith.constant 3 : i32
            %add3A_782 = arith.addi %mul3A_780, %add3A_781 : i32
            %get3A_783 = arith.constant 1 : i32
            %get3A_784 = arith.index_cast %get3A_783 : i32 to index
            %get3A_785 = arith.index_cast %add3A_782 : i32 to index
            %get3A_786 = arith.constant 0 : index
            %get3A_787 = tpu.vector_load %arg12[%get3A_784, %get3A_785, %get3A_786] {strides = array<i32>} : memref<2x40x128xf32, #tpu.memory_space<vmem>>, vector<1x1x16xf32>,
            %get3A_788 = vector.shape_cast %get3A_787 : vector<1x1x16xf32> to vector<16xf32>
            %get3A_789 = arith.constant 1 : i32
            %get3A_790 = arith.index_cast %get3A_789 : i32 to index
            %get3A_791 = arith.index_cast %add3A_782 : i32 to index
            %get3A_792 = arith.constant 0 : index
            %get3A_793 = tpu.vector_load %arg13[%get3A_790, %get3A_791, %get3A_792] {strides = array<i32>} : memref<2x40x128xf32, #tpu.memory_space<vmem>>, vector<1x1x16xf32>,
            %get3A_794 = vector.shape_cast %get3A_793 : vector<1x1x16xf32> to vector<16xf32>
            %add3A_795 = arith.addf %get3A_788, %get3A_794 : vector<16xf32>
            %max3A_796 = arith.constant 0.000000e+00 : f32
            %max3A_797 = vector.broadcast %max3A_796 : f32 to vector<16xf32>
            %max3A_798 = arith.maximumf %add3A_795, %max3A_797 : vector<16xf32>
            %swap3A_799 = arith.constant 1 : i32
            %swap3A_800 = arith.index_cast %swap3A_799 : i32 to index
            %swap3A_801 = arith.index_cast %add3A_782 : i32 to index
            %swap3A_802 = arith.constant 0 : index
            %swap3A_803 = tpu.vector_load %arg14[%swap3A_800, %swap3A_801, %swap3A_802] {strides = array<i32>} : memref<2x40x128xf32, #tpu.memory_space<vmem>>, vector<1x1x16xf32>,
            %swap3A_804 = vector.shape_cast %swap3A_803 : vector<1x1x16xf32> to vector<16xf32>
            %swap3A_805 = vector.shape_cast %max3A_798 : vector<16xf32> to vector<1x1x16xf32>
            tpu.vector_store %arg14[%swap3A_800, %swap3A_801, %swap3A_802], %swap3A_805 {strides = array<i32>} : memref<2x40x128xf32, #tpu.memory_space<vmem>>, vector<1x1x16xf32>,
            %get3A_806 = arith.constant 1 : i32
            %get3A_807 = arith.index_cast %get3A_806 : i32 to index
            %get3A_808 = arith.index_cast %add3A_782 : i32 to index
            %get3A_809 = arith.constant 16 : index
            %get3A_810 = tpu.vector_load %arg12[%get3A_807, %get3A_808, %get3A_809] {strides = array<i32>} : memref<2x40x128xf32, #tpu.memory_space<vmem>>, vector<1x1x16xf32>,
            %get3A_811 = vector.shape_cast %get3A_810 : vector<1x1x16xf32> to vector<16xf32>
            %get3A_812 = arith.constant 1 : i32
            %get3A_813 = arith.index_cast %get3A_812 : i32 to index
            %get3A_814 = arith.index_cast %add3A_782 : i32 to index
            %get3A_815 = arith.constant 16 : index
            %get3A_816 = tpu.vector_load %arg13[%get3A_813, %get3A_814, %get3A_815] {strides = array<i32>} : memref<2x40x128xf32, #tpu.memory_space<vmem>>, vector<1x1x16xf32>,
            %get3A_817 = vector.shape_cast %get3A_816 : vector<1x1x16xf32> to vector<16xf32>
            %add3A_818 = arith.addf %get3A_811, %get3A_817 : vector<16xf32>
            %max3A_819 = arith.constant 0.000000e+00 : f32
            %max3A_820 = vector.broadcast %max3A_819 : f32 to vector<16xf32>
            %max3A_821 = arith.maximumf %add3A_818, %max3A_820 : vector<16xf32>
            %swap3A_822 = arith.constant 1 : i32
            %swap3A_823 = arith.index_cast %swap3A_822 : i32 to index
            %swap3A_824 = arith.index_cast %add3A_782 : i32 to index
            %swap3A_825 = arith.constant 16 : index
            %swap3A_826 = tpu.vector_load %arg14[%swap3A_823, %swap3A_824, %swap3A_825] {strides = array<i32>} : memref<2x40x128xf32, #tpu.memory_space<vmem>>, vector<1x1x16xf32>,
            %swap3A_827 = vector.shape_cast %swap3A_826 : vector<1x1x16xf32> to vector<16xf32>
            %swap3A_828 = vector.shape_cast %max3A_821 : vector<16xf32> to vector<1x1x16xf32>
            tpu.vector_store %arg14[%swap3A_823, %swap3A_824, %swap3A_825], %swap3A_828 {strides = array<i32>} : memref<2x40x128xf32, #tpu.memory_space<vmem>>, vector<1x1x16xf32>,
            %get3A_829 = arith.constant 1 : i32
            %get3A_830 = arith.index_cast %get3A_829 : i32 to index
            %get3A_831 = arith.index_cast %add3A_782 : i32 to index
            %get3A_832 = arith.constant 32 : index
            %get3A_833 = tpu.vector_load %arg12[%get3A_830, %get3A_831, %get3A_832] {strides = array<i32>} : memref<2x40x128xf32, #tpu.memory_space<vmem>>, vector<1x1x16xf32>,
            %get3A_834 = vector.shape_cast %get3A_833 : vector<1x1x16xf32> to vector<16xf32>
            %get3A_835 = arith.constant 1 : i32
            %get3A_836 = arith.index_cast %get3A_835 : i32 to index
            %get3A_837 = arith.index_cast %add3A_782 : i32 to index
            %get3A_838 = arith.constant 32 : index
            %get3A_839 = tpu.vector_load %arg13[%get3A_836, %get3A_837, %get3A_838] {strides = array<i32>} : memref<2x40x128xf32, #tpu.memory_space<vmem>>, vector<1x1x16xf32>,
            %get3A_840 = vector.shape_cast %get3A_839 : vector<1x1x16xf32> to vector<16xf32>
            %add3A_841 = arith.addf %get3A_834, %get3A_840 : vector<16xf32>
            %max3A_842 = arith.constant 0.000000e+00 : f32
            %max3A_843 = vector.broadcast %max3A_842 : f32 to vector<16xf32>
            %max3A_844 = arith.maximumf %add3A_841, %max3A_843 : vector<16xf32>
            %swap3A_845 = arith.constant 1 : i32
            %swap3A_846 = arith.index_cast %swap3A_845 : i32 to index
            %swap3A_847 = arith.index_cast %add3A_782 : i32 to index
            %swap3A_848 = arith.constant 32 : index
            %swap3A_849 = tpu.vector_load %arg14[%swap3A_846, %swap3A_847, %swap3A_848] {strides = array<i32>} : memref<2x40x128xf32, #tpu.memory_space<vmem>>, vector<1x1x16xf32>,
            %swap3A_850 = vector.shape_cast %swap3A_849 : vector<1x1x16xf32> to vector<16xf32>
            %swap3A_851 = vector.shape_cast %max3A_844 : vector<16xf32> to vector<1x1x16xf32>
            tpu.vector_store %arg14[%swap3A_846, %swap3A_847, %swap3A_848], %swap3A_851 {strides = array<i32>} : memref<2x40x128xf32, #tpu.memory_space<vmem>>, vector<1x1x16xf32>,
            %get3A_852 = arith.constant 1 : i32
            %get3A_853 = arith.index_cast %get3A_852 : i32 to index
            %get3A_854 = arith.index_cast %add3A_782 : i32 to index
            %get3A_855 = arith.constant 48 : index
            %get3A_856 = tpu.vector_load %arg12[%get3A_853, %get3A_854, %get3A_855] {strides = array<i32>} : memref<2x40x128xf32, #tpu.memory_space<vmem>>, vector<1x1x16xf32>,
            %get3A_857 = vector.shape_cast %get3A_856 : vector<1x1x16xf32> to vector<16xf32>
            %get3A_858 = arith.constant 1 : i32
            %get3A_859 = arith.index_cast %get3A_858 : i32 to index
            %get3A_860 = arith.index_cast %add3A_782 : i32 to index
            %get3A_861 = arith.constant 48 : index
            %get3A_862 = tpu.vector_load %arg13[%get3A_859, %get3A_860, %get3A_861] {strides = array<i32>} : memref<2x40x128xf32, #tpu.memory_space<vmem>>, vector<1x1x16xf32>,
            %get3A_863 = vector.shape_cast %get3A_862 : vector<1x1x16xf32> to vector<16xf32>
            %add3A_864 = arith.addf %get3A_857, %get3A_863 : vector<16xf32>
            %max3A_865 = arith.constant 0.000000e+00 : f32
            %max3A_866 = vector.broadcast %max3A_865 : f32 to vector<16xf32>
            %max3A_867 = arith.maximumf %add3A_864, %max3A_866 : vector<16xf32>
            %swap3A_868 = arith.constant 1 : i32
            %swap3A_869 = arith.index_cast %swap3A_868 : i32 to index
            %swap3A_870 = arith.index_cast %add3A_782 : i32 to index
            %swap3A_871 = arith.constant 48 : index
            %swap3A_872 = tpu.vector_load %arg14[%swap3A_869, %swap3A_870, %swap3A_871] {strides = array<i32>} : memref<2x40x128xf32, #tpu.memory_space<vmem>>, vector<1x1x16xf32>,
            %swap3A_873 = vector.shape_cast %swap3A_872 : vector<1x1x16xf32> to vector<16xf32>
            %swap3A_874 = vector.shape_cast %max3A_867 : vector<16xf32> to vector<1x1x16xf32>
            tpu.vector_store %arg14[%swap3A_869, %swap3A_870, %swap3A_871], %swap3A_874 {strides = array<i32>} : memref<2x40x128xf32, #tpu.memory_space<vmem>>, vector<1x1x16xf32>,
            %get3A_875 = arith.constant 1 : i32
            %get3A_876 = arith.index_cast %get3A_875 : i32 to index
            %get3A_877 = arith.index_cast %add3A_782 : i32 to index
            %get3A_878 = arith.constant 64 : index
            %get3A_879 = tpu.vector_load %arg12[%get3A_876, %get3A_877, %get3A_878] {strides = array<i32>} : memref<2x40x128xf32, #tpu.memory_space<vmem>>, vector<1x1x16xf32>,
            %get3A_880 = vector.shape_cast %get3A_879 : vector<1x1x16xf32> to vector<16xf32>
            %get3A_881 = arith.constant 1 : i32
            %get3A_882 = arith.index_cast %get3A_881 : i32 to index
            %get3A_883 = arith.index_cast %add3A_782 : i32 to index
            %get3A_884 = arith.constant 64 : index
            %get3A_885 = tpu.vector_load %arg13[%get3A_882, %get3A_883, %get3A_884] {strides = array<i32>} : memref<2x40x128xf32, #tpu.memory_space<vmem>>, vector<1x1x16xf32>,
            %get3A_886 = vector.shape_cast %get3A_885 : vector<1x1x16xf32> to vector<16xf32>
            %add3A_887 = arith.addf %get3A_880, %get3A_886 : vector<16xf32>
            %max3A_888 = arith.constant 0.000000e+00 : f32
            %max3A_889 = vector.broadcast %max3A_888 : f32 to vector<16xf32>
            %max3A_890 = arith.maximumf %add3A_887, %max3A_889 : vector<16xf32>
            %swap3A_891 = arith.constant 1 : i32
            %swap3A_892 = arith.index_cast %swap3A_891 : i32 to index
            %swap3A_893 = arith.index_cast %add3A_782 : i32 to index
            %swap3A_894 = arith.constant 64 : index
            %swap3A_895 = tpu.vector_load %arg14[%swap3A_892, %swap3A_893, %swap3A_894] {strides = array<i32>} : memref<2x40x128xf32, #tpu.memory_space<vmem>>, vector<1x1x16xf32>,
            %swap3A_896 = vector.shape_cast %swap3A_895 : vector<1x1x16xf32> to vector<16xf32>
            %swap3A_897 = vector.shape_cast %max3A_890 : vector<16xf32> to vector<1x1x16xf32>
            tpu.vector_store %arg14[%swap3A_892, %swap3A_893, %swap3A_894], %swap3A_897 {strides = array<i32>} : memref<2x40x128xf32, #tpu.memory_space<vmem>>, vector<1x1x16xf32>,
            %get3A_898 = arith.constant 1 : i32
            %get3A_899 = arith.index_cast %get3A_898 : i32 to index
            %get3A_900 = arith.index_cast %add3A_782 : i32 to index
            %get3A_901 = arith.constant 80 : index
            %get3A_902 = tpu.vector_load %arg12[%get3A_899, %get3A_900, %get3A_901] {strides = array<i32>} : memref<2x40x128xf32, #tpu.memory_space<vmem>>, vector<1x1x16xf32>,
            %get3A_903 = vector.shape_cast %get3A_902 : vector<1x1x16xf32> to vector<16xf32>
            %get3A_904 = arith.constant 1 : i32
            %get3A_905 = arith.index_cast %get3A_904 : i32 to index
            %get3A_906 = arith.index_cast %add3A_782 : i32 to index
            %get3A_907 = arith.constant 80 : index
            %get3A_908 = tpu.vector_load %arg13[%get3A_905, %get3A_906, %get3A_907] {strides = array<i32>} : memref<2x40x128xf32, #tpu.memory_space<vmem>>, vector<1x1x16xf32>,
            %get3A_909 = vector.shape_cast %get3A_908 : vector<1x1x16xf32> to vector<16xf32>
            %add3A_910 = arith.addf %get3A_903, %get3A_909 : vector<16xf32>
            %max3A_911 = arith.constant 0.000000e+00 : f32
            %max3A_912 = vector.broadcast %max3A_911 : f32 to vector<16xf32>
            %max3A_913 = arith.maximumf %add3A_910, %max3A_912 : vector<16xf32>
            %swap3A_914 = arith.constant 1 : i32
            %swap3A_915 = arith.index_cast %swap3A_914 : i32 to index
            %swap3A_916 = arith.index_cast %add3A_782 : i32 to index
            %swap3A_917 = arith.constant 80 : index
            %swap3A_918 = tpu.vector_load %arg14[%swap3A_915, %swap3A_916, %swap3A_917] {strides = array<i32>} : memref<2x40x128xf32, #tpu.memory_space<vmem>>, vector<1x1x16xf32>,
            %swap3A_919 = vector.shape_cast %swap3A_918 : vector<1x1x16xf32> to vector<16xf32>
            %swap3A_920 = vector.shape_cast %max3A_913 : vector<16xf32> to vector<1x1x16xf32>
            tpu.vector_store %arg14[%swap3A_915, %swap3A_916, %swap3A_917], %swap3A_920 {strides = array<i32>} : memref<2x40x128xf32, #tpu.memory_space<vmem>>, vector<1x1x16xf32>,
            %get3A_921 = arith.constant 1 : i32
            %get3A_922 = arith.index_cast %get3A_921 : i32 to index
            %get3A_923 = arith.index_cast %add3A_782 : i32 to index
            %get3A_924 = arith.constant 96 : index
            %get3A_925 = tpu.vector_load %arg12[%get3A_922, %get3A_923, %get3A_924] {strides = array<i32>} : memref<2x40x128xf32, #tpu.memory_space<vmem>>, vector<1x1x16xf32>,
            %get3A_926 = vector.shape_cast %get3A_925 : vector<1x1x16xf32> to vector<16xf32>
            %get3A_927 = arith.constant 1 : i32
            %get3A_928 = arith.index_cast %get3A_927 : i32 to index
            %get3A_929 = arith.index_cast %add3A_782 : i32 to index
            %get3A_930 = arith.constant 96 : index
            %get3A_931 = tpu.vector_load %arg13[%get3A_928, %get3A_929, %get3A_930] {strides = array<i32>} : memref<2x40x128xf32, #tpu.memory_space<vmem>>, vector<1x1x16xf32>,
            %get3A_932 = vector.shape_cast %get3A_931 : vector<1x1x16xf32> to vector<16xf32>
            %add3A_933 = arith.addf %get3A_926, %get3A_932 : vector<16xf32>
            %max3A_934 = arith.constant 0.000000e+00 : f32
            %max3A_935 = vector.broadcast %max3A_934 : f32 to vector<16xf32>
            %max3A_936 = arith.maximumf %add3A_933, %max3A_935 : vector<16xf32>
            %swap3A_937 = arith.constant 1 : i32
            %swap3A_938 = arith.index_cast %swap3A_937 : i32 to index
            %swap3A_939 = arith.index_cast %add3A_782 : i32 to index
            %swap3A_940 = arith.constant 96 : index
            %swap3A_941 = tpu.vector_load %arg14[%swap3A_938, %swap3A_939, %swap3A_940] {strides = array<i32>} : memref<2x40x128xf32, #tpu.memory_space<vmem>>, vector<1x1x16xf32>,
            %swap3A_942 = vector.shape_cast %swap3A_941 : vector<1x1x16xf32> to vector<16xf32>
            %swap3A_943 = vector.shape_cast %max3A_936 : vector<16xf32> to vector<1x1x16xf32>
            tpu.vector_store %arg14[%swap3A_938, %swap3A_939, %swap3A_940], %swap3A_943 {strides = array<i32>} : memref<2x40x128xf32, #tpu.memory_space<vmem>>, vector<1x1x16xf32>,
            %get3A_944 = arith.constant 1 : i32
            %get3A_945 = arith.index_cast %get3A_944 : i32 to index
            %get3A_946 = arith.index_cast %add3A_782 : i32 to index
            %get3A_947 = arith.constant 112 : index
            %get3A_948 = tpu.vector_load %arg12[%get3A_945, %get3A_946, %get3A_947] {strides = array<i32>} : memref<2x40x128xf32, #tpu.memory_space<vmem>>, vector<1x1x16xf32>,
            %get3A_949 = vector.shape_cast %get3A_948 : vector<1x1x16xf32> to vector<16xf32>
            %get3A_950 = arith.constant 1 : i32
            %get3A_951 = arith.index_cast %get3A_950 : i32 to index
            %get3A_952 = arith.index_cast %add3A_782 : i32 to index
            %get3A_953 = arith.constant 112 : index
            %get3A_954 = tpu.vector_load %arg13[%get3A_951, %get3A_952, %get3A_953] {strides = array<i32>} : memref<2x40x128xf32, #tpu.memory_space<vmem>>, vector<1x1x16xf32>,
            %get3A_955 = vector.shape_cast %get3A_954 : vector<1x1x16xf32> to vector<16xf32>
            %add3A_956 = arith.addf %get3A_949, %get3A_955 : vector<16xf32>
            %max3A_957 = arith.constant 0.000000e+00 : f32
            %max3A_958 = vector.broadcast %max3A_957 : f32 to vector<16xf32>
            %max3A_959 = arith.maximumf %add3A_956, %max3A_958 : vector<16xf32>
            %swap3A_960 = arith.constant 1 : i32
            %swap3A_961 = arith.index_cast %swap3A_960 : i32 to index
            %swap3A_962 = arith.index_cast %add3A_782 : i32 to index
            %swap3A_963 = arith.constant 112 : index
            %swap3A_964 = tpu.vector_load %arg14[%swap3A_961, %swap3A_962, %swap3A_963] {strides = array<i32>} : memref<2x40x128xf32, #tpu.memory_space<vmem>>, vector<1x1x16xf32>,
            %swap3A_965 = vector.shape_cast %swap3A_964 : vector<1x1x16xf32> to vector<16xf32>
            %swap3A_966 = vector.shape_cast %max3A_959 : vector<16xf32> to vector<1x1x16xf32>
            tpu.vector_store %arg14[%swap3A_961, %swap3A_962, %swap3A_963], %swap3A_966 {strides = array<i32>} : memref<2x40x128xf32, #tpu.memory_space<vmem>>, vector<1x1x16xf32>,
            %scan3A_967 = arith.constant 0 : i32
            scf.yield %scan3A_967 : i32
          }
          %scan3A_203 = arith.constant 10 : i32
          %dma_start3A_204 = arith.constant 1 : i32
          %dma_start3A_205 = arith.constant 0 : i32
          %dma_start3A_206 = arith.constant 0 : i32
          %dma_start3A_207 = tpu.memref_slice %arg14[%dma_start3A_204, %dma_start3A_205, %dma_start3A_206] : memref<2x40x128xf32, #tpu.memory_space<vmem>> -> memref<1x40x128xf32, #tpu.memory_space<vmem>>
          %dma_start3A_208 = tpu.memref_squeeze %dma_start3A_207 : memref<1x40x128xf32, #tpu.memory_space<vmem>> -> memref<40x128xf32, #tpu.memory_space<vmem>>
          %dma_start3A_209 = arith.constant 0 : i32
          %dma_start3A_210 = tpu.memref_slice %arg11[%add3A_162, %dma_start3A_209] : memref<50x40xi32, #tpu.memory_space<vmem>> -> memref<1x40xi32, #tpu.memory_space<vmem>>
          %dma_start3A_211 = tpu.memref_squeeze %dma_start3A_210 : memref<1x40xi32, #tpu.memory_space<vmem>> -> memref<40xi32, #tpu.memory_space<vmem>>
          %dma_start3A_212 = arith.constant 0 : i32
          %dma_start3A_213 = arith.constant 0 : i32
          %dma_start3A_214 = tpu.memref_slice %arg9[%dma_start3A_212, %dma_start3A_213] : memref<10240x128xf32, #tpu.memory_space<vmem_shared>> -> memref<10240x128xf32, #tpu.memory_space<vmem_shared>>
          tpu.enqueue_indirect_dma source(%dma_start3A_208 : memref<40x128xf32, #tpu.memory_space<vmem>>) target(%dma_start3A_214 : memref<10240x128xf32, #tpu.memory_space<vmem_shared>>) offsets(%dma_start3A_211 : memref<40xi32, #tpu.memory_space<vmem>>) semaphore(%arg21 : memref<!tpu.dma_semaphore, #tpu.memory_space<semaphore_mem>>) {add = true}
          %scan3A_215 = arith.constant 0 : i32
          scf.yield %scan3A_215 : i32
        }
        %scan3A_101 = arith.constant 25 : i32
        %scan3A_102 = arith.constant 0 : i32
        scf.yield %scan3A_102 : i32
      }
      %scan3A_31 = arith.constant 10 : i32
      %dma_wait3A_32 = arith.constant 0 : i32
      %dma_wait3A_33 = arith.constant 48 : i32
      %dma_wait3A_34 = arith.constant 0 : i32
      %dma_wait3A_35 = arith.constant 0 : i32
      %dma_wait3A_36 = tpu.memref_slice %arg14[%dma_wait3A_32, %dma_wait3A_34, %dma_wait3A_35] : memref<2x40x128xf32, #tpu.memory_space<vmem>> -> memref<1x40x128xf32, #tpu.memory_space<vmem>>
      %dma_wait3A_37 = tpu.memref_squeeze %dma_wait3A_36 : memref<1x40x128xf32, #tpu.memory_space<vmem>> -> memref<40x128xf32, #tpu.memory_space<vmem>>
      %dma_wait3A_38 = arith.constant 0 : i32
      %dma_wait3A_39 = tpu.memref_slice %arg11[%dma_wait3A_33, %dma_wait3A_38] : memref<50x40xi32, #tpu.memory_space<vmem>> -> memref<1x40xi32, #tpu.memory_space<vmem>>
      %dma_wait3A_40 = tpu.memref_squeeze %dma_wait3A_39 : memref<1x40xi32, #tpu.memory_space<vmem>> -> memref<40xi32, #tpu.memory_space<vmem>>
      %dma_wait3A_41 = arith.constant 0 : i32
      %dma_wait3A_42 = arith.constant 0 : i32
      %dma_wait3A_43 = tpu.memref_slice %arg9[%dma_wait3A_41, %dma_wait3A_42] : memref<10240x128xf32, #tpu.memory_space<vmem_shared>> -> memref<10240x128xf32, #tpu.memory_space<vmem_shared>>
      tpu.wait_indirect_dma semaphore(%arg20 : memref<!tpu.dma_semaphore, #tpu.memory_space<semaphore_mem>>) src(%dma_wait3A_37 : memref<40x128xf32, #tpu.memory_space<vmem>>) dst(%dma_wait3A_43 : memref<10240x128xf32, #tpu.memory_space<vmem_shared>>)
      %dma_wait3A_44 = arith.constant 1 : i32
      %dma_wait3A_45 = arith.constant 49 : i32
      %dma_wait3A_46 = arith.constant 0 : i32
      %dma_wait3A_47 = arith.constant 0 : i32
      %dma_wait3A_48 = tpu.memref_slice %arg14[%dma_wait3A_44, %dma_wait3A_46, %dma_wait3A_47] : memref<2x40x128xf32, #tpu.memory_space<vmem>> -> memref<1x40x128xf32, #tpu.memory_space<vmem>>
      %dma_wait3A_49 = tpu.memref_squeeze %dma_wait3A_48 : memref<1x40x128xf32, #tpu.memory_space<vmem>> -> memref<40x128xf32, #tpu.memory_space<vmem>>
      %dma_wait3A_50 = arith.constant 0 : i32
      %dma_wait3A_51 = tpu.memref_slice %arg11[%dma_wait3A_45, %dma_wait3A_50] : memref<50x40xi32, #tpu.memory_space<vmem>> -> memref<1x40xi32, #tpu.memory_space<vmem>>
      %dma_wait3A_52 = tpu.memref_squeeze %dma_wait3A_51 : memref<1x40xi32, #tpu.memory_space<vmem>> -> memref<40xi32, #tpu.memory_space<vmem>>
      %dma_wait3A_53 = arith.constant 0 : i32
      %dma_wait3A_54 = arith.constant 0 : i32
      %dma_wait3A_55 = tpu.memref_slice %arg9[%dma_wait3A_53, %dma_wait3A_54] : memref<10240x128xf32, #tpu.memory_space<vmem_shared>> -> memref<10240x128xf32, #tpu.memory_space<vmem_shared>>
      tpu.wait_indirect_dma semaphore(%arg21 : memref<!tpu.dma_semaphore, #tpu.memory_space<semaphore_mem>>) src(%dma_wait3A_49 : memref<40x128xf32, #tpu.memory_space<vmem>>) dst(%dma_wait3A_55 : memref<10240x128xf32, #tpu.memory_space<vmem_shared>>)
      %barrier3A_56 = arith.constant 0 : index
      tpu.barrier barrier_id(%barrier3A_56)
      %lt3A = arith.constant 15 : i32
      %lt3A_57 = arith.cmpi slt, %arg1, %lt3A : i32
      %convert_element_type3A_58 = arith.extui %lt3A_57 : i1 to i32
      %cond3A_59 = arith.constant 0 : i32
      %cond3A_60 = arith.cmpi ne, %convert_element_type3A_58, %cond3A_59 : i32
      scf.if %cond3A_60 {
        %mul3A_66 = arith.constant 640 : i32
        %mul3A_67 = arith.muli %arg1, %mul3A_66 : i32
        %mul3A_68 = arith.constant 640 : i32
        %mul3A_69 = arith.muli %arg1, %mul3A_68 : i32
        "tpu.region"() ({
          %run_scoped3A = tpu.sem_alloc : memref<!tpu.dma_semaphore, #tpu.memory_space<semaphore_mem>>
          %dma_start3A = arith.constant 0 : i32
          %dma_start3A_70 = tpu.memref_slice %arg8[%arg0, %mul3A_69, %dma_start3A] : memref<2x10000x128xf32, #tpu.memory_space<hbm>> -> memref<1x640x128xf32, #tpu.memory_space<hbm>>
          %dma_start3A_71 = tpu.memref_squeeze %dma_start3A_70 : memref<1x640x128xf32, #tpu.memory_space<hbm>> -> memref<640x128xf32, #tpu.memory_space<hbm>>
          %dma_start3A_72 = arith.constant 0 : i32
          %dma_start3A_73 = tpu.memref_slice %arg9[%mul3A_67, %dma_start3A_72] : memref<10240x128xf32, #tpu.memory_space<vmem_shared>> -> memref<640x128xf32, #tpu.memory_space<vmem_shared>>
          tpu.enqueue_dma source(%dma_start3A_73 : memref<640x128xf32, #tpu.memory_space<vmem_shared>>) target(%dma_start3A_71 : memref<640x128xf32, #tpu.memory_space<hbm>>) target_semaphore(%run_scoped3A : memref<!tpu.dma_semaphore, #tpu.memory_space<semaphore_mem>>)
          %dma_wait3A_74 = arith.constant 0 : i32
          %dma_wait3A_75 = tpu.memref_slice %arg8[%arg0, %mul3A_69, %dma_wait3A_74] : memref<2x10000x128xf32, #tpu.memory_space<hbm>> -> memref<1x640x128xf32, #tpu.memory_space<hbm>>
          %dma_wait3A_76 = tpu.memref_squeeze %dma_wait3A_75 : memref<1x640x128xf32, #tpu.memory_space<hbm>> -> memref<640x128xf32, #tpu.memory_space<hbm>>
          %dma_wait3A_77 = arith.constant 0 : i32
          %dma_wait3A_78 = tpu.memref_slice %arg9[%mul3A_67, %dma_wait3A_77] : memref<10240x128xf32, #tpu.memory_space<vmem_shared>> -> memref<640x128xf32, #tpu.memory_space<vmem_shared>>
          tpu.wait_dma2 semaphore(%run_scoped3A : memref<!tpu.dma_semaphore, #tpu.memory_space<semaphore_mem>>) src(%dma_wait3A_78 : memref<640x128xf32, #tpu.memory_space<vmem_shared>>) dst(%dma_wait3A_76 : memref<640x128xf32, #tpu.memory_space<hbm>>)
          tpu.yield
        }) : () -> ()
      } else {
      }
      %eq3A_61 = arith.constant 15 : i32
      %eq3A_62 = arith.cmpi eq, %arg1, %eq3A_61 : i32
      %convert_element_type3A_63 = arith.extui %eq3A_62 : i1 to i32
      %cond3A_64 = arith.constant 0 : i32
      %cond3A_65 = arith.cmpi ne, %convert_element_type3A_63, %cond3A_64 : i32
      scf.if %cond3A_65 {
        "tpu.region"() ({
          %run_scoped3A = tpu.sem_alloc : memref<!tpu.dma_semaphore, #tpu.memory_space<semaphore_mem>>
          %dma_start3A = arith.constant 9600 : i32
          %dma_start3A_66 = arith.constant 0 : i32
          %dma_start3A_67 = tpu.memref_slice %arg8[%arg0, %dma_start3A, %dma_start3A_66] : memref<2x10000x128xf32, #tpu.memory_space<hbm>> -> memref<1x400x128xf32, #tpu.memory_space<hbm>>
          %dma_start3A_68 = tpu.memref_squeeze %dma_start3A_67 : memref<1x400x128xf32, #tpu.memory_space<hbm>> -> memref<400x128xf32, #tpu.memory_space<hbm>>
          %dma_start3A_69 = arith.constant 9600 : i32
          %dma_start3A_70 = arith.constant 0 : i32
          %dma_start3A_71 = tpu.memref_slice %arg9[%dma_start3A_69, %dma_start3A_70] : memref<10240x128xf32, #tpu.memory_space<vmem_shared>> -> memref<400x128xf32, #tpu.memory_space<vmem_shared>>
          tpu.enqueue_dma source(%dma_start3A_71 : memref<400x128xf32, #tpu.memory_space<vmem_shared>>) target(%dma_start3A_68 : memref<400x128xf32, #tpu.memory_space<hbm>>) target_semaphore(%run_scoped3A : memref<!tpu.dma_semaphore, #tpu.memory_space<semaphore_mem>>)
          %dma_wait3A_72 = arith.constant 9600 : i32
          %dma_wait3A_73 = arith.constant 0 : i32
          %dma_wait3A_74 = tpu.memref_slice %arg8[%arg0, %dma_wait3A_72, %dma_wait3A_73] : memref<2x10000x128xf32, #tpu.memory_space<hbm>> -> memref<1x400x128xf32, #tpu.memory_space<hbm>>
          %dma_wait3A_75 = tpu.memref_squeeze %dma_wait3A_74 : memref<1x400x128xf32, #tpu.memory_space<hbm>> -> memref<400x128xf32, #tpu.memory_space<hbm>>
          %dma_wait3A_76 = arith.constant 9600 : i32
          %dma_wait3A_77 = arith.constant 0 : i32
          %dma_wait3A_78 = tpu.memref_slice %arg9[%dma_wait3A_76, %dma_wait3A_77] : memref<10240x128xf32, #tpu.memory_space<vmem_shared>> -> memref<400x128xf32, #tpu.memory_space<vmem_shared>>
          tpu.wait_dma2 semaphore(%run_scoped3A : memref<!tpu.dma_semaphore, #tpu.memory_space<semaphore_mem>>) src(%dma_wait3A_78 : memref<400x128xf32, #tpu.memory_space<vmem_shared>>) dst(%dma_wait3A_75 : memref<400x128xf32, #tpu.memory_space<hbm>>)
          tpu.yield
        }) : () -> ()
      } else {
      }
    } else {
    }
    return
  }
}

module attributes {stable_mosaic.version = 14 : i64} {
  func.func @_ab_body(%arg0: i32, %arg1: memref<400x128xf32, #tpu.memory_space<vmem>>, %arg2: memref<256x128xf32, #tpu.memory_space<vmem>>, %arg3: memref<256x128xf32, #tpu.memory_space<vmem>>, %arg4: memref<1x256xf32, #tpu.memory_space<vmem>>, %arg5: memref<400x128xf32, #tpu.memory_space<vmem>>, %arg6: memref<400x128xf32, #tpu.memory_space<vmem>>, %arg7: memref<400x128xf32, #tpu.memory_space<vmem>>, %arg8: memref<400x128xf32, #tpu.memory_space<vmem>>) attributes {dimension_semantics = [#tpu.dimension_semantics<arbitrary>], iteration_bounds = array<i64: 25>, scalar_prefetch = 0 : i64, scratch_operands = 0 : i64, tpu.core_type = #tpu.core_type<tc>, window_params = [{transform_indices = @transform_0, window_bounds = array<i64: 400, 128>}, {pipeline_mode = #tpu.pipeline_mode<synchronous>, transform_indices = @transform_1, window_bounds = array<i64: 256, 128>}, {pipeline_mode = #tpu.pipeline_mode<synchronous>, transform_indices = @transform_2, window_bounds = array<i64: 256, 128>}, {pipeline_mode = #tpu.pipeline_mode<synchronous>, transform_indices = @transform_3, window_bounds = array<i64: 1, 256>}, {transform_indices = @transform_4, window_bounds = array<i64: 400, 128>}, {transform_indices = @transform_5, window_bounds = array<i64: 400, 128>}, {transform_indices = @transform_6, window_bounds = array<i64: 400, 128>}, {transform_indices = @transform_7, window_bounds = array<i64: 400, 128>}]} {
    %get3A = arith.constant 0 : index
    %get3A_0 = arith.constant 0 : index
    %get3A_1 = vector.load %arg1[%get3A, %get3A_0] : memref<400x128xf32, #tpu.memory_space<vmem>>, vector<400x128xf32>
    %get3A_2 = arith.constant 0 : index
    %get3A_3 = arith.constant 0 : index
    %get3A_4 = vector.load %arg2[%get3A_2, %get3A_3] : memref<256x128xf32, #tpu.memory_space<vmem>>, vector<256x128xf32>
    %dot_general3A = arith.constant dense<0.000000e+00> : vector<400x256xf32>
    %dot_general3A_5 = tpu.matmul %get3A_1, %get3A_4, %dot_general3A {dimension_numbers = #tpu.dot_dimension_numbers<[1], [1], [0], [0], [0, 0, 1, 0], [], []>, transpose_lhs_hint = false} : vector<400x128xf32>, vector<256x128xf32>, vector<400x256xf32> -> vector<400x256xf32>
    %get3A_6 = arith.constant 0 : index
    %get3A_7 = arith.constant 0 : index
    %get3A_8 = vector.load %arg3[%get3A_6, %get3A_7] : memref<256x128xf32, #tpu.memory_space<vmem>>, vector<256x128xf32>
    %dot_general3A_9 = arith.constant dense<0.000000e+00> : vector<400x256xf32>
    %dot_general3A_10 = tpu.matmul %get3A_1, %get3A_8, %dot_general3A_9 {dimension_numbers = #tpu.dot_dimension_numbers<[1], [1], [0], [0], [0, 0, 1, 0], [], []>, transpose_lhs_hint = false} : vector<400x128xf32>, vector<256x128xf32>, vector<400x256xf32> -> vector<400x256xf32>
    %get3A_11 = arith.constant 0 : index
    %get3A_12 = arith.constant 0 : index
    %get3A_13 = vector.load %arg4[%get3A_11, %get3A_12] : memref<1x256xf32, #tpu.memory_space<vmem>>, vector<1x256xf32>
    %add3A = vector.broadcast %get3A_13 : vector<1x256xf32> to vector<400x256xf32>
    %add3A_14 = arith.addf %dot_general3A_10, %add3A : vector<400x256xf32>
    %slice3A = vector.extract_strided_slice %dot_general3A_5 {offsets = [0, 0], sizes = [400, 128], strides = [1, 1]} : vector<400x256xf32> to vector<400x128xf32>
    %swap3A = arith.constant 0 : index
    %swap3A_15 = arith.constant 0 : index
    %swap3A_16 = vector.load %arg5[%swap3A, %swap3A_15] : memref<400x128xf32, #tpu.memory_space<vmem>>, vector<400x128xf32>
    tpu.vector_store %arg5[%swap3A, %swap3A_15], %slice3A {strides = array<i32>} : memref<400x128xf32, #tpu.memory_space<vmem>>, vector<400x128xf32>,
    %slice3A_17 = vector.extract_strided_slice %dot_general3A_5 {offsets = [0, 128], sizes = [400, 128], strides = [1, 1]} : vector<400x256xf32> to vector<400x128xf32>
    %swap3A_18 = arith.constant 0 : index
    %swap3A_19 = arith.constant 0 : index
    %swap3A_20 = vector.load %arg6[%swap3A_18, %swap3A_19] : memref<400x128xf32, #tpu.memory_space<vmem>>, vector<400x128xf32>
    tpu.vector_store %arg6[%swap3A_18, %swap3A_19], %slice3A_17 {strides = array<i32>} : memref<400x128xf32, #tpu.memory_space<vmem>>, vector<400x128xf32>,
    %slice3A_21 = vector.extract_strided_slice %add3A_14 {offsets = [0, 0], sizes = [400, 128], strides = [1, 1]} : vector<400x256xf32> to vector<400x128xf32>
    %swap3A_22 = arith.constant 0 : index
    %swap3A_23 = arith.constant 0 : index
    %swap3A_24 = vector.load %arg7[%swap3A_22, %swap3A_23] : memref<400x128xf32, #tpu.memory_space<vmem>>, vector<400x128xf32>
    tpu.vector_store %arg7[%swap3A_22, %swap3A_23], %slice3A_21 {strides = array<i32>} : memref<400x128xf32, #tpu.memory_space<vmem>>, vector<400x128xf32>,
    %slice3A_25 = vector.extract_strided_slice %add3A_14 {offsets = [0, 128], sizes = [400, 128], strides = [1, 1]} : vector<400x256xf32> to vector<400x128xf32>
    %swap3A_26 = arith.constant 0 : index
    %swap3A_27 = arith.constant 0 : index
    %swap3A_28 = vector.load %arg8[%swap3A_26, %swap3A_27] : memref<400x128xf32, #tpu.memory_space<vmem>>, vector<400x128xf32>
    tpu.vector_store %arg8[%swap3A_26, %swap3A_27], %slice3A_25 {strides = array<i32>} : memref<400x128xf32, #tpu.memory_space<vmem>>, vector<400x128xf32>,
    return
  }
  func.func @transform_0(%arg0: i32) -> (i32, i32) {
    %c0_i32 = arith.constant 0 : i32
    %c0_i32_0 = arith.constant 0 : i32
    return %arg0, %c0_i32 : i32, i32
  }
  func.func @transform_1(%arg0: i32) -> (i32, i32) {
    %c0_i32 = arith.constant 0 : i32
    %c0_i32_0 = arith.constant 0 : i32
    %c0_i32_1 = arith.constant 0 : i32
    return %c0_i32, %c0_i32_0 : i32, i32
  }
  func.func @transform_2(%arg0: i32) -> (i32, i32) {
    %c0_i32 = arith.constant 0 : i32
    %c0_i32_0 = arith.constant 0 : i32
    %c0_i32_1 = arith.constant 0 : i32
    return %c0_i32, %c0_i32_0 : i32, i32
  }
  func.func @transform_3(%arg0: i32) -> (i32, i32) {
    %c0_i32 = arith.constant 0 : i32
    %c0_i32_0 = arith.constant 0 : i32
    %c0_i32_1 = arith.constant 0 : i32
    return %c0_i32, %c0_i32_0 : i32, i32
  }
  func.func @transform_4(%arg0: i32) -> (i32, i32) {
    %c0_i32 = arith.constant 0 : i32
    %c0_i32_0 = arith.constant 0 : i32
    return %arg0, %c0_i32 : i32, i32
  }
  func.func @transform_5(%arg0: i32) -> (i32, i32) {
    %c0_i32 = arith.constant 0 : i32
    %c0_i32_0 = arith.constant 0 : i32
    return %arg0, %c0_i32 : i32, i32
  }
  func.func @transform_6(%arg0: i32) -> (i32, i32) {
    %c0_i32 = arith.constant 0 : i32
    %c0_i32_0 = arith.constant 0 : i32
    return %arg0, %c0_i32 : i32, i32
  }
  func.func @transform_7(%arg0: i32) -> (i32, i32) {
    %c0_i32 = arith.constant 0 : i32
    %c0_i32_0 = arith.constant 0 : i32
    return %arg0, %c0_i32 : i32, i32
  }
}

module attributes {stable_mosaic.version = 14 : i64} {
  func.func @_hid_body(%arg0: i32, %arg1: memref<2x400x128xf32, #tpu.memory_space<vmem>>, %arg2: memref<400x128xf32, #tpu.memory_space<vmem>>, %arg3: memref<384x128xf32, #tpu.memory_space<vmem>>, %arg4: memref<384x128xf32, #tpu.memory_space<vmem>>, %arg5: memref<384x128xf32, #tpu.memory_space<vmem>>, %arg6: memref<1x384xf32, #tpu.memory_space<vmem>>, %arg7: memref<400x384xf32, #tpu.memory_space<vmem>>) attributes {dimension_semantics = [#tpu.dimension_semantics<arbitrary>], iteration_bounds = array<i64: 25>, scalar_prefetch = 0 : i64, scratch_operands = 0 : i64, tpu.core_type = #tpu.core_type<tc>, window_params = [{transform_indices = @transform_0, window_bounds = array<i64: 2, 400, 128>}, {transform_indices = @transform_1, window_bounds = array<i64: 400, 128>}, {pipeline_mode = #tpu.pipeline_mode<synchronous>, transform_indices = @transform_2, window_bounds = array<i64: 384, 128>}, {pipeline_mode = #tpu.pipeline_mode<synchronous>, transform_indices = @transform_3, window_bounds = array<i64: 384, 128>}, {pipeline_mode = #tpu.pipeline_mode<synchronous>, transform_indices = @transform_4, window_bounds = array<i64: 384, 128>}, {pipeline_mode = #tpu.pipeline_mode<synchronous>, transform_indices = @transform_5, window_bounds = array<i64: 1, 384>}, {transform_indices = @transform_6, window_bounds = array<i64: 400, 384>}]} {
    %get3A = arith.constant 0 : index
    %get3A_0 = arith.constant 0 : index
    %get3A_1 = arith.constant 0 : index
    %get3A_2 = vector.load %arg1[%get3A, %get3A_0, %get3A_1] : memref<2x400x128xf32, #tpu.memory_space<vmem>>, vector<1x400x128xf32>
    %get3A_3 = vector.shape_cast %get3A_2 : vector<1x400x128xf32> to vector<400x128xf32>
    %get3A_4 = arith.constant 1 : index
    %get3A_5 = arith.constant 0 : index
    %get3A_6 = arith.constant 0 : index
    %get3A_7 = vector.load %arg1[%get3A_4, %get3A_5, %get3A_6] : memref<2x400x128xf32, #tpu.memory_space<vmem>>, vector<1x400x128xf32>
    %get3A_8 = vector.shape_cast %get3A_7 : vector<1x400x128xf32> to vector<400x128xf32>
    %get3A_9 = arith.constant 0 : index
    %get3A_10 = arith.constant 0 : index
    %get3A_11 = vector.load %arg3[%get3A_9, %get3A_10] : memref<384x128xf32, #tpu.memory_space<vmem>>, vector<384x128xf32>
    %dot_general3A = arith.constant dense<0.000000e+00> : vector<400x384xf32>
    %dot_general3A_12 = tpu.matmul %get3A_3, %get3A_11, %dot_general3A {dimension_numbers = #tpu.dot_dimension_numbers<[1], [1], [0], [0], [0, 0, 1, 0], [], []>, transpose_lhs_hint = false} : vector<400x128xf32>, vector<384x128xf32>, vector<400x384xf32> -> vector<400x384xf32>
    %get3A_13 = arith.constant 0 : index
    %get3A_14 = arith.constant 0 : index
    %get3A_15 = vector.load %arg4[%get3A_13, %get3A_14] : memref<384x128xf32, #tpu.memory_space<vmem>>, vector<384x128xf32>
    %dot_general3A_16 = arith.constant dense<0.000000e+00> : vector<400x384xf32>
    %dot_general3A_17 = tpu.matmul %get3A_8, %get3A_15, %dot_general3A_16 {dimension_numbers = #tpu.dot_dimension_numbers<[1], [1], [0], [0], [0, 0, 1, 0], [], []>, transpose_lhs_hint = false} : vector<400x128xf32>, vector<384x128xf32>, vector<400x384xf32> -> vector<400x384xf32>
    %add3A = arith.addf %dot_general3A_12, %dot_general3A_17 : vector<400x384xf32>
    %get3A_18 = arith.constant 0 : index
    %get3A_19 = arith.constant 0 : index
    %get3A_20 = vector.load %arg2[%get3A_18, %get3A_19] : memref<400x128xf32, #tpu.memory_space<vmem>>, vector<400x128xf32>
    %get3A_21 = arith.constant 0 : index
    %get3A_22 = arith.constant 0 : index
    %get3A_23 = vector.load %arg5[%get3A_21, %get3A_22] : memref<384x128xf32, #tpu.memory_space<vmem>>, vector<384x128xf32>
    %dot_general3A_24 = arith.constant dense<0.000000e+00> : vector<400x384xf32>
    %dot_general3A_25 = tpu.matmul %get3A_20, %get3A_23, %dot_general3A_24 {dimension_numbers = #tpu.dot_dimension_numbers<[1], [1], [0], [0], [0, 0, 1, 0], [], []>, transpose_lhs_hint = false} : vector<400x128xf32>, vector<384x128xf32>, vector<400x384xf32> -> vector<400x384xf32>
    %add3A_26 = arith.addf %add3A, %dot_general3A_25 : vector<400x384xf32>
    %get3A_27 = arith.constant 0 : index
    %get3A_28 = arith.constant 0 : index
    %get3A_29 = vector.load %arg6[%get3A_27, %get3A_28] : memref<1x384xf32, #tpu.memory_space<vmem>>, vector<1x384xf32>
    %add3A_30 = vector.broadcast %get3A_29 : vector<1x384xf32> to vector<400x384xf32>
    %add3A_31 = arith.addf %add3A_26, %add3A_30 : vector<400x384xf32>
    %max3A = arith.constant 0.000000e+00 : f32
    %max3A_32 = vector.broadcast %max3A : f32 to vector<400x384xf32>
    %max3A_33 = arith.maximumf %add3A_31, %max3A_32 : vector<400x384xf32>
    %swap3A = arith.constant 0 : index
    %swap3A_34 = arith.constant 0 : index
    %swap3A_35 = vector.load %arg7[%swap3A, %swap3A_34] : memref<400x384xf32, #tpu.memory_space<vmem>>, vector<400x384xf32>
    tpu.vector_store %arg7[%swap3A, %swap3A_34], %max3A_33 {strides = array<i32>} : memref<400x384xf32, #tpu.memory_space<vmem>>, vector<400x384xf32>,
    return
  }
  func.func @transform_0(%arg0: i32) -> (i32, i32, i32) {
    %c0_i32 = arith.constant 0 : i32
    %c0_i32_0 = arith.constant 0 : i32
    %c0_i32_1 = arith.constant 0 : i32
    return %c0_i32, %arg0, %c0_i32_0 : i32, i32, i32
  }
  func.func @transform_1(%arg0: i32) -> (i32, i32) {
    %c0_i32 = arith.constant 0 : i32
    %c0_i32_0 = arith.constant 0 : i32
    return %arg0, %c0_i32 : i32, i32
  }
  func.func @transform_2(%arg0: i32) -> (i32, i32) {
    %c0_i32 = arith.constant 0 : i32
    %c0_i32_0 = arith.constant 0 : i32
    %c0_i32_1 = arith.constant 0 : i32
    return %c0_i32, %c0_i32_0 : i32, i32
  }
  func.func @transform_3(%arg0: i32) -> (i32, i32) {
    %c0_i32 = arith.constant 0 : i32
    %c0_i32_0 = arith.constant 0 : i32
    %c0_i32_1 = arith.constant 0 : i32
    return %c0_i32, %c0_i32_0 : i32, i32
  }
  func.func @transform_4(%arg0: i32) -> (i32, i32) {
    %c0_i32 = arith.constant 0 : i32
    %c0_i32_0 = arith.constant 0 : i32
    %c0_i32_1 = arith.constant 0 : i32
    return %c0_i32, %c0_i32_0 : i32, i32
  }
  func.func @transform_5(%arg0: i32) -> (i32, i32) {
    %c0_i32 = arith.constant 0 : i32
    %c0_i32_0 = arith.constant 0 : i32
    %c0_i32_1 = arith.constant 0 : i32
    return %c0_i32, %c0_i32_0 : i32, i32
  }
  func.func @transform_6(%arg0: i32) -> (i32, i32) {
    %c0_i32 = arith.constant 0 : i32
    %c0_i32_0 = arith.constant 0 : i32
    return %arg0, %c0_i32 : i32, i32
  }
}

</mosaic_0001>

<sc_bundles>
// kernel: _run.5.cloned.1.call-start
scs
__scs_entry_jumppad:
0x0: {  	(pc) =	sbr.rel $0x88, $3  }
0x1: {  	(tag) =	ssettag $0x0;
	lr =	simm.s32 $0x1  }
0x2: {  	[smem:$0x3F9B] =	sst lr;
	_ =	strace $0xD0000000  }
0x3: {  	_ = 	snop  }
0x4: {  	_ = 	snop  }
0x5: {  	_ = 	snop  }
0x6: {  	_ = 	snop  }
0x7: {  	_ = 	snop  }
__scs_overlays_trampoline_lowered:
0x8: {  	[smem:$0x3FAA] =	sst s0  }
0x9: {  	[smem:$0x3FAB] =	sst s1  }
0xa: {  	[smem:$0x3FAC] =	sst s2  }
0xb: {  	[smem:$0x3FAD] =	sst s3  }
0xc: {  	[smem:$0x3FAE] =	sst s4  }
0xd: {  	[smem:$0x3FAF] =	sst s5  }
0xe: {  	[smem:$0x3FB0] =	sst s6  }
0xf: {  	[smem:$0x3FB1] =	sst s7  }
0x10: {  	[smem:$0x3FB2] =	sst s8  }
0x11: {  	[smem:$0x3FB3] =	sst s9;
	s0 =	simm.s32 @!p0 $0x0  }
0x12: {  	s1 =	sld [smem:$0x3F99];
	s0 =	simm.s32 @p0 $0x1  }
0x13: {  	[smem:$0x3FB4] =	sst s0;
	s0 =	simm.s32 @!p1 $0x0  }
0x14: {  	s2 =	sld [smem:$0x3F98];
	s0 =	simm.s32 @p1 $0x1  }
0x15: {  	[smem:$0x3FB5] =	sst s0;
	s0 =	simm.s32 @!p2 $0x0  }
0x16: {  	s3 =	sld [smem:$0x3FDB];
	s0 =	simm.s32 @p2 $0x1  }
0x17: {  	s4 =	simm.s32 $0x1BF5;
	[smem:$0x3FB7] =	sst s0  }
0x18: {  	s0 =	sld [smem:$0x3F9A];
	_ =	swait.ge [sflag:s4], $0x0  }
0x19: {  	s7 =	sld [smem:$0x3F9B]  }
0x1a: {  	s8 =	sadd.s32 $0xFFFFE003, lr  }
0x1b: {  	s9 =	sadd.s32 $0xFFFFFEF7, lr;
	s5 =	simm.s32 $0xFFFFFFFF;
	p2 =	slt.u32 s8, $0xFFFFF086  }
0x1c: {  	p1 =	slt.u32 s9, $0xF7A;
	s5 =	simm.s32 @!p2 $0x0  }
0x1d: {  	s5 =	simm.s32 @p1 $0x1;
	p0 =	seq.s32 s7, s2  }
0x1e: {  	s7 =	smul.u32 @!p0 $0xF7A, s2;
	p2 =	seq.s32 @!p0 s5, $0x0  }
0x1f: {  	s9 =	smul.u32 $0xF7A, s1;
	s8 =	simm.s32 @!p0 $0x1BF5;
	p2 =	por !p2, p0  }
0x20: {  	[sflag:s8] =	ssyncset.s32 @!p0 $0xFFFFF086;
	s6 =	sadd.s32 @!p0 s3, s7;
	s7 =	simm.s32 @!p0 $0x108  }
0x21: {  	s3 =	sadd.s32 s3, s9;
	s6 =	sadd.s32 @!p0 $0x88, s6;
	s7 =	simm.s32 @p2 $0x1082  }
0x22: {  	[simem:s7], [sflag:s8] =	dma.local @!p0 [hbm:s6], $0xF7A  }
0x23: {  	s9 =	sor.u32 $0xD0000000, s2;
	s6 =	simm.s32 $0x108;
	_ =	swait.ge @!p0 [sflag:s8], $0x0  }
0x24: {  	s3 =	sadd.s32 $0x88, s3;
	s6 =	simm.s32 @!p1 $0x1082;
	[sflag:s4] =	ssyncset.s32 $0xFFFFF086  }
0x25: {  	[simem:s6], [sflag:s4] =	dma.local [hbm:s3], $0xF7A  }
0x26: {  	[smem:$0x3F9B] =	sst s1;
	(tag) =	ssettag s2;
	_ =	strace s9  }
0x27: {  	s1 =	sld [smem:$0x3FAB]  }
0x28: {  	s2 =	sld [smem:$0x3FAC]  }
0x29: {  	s4 =	sld [smem:$0x3FAE]  }
0x2a: {  	p0 =	seq.s32 s5, $0x0;
	s5 =	sld [smem:$0x3FAF]  }
0x2b: {  	s6 =	sld [smem:$0x3FB0]  }
0x2c: {  	s7 =	sld [smem:$0x3FB1]  }
0x2d: {  	s3 =	simm.s32 $0x108;
	s8 =	sld [smem:$0x3FB2]  }
0x2e: {  	s3 =	simm.s32 @!p0 $0x1082;
	s9 =	sld [smem:$0x3FB3]  }
0x2f: {  	lr =	sadd.s32 s0, s3;
	s0 =	sld [smem:$0x3FAA]  }
0x30: {  	s3 =	sld [smem:$0x3FAD]  }
0x31: {  	[smem:$0x3FB6] =	sst s10  }
0x32: {  	s10 =	sld [smem:$0x3FB4];
	_ =	sdelay $0x3  }
0x33: {  	p0 =	seq.s32 s10, $0x1;
	s10 =	sld [smem:$0x3FB6];
	_ =	sdelay $0x3  }
0x34: {  	[smem:$0x3FB6] =	sst s10  }
0x35: {  	s10 =	sld [smem:$0x3FB5];
	_ =	sdelay $0x3  }
0x36: {  	p1 =	seq.s32 s10, $0x1;
	s10 =	sld [smem:$0x3FB6];
	_ =	sdelay $0x3  }
0x37: {  	[smem:$0x3FB6] =	sst s10  }
0x38: {  	s10 =	sld [smem:$0x3FB7]  }
0x39: {  	_ = 	snop;
	(pc) =	sbr.ind lr, $3  }
0x3a: {  	_ = 	snop  }
0x3b: {  	_ = 	snop  }
0x3c: {  	p2 =	seq.s32 s10, $0x1;
	s10 =	sld [smem:$0x3FB6]  }
0x3d: {  	_ =	shalt  }
0x3e: {  	_ =	shalt  }
0x3f: {  	_ =	shalt  }
0x40: {  	_ =	shalt  }
0x41: {  	_ =	shalt  }
0x42: {  	_ =	shalt  }
0x43: {  	_ =	shalt  }
0x44: {  	_ =	shalt  }
0x45: {  	_ =	shalt  }
0x46: {  	_ =	shalt  }
0x47: {  	_ =	shalt  }
0x48: {  	_ =	shalt  }
0x49: {  	_ =	shalt  }
0x4a: {  	_ =	shalt  }
0x4b: {  	_ =	shalt  }
0x4c: {  	_ =	shalt  }
0x4d: {  	_ =	shalt  }
0x4e: {  	_ =	shalt  }
0x4f: {  	_ =	shalt  }
0x50: {  	_ =	shalt  }
0x51: {  	_ =	shalt  }
0x52: {  	_ =	shalt  }
0x53: {  	_ =	shalt  }
0x54: {  	_ =	shalt  }
0x55: {  	_ =	shalt  }
0x56: {  	_ =	shalt  }
0x57: {  	_ =	shalt  }
0x58: {  	_ =	shalt  }
0x59: {  	_ =	shalt  }
0x5a: {  	_ =	shalt  }
0x5b: {  	_ =	shalt  }
0x5c: {  	_ =	shalt  }
0x5d: {  	_ =	shalt  }
0x5e: {  	_ =	shalt  }
0x5f: {  	_ =	shalt  }
0x60: {  	_ =	shalt  }
0x61: {  	_ =	shalt  }
0x62: {  	_ =	shalt  }
0x63: {  	_ =	shalt  }
0x64: {  	_ =	shalt  }
0x65: {  	_ =	shalt  }
0x66: {  	_ =	shalt  }
0x67: {  	_ =	shalt  }
0x68: {  	_ =	shalt  }
0x69: {  	_ =	shalt  }
0x6a: {  	_ =	shalt  }
0x6b: {  	_ =	shalt  }
0x6c: {  	_ =	shalt  }
0x6d: {  	_ =	shalt  }
0x6e: {  	_ =	shalt  }
0x6f: {  	_ =	shalt  }
0x70: {  	_ =	shalt  }
0x71: {  	_ =	shalt  }
0x72: {  	_ =	shalt  }
0x73: {  	_ =	shalt  }
0x74: {  	_ =	shalt  }
0x75: {  	_ =	shalt  }
0x76: {  	_ =	shalt  }
0x77: {  	_ =	shalt  }
0x78: {  	_ =	shalt  }
0x79: {  	_ =	shalt  }
0x7a: {  	_ =	shalt  }
0x7b: {  	_ =	shalt  }
0x7c: {  	_ =	shalt  }
0x7d: {  	_ =	shalt  }
0x7e: {  	_ =	shalt  }
0x7f: {  	_ =	shalt  }
0x80: {  	_ =	shalt  }
0x81: {  	_ =	shalt  }
0x82: {  	_ =	shalt  }
0x83: {  	_ =	shalt  }
0x84: {  	_ =	shalt  }
0x85: {  	_ =	shalt  }
0x86: {  	_ =	shalt  }
0x87: {  	_ =	shalt  }
.Lfunc_end0:
.L_simem_size_0:
called_computation_lowered:
.L_overlay_start_0:
0x88: {  	s2 =	sld [smem:$0x3FD9]  }
0x89: {  	s3 =	sld [smem:$0x3FFE];
	_ =	sdelay $0x1  }
0x8a: {  	s1 =	srdreg.scid  }
0x8b: {  	s0 =	sand.u32 $0x1, s1  }
0x8c: {  	s17 =	sshll.u32 s0, $0xA;
	s2 =	sadd.s32 s3, s2  }
0x8d: {  	s2 =	sadd.s32 s2, s17  }
0x8e: {  	[smem:$0x3FC2] =	sst s2  }
0x8f: {  	_ = 	snop  }
0x90: {  	s2 =	sld [smem:$0x3FD0];
	(tm) =	ssettm $0x1  }
0x91: {  	s18 =	sld [smem:$0x3FFB];
	_ =	sdelay $0x3  }
0x92: {  	_ =	strace s18  }
0x93: {  	s3 =	sld [smem:$0x3FFC];
	_ =	sdelay $0x3  }
0x94: {  	_ =	strace s3  }
0x95: {  	s3 =	sld [smem:$0x3FFD];
	_ =	sdelay $0x3  }
0x96: {  	_ =	strace s3  }
0x97: {  	_ =	strace $0x8FFFFFFF  }
0x98: {  	s19 =	sld [smem:$0x3FDB];
	_ =	sdelay $0x1  }
0x99: {  	s4 =	simm.s32 $_scs_section_size  }
0x9a: {  	s5 =	simm.s32 $_size__tile_overlayer_lowered;
	s6 =	simm.s32 $_tile_overlayer_lowered  }
0x9b: {  	s22 =	simm.s32 $0x1BFF;
	s21 =	sshll.u32 s6, $0x1;
	s3 =	sadd.s32 s4, s19  }
0x9c: {  	s7 =	simm.s32 $0x0;
	s20 =	sshll.u32 s5, $0x1;
	s5 =	sadd.s32 s21, s3  }
0x9d: {  	[timem:s7], [sflag:s22] =	dma.local [hbm:s5], s20  }
0x9e: {  	_ =	swait.ge [sflag:s22], s20  }
0x9f: {  	s4 =	ssub.s32 $0x0, s20;
	[sflag:s22] =	ssyncset.done $0x0  }
0xa0: {  	[sflag:s22] =	ssyncadd.s32 s4;
	_ =	sdelay $0x1  }
0xa1: {  	s23 =	simm.s32 $0x1B8B  }
0xa2: {  	_ =	swait.ge [sflag:s23], $0x1  }
0xa3: {  	[sflag:s23] =	ssyncset.done $0x0  }
0xa4: {  	s25 =	simm.s32 $0x1B8E;
	s24 =	sld [smem:$0x3FFE];
	[sflag:s23] =	ssyncadd.s32 $0xFFFFFFFF  }
0xa5: {  	s26 =	simm.s32 $execute0_lowered;
	[smem:$0x3FD2] =	sst s25  }
0xa6: {  	s5 =	sshll.u32 s26, $0x1;
	_ =	strace $0x80000046;
	[dreg:$0x1] =	wrdreg $0xFFFFFFFF  }
0xa7: {  	s28 =	simm.s32 $_size_execute0_lowered;
	s3 =	sadd.s32 s3, s5;
	[dreg:$0x0] =	wrdreg $0x0  }
0xa8: {  	s5 =	sshll.u32 s28, $0x1;
	[dreg:$0x2] =	wrdreg s3  }
0xa9: {  	[dreg:$0x3] =	wrdreg s5  }
0xaa: {  	[dreg:$0x4] =	wrdreg $0xC0  }
0xab: {  	_ =	task [dreg:s7], $0x5FFFF  }
0xac: {  	[dreg:$0x1] =	wrdreg $0xFFFFFFFF  }
0xad: {  	[dreg:$0x0] =	wrdreg $0x60  }
0xae: {  	[dreg:$0x2] =	wrdreg s24  }
0xaf: {  	[dreg:$0x3] =	wrdreg s2  }
0xb0: {  	[dreg:$0x4] =	wrdreg $0x0  }
0xb1: {  	[dreg:$0x5] =	wrdreg $0x9  }
0xb2: {  	_ =	task.clear_ibuf [dreg:s7], $0x6FFFF;
	_ =	strace $0x90000046  }
0xb3: {  	s29 =	simm.s32 $0x9;
	_ =	strace $0x80000048  }
0xb4: {  	_ =	swait.ge [sflag:s29], $0x1  }
0xb5: {  	[sflag:s29] =	ssyncadd.s32 $0xFFFFFFFF  }
0xb6: {  	_ =	strace $0x90000048  }
0xb7: {  	_ =	sfence  }
0xb8: {  	s30 =	sld [smem:$0x0];
	_ =	sdelay $0x2  }
0xb9: {  	s31 =	sshll.u32 s1, $0xD;
	s1 =	sshrl.u32 s1, $0x2  }
0xba: {  	s3 =	sand.u32 $0x4000, s31;
	s1 =	sadd.s32 s1, s30  }
0xbb: {  	s0 =	sor.u32 s3, s0;
	s1 =	sshll.u32 s1, $0x11  }
0xbc: {  	s0 =	sor.u32 s1, s0  }
0xbd: {  	s0 =	sadd.s32 $0x8F2B, s0  }
0xbe: {  	[sflag:s0] =	ssyncadd.remote.s32 $0x1  }
0xbf: {  	_ =	sfence.sel $0xFFFF  }
0xc0: {  	[dreg:$0x0] =	wrdreg $0xFFFFFFFF;
	(pc) =	sbr.abs _section_cstart, $3  }
0xc1: {  	[dreg:$0x1] =	wrdreg $0xFFFFFFFF  }
0xc2: {  	_ =	task.clear_ibuf [dreg:s7], $0x2FFFF;
	_ =	strace $0x9FFFFFFF  }
0xc3: {  	(tm) =	ssettm $0x7FFFFFFF  }
tec
execute0_lowered:
.L_overlay_start_1:
0x0: {  	(tag) =	ssettag $0x1  }
0x1: {  	s0 =	rddreg [dreg:$0x0]  }
0x2: {  	s2 =	rddreg [dreg:$0x1]  }
0x3: {  	s1 =	rddreg [dreg:$0x2];
	s14 =	simm.s32 $0x0;
	s4 =	srdreg.scid  }
0x4: {  	s15 =	stileid.u32;
	[smem:$0x7FF] =	sst s14  }
0x5: {  	s3 =	sadd.s32 $0x47A00, s0;
	s5 =	sadd.s32 $0x6EC00, s0;
	s6 =	sadd.s32 $0x95E00, s0  }
0x6: {  	s7 =	sadd.s32 $0xBD000, s0;
	s4 =	sand.u32 $0x1, s4;
	s11 =	smul.u32 $0x50000, s15  }
0x7: {  	s8 =	sadd.s32 $0x1A00, s0;
	s9 =	sadd.s32 $0x24A00, s0;
	s12 =	smul.u32 $0x14000, s15  }
0x8: {  	s13 =	smul.u32 $0x2800, s15;
	s21 =	sadd.s32 $0x25800, s2;
	s22 =	sadd.s32 $0x12C000, s1  }
0x9: {  	_ =	strace $0x80000047;
	s10 =	ssub.s32 $0x2, s4;
	[dreg:$0x7] =	wrdreg s21  }
0xa: {  	p0 =	seq.s32 s4, $0x1;
	[dreg:$0x8] =	wrdreg s22;
	s17 =	sshrl.u32 s10, $0x1  }
0xb: {  	s18 =	sshrl.u32 s11, $0x2;
	s19 =	sshrl.u32 s12, $0x3;
	s20 =	sadd.s32 s2, s13  }
0xc: {  	[dreg:$0x6] =	wrdreg s20;
	s4 =	sadd.s32 s2, s19;
	s2 =	sadd.s32 $0x4C900, s2  }
0xd: {  	s0 =	ssub.s32 s10, s17;
	s10 =	sadd.s32 s18, s1;
	[dreg:$0xa] =	wrdreg s2  }
0xe: {  	s4 =	sadd.s32 $0x27100, s4;
	[dreg:$0x5] =	wrdreg s10  }
0xf: {  	s0 =	smax.u32 s0, $0x1;
	[dreg:$0x9] =	wrdreg s4  }
0x10: {  	s23 =	sadd.s32 $0x1000, s10;
	[dreg:$0xb] =	wrdreg s0  }
0x11: {  	s24 =	sadd.s32 $0x2000, s10;
	[dreg:$0xc] =	wrdreg s23  }
0x12: {  	s25 =	sadd.s32 $0x3000, s10;
	[dreg:$0xd] =	wrdreg s24  }
0x13: {  	s26 =	sadd.s32 $0x4000, s10;
	[dreg:$0xe] =	wrdreg s25  }
0x14: {  	s2 =	sadd.s32 $0x5000, s10;
	[dreg:$0xf] =	wrdreg s26  }
0x15: {  	s12 =	sadd.s32 $0x7000, s10;
	[dreg:$0x10] =	wrdreg s2  }
0x16: {  	s13 =	sadd.s32 $0x8000, s10;
	[dreg:$0x12] =	wrdreg s12  }
0x17: {  	s16 =	sadd.s32 $0x9000, s10;
	[dreg:$0x13] =	wrdreg s13  }
0x18: {  	s28 =	simm.s32 $0x3;
	s17 =	sadd.s32 $0xA000, s10;
	[dreg:$0x14] =	wrdreg s16  }
0x19: {  	s29 =	simm.s32 $0x1C800;
	s18 =	sadd.s32 $0xB000, s10;
	[dreg:$0x15] =	wrdreg s17  }
0x1a: {  	s30 =	simm.s32 $0x2;
	s19 =	sadd.s32 $0xC000, s10;
	[dreg:$0x16] =	wrdreg s18  }
0x1b: {  	s31 =	simm.s32 $0x4;
	s20 =	sadd.s32 $0xD000, s10;
	[dreg:$0x17] =	wrdreg s19  }
0x1c: {  	p1 =	seq.s32 s15, $0xF;
	s21 =	sadd.s32 $0xE000, s10;
	[dreg:$0x18] =	wrdreg s20  }
0x1d: {  	s11 =	smul.u32 $0x11800, s15;
	s22 =	sadd.s32 $0xF000, s10;
	[dreg:$0x19] =	wrdreg s21  }
0x1e: {  	s4 =	sadd.s32 $0x6000, s10;
	[dreg:$0x1a] =	wrdreg s22;
	s23 =	sadd.s32 $0x10000, s10  }
0x1f: {  	s24 =	sadd.s32 $0x11000, s10;
	s25 =	sadd.s32 $0x12000, s10;
	s26 =	sadd.s32 $0x13000, s10  }
0x20: {  	s13 =	simm.s32 $0x1F000;
	s17 =	simm.s32 $0x5;
	[dreg:$0x11] =	wrdreg s4  }
.Ltmp0:
0x21: {  	s18 =	simm.s32 $0x14000;
	[dreg:$0x1b] =	wrdreg s23;
	(pc) =	sbr.rel .LBB2_1-.Ltmp0, $4  }
0x22: {  	s19 =	simm.s32 $0x7;
	s20 =	simm.s32 $0x15C00;
	[dreg:$0x1c] =	wrdreg s24  }
0x23: {  	s21 =	simm.s32 $0x28;
	s0 =	simm.s32 $0x1DC00;
	[dreg:$0x1d] =	wrdreg s25  }
0x24: {  	s12 =	simm.s32 $0x6;
	[dreg:$0x1e] =	wrdreg s26;
	s23 =	simm.s32 $0x1A000  }
0x25: {  	v0 =	vimm.f32 $0.0e+00;
	s24 =	simm.s32 $0x18C00;
	s25 =	simm.s32 $0x1B400;
	s26 =	simm.s32 $0x1  }
.LBB2_22:
0x26: {  	s14 =	sadd.s32 $0x1, s14;
	s2 =	rddreg [dreg:$0xb]  }
0x27: {  	p2 =	sne.s32 s14, s2  }
.Ltmp1:
0x28: {  	_ = 	snop;
	(pc) =	sbr.rel @!p2 .LBB2_23-.Ltmp1, $2  }
0x29: {  	_ =	sdelay $0x2  }
0x2a: {  	s13 =	simm.s32 $0x1F000  }
.LBB2_1:
0x2b: {  	s2 =	simm.s32 $0x0;
	s4 =	simm.s32 $0x200  }
.LBB2_2:
0x2c: {  	p2 =	sne.s32 s4, $0x3E00;
	[tilespmem:s2+$0x1F070] =	vst v0  }
0x2d: {  	[tilespmem:s2+$0x1F000] =	vst v0  }
0x2e: {  	[tilespmem:s2+$0x1F010] =	vst v0  }
.Ltmp2:
0x2f: {  	[tilespmem:s2+$0x1F020] =	vst v0;
	(pc) =	sbr.rel @p2 .LBB2_2-.Ltmp2, $4  }
0x30: {  	[tilespmem:s2+$0x1F030] =	vst v0  }
0x31: {  	[tilespmem:s2+$0x1F040] =	vst v0  }
0x32: {  	[tilespmem:s2+$0x1F050] =	vst v0  }
0x33: {  	[tilespmem:s2+$0x1F060] =	vst v0;
	s2 =	sshra.s32 s4, $0x2;
	s4 =	sadd.s32 $0x200, s4  }
0x34: {  	[tilespmem:s2+$0x1F070] =	vst v0  }
0x35: {  	[tilespmem:s2+$0x1F000] =	vst v0  }
0x36: {  	[tilespmem:s2+$0x1F010] =	vst v0  }
0x37: {  	[tilespmem:s2+$0x1F020] =	vst v0  }
0x38: {  	[tilespmem:s2+$0x1F030] =	vst v0  }
0x39: {  	[tilespmem:s2+$0x1F040] =	vst v0  }
0x3a: {  	[tilespmem:s2+$0x1F050] =	vst v0  }
0x3b: {  	[tilespmem:s2+$0x1F060] =	vst v0;
	s4 =	rddreg [dreg:$0x5]  }
0x3c: {  	[spmem:s4] =	stream.linear.scatter [tilespmem:s13], [sflag:$0x5], $0x1000, $0x38;
	v63 =	vld [tilespmem:$0x0]  }
.Ltmp3:
0x3d: {  	s10 =	rddreg [dreg:$0x8];
	(pc) =	sbr.rel @!p0 .LBB2_4-.Ltmp3, $4  }
0x3e: {  	[dreg:$0x4] =	wrdreg s14;
	s2 =	stileid.u32;
	s10 =	sshrl.u32 @p1 s10, $0x3  }
0x3f: {  	s2 =	sshll.u32 @!p1 s2, $0x6;
	s4 =	sshrl.u32 @!p1 s4, $0x3;
	[smem:$0x7FC] =	sst s10  }
0x40: {  	[dreg:$0x1f] =	wrdreg s4;
	s2 =	sor.u32 @!p1 $0x1C07, s2  }
0x41: {  	[smem:$0x7FD] =	sst s2  }
0x42: {  	s2 =	rddreg [dreg:$0xc]  }
0x43: {  	[spmem:s2] =	stream.linear.scatter [tilespmem:s13], [sflag:$0x5], $0x1000, $0x38;
	v63 =	vld [tilespmem:$0x0]  }
0x44: {  	_ =	swait.ge [sflag:s17], $0x1000  }
0x45: {  	[sflag:s17] =	ssyncset.done $0x0  }
0x46: {  	s4 =	rddreg [dreg:$0xd];
	[sflag:s17] =	ssyncadd.s32 $0xFFFFF000  }
0x47: {  	[spmem:s4] =	stream.linear.scatter [tilespmem:s13], [sflag:$0x5], $0x1000, $0x38;
	v63 =	vld [tilespmem:$0x0]  }
0x48: {  	_ =	swait.ge [sflag:s17], $0x1000  }
0x49: {  	[sflag:s17] =	ssyncset.done $0x0  }
0x4a: {  	s10 =	rddreg [dreg:$0xe];
	[sflag:s17] =	ssyncadd.s32 $0xFFFFF000  }
0x4b: {  	[spmem:s10] =	stream.linear.scatter [tilespmem:s13], [sflag:$0x5], $0x1000, $0x38;
	v63 =	vld [tilespmem:$0x0]  }
0x4c: {  	_ =	swait.ge [sflag:s17], $0x1000  }
0x4d: {  	[sflag:s17] =	ssyncset.done $0x0  }
0x4e: {  	s14 =	rddreg [dreg:$0xf];
	[sflag:s17] =	ssyncadd.s32 $0xFFFFF000  }
0x4f: {  	[spmem:s14] =	stream.linear.scatter [tilespmem:s13], [sflag:$0x5], $0x1000, $0x38;
	v63 =	vld [tilespmem:$0x0]  }
0x50: {  	_ =	swait.ge [sflag:s17], $0x1000  }
0x51: {  	[sflag:s17] =	ssyncset.done $0x0  }
0x52: {  	s15 =	rddreg [dreg:$0x10];
	[sflag:s17] =	ssyncadd.s32 $0xFFFFF000  }
0x53: {  	[spmem:s15] =	stream.linear.scatter [tilespmem:s13], [sflag:$0x5], $0x1000, $0x38;
	v63 =	vld [tilespmem:$0x0]  }
0x54: {  	_ =	swait.ge [sflag:s17], $0x1000  }
0x55: {  	[sflag:s17] =	ssyncset.done $0x0  }
0x56: {  	s16 =	rddreg [dreg:$0x11];
	[sflag:s17] =	ssyncadd.s32 $0xFFFFF000  }
0x57: {  	[spmem:s16] =	stream.linear.scatter [tilespmem:s13], [sflag:$0x5], $0x1000, $0x38;
	v63 =	vld [tilespmem:$0x0]  }
0x58: {  	_ =	swait.ge [sflag:s17], $0x1000  }
0x59: {  	[sflag:s17] =	ssyncset.done $0x0  }
0x5a: {  	s22 =	rddreg [dreg:$0x12];
	[sflag:s17] =	ssyncadd.s32 $0xFFFFF000  }
0x5b: {  	[spmem:s22] =	stream.linear.scatter [tilespmem:s13], [sflag:$0x5], $0x1000, $0x38;
	v63 =	vld [tilespmem:$0x0]  }
0x5c: {  	_ =	swait.ge [sflag:s17], $0x1000  }
0x5d: {  	[sflag:s17] =	ssyncset.done $0x0  }
0x5e: {  	s4 =	rddreg [dreg:$0x13];
	[sflag:s17] =	ssyncadd.s32 $0xFFFFF000  }
0x5f: {  	[spmem:s4] =	stream.linear.scatter [tilespmem:s13], [sflag:$0x5], $0x1000, $0x38;
	v63 =	vld [tilespmem:$0x0]  }
0x60: {  	_ =	swait.ge [sflag:s17], $0x1000  }
0x61: {  	[sflag:s17] =	ssyncset.done $0x0  }
0x62: {  	s10 =	rddreg [dreg:$0x14];
	[sflag:s17] =	ssyncadd.s32 $0xFFFFF000  }
0x63: {  	[spmem:s10] =	stream.linear.scatter [tilespmem:s13], [sflag:$0x5], $0x1000, $0x38;
	v63 =	vld [tilespmem:$0x0]  }
0x64: {  	_ =	swait.ge [sflag:s17], $0x1000  }
0x65: {  	[sflag:s17] =	ssyncset.done $0x0  }
0x66: {  	s14 =	rddreg [dreg:$0x15];
	[sflag:s17] =	ssyncadd.s32 $0xFFFFF000  }
0x67: {  	[spmem:s14] =	stream.linear.scatter [tilespmem:s13], [sflag:$0x5], $0x1000, $0x38;
	v63 =	vld [tilespmem:$0x0]  }
0x68: {  	_ =	swait.ge [sflag:s17], $0x1000  }
0x69: {  	[sflag:s17] =	ssyncset.done $0x0  }
0x6a: {  	s15 =	rddreg [dreg:$0x16];
	[sflag:s17] =	ssyncadd.s32 $0xFFFFF000  }
0x6b: {  	[spmem:s15] =	stream.linear.scatter [tilespmem:s13], [sflag:$0x5], $0x1000, $0x38;
	v63 =	vld [tilespmem:$0x0]  }
0x6c: {  	_ =	swait.ge [sflag:s17], $0x1000  }
0x6d: {  	[sflag:s17] =	ssyncset.done $0x0  }
0x6e: {  	s16 =	rddreg [dreg:$0x17];
	[sflag:s17] =	ssyncadd.s32 $0xFFFFF000  }
0x6f: {  	[spmem:s16] =	stream.linear.scatter [tilespmem:s13], [sflag:$0x5], $0x1000, $0x38;
	v63 =	vld [tilespmem:$0x0]  }
0x70: {  	_ =	swait.ge [sflag:s17], $0x1000  }
0x71: {  	[sflag:s17] =	ssyncset.done $0x0  }
0x72: {  	s22 =	rddreg [dreg:$0x18];
	[sflag:s17] =	ssyncadd.s32 $0xFFFFF000  }
0x73: {  	[spmem:s22] =	stream.linear.scatter [tilespmem:s13], [sflag:$0x5], $0x1000, $0x38;
	v63 =	vld [tilespmem:$0x0]  }
0x74: {  	_ =	swait.ge [sflag:s17], $0x1000  }
0x75: {  	[sflag:s17] =	ssyncset.done $0x0  }
0x76: {  	s4 =	rddreg [dreg:$0x19];
	[sflag:s17] =	ssyncadd.s32 $0xFFFFF000  }
0x77: {  	[spmem:s4] =	stream.linear.scatter [tilespmem:s13], [sflag:$0x5], $0x1000, $0x38;
	v63 =	vld [tilespmem:$0x0]  }
0x78: {  	_ =	swait.ge [sflag:s17], $0x1000  }
0x79: {  	[sflag:s17] =	ssyncset.done $0x0  }
0x7a: {  	s10 =	rddreg [dreg:$0x1a];
	[sflag:s17] =	ssyncadd.s32 $0xFFFFF000  }
0x7b: {  	[spmem:s10] =	stream.linear.scatter [tilespmem:s13], [sflag:$0x5], $0x1000, $0x38;
	v63 =	vld [tilespmem:$0x0]  }
0x7c: {  	_ =	swait.ge [sflag:s17], $0x1000  }
0x7d: {  	[sflag:s17] =	ssyncset.done $0x0  }
0x7e: {  	s14 =	rddreg [dreg:$0x1b];
	[sflag:s17] =	ssyncadd.s32 $0xFFFFF000  }
0x7f: {  	[spmem:s14] =	stream.linear.scatter [tilespmem:s13], [sflag:$0x5], $0x1000, $0x38;
	v63 =	vld [tilespmem:$0x0]  }
0x80: {  	_ =	swait.ge [sflag:s17], $0x1000  }
0x81: {  	[sflag:s17] =	ssyncset.done $0x0  }
0x82: {  	s15 =	rddreg [dreg:$0x1c];
	[sflag:s17] =	ssyncadd.s32 $0xFFFFF000  }
0x83: {  	[spmem:s15] =	stream.linear.scatter [tilespmem:s13], [sflag:$0x5], $0x1000, $0x38;
	v63 =	vld [tilespmem:$0x0]  }
0x84: {  	_ =	swait.ge [sflag:s17], $0x1000  }
0x85: {  	[sflag:s17] =	ssyncset.done $0x0  }
0x86: {  	s16 =	rddreg [dreg:$0x1d];
	[sflag:s17] =	ssyncadd.s32 $0xFFFFF000  }
0x87: {  	[spmem:s16] =	stream.linear.scatter [tilespmem:s13], [sflag:$0x5], $0x1000, $0x38;
	v63 =	vld [tilespmem:$0x0]  }
0x88: {  	_ =	swait.ge [sflag:s17], $0x1000  }
0x89: {  	[sflag:s17] =	ssyncset.done $0x0  }
0x8a: {  	s22 =	rddreg [dreg:$0x1e];
	[sflag:s17] =	ssyncadd.s32 $0xFFFFF000  }
0x8b: {  	[spmem:s22] =	stream.linear.scatter [tilespmem:s13], [sflag:$0x5], $0x1000, $0x38;
	v63 =	vld [tilespmem:$0x0]  }
0x8c: {  	_ =	swait.ge [sflag:s17], $0x1000  }
0x8d: {  	[sflag:s17] =	ssyncset.done $0x0  }
0x8e: {  	[sflag:s17] =	ssyncadd.s32 $0xFFFFF000  }
0x8f: {  	_ =	swait.ge [sflag:s17], $0x1000  }
0x90: {  	[sflag:s17] =	ssyncset.done $0x0  }
0x91: {  	[sflag:s17] =	ssyncadd.s32 $0xFFFFF000  }
0x92: {  	s4 =	simm.s32 $0x0;
	s13 =	simm.s32 $0x0;
	[bflag:$0x0] =	sbarrier.arrive $0xFFFF  }
.LBB2_14:
0x93: {  	p2 =	seq.s32 s13, $0x0  }
0x94: {  	s2 =	simm.s32 @!p2 $0x5  }
0x95: {  	_ =	swait.ge @!p2 [sflag:s2], $0x1400  }
0x96: {  	s10 =	smul.u32 $0x1C00, s13;
	[sflag:s2] =	ssyncset.done @!p2 $0x0  }
0x97: {  	[sflag:s2] =	ssyncadd.s32 @!p2 $0xFFFFEC00;
	s2 =	simm.s32 @!p2 $0x6  }
0x98: {  	s10 =	sadd.s32 s11, s10;
	_ =	swait.ge @!p2 [sflag:s2], $0x1400  }
0x99: {  	s10 =	sshrl.u32 s10, $0x3;
	[sflag:s2] =	ssyncset.done @!p2 $0x0  }
0x9a: {  	s15 =	sadd.s32 s8, s10;
	[sflag:s2] =	ssyncadd.s32 @!p2 $0xFFFFEC00  }
0x9b: {  	[tilespmem:s18], [sflag:$0x7] =	stream.linear.gather [hbm4b:s15+s4], $0x1900, $0x38;
	v63 =	vld [tilespmem:$0x0]  }
0x9c: {  	_ =	swait.ge [sflag:s19], $0x1900  }
0x9d: {  	[sflag:s19] =	ssyncset.done $0x0  }
0x9e: {  	s16 =	sadd.s32 s9, s10;
	[sflag:s19] =	ssyncadd.s32 $0xFFFFE700  }
0x9f: {  	[tilespmem:s20], [sflag:$0x7] =	stream.linear.gather [hbm4b:s16+s4], $0x1900, $0x38;
	v63 =	vld [tilespmem:$0x0]  }
0xa0: {  	_ =	swait.ge [sflag:s19], $0x1900  }
0xa1: {  	[sflag:s19] =	ssyncset.done $0x0  }
0xa2: {  	s22 =	simm.s32 $0x17800;
	[sflag:s19] =	ssyncadd.s32 $0xFFFFE700  }
0xa3: {  	[tilespmem:s22], [sflag:$0x1] =	stream.indirect.gather [hbm4b:s5+s21], $0x80, s18, s21, $0xb8;
	v63 =	vld [tilespmem:$0x0]  }
0xa4: {  	s15 =	simm.s32 $0x0  }
0xa5: {  	[tilespmem:s23], [sflag:$0x3] =	stream.indirect.gather [hbm4b:s7+s21], $0x80, s20, s21, $0xb8;
	v63 =	vld [tilespmem:$0x0]  }
.LBB2_15:
0xa6: {  	s2 =	sshllo.u32 s15, $0x1  }
0xa7: {  	s16 =	sshll.u32 s2, $0x7  }
0xa8: {  	p2 =	seq.s32 s15, $0x0;
	s2 =	sadd.s32 $0x14000, s16  }
0xa9: {  	[tilespmem:s24], [sflag:$0x2] =	stream.indirect.gather [hbm4b:s5+s21], $0x80, s2, s21, $0xb8;
	v63 =	vld [tilespmem:$0x0]  }
0xaa: {  	s22 =	sadd.s32 $0x15C00, s16;
	s2 =	simm.s32 @!p2 $0x5  }
0xab: {  	[tilespmem:s25], [sflag:$0x4] =	stream.indirect.gather [hbm4b:s7+s21], $0x80, s22, s21, $0xb8;
	v63 =	vld [tilespmem:$0x0]  }
0xac: {  	_ =	swait.ge @!p2 [sflag:s2], $0x1400  }
0xad: {  	[sflag:s2] =	ssyncset.done @!p2 $0x0  }
0xae: {  	[sflag:s2] =	ssyncadd.s32 @!p2 $0xFFFFEC00  }
0xaf: {  	_ =	swait.ge [sflag:s26], $0x1400  }
0xb0: {  	[sflag:s26] =	ssyncset.done $0x0  }
0xb1: {  	[sflag:s26] =	ssyncadd.s32 $0xFFFFEC00  }
0xb2: {  	_ =	swait.ge [sflag:s28], $0x1400  }
0xb3: {  	[sflag:s28] =	ssyncset.done $0x0  }
0xb4: {  	s10 =	simm.s32 $0x0;
	[sflag:s28] =	ssyncadd.s32 $0xFFFFEC00  }
0xb5: {  	v1 =	vld [tilespmem:s10+$0x179F0]  }
0xb6: {  	v2 =	vld [tilespmem:s10+$0x1A1F0]  }
0xb7: {  	v3 =	vld [tilespmem:s10+$0x17800]  }
0xb8: {  	v4 =	vld [tilespmem:s10+$0x1A000]  }
0xb9: {  	v5 =	vld [tilespmem:s10+$0x17810]  }
0xba: {  	v6 =	vld [tilespmem:s10+$0x1A010]  }
0xbb: {  	v7 =	vld [tilespmem:s10+$0x17820]  }
0xbc: {  	v1 =	vadd.f32 v2, v1;
	v2 =	vld [tilespmem:s10+$0x1A020]  }
0xbd: {  	v8 =	vld [tilespmem:s10+$0x17830]  }
0xbe: {  	v3 =	vadd.f32 v4, v3;
	v4 =	vld [tilespmem:s10+$0x1A030]  }
0xbf: {  	v5 =	vadd.f32 v6, v5;
	v6 =	vld [tilespmem:s10+$0x17850];
	v1 =	vmax.f32 v1, $0.0e+00  }
0xc0: {  	[tilespmem:s10+$0x1C9F0] =	vst v1;
	v1 =	vmax.f32 v3, $0.0e+00;
	v3 =	vld [tilespmem:s10+$0x17840]  }
0xc1: {  	v5 =	vmax.f32 v5, $0.0e+00;
	[tilespmem:s10+$0x1C800] =	vst v1;
	v1 =	vld [tilespmem:s10+$0x1A040];
	v2 =	vadd.f32 v2, v7  }
0xc2: {  	[tilespmem:s10+$0x1C810] =	vst v5;
	v5 =	vld [tilespmem:s10+$0x1A050]  }
0xc3: {  	v7 =	vld [tilespmem:s10+$0x17860];
	v2 =	vmax.f32 v2, $0.0e+00  }
0xc4: {  	v4 =	vadd.f32 v4, v8;
	[tilespmem:s10+$0x1C820] =	vst v2;
	v2 =	vld [tilespmem:s10+$0x1A060]  }
0xc5: {  	v8 =	vld [tilespmem:s10+$0x17870]  }
0xc6: {  	v4 =	vmax.f32 v4, $0.0e+00;
	v1 =	vadd.f32 v1, v3;
	v3 =	vld [tilespmem:s10+$0x1A070]  }
0xc7: {  	[tilespmem:s10+$0x1C830] =	vst v4;
	v4 =	vld [tilespmem:s10+$0x17880];
	v5 =	vadd.f32 v5, v6  }
0xc8: {  	v6 =	vld [tilespmem:s10+$0x17890];
	v1 =	vmax.f32 v1, $0.0e+00  }
0xc9: {  	v5 =	vmax.f32 v5, $0.0e+00;
	[tilespmem:s10+$0x1C840] =	vst v1;
	v1 =	vld [tilespmem:s10+$0x1A080];
	v2 =	vadd.f32 v2, v7  }
0xca: {  	[tilespmem:s10+$0x1C850] =	vst v5;
	v5 =	vld [tilespmem:s10+$0x1A090]  }
0xcb: {  	v7 =	vld [tilespmem:s10+$0x178A0];
	v3 =	vadd.f32 v3, v8;
	v2 =	vmax.f32 v2, $0.0e+00  }
0xcc: {  	[tilespmem:s10+$0x1C860] =	vst v2;
	v2 =	vld [tilespmem:s10+$0x1A0A0]  }
0xcd: {  	v8 =	vld [tilespmem:s10+$0x178B0];
	v3 =	vmax.f32 v3, $0.0e+00  }
0xce: {  	v1 =	vadd.f32 v1, v4;
	[tilespmem:s10+$0x1C870] =	vst v3;
	v3 =	vld [tilespmem:s10+$0x1A0B0]  }
0xcf: {  	v5 =	vadd.f32 v5, v6;
	v6 =	vld [tilespmem:s10+$0x178D0]  }
0xd0: {  	v4 =	vld [tilespmem:s10+$0x178C0];
	v1 =	vmax.f32 v1, $0.0e+00  }
0xd1: {  	v5 =	vmax.f32 v5, $0.0e+00;
	[tilespmem:s10+$0x1C880] =	vst v1;
	v1 =	vld [tilespmem:s10+$0x1A0C0];
	v2 =	vadd.f32 v2, v7  }
0xd2: {  	[tilespmem:s10+$0x1C890] =	vst v5;
	v5 =	vld [tilespmem:s10+$0x1A0D0]  }
0xd3: {  	v7 =	vld [tilespmem:s10+$0x178E0];
	v3 =	vadd.f32 v3, v8;
	v2 =	vmax.f32 v2, $0.0e+00  }
0xd4: {  	[tilespmem:s10+$0x1C8A0] =	vst v2;
	v2 =	vld [tilespmem:s10+$0x1A0E0]  }
0xd5: {  	v8 =	vld [tilespmem:s10+$0x178F0];
	v3 =	vmax.f32 v3, $0.0e+00  }
0xd6: {  	v1 =	vadd.f32 v1, v4;
	[tilespmem:s10+$0x1C8B0] =	vst v3;
	v3 =	vld [tilespmem:s10+$0x1A0F0]  }
0xd7: {  	v5 =	vadd.f32 v5, v6;
	v6 =	vld [tilespmem:s10+$0x17910]  }
0xd8: {  	v4 =	vld [tilespmem:s10+$0x17900];
	v1 =	vmax.f32 v1, $0.0e+00  }
0xd9: {  	v5 =	vmax.f32 v5, $0.0e+00;
	[tilespmem:s10+$0x1C8C0] =	vst v1;
	v1 =	vld [tilespmem:s10+$0x1A100];
	v2 =	vadd.f32 v2, v7  }
0xda: {  	[tilespmem:s10+$0x1C8D0] =	vst v5;
	v5 =	vld [tilespmem:s10+$0x1A110]  }
0xdb: {  	v7 =	vld [tilespmem:s10+$0x17920];
	v3 =	vadd.f32 v3, v8;
	v2 =	vmax.f32 v2, $0.0e+00  }
0xdc: {  	[tilespmem:s10+$0x1C8E0] =	vst v2;
	v2 =	vld [tilespmem:s10+$0x1A120]  }
0xdd: {  	v8 =	vld [tilespmem:s10+$0x17930];
	v3 =	vmax.f32 v3, $0.0e+00  }
0xde: {  	v1 =	vadd.f32 v1, v4;
	[tilespmem:s10+$0x1C8F0] =	vst v3;
	v3 =	vld [tilespmem:s10+$0x1A130]  }
0xdf: {  	v5 =	vadd.f32 v5, v6;
	v6 =	vld [tilespmem:s10+$0x17950]  }
0xe0: {  	v4 =	vld [tilespmem:s10+$0x17940];
	v1 =	vmax.f32 v1, $0.0e+00  }
0xe1: {  	v5 =	vmax.f32 v5, $0.0e+00;
	[tilespmem:s10+$0x1C900] =	vst v1;
	v1 =	vld [tilespmem:s10+$0x1A140];
	v2 =	vadd.f32 v2, v7  }
0xe2: {  	[tilespmem:s10+$0x1C910] =	vst v5;
	v5 =	vld [tilespmem:s10+$0x1A150]  }
0xe3: {  	v7 =	vld [tilespmem:s10+$0x17960];
	v3 =	vadd.f32 v3, v8;
	v2 =	vmax.f32 v2, $0.0e+00  }
0xe4: {  	[tilespmem:s10+$0x1C920] =	vst v2;
	v2 =	vld [tilespmem:s10+$0x1A160]  }
0xe5: {  	v8 =	vld [tilespmem:s10+$0x17970];
	v3 =	vmax.f32 v3, $0.0e+00  }
0xe6: {  	v1 =	vadd.f32 v1, v4;
	[tilespmem:s10+$0x1C930] =	vst v3;
	v3 =	vld [tilespmem:s10+$0x1A170]  }
0xe7: {  	v5 =	vadd.f32 v5, v6;
	v6 =	vld [tilespmem:s10+$0x17990]  }
0xe8: {  	v4 =	vld [tilespmem:s10+$0x17980];
	v1 =	vmax.f32 v1, $0.0e+00  }
0xe9: {  	v5 =	vmax.f32 v5, $0.0e+00;
	[tilespmem:s10+$0x1C940] =	vst v1;
	v1 =	vld [tilespmem:s10+$0x1A180];
	v2 =	vadd.f32 v2, v7  }
0xea: {  	[tilespmem:s10+$0x1C950] =	vst v5;
	v5 =	vld [tilespmem:s10+$0x1A190]  }
0xeb: {  	v7 =	vld [tilespmem:s10+$0x179A0];
	v3 =	vadd.f32 v3, v8;
	v2 =	vmax.f32 v2, $0.0e+00  }
0xec: {  	[tilespmem:s10+$0x1C960] =	vst v2;
	v2 =	vld [tilespmem:s10+$0x1A1A0]  }
0xed: {  	v8 =	vld [tilespmem:s10+$0x179B0];
	v3 =	vmax.f32 v3, $0.0e+00  }
0xee: {  	v1 =	vadd.f32 v1, v4;
	[tilespmem:s10+$0x1C970] =	vst v3;
	v3 =	vld [tilespmem:s10+$0x1A1B0]  }
0xef: {  	v9 =	vld [tilespmem:s10+$0x179C0];
	v4 =	vadd.f32 v5, v6  }
0xf0: {  	v6 =	vld [tilespmem:s10+$0x1A1C0];
	v1 =	vmax.f32 v1, $0.0e+00  }
0xf1: {  	v4 =	vmax.f32 v4, $0.0e+00;
	[tilespmem:s10+$0x1C980] =	vst v1;
	v1 =	vld [tilespmem:s10+$0x179D0];
	v2 =	vadd.f32 v2, v7  }
0xf2: {  	[tilespmem:s10+$0x1C990] =	vst v4;
	v4 =	vld [tilespmem:s10+$0x1A1D0]  }
0xf3: {  	v7 =	vadd.f32 v3, v8;
	v5 =	vmax.f32 v2, $0.0e+00;
	v2 =	vld [tilespmem:s10+$0x179E0]  }
0xf4: {  	s14 =	simm.s32 $0x200;
	[tilespmem:s10+$0x1C9A0] =	vst v5;
	v5 =	vld [tilespmem:s10+$0x1A1E0]  }
0xf5: {  	s2 =	simm.s32 $0x1000;
	v6 =	vadd.f32 v6, v9;
	v7 =	vmax.f32 v7, $0.0e+00;
	v3 =	vld [tilespmem:s14+$0x179F0]  }
.LBB2_16:
0xf6: {  	p2 =	sne.s32 s2, $0x4800;
	v8 =	vld [tilespmem:s14+$0x1A1F0];
	[tilespmem:s10+$0x1C9B0] =	vst v7  }
0xf7: {  	v7 =	vld [tilespmem:s14+$0x17800];
	v6 =	vmax.f32 v6, $0.0e+00;
	v1 =	vadd.f32 v4, v1  }
0xf8: {  	v4 =	vld [tilespmem:s14+$0x1A000];
	[tilespmem:s10+$0x1C9C0] =	vst v6  }
0xf9: {  	v6 =	vld [tilespmem:s14+$0x17810];
	v1 =	vmax.f32 v1, $0.0e+00;
	v2 =	vadd.f32 v5, v2  }
0xfa: {  	v5 =	vld [tilespmem:s14+$0x1A010];
	[tilespmem:s10+$0x1C9D0] =	vst v1  }
0xfb: {  	v1 =	vld [tilespmem:s14+$0x17820];
	v3 =	vadd.f32 v8, v3;
	v2 =	vmax.f32 v2, $0.0e+00  }
0xfc: {  	v8 =	vld [tilespmem:s14+$0x1A020];
	[tilespmem:s10+$0x1C9E0] =	vst v2;
	s10 =	smov.u32 s14  }
0xfd: {  	v2 =	vadd.f32 v4, v7;
	v4 =	vld [tilespmem:s10+$0x17830];
	v3 =	vmax.f32 v3, $0.0e+00  }
0xfe: {  	v7 =	vld [tilespmem:s10+$0x1A030];
	[tilespmem:s10+$0x1C9F0] =	vst v3  }
0xff: {  	v2 =	vmax.f32 v2, $0.0e+00;
	v3 =	vadd.f32 v5, v6;
	v5 =	vld [tilespmem:s10+$0x17840]  }
0x100: {  	[tilespmem:s10+$0x1C800] =	vst v2;
	v2 =	vld [tilespmem:s10+$0x1A040]  }
0x101: {  	v3 =	vmax.f32 v3, $0.0e+00;
	v1 =	vadd.f32 v8, v1;
	v6 =	vld [tilespmem:s10+$0x17850]  }
0x102: {  	[tilespmem:s10+$0x1C810] =	vst v3;
	v3 =	vld [tilespmem:s10+$0x1A050]  }
0x103: {  	v1 =	vmax.f32 v1, $0.0e+00;
	v4 =	vadd.f32 v7, v4;
	v7 =	vld [tilespmem:s10+$0x17860]  }
0x104: {  	[tilespmem:s10+$0x1C820] =	vst v1;
	v1 =	vld [tilespmem:s10+$0x1A060]  }
0x105: {  	v4 =	vmax.f32 v4, $0.0e+00;
	v2 =	vadd.f32 v2, v5;
	v5 =	vld [tilespmem:s10+$0x17870]  }
0x106: {  	[tilespmem:s10+$0x1C830] =	vst v4;
	v4 =	vld [tilespmem:s10+$0x1A070]  }
0x107: {  	v2 =	vmax.f32 v2, $0.0e+00;
	v3 =	vadd.f32 v3, v6;
	v6 =	vld [tilespmem:s10+$0x17880]  }
0x108: {  	[tilespmem:s10+$0x1C840] =	vst v2;
	v2 =	vld [tilespmem:s10+$0x1A080]  }
0x109: {  	v3 =	vmax.f32 v3, $0.0e+00;
	v1 =	vadd.f32 v1, v7;
	v7 =	vld [tilespmem:s10+$0x17890]  }
0x10a: {  	[tilespmem:s10+$0x1C850] =	vst v3;
	v3 =	vld [tilespmem:s10+$0x1A090]  }
0x10b: {  	v1 =	vmax.f32 v1, $0.0e+00;
	v4 =	vadd.f32 v4, v5;
	v5 =	vld [tilespmem:s10+$0x178A0]  }
0x10c: {  	[tilespmem:s10+$0x1C860] =	vst v1;
	v1 =	vld [tilespmem:s10+$0x1A0A0]  }
0x10d: {  	v4 =	vmax.f32 v4, $0.0e+00;
	v2 =	vadd.f32 v2, v6;
	v6 =	vld [tilespmem:s10+$0x178B0]  }
0x10e: {  	[tilespmem:s10+$0x1C870] =	vst v4;
	v4 =	vld [tilespmem:s10+$0x1A0B0]  }
0x10f: {  	v2 =	vmax.f32 v2, $0.0e+00;
	v3 =	vadd.f32 v3, v7;
	v7 =	vld [tilespmem:s10+$0x178C0]  }
0x110: {  	[tilespmem:s10+$0x1C880] =	vst v2;
	v2 =	vld [tilespmem:s10+$0x1A0C0]  }
0x111: {  	v3 =	vmax.f32 v3, $0.0e+00;
	v1 =	vadd.f32 v1, v5;
	v5 =	vld [tilespmem:s10+$0x178D0]  }
0x112: {  	[tilespmem:s10+$0x1C890] =	vst v3;
	v3 =	vld [tilespmem:s10+$0x1A0D0]  }
0x113: {  	v1 =	vmax.f32 v1, $0.0e+00;
	v4 =	vadd.f32 v4, v6;
	v6 =	vld [tilespmem:s10+$0x178E0]  }
0x114: {  	[tilespmem:s10+$0x1C8A0] =	vst v1;
	v1 =	vld [tilespmem:s10+$0x1A0E0]  }
0x115: {  	v4 =	vmax.f32 v4, $0.0e+00;
	v2 =	vadd.f32 v2, v7;
	v7 =	vld [tilespmem:s10+$0x178F0]  }
0x116: {  	[tilespmem:s10+$0x1C8B0] =	vst v4;
	v4 =	vld [tilespmem:s10+$0x1A0F0]  }
0x117: {  	v2 =	vmax.f32 v2, $0.0e+00;
	v3 =	vadd.f32 v3, v5;
	v5 =	vld [tilespmem:s10+$0x17900]  }
0x118: {  	[tilespmem:s10+$0x1C8C0] =	vst v2;
	v2 =	vld [tilespmem:s10+$0x1A100]  }
0x119: {  	v3 =	vmax.f32 v3, $0.0e+00;
	v1 =	vadd.f32 v1, v6;
	v6 =	vld [tilespmem:s10+$0x17910]  }
0x11a: {  	[tilespmem:s10+$0x1C8D0] =	vst v3;
	v3 =	vld [tilespmem:s10+$0x1A110]  }
0x11b: {  	v1 =	vmax.f32 v1, $0.0e+00;
	v4 =	vadd.f32 v4, v7;
	v7 =	vld [tilespmem:s10+$0x17920]  }
0x11c: {  	[tilespmem:s10+$0x1C8E0] =	vst v1;
	v1 =	vld [tilespmem:s10+$0x1A120]  }
0x11d: {  	v4 =	vmax.f32 v4, $0.0e+00;
	v2 =	vadd.f32 v2, v5;
	v5 =	vld [tilespmem:s10+$0x17930]  }
0x11e: {  	[tilespmem:s10+$0x1C8F0] =	vst v4;
	v4 =	vld [tilespmem:s10+$0x1A130]  }
0x11f: {  	v2 =	vmax.f32 v2, $0.0e+00;
	v3 =	vadd.f32 v3, v6;
	v6 =	vld [tilespmem:s10+$0x17940]  }
0x120: {  	[tilespmem:s10+$0x1C900] =	vst v2;
	v2 =	vld [tilespmem:s10+$0x1A140]  }
0x121: {  	v3 =	vmax.f32 v3, $0.0e+00;
	v1 =	vadd.f32 v1, v7;
	v7 =	vld [tilespmem:s10+$0x17950]  }
0x122: {  	[tilespmem:s10+$0x1C910] =	vst v3;
	v3 =	vld [tilespmem:s10+$0x1A150]  }
0x123: {  	v1 =	vmax.f32 v1, $0.0e+00;
	v4 =	vadd.f32 v4, v5;
	v5 =	vld [tilespmem:s10+$0x17960]  }
0x124: {  	[tilespmem:s10+$0x1C920] =	vst v1;
	v1 =	vld [tilespmem:s10+$0x1A160]  }
0x125: {  	v4 =	vmax.f32 v4, $0.0e+00;
	v2 =	vadd.f32 v2, v6;
	v6 =	vld [tilespmem:s10+$0x17970]  }
0x126: {  	[tilespmem:s10+$0x1C930] =	vst v4;
	v4 =	vld [tilespmem:s10+$0x1A170]  }
0x127: {  	v2 =	vmax.f32 v2, $0.0e+00;
	v3 =	vadd.f32 v3, v7;
	v7 =	vld [tilespmem:s10+$0x17980]  }
0x128: {  	[tilespmem:s10+$0x1C940] =	vst v2;
	v2 =	vld [tilespmem:s10+$0x1A180]  }
0x129: {  	v3 =	vmax.f32 v3, $0.0e+00;
	v1 =	vadd.f32 v1, v5;
	v5 =	vld [tilespmem:s10+$0x17990]  }
0x12a: {  	[tilespmem:s10+$0x1C950] =	vst v3;
	v3 =	vld [tilespmem:s10+$0x1A190]  }
0x12b: {  	v1 =	vmax.f32 v1, $0.0e+00;
	v4 =	vadd.f32 v4, v6;
	v6 =	vld [tilespmem:s10+$0x179A0]  }
0x12c: {  	[tilespmem:s10+$0x1C960] =	vst v1;
	v1 =	vld [tilespmem:s10+$0x1A1A0]  }
0x12d: {  	v4 =	vmax.f32 v4, $0.0e+00;
	v2 =	vadd.f32 v2, v7;
	v7 =	vld [tilespmem:s10+$0x179B0]  }
0x12e: {  	[tilespmem:s10+$0x1C970] =	vst v4;
	v8 =	vld [tilespmem:s10+$0x1A1B0]  }
0x12f: {  	v2 =	vmax.f32 v2, $0.0e+00;
	v3 =	vadd.f32 v3, v5;
	v9 =	vld [tilespmem:s10+$0x179C0]  }
0x130: {  	[tilespmem:s10+$0x1C980] =	vst v2;
	v10 =	vld [tilespmem:s10+$0x1A1C0]  }
.Ltmp4:
0x131: {  	v2 =	vmax.f32 v3, $0.0e+00;
	v3 =	vadd.f32 v1, v6;
	v1 =	vld [tilespmem:s10+$0x179D0];
	(pc) =	sbr.rel @p2 .LBB2_16-.Ltmp4, $4  }
0x132: {  	[tilespmem:s10+$0x1C990] =	vst v2;
	v4 =	vld [tilespmem:s10+$0x1A1D0]  }
0x133: {  	v3 =	vmax.f32 v3, $0.0e+00;
	v6 =	vadd.f32 v8, v7;
	v2 =	vld [tilespmem:s10+$0x179E0]  }
0x134: {  	s14 =	sshra.s32 s2, $0x2;
	[tilespmem:s10+$0x1C9A0] =	vst v3;
	v5 =	vld [tilespmem:s10+$0x1A1E0]  }
0x135: {  	s2 =	sadd.s32 $0x800, s2;
	v3 =	vld [tilespmem:s14+$0x179F0];
	v7 =	vmax.f32 v6, $0.0e+00;
	v6 =	vadd.f32 v10, v9  }
0x136: {  	v8 =	vld [tilespmem:s14+$0x1A1F0];
	[tilespmem:s10+$0x1C9B0] =	vst v7  }
0x137: {  	v7 =	vld [tilespmem:s14+$0x17800];
	v6 =	vmax.f32 v6, $0.0e+00;
	v1 =	vadd.f32 v4, v1  }
0x138: {  	v9 =	vld [tilespmem:s14+$0x1A000];
	[tilespmem:s10+$0x1C9C0] =	vst v6  }
0x139: {  	v4 =	vld [tilespmem:s14+$0x17810];
	v1 =	vmax.f32 v1, $0.0e+00;
	v2 =	vadd.f32 v5, v2  }
0x13a: {  	v6 =	vld [tilespmem:s14+$0x1A010];
	[tilespmem:s10+$0x1C9D0] =	vst v1  }
0x13b: {  	v1 =	vld [tilespmem:s14+$0x17820];
	v2 =	vmax.f32 v2, $0.0e+00  }
0x13c: {  	v5 =	vld [tilespmem:s14+$0x1A020];
	v3 =	vadd.f32 v8, v3;
	[tilespmem:s10+$0x1C9E0] =	vst v2  }
0x13d: {  	v7 =	vadd.f32 v9, v7;
	v2 =	vld [tilespmem:s14+$0x17830]  }
0x13e: {  	v3 =	vmax.f32 v3, $0.0e+00;
	v8 =	vld [tilespmem:s14+$0x1A030]  }
0x13f: {  	[tilespmem:s14+$0x1C9F0] =	vst v3;
	v3 =	vmax.f32 v7, $0.0e+00;
	v7 =	vld [tilespmem:s14+$0x17840]  }
0x140: {  	v4 =	vadd.f32 v6, v4;
	v6 =	vld [tilespmem:s14+$0x17850]  }
0x141: {  	[tilespmem:s14+$0x1C800] =	vst v3;
	v3 =	vld [tilespmem:s14+$0x1A040];
	v1 =	vadd.f32 v5, v1  }
0x142: {  	v4 =	vmax.f32 v4, $0.0e+00;
	v5 =	vld [tilespmem:s14+$0x17860]  }
0x143: {  	[tilespmem:s14+$0x1C810] =	vst v4;
	v4 =	vld [tilespmem:s14+$0x1A050];
	v1 =	vmax.f32 v1, $0.0e+00  }
0x144: {  	v2 =	vadd.f32 v8, v2;
	[tilespmem:s14+$0x1C820] =	vst v1;
	v1 =	vld [tilespmem:s14+$0x1A060]  }
0x145: {  	v8 =	vld [tilespmem:s14+$0x17870]  }
0x146: {  	v2 =	vmax.f32 v2, $0.0e+00;
	v3 =	vadd.f32 v3, v7;
	v7 =	vld [tilespmem:s14+$0x17880]  }
0x147: {  	[tilespmem:s14+$0x1C830] =	vst v2;
	v2 =	vld [tilespmem:s14+$0x1A070]  }
0x148: {  	v3 =	vmax.f32 v3, $0.0e+00;
	v4 =	vadd.f32 v4, v6;
	v6 =	vld [tilespmem:s14+$0x17890]  }
0x149: {  	[tilespmem:s14+$0x1C840] =	vst v3;
	v3 =	vld [tilespmem:s14+$0x1A080];
	v1 =	vadd.f32 v1, v5  }
0x14a: {  	v4 =	vmax.f32 v4, $0.0e+00;
	v5 =	vld [tilespmem:s14+$0x178A0]  }
0x14b: {  	[tilespmem:s14+$0x1C850] =	vst v4;
	v4 =	vld [tilespmem:s14+$0x1A090];
	v1 =	vmax.f32 v1, $0.0e+00  }
0x14c: {  	v2 =	vadd.f32 v2, v8;
	[tilespmem:s14+$0x1C860] =	vst v1;
	v1 =	vld [tilespmem:s14+$0x1A0A0]  }
0x14d: {  	v8 =	vld [tilespmem:s14+$0x178B0]  }
0x14e: {  	v2 =	vmax.f32 v2, $0.0e+00;
	v3 =	vadd.f32 v3, v7;
	v7 =	vld [tilespmem:s14+$0x178C0]  }
0x14f: {  	[tilespmem:s14+$0x1C870] =	vst v2;
	v2 =	vld [tilespmem:s14+$0x1A0B0]  }
0x150: {  	v3 =	vmax.f32 v3, $0.0e+00;
	v4 =	vadd.f32 v4, v6;
	v6 =	vld [tilespmem:s14+$0x178D0]  }
0x151: {  	[tilespmem:s14+$0x1C880] =	vst v3;
	v3 =	vld [tilespmem:s14+$0x1A0C0];
	v1 =	vadd.f32 v1, v5  }
0x152: {  	v4 =	vmax.f32 v4, $0.0e+00;
	v5 =	vld [tilespmem:s14+$0x178E0]  }
0x153: {  	[tilespmem:s14+$0x1C890] =	vst v4;
	v4 =	vld [tilespmem:s14+$0x1A0D0];
	v1 =	vmax.f32 v1, $0.0e+00  }
0x154: {  	v2 =	vadd.f32 v2, v8;
	[tilespmem:s14+$0x1C8A0] =	vst v1;
	v1 =	vld [tilespmem:s14+$0x1A0E0]  }
0x155: {  	v8 =	vld [tilespmem:s14+$0x178F0]  }
0x156: {  	v2 =	vmax.f32 v2, $0.0e+00;
	v3 =	vadd.f32 v3, v7;
	v7 =	vld [tilespmem:s14+$0x17900]  }
0x157: {  	[tilespmem:s14+$0x1C8B0] =	vst v2;
	v2 =	vld [tilespmem:s14+$0x1A0F0]  }
0x158: {  	v3 =	vmax.f32 v3, $0.0e+00;
	v4 =	vadd.f32 v4, v6;
	v6 =	vld [tilespmem:s14+$0x17910]  }
0x159: {  	[tilespmem:s14+$0x1C8C0] =	vst v3;
	v3 =	vld [tilespmem:s14+$0x1A100];
	v1 =	vadd.f32 v1, v5  }
0x15a: {  	v4 =	vmax.f32 v4, $0.0e+00;
	v5 =	vld [tilespmem:s14+$0x17920]  }
0x15b: {  	[tilespmem:s14+$0x1C8D0] =	vst v4;
	v4 =	vld [tilespmem:s14+$0x1A110];
	v1 =	vmax.f32 v1, $0.0e+00  }
0x15c: {  	v2 =	vadd.f32 v2, v8;
	[tilespmem:s14+$0x1C8E0] =	vst v1;
	v1 =	vld [tilespmem:s14+$0x1A120]  }
0x15d: {  	v8 =	vld [tilespmem:s14+$0x17930]  }
0x15e: {  	v2 =	vmax.f32 v2, $0.0e+00;
	v3 =	vadd.f32 v3, v7;
	v7 =	vld [tilespmem:s14+$0x17940]  }
0x15f: {  	[tilespmem:s14+$0x1C8F0] =	vst v2;
	v2 =	vld [tilespmem:s14+$0x1A130]  }
0x160: {  	v3 =	vmax.f32 v3, $0.0e+00;
	v4 =	vadd.f32 v4, v6;
	v6 =	vld [tilespmem:s14+$0x17950]  }
0x161: {  	[tilespmem:s14+$0x1C900] =	vst v3;
	v3 =	vld [tilespmem:s14+$0x1A140];
	v1 =	vadd.f32 v1, v5  }
0x162: {  	v4 =	vmax.f32 v4, $0.0e+00;
	v5 =	vld [tilespmem:s14+$0x17960]  }
0x163: {  	[tilespmem:s14+$0x1C910] =	vst v4;
	v4 =	vld [tilespmem:s14+$0x1A150];
	v1 =	vmax.f32 v1, $0.0e+00  }
0x164: {  	v2 =	vadd.f32 v2, v8;
	[tilespmem:s14+$0x1C920] =	vst v1;
	v1 =	vld [tilespmem:s14+$0x1A160]  }
0x165: {  	v8 =	vld [tilespmem:s14+$0x17970]  }
0x166: {  	v2 =	vmax.f32 v2, $0.0e+00;
	v3 =	vadd.f32 v3, v7;
	v7 =	vld [tilespmem:s14+$0x17980]  }
0x167: {  	[tilespmem:s14+$0x1C930] =	vst v2;
	v2 =	vld [tilespmem:s14+$0x1A170]  }
0x168: {  	v3 =	vmax.f32 v3, $0.0e+00;
	v4 =	vadd.f32 v4, v6;
	v6 =	vld [tilespmem:s14+$0x17990]  }
0x169: {  	[tilespmem:s14+$0x1C940] =	vst v3;
	v3 =	vld [tilespmem:s14+$0x1A180];
	v1 =	vadd.f32 v1, v5  }
0x16a: {  	v4 =	vmax.f32 v4, $0.0e+00;
	v5 =	vld [tilespmem:s14+$0x179A0]  }
0x16b: {  	[tilespmem:s14+$0x1C950] =	vst v4;
	v4 =	vld [tilespmem:s14+$0x1A190];
	v1 =	vmax.f32 v1, $0.0e+00  }
0x16c: {  	v2 =	vadd.f32 v2, v8;
	[tilespmem:s14+$0x1C960] =	vst v1;
	v1 =	vld [tilespmem:s14+$0x1A1A0]  }
0x16d: {  	v8 =	vld [tilespmem:s14+$0x179B0]  }
0x16e: {  	v2 =	vmax.f32 v2, $0.0e+00;
	v3 =	vadd.f32 v3, v7;
	v7 =	vld [tilespmem:s14+$0x179C0]  }
0x16f: {  	[tilespmem:s14+$0x1C970] =	vst v2;
	v2 =	vld [tilespmem:s14+$0x1A1B0]  }
0x170: {  	v3 =	vmax.f32 v3, $0.0e+00;
	v4 =	vadd.f32 v4, v6;
	v6 =	vld [tilespmem:s14+$0x179D0]  }
0x171: {  	[tilespmem:s14+$0x1C980] =	vst v3;
	v3 =	vld [tilespmem:s14+$0x1A1C0];
	v1 =	vadd.f32 v1, v5  }
0x172: {  	v4 =	vmax.f32 v4, $0.0e+00;
	v5 =	vld [tilespmem:s14+$0x179E0]  }
0x173: {  	[tilespmem:s14+$0x1C990] =	vst v4;
	v4 =	vld [tilespmem:s14+$0x1A1D0];
	v1 =	vmax.f32 v1, $0.0e+00  }
0x174: {  	[tilespmem:s14+$0x1C9A0] =	vst v1;
	v1 =	vld [tilespmem:s14+$0x1A1E0];
	_ =	sdelay $0x1  }
0x175: {  	v2 =	vadd.f32 v2, v8  }
0x176: {  	v3 =	vadd.f32 v3, v7  }
0x177: {  	v2 =	vmax.f32 v2, $0.0e+00;
	v4 =	vadd.f32 v4, v6  }
0x178: {  	[tilespmem:s14+$0x1C9B0] =	vst v2;
	v2 =	vmax.f32 v3, $0.0e+00;
	v1 =	vadd.f32 v1, v5  }
0x179: {  	s2 =	sshll.u32 s15, $0x8;
	[tilespmem:s14+$0x1C9C0] =	vst v2;
	v2 =	vmax.f32 v4, $0.0e+00  }
0x17a: {  	s2 =	sand.u32 $0x3FFFFF00, s2;
	[tilespmem:s14+$0x1C9D0] =	vst v2;
	v1 =	vmax.f32 v1, $0.0e+00  }
0x17b: {  	p2 =	seq.s32 s15, $0x18;
	s2 =	sadd.s32 $0x15C00, s2;
	[tilespmem:s14+$0x1C9E0] =	vst v1  }
0x17c: {  	[spmem:s1] =	stream.indirect.scatter.add.f32 [tilespmem:s29], [sflag:$0x5], $0x80, s2, s21, $0xb8;
	v63 =	vld [tilespmem:$0x0]  }
0x17d: {  	s2 =	sshll.u32 @!p2 s15, $0x8  }
0x17e: {  	s22 =	simm.s32 @!p2 $0x17800;
	s14 =	simm.s32 @!p2 $0x28;
	s10 =	sadd.s32 @!p2 $0x14100, s2  }
0x17f: {  	[tilespmem:s22], [sflag:$0x1] =	stream.indirect.gather @!p2 [hbm4b:s5+s14], $0x80, s10, s14, $0xb8;
	v63 =	vld [tilespmem:$0x0]  }
0x180: {  	p3 =	seq.s32 @!p2 s15, $0x0;
	s2 =	sadd.s32 @!p2 $0x15D00, s2;
	s10 =	simm.s32 @!p2 $0x1A000  }
0x181: {  	[tilespmem:s10], [sflag:$0x3] =	stream.indirect.gather @!p2 [hbm4b:s7+s14], $0x80, s2, s14, $0xb8;
	v63 =	vld [tilespmem:$0x0]  }
0x182: {  	p2 =	por p2, !p3  }
0x183: {  	_ =	swait.ge @p2 [sflag:s12], $0x1400  }
0x184: {  	[sflag:s12] =	ssyncset.done @p2 $0x0  }
0x185: {  	[sflag:s12] =	ssyncadd.s32 @p2 $0xFFFFEC00  }
0x186: {  	_ =	swait.ge [sflag:s30], $0x1400  }
0x187: {  	[sflag:s30] =	ssyncset.done $0x0  }
0x188: {  	[sflag:s30] =	ssyncadd.s32 $0xFFFFEC00  }
0x189: {  	_ =	swait.ge [sflag:s31], $0x1400  }
0x18a: {  	[sflag:s31] =	ssyncset.done $0x0  }
0x18b: {  	s10 =	simm.s32 $0x0;
	[sflag:s31] =	ssyncadd.s32 $0xFFFFEC00  }
0x18c: {  	v1 =	vld [tilespmem:s10+$0x18DF0]  }
0x18d: {  	v2 =	vld [tilespmem:s10+$0x1B5F0]  }
0x18e: {  	v3 =	vld [tilespmem:s10+$0x18C00]  }
0x18f: {  	v4 =	vld [tilespmem:s10+$0x1B400]  }
0x190: {  	v5 =	vld [tilespmem:s10+$0x18C10]  }
0x191: {  	v6 =	vld [tilespmem:s10+$0x1B410]  }
0x192: {  	v7 =	vld [tilespmem:s10+$0x18C20]  }
0x193: {  	v1 =	vadd.f32 v2, v1;
	v2 =	vld [tilespmem:s10+$0x1B420]  }
0x194: {  	v8 =	vld [tilespmem:s10+$0x18C30]  }
0x195: {  	v3 =	vadd.f32 v4, v3;
	v4 =	vld [tilespmem:s10+$0x1B430]  }
0x196: {  	v5 =	vadd.f32 v6, v5;
	v6 =	vld [tilespmem:s10+$0x18C50];
	v1 =	vmax.f32 v1, $0.0e+00  }
0x197: {  	[tilespmem:s10+$0x1DDF0] =	vst v1;
	v1 =	vmax.f32 v3, $0.0e+00;
	v3 =	vld [tilespmem:s10+$0x18C40]  }
0x198: {  	v5 =	vmax.f32 v5, $0.0e+00;
	[tilespmem:s10+$0x1DC00] =	vst v1;
	v1 =	vld [tilespmem:s10+$0x1B440];
	v2 =	vadd.f32 v2, v7  }
0x199: {  	[tilespmem:s10+$0x1DC10] =	vst v5;
	v5 =	vld [tilespmem:s10+$0x1B450]  }
0x19a: {  	v7 =	vld [tilespmem:s10+$0x18C60];
	v2 =	vmax.f32 v2, $0.0e+00  }
0x19b: {  	v4 =	vadd.f32 v4, v8;
	[tilespmem:s10+$0x1DC20] =	vst v2;
	v2 =	vld [tilespmem:s10+$0x1B460]  }
0x19c: {  	v8 =	vld [tilespmem:s10+$0x18C70]  }
0x19d: {  	v4 =	vmax.f32 v4, $0.0e+00;
	v1 =	vadd.f32 v1, v3;
	v3 =	vld [tilespmem:s10+$0x1B470]  }
0x19e: {  	[tilespmem:s10+$0x1DC30] =	vst v4;
	v4 =	vld [tilespmem:s10+$0x18C80];
	v5 =	vadd.f32 v5, v6  }
0x19f: {  	v6 =	vld [tilespmem:s10+$0x18C90];
	v1 =	vmax.f32 v1, $0.0e+00  }
0x1a0: {  	v5 =	vmax.f32 v5, $0.0e+00;
	[tilespmem:s10+$0x1DC40] =	vst v1;
	v1 =	vld [tilespmem:s10+$0x1B480];
	v2 =	vadd.f32 v2, v7  }
0x1a1: {  	[tilespmem:s10+$0x1DC50] =	vst v5;
	v5 =	vld [tilespmem:s10+$0x1B490]  }
0x1a2: {  	v7 =	vld [tilespmem:s10+$0x18CA0];
	v3 =	vadd.f32 v3, v8;
	v2 =	vmax.f32 v2, $0.0e+00  }
0x1a3: {  	[tilespmem:s10+$0x1DC60] =	vst v2;
	v2 =	vld [tilespmem:s10+$0x1B4A0]  }
0x1a4: {  	v8 =	vld [tilespmem:s10+$0x18CB0];
	v3 =	vmax.f32 v3, $0.0e+00  }
0x1a5: {  	v1 =	vadd.f32 v1, v4;
	[tilespmem:s10+$0x1DC70] =	vst v3;
	v3 =	vld [tilespmem:s10+$0x1B4B0]  }
0x1a6: {  	v5 =	vadd.f32 v5, v6;
	v6 =	vld [tilespmem:s10+$0x18CD0]  }
0x1a7: {  	v4 =	vld [tilespmem:s10+$0x18CC0];
	v1 =	vmax.f32 v1, $0.0e+00  }
0x1a8: {  	v5 =	vmax.f32 v5, $0.0e+00;
	[tilespmem:s10+$0x1DC80] =	vst v1;
	v1 =	vld [tilespmem:s10+$0x1B4C0];
	v2 =	vadd.f32 v2, v7  }
0x1a9: {  	[tilespmem:s10+$0x1DC90] =	vst v5;
	v5 =	vld [tilespmem:s10+$0x1B4D0]  }
0x1aa: {  	v7 =	vld [tilespmem:s10+$0x18CE0];
	v3 =	vadd.f32 v3, v8;
	v2 =	vmax.f32 v2, $0.0e+00  }
0x1ab: {  	[tilespmem:s10+$0x1DCA0] =	vst v2;
	v2 =	vld [tilespmem:s10+$0x1B4E0]  }
0x1ac: {  	v8 =	vld [tilespmem:s10+$0x18CF0];
	v3 =	vmax.f32 v3, $0.0e+00  }
0x1ad: {  	v1 =	vadd.f32 v1, v4;
	[tilespmem:s10+$0x1DCB0] =	vst v3;
	v3 =	vld [tilespmem:s10+$0x1B4F0]  }
0x1ae: {  	v5 =	vadd.f32 v5, v6;
	v6 =	vld [tilespmem:s10+$0x18D10]  }
0x1af: {  	v4 =	vld [tilespmem:s10+$0x18D00];
	v1 =	vmax.f32 v1, $0.0e+00  }
0x1b0: {  	v5 =	vmax.f32 v5, $0.0e+00;
	[tilespmem:s10+$0x1DCC0] =	vst v1;
	v1 =	vld [tilespmem:s10+$0x1B500];
	v2 =	vadd.f32 v2, v7  }
0x1b1: {  	[tilespmem:s10+$0x1DCD0] =	vst v5;
	v5 =	vld [tilespmem:s10+$0x1B510]  }
0x1b2: {  	v7 =	vld [tilespmem:s10+$0x18D20];
	v3 =	vadd.f32 v3, v8;
	v2 =	vmax.f32 v2, $0.0e+00  }
0x1b3: {  	[tilespmem:s10+$0x1DCE0] =	vst v2;
	v2 =	vld [tilespmem:s10+$0x1B520]  }
0x1b4: {  	v8 =	vld [tilespmem:s10+$0x18D30];
	v3 =	vmax.f32 v3, $0.0e+00  }
0x1b5: {  	v1 =	vadd.f32 v1, v4;
	[tilespmem:s10+$0x1DCF0] =	vst v3;
	v3 =	vld [tilespmem:s10+$0x1B530]  }
0x1b6: {  	v5 =	vadd.f32 v5, v6;
	v6 =	vld [tilespmem:s10+$0x18D50]  }
0x1b7: {  	v4 =	vld [tilespmem:s10+$0x18D40];
	v1 =	vmax.f32 v1, $0.0e+00  }
0x1b8: {  	v5 =	vmax.f32 v5, $0.0e+00;
	[tilespmem:s10+$0x1DD00] =	vst v1;
	v1 =	vld [tilespmem:s10+$0x1B540];
	v2 =	vadd.f32 v2, v7  }
0x1b9: {  	[tilespmem:s10+$0x1DD10] =	vst v5;
	v5 =	vld [tilespmem:s10+$0x1B550]  }
0x1ba: {  	v7 =	vld [tilespmem:s10+$0x18D60];
	v3 =	vadd.f32 v3, v8;
	v2 =	vmax.f32 v2, $0.0e+00  }
0x1bb: {  	[tilespmem:s10+$0x1DD20] =	vst v2;
	v2 =	vld [tilespmem:s10+$0x1B560]  }
0x1bc: {  	v8 =	vld [tilespmem:s10+$0x18D70];
	v3 =	vmax.f32 v3, $0.0e+00  }
0x1bd: {  	v1 =	vadd.f32 v1, v4;
	[tilespmem:s10+$0x1DD30] =	vst v3;
	v3 =	vld [tilespmem:s10+$0x1B570]  }
0x1be: {  	v5 =	vadd.f32 v5, v6;
	v6 =	vld [tilespmem:s10+$0x18D90]  }
0x1bf: {  	v4 =	vld [tilespmem:s10+$0x18D80];
	v1 =	vmax.f32 v1, $0.0e+00  }
0x1c0: {  	v5 =	vmax.f32 v5, $0.0e+00;
	[tilespmem:s10+$0x1DD40] =	vst v1;
	v1 =	vld [tilespmem:s10+$0x1B580];
	v2 =	vadd.f32 v2, v7  }
0x1c1: {  	[tilespmem:s10+$0x1DD50] =	vst v5;
	v5 =	vld [tilespmem:s10+$0x1B590]  }
0x1c2: {  	v7 =	vld [tilespmem:s10+$0x18DA0];
	v3 =	vadd.f32 v3, v8;
	v2 =	vmax.f32 v2, $0.0e+00  }
0x1c3: {  	[tilespmem:s10+$0x1DD60] =	vst v2;
	v2 =	vld [tilespmem:s10+$0x1B5A0]  }
0x1c4: {  	v8 =	vld [tilespmem:s10+$0x18DB0];
	v3 =	vmax.f32 v3, $0.0e+00  }
0x1c5: {  	v1 =	vadd.f32 v1, v4;
	[tilespmem:s10+$0x1DD70] =	vst v3;
	v3 =	vld [tilespmem:s10+$0x1B5B0]  }
0x1c6: {  	v62 =	vld [tilespmem:s10+$0x18DC0];
	v4 =	vadd.f32 v5, v6  }
0x1c7: {  	v6 =	vld [tilespmem:s10+$0x1B5C0];
	v1 =	vmax.f32 v1, $0.0e+00  }
0x1c8: {  	v4 =	vmax.f32 v4, $0.0e+00;
	[tilespmem:s10+$0x1DD80] =	vst v1;
	v1 =	vld [tilespmem:s10+$0x18DD0];
	v2 =	vadd.f32 v2, v7  }
0x1c9: {  	[tilespmem:s10+$0x1DD90] =	vst v4;
	v4 =	vld [tilespmem:s10+$0x1B5D0]  }
0x1ca: {  	v7 =	vadd.f32 v3, v8;
	v5 =	vmax.f32 v2, $0.0e+00;
	v2 =	vld [tilespmem:s10+$0x18DE0]  }
0x1cb: {  	s14 =	simm.s32 $0x200;
	[tilespmem:s10+$0x1DDA0] =	vst v5;
	v5 =	vld [tilespmem:s10+$0x1B5E0]  }
0x1cc: {  	s2 =	simm.s32 $0x1000;
	v6 =	vadd.f32 v6, v62;
	v7 =	vmax.f32 v7, $0.0e+00;
	v3 =	vld [tilespmem:s14+$0x18DF0]  }
.LBB2_18:
0x1cd: {  	p2 =	sne.s32 s2, $0x4800;
	v8 =	vld [tilespmem:s14+$0x1B5F0];
	[tilespmem:s10+$0x1DDB0] =	vst v7  }
0x1ce: {  	v7 =	vld [tilespmem:s14+$0x18C00];
	v6 =	vmax.f32 v6, $0.0e+00;
	v1 =	vadd.f32 v4, v1  }
0x1cf: {  	v4 =	vld [tilespmem:s14+$0x1B400];
	[tilespmem:s10+$0x1DDC0] =	vst v6  }
0x1d0: {  	v6 =	vld [tilespmem:s14+$0x18C10];
	v1 =	vmax.f32 v1, $0.0e+00;
	v2 =	vadd.f32 v5, v2  }
0x1d1: {  	v5 =	vld [tilespmem:s14+$0x1B410];
	[tilespmem:s10+$0x1DDD0] =	vst v1  }
0x1d2: {  	v1 =	vld [tilespmem:s14+$0x18C20];
	v3 =	vadd.f32 v8, v3;
	v2 =	vmax.f32 v2, $0.0e+00  }
0x1d3: {  	v8 =	vld [tilespmem:s14+$0x1B420];
	[tilespmem:s10+$0x1DDE0] =	vst v2;
	s10 =	smov.u32 s14  }
0x1d4: {  	v2 =	vadd.f32 v4, v7;
	v4 =	vld [tilespmem:s10+$0x18C30];
	v3 =	vmax.f32 v3, $0.0e+00  }
0x1d5: {  	v7 =	vld [tilespmem:s10+$0x1B430];
	[tilespmem:s10+$0x1DDF0] =	vst v3  }
0x1d6: {  	v2 =	vmax.f32 v2, $0.0e+00;
	v3 =	vadd.f32 v5, v6;
	v5 =	vld [tilespmem:s10+$0x18C40]  }
0x1d7: {  	[tilespmem:s10+$0x1DC00] =	vst v2;
	v2 =	vld [tilespmem:s10+$0x1B440]  }
0x1d8: {  	v3 =	vmax.f32 v3, $0.0e+00;
	v1 =	vadd.f32 v8, v1;
	v6 =	vld [tilespmem:s10+$0x18C50]  }
0x1d9: {  	[tilespmem:s10+$0x1DC10] =	vst v3;
	v3 =	vld [tilespmem:s10+$0x1B450]  }
0x1da: {  	v1 =	vmax.f32 v1, $0.0e+00;
	v4 =	vadd.f32 v7, v4;
	v7 =	vld [tilespmem:s10+$0x18C60]  }
0x1db: {  	[tilespmem:s10+$0x1DC20] =	vst v1;
	v1 =	vld [tilespmem:s10+$0x1B460]  }
0x1dc: {  	v4 =	vmax.f32 v4, $0.0e+00;
	v2 =	vadd.f32 v2, v5;
	v5 =	vld [tilespmem:s10+$0x18C70]  }
0x1dd: {  	[tilespmem:s10+$0x1DC30] =	vst v4;
	v4 =	vld [tilespmem:s10+$0x1B470]  }
0x1de: {  	v2 =	vmax.f32 v2, $0.0e+00;
	v3 =	vadd.f32 v3, v6;
	v6 =	vld [tilespmem:s10+$0x18C80]  }
0x1df: {  	[tilespmem:s10+$0x1DC40] =	vst v2;
	v2 =	vld [tilespmem:s10+$0x1B480]  }
0x1e0: {  	v3 =	vmax.f32 v3, $0.0e+00;
	v1 =	vadd.f32 v1, v7;
	v7 =	vld [tilespmem:s10+$0x18C90]  }
0x1e1: {  	[tilespmem:s10+$0x1DC50] =	vst v3;
	v3 =	vld [tilespmem:s10+$0x1B490]  }
0x1e2: {  	v1 =	vmax.f32 v1, $0.0e+00;
	v4 =	vadd.f32 v4, v5;
	v5 =	vld [tilespmem:s10+$0x18CA0]  }
0x1e3: {  	[tilespmem:s10+$0x1DC60] =	vst v1;
	v1 =	vld [tilespmem:s10+$0x1B4A0]  }
0x1e4: {  	v4 =	vmax.f32 v4, $0.0e+00;
	v2 =	vadd.f32 v2, v6;
	v6 =	vld [tilespmem:s10+$0x18CB0]  }
0x1e5: {  	[tilespmem:s10+$0x1DC70] =	vst v4;
	v4 =	vld [tilespmem:s10+$0x1B4B0]  }
0x1e6: {  	v2 =	vmax.f32 v2, $0.0e+00;
	v3 =	vadd.f32 v3, v7;
	v7 =	vld [tilespmem:s10+$0x18CC0]  }
0x1e7: {  	[tilespmem:s10+$0x1DC80] =	vst v2;
	v2 =	vld [tilespmem:s10+$0x1B4C0]  }
0x1e8: {  	v3 =	vmax.f32 v3, $0.0e+00;
	v1 =	vadd.f32 v1, v5;
	v5 =	vld [tilespmem:s10+$0x18CD0]  }
0x1e9: {  	[tilespmem:s10+$0x1DC90] =	vst v3;
	v3 =	vld [tilespmem:s10+$0x1B4D0]  }
0x1ea: {  	v1 =	vmax.f32 v1, $0.0e+00;
	v4 =	vadd.f32 v4, v6;
	v6 =	vld [tilespmem:s10+$0x18CE0]  }
0x1eb: {  	[tilespmem:s10+$0x1DCA0] =	vst v1;
	v1 =	vld [tilespmem:s10+$0x1B4E0]  }
0x1ec: {  	v4 =	vmax.f32 v4, $0.0e+00;
	v2 =	vadd.f32 v2, v7;
	v7 =	vld [tilespmem:s10+$0x18CF0]  }
0x1ed: {  	[tilespmem:s10+$0x1DCB0] =	vst v4;
	v4 =	vld [tilespmem:s10+$0x1B4F0]  }
0x1ee: {  	v2 =	vmax.f32 v2, $0.0e+00;
	v3 =	vadd.f32 v3, v5;
	v5 =	vld [tilespmem:s10+$0x18D00]  }
0x1ef: {  	[tilespmem:s10+$0x1DCC0] =	vst v2;
	v2 =	vld [tilespmem:s10+$0x1B500]  }
0x1f0: {  	v3 =	vmax.f32 v3, $0.0e+00;
	v1 =	vadd.f32 v1, v6;
	v6 =	vld [tilespmem:s10+$0x18D10]  }
0x1f1: {  	[tilespmem:s10+$0x1DCD0] =	vst v3;
	v3 =	vld [tilespmem:s10+$0x1B510]  }
0x1f2: {  	v1 =	vmax.f32 v1, $0.0e+00;
	v4 =	vadd.f32 v4, v7;
	v7 =	vld [tilespmem:s10+$0x18D20]  }
0x1f3: {  	[tilespmem:s10+$0x1DCE0] =	vst v1;
	v1 =	vld [tilespmem:s10+$0x1B520]  }
0x1f4: {  	v4 =	vmax.f32 v4, $0.0e+00;
	v2 =	vadd.f32 v2, v5;
	v5 =	vld [tilespmem:s10+$0x18D30]  }
0x1f5: {  	[tilespmem:s10+$0x1DCF0] =	vst v4;
	v4 =	vld [tilespmem:s10+$0x1B530]  }
0x1f6: {  	v2 =	vmax.f32 v2, $0.0e+00;
	v3 =	vadd.f32 v3, v6;
	v6 =	vld [tilespmem:s10+$0x18D40]  }
0x1f7: {  	[tilespmem:s10+$0x1DD00] =	vst v2;
	v2 =	vld [tilespmem:s10+$0x1B540]  }
0x1f8: {  	v3 =	vmax.f32 v3, $0.0e+00;
	v1 =	vadd.f32 v1, v7;
	v7 =	vld [tilespmem:s10+$0x18D50]  }
0x1f9: {  	[tilespmem:s10+$0x1DD10] =	vst v3;
	v3 =	vld [tilespmem:s10+$0x1B550]  }
0x1fa: {  	v1 =	vmax.f32 v1, $0.0e+00;
	v4 =	vadd.f32 v4, v5;
	v5 =	vld [tilespmem:s10+$0x18D60]  }
0x1fb: {  	[tilespmem:s10+$0x1DD20] =	vst v1;
	v1 =	vld [tilespmem:s10+$0x1B560]  }
0x1fc: {  	v4 =	vmax.f32 v4, $0.0e+00;
	v2 =	vadd.f32 v2, v6;
	v6 =	vld [tilespmem:s10+$0x18D70]  }
0x1fd: {  	[tilespmem:s10+$0x1DD30] =	vst v4;
	v4 =	vld [tilespmem:s10+$0x1B570]  }
0x1fe: {  	v2 =	vmax.f32 v2, $0.0e+00;
	v3 =	vadd.f32 v3, v7;
	v7 =	vld [tilespmem:s10+$0x18D80]  }
0x1ff: {  	[tilespmem:s10+$0x1DD40] =	vst v2;
	v2 =	vld [tilespmem:s10+$0x1B580]  }
0x200: {  	v3 =	vmax.f32 v3, $0.0e+00;
	v1 =	vadd.f32 v1, v5;
	v5 =	vld [tilespmem:s10+$0x18D90]  }
0x201: {  	[tilespmem:s10+$0x1DD50] =	vst v3;
	v3 =	vld [tilespmem:s10+$0x1B590]  }
0x202: {  	v1 =	vmax.f32 v1, $0.0e+00;
	v4 =	vadd.f32 v4, v6;
	v6 =	vld [tilespmem:s10+$0x18DA0]  }
0x203: {  	[tilespmem:s10+$0x1DD60] =	vst v1;
	v1 =	vld [tilespmem:s10+$0x1B5A0]  }
0x204: {  	v4 =	vmax.f32 v4, $0.0e+00;
	v2 =	vadd.f32 v2, v7;
	v7 =	vld [tilespmem:s10+$0x18DB0]  }
0x205: {  	[tilespmem:s10+$0x1DD70] =	vst v4;
	v8 =	vld [tilespmem:s10+$0x1B5B0]  }
0x206: {  	v2 =	vmax.f32 v2, $0.0e+00;
	v3 =	vadd.f32 v3, v5;
	v9 =	vld [tilespmem:s10+$0x18DC0]  }
0x207: {  	[tilespmem:s10+$0x1DD80] =	vst v2;
	v10 =	vld [tilespmem:s10+$0x1B5C0]  }
.Ltmp5:
0x208: {  	v2 =	vmax.f32 v3, $0.0e+00;
	v3 =	vadd.f32 v1, v6;
	v1 =	vld [tilespmem:s10+$0x18DD0];
	(pc) =	sbr.rel @p2 .LBB2_18-.Ltmp5, $4  }
0x209: {  	[tilespmem:s10+$0x1DD90] =	vst v2;
	v4 =	vld [tilespmem:s10+$0x1B5D0]  }
0x20a: {  	v3 =	vmax.f32 v3, $0.0e+00;
	v6 =	vadd.f32 v8, v7;
	v2 =	vld [tilespmem:s10+$0x18DE0]  }
0x20b: {  	s14 =	sshra.s32 s2, $0x2;
	[tilespmem:s10+$0x1DDA0] =	vst v3;
	v5 =	vld [tilespmem:s10+$0x1B5E0]  }
0x20c: {  	s2 =	sadd.s32 $0x800, s2;
	v3 =	vld [tilespmem:s14+$0x18DF0];
	v7 =	vmax.f32 v6, $0.0e+00;
	v6 =	vadd.f32 v10, v9  }
0x20d: {  	v8 =	vld [tilespmem:s14+$0x1B5F0];
	[tilespmem:s10+$0x1DDB0] =	vst v7  }
0x20e: {  	v7 =	vld [tilespmem:s14+$0x18C00];
	v6 =	vmax.f32 v6, $0.0e+00;
	v1 =	vadd.f32 v4, v1  }
0x20f: {  	v9 =	vld [tilespmem:s14+$0x1B400];
	[tilespmem:s10+$0x1DDC0] =	vst v6  }
0x210: {  	v26 =	vld [tilespmem:s14+$0x18C10];
	v1 =	vmax.f32 v1, $0.0e+00;
	v2 =	vadd.f32 v5, v2  }
0x211: {  	v6 =	vld [tilespmem:s14+$0x1B410];
	[tilespmem:s10+$0x1DDD0] =	vst v1  }
0x212: {  	v1 =	vld [tilespmem:s14+$0x18C20];
	v2 =	vmax.f32 v2, $0.0e+00  }
0x213: {  	v27 =	vld [tilespmem:s14+$0x1B420];
	[tilespmem:s10+$0x1DDE0] =	vst v2  }
0x214: {  	v2 =	vld [tilespmem:s14+$0x18C30]  }
0x215: {  	v3 =	vadd.f32 v8, v3;
	v28 =	vld [tilespmem:s14+$0x1B430]  }
0x216: {  	v7 =	vadd.f32 v9, v7;
	v29 =	vld [tilespmem:s14+$0x18C40]  }
0x217: {  	v3 =	vmax.f32 v3, $0.0e+00;
	v30 =	vld [tilespmem:s14+$0x18C50]  }
0x218: {  	v31 =	vld [tilespmem:s14+$0x1B450];
	[tilespmem:s14+$0x1DDF0] =	vst v3;
	v3 =	vmax.f32 v7, $0.0e+00;
	v1 =	vadd.f32 v27, v1  }
0x219: {  	[tilespmem:s14+$0x1DC00] =	vst v3;
	v3 =	vld [tilespmem:s14+$0x1B440]  }
0x21a: {  	v32 =	vld [tilespmem:s14+$0x18C60];
	v1 =	vmax.f32 v1, $0.0e+00  }
0x21b: {  	[tilespmem:s14+$0x1DC20] =	vst v1;
	v1 =	vld [tilespmem:s14+$0x1B460]  }
0x21c: {  	v33 =	vld [tilespmem:s14+$0x18C70]  }
0x21d: {  	v34 =	vld [tilespmem:s14+$0x18C80];
	v2 =	vadd.f32 v28, v2  }
0x21e: {  	v35 =	vld [tilespmem:s14+$0x18C90];
	v3 =	vadd.f32 v3, v29  }
0x21f: {  	v36 =	vld [tilespmem:s14+$0x1B490];
	v2 =	vmax.f32 v2, $0.0e+00  }
0x220: {  	[tilespmem:s14+$0x1DC30] =	vst v2;
	v2 =	vld [tilespmem:s14+$0x1B470];
	v3 =	vmax.f32 v3, $0.0e+00;
	v1 =	vadd.f32 v1, v32  }
0x221: {  	[tilespmem:s14+$0x1DC40] =	vst v3;
	v3 =	vld [tilespmem:s14+$0x1B480]  }
0x222: {  	v37 =	vld [tilespmem:s14+$0x18CA0];
	v1 =	vmax.f32 v1, $0.0e+00  }
0x223: {  	[tilespmem:s14+$0x1DC60] =	vst v1;
	v1 =	vld [tilespmem:s14+$0x1B4A0]  }
0x224: {  	v38 =	vld [tilespmem:s14+$0x18CB0]  }
0x225: {  	v39 =	vld [tilespmem:s14+$0x18CC0];
	v2 =	vadd.f32 v2, v33  }
0x226: {  	v40 =	vld [tilespmem:s14+$0x18CD0];
	v3 =	vadd.f32 v3, v34  }
0x227: {  	v41 =	vld [tilespmem:s14+$0x1B4D0];
	v2 =	vmax.f32 v2, $0.0e+00  }
0x228: {  	[tilespmem:s14+$0x1DC70] =	vst v2;
	v2 =	vld [tilespmem:s14+$0x1B4B0];
	v3 =	vmax.f32 v3, $0.0e+00;
	v1 =	vadd.f32 v1, v37  }
0x229: {  	[tilespmem:s14+$0x1DC80] =	vst v3;
	v3 =	vld [tilespmem:s14+$0x1B4C0]  }
0x22a: {  	v42 =	vld [tilespmem:s14+$0x18CE0];
	v1 =	vmax.f32 v1, $0.0e+00  }
0x22b: {  	[tilespmem:s14+$0x1DCA0] =	vst v1;
	v1 =	vld [tilespmem:s14+$0x1B4E0]  }
0x22c: {  	v43 =	vld [tilespmem:s14+$0x18CF0]  }
0x22d: {  	v44 =	vld [tilespmem:s14+$0x18D00];
	v2 =	vadd.f32 v2, v38  }
0x22e: {  	v45 =	vld [tilespmem:s14+$0x18D10];
	v3 =	vadd.f32 v3, v39  }
0x22f: {  	v46 =	vld [tilespmem:s14+$0x1B510];
	v2 =	vmax.f32 v2, $0.0e+00  }
0x230: {  	[tilespmem:s14+$0x1DCB0] =	vst v2;
	v2 =	vld [tilespmem:s14+$0x1B4F0];
	v3 =	vmax.f32 v3, $0.0e+00;
	v1 =	vadd.f32 v1, v42  }
0x231: {  	[tilespmem:s14+$0x1DCC0] =	vst v3;
	v3 =	vld [tilespmem:s14+$0x1B500]  }
0x232: {  	v47 =	vld [tilespmem:s14+$0x18D20];
	v1 =	vmax.f32 v1, $0.0e+00  }
0x233: {  	[tilespmem:s14+$0x1DCE0] =	vst v1;
	v1 =	vld [tilespmem:s14+$0x1B520]  }
0x234: {  	v48 =	vld [tilespmem:s14+$0x18D30];
	v4 =	vadd.f32 v6, v26  }
0x235: {  	v49 =	vld [tilespmem:s14+$0x18D40];
	v2 =	vadd.f32 v2, v43  }
0x236: {  	v50 =	vld [tilespmem:s14+$0x18D50];
	v4 =	vmax.f32 v4, $0.0e+00;
	v3 =	vadd.f32 v3, v44  }
0x237: {  	v51 =	vld [tilespmem:s14+$0x1B550];
	[tilespmem:s14+$0x1DC10] =	vst v4;
	v2 =	vmax.f32 v2, $0.0e+00  }
0x238: {  	[tilespmem:s14+$0x1DCF0] =	vst v2;
	v2 =	vld [tilespmem:s14+$0x1B530];
	v3 =	vmax.f32 v3, $0.0e+00;
	v1 =	vadd.f32 v1, v47  }
0x239: {  	v4 =	vadd.f32 v31, v30;
	[tilespmem:s14+$0x1DD00] =	vst v3;
	v3 =	vld [tilespmem:s14+$0x1B540]  }
0x23a: {  	v52 =	vld [tilespmem:s14+$0x18D60];
	v1 =	vmax.f32 v1, $0.0e+00  }
0x23b: {  	v4 =	vmax.f32 v4, $0.0e+00;
	[tilespmem:s14+$0x1DD20] =	vst v1;
	v1 =	vld [tilespmem:s14+$0x1B560]  }
0x23c: {  	v53 =	vld [tilespmem:s14+$0x18D70];
	[tilespmem:s14+$0x1DC50] =	vst v4;
	v4 =	vadd.f32 v36, v35  }
0x23d: {  	v54 =	vld [tilespmem:s14+$0x18D80];
	v2 =	vadd.f32 v2, v48  }
0x23e: {  	v55 =	vld [tilespmem:s14+$0x18D90];
	v4 =	vmax.f32 v4, $0.0e+00;
	v3 =	vadd.f32 v3, v49  }
0x23f: {  	v56 =	vld [tilespmem:s14+$0x1B590];
	[tilespmem:s14+$0x1DC90] =	vst v4;
	v2 =	vmax.f32 v2, $0.0e+00  }
0x240: {  	[tilespmem:s14+$0x1DD30] =	vst v2;
	v2 =	vld [tilespmem:s14+$0x1B570];
	v3 =	vmax.f32 v3, $0.0e+00;
	v1 =	vadd.f32 v1, v52  }
0x241: {  	v4 =	vadd.f32 v41, v40;
	[tilespmem:s14+$0x1DD40] =	vst v3;
	v3 =	vld [tilespmem:s14+$0x1B580]  }
0x242: {  	v57 =	vld [tilespmem:s14+$0x18DA0];
	v1 =	vmax.f32 v1, $0.0e+00  }
0x243: {  	v4 =	vmax.f32 v4, $0.0e+00;
	[tilespmem:s14+$0x1DD60] =	vst v1;
	v1 =	vld [tilespmem:s14+$0x1B5A0]  }
0x244: {  	v58 =	vld [tilespmem:s14+$0x18DB0];
	[tilespmem:s14+$0x1DCD0] =	vst v4;
	v4 =	vadd.f32 v46, v45  }
0x245: {  	v59 =	vld [tilespmem:s14+$0x18DC0];
	v2 =	vadd.f32 v2, v53  }
0x246: {  	v60 =	vld [tilespmem:s14+$0x18DD0];
	v4 =	vmax.f32 v4, $0.0e+00;
	v3 =	vadd.f32 v3, v54  }
0x247: {  	v61 =	vld [tilespmem:s14+$0x1B5D0];
	[tilespmem:s14+$0x1DD10] =	vst v4;
	v2 =	vmax.f32 v2, $0.0e+00  }
0x248: {  	[tilespmem:s14+$0x1DD70] =	vst v2;
	v2 =	vld [tilespmem:s14+$0x1B5B0];
	v3 =	vmax.f32 v3, $0.0e+00;
	v1 =	vadd.f32 v1, v57  }
0x249: {  	v4 =	vadd.f32 v51, v50;
	[tilespmem:s14+$0x1DD80] =	vst v3;
	v3 =	vld [tilespmem:s14+$0x1B5C0]  }
0x24a: {  	v62 =	vld [tilespmem:s14+$0x18DE0];
	v1 =	vmax.f32 v1, $0.0e+00  }
0x24b: {  	v4 =	vmax.f32 v4, $0.0e+00;
	[tilespmem:s14+$0x1DDA0] =	vst v1;
	v1 =	vld [tilespmem:s14+$0x1B5E0]  }
0x24c: {  	[tilespmem:s14+$0x1DD50] =	vst v4;
	v4 =	vadd.f32 v56, v55  }
0x24d: {  	v2 =	vadd.f32 v2, v58  }
0x24e: {  	s15 =	sadd.s32 $0x1, s15;
	v4 =	vmax.f32 v4, $0.0e+00;
	v3 =	vadd.f32 v3, v59  }
0x24f: {  	p2 =	sne.s32 s15, $0x19;
	[tilespmem:s14+$0x1DD90] =	vst v4;
	v4 =	vadd.f32 v61, v60;
	v2 =	vmax.f32 v2, $0.0e+00  }
.Ltmp6:
0x250: {  	[tilespmem:s14+$0x1DDB0] =	vst v2;
	v2 =	vmax.f32 v3, $0.0e+00;
	v1 =	vadd.f32 v1, v62;
	(pc) =	sbr.rel @p2 .LBB2_15-.Ltmp6, $4  }
0x251: {  	[tilespmem:s14+$0x1DDC0] =	vst v2;
	v2 =	vmax.f32 v4, $0.0e+00  }
0x252: {  	s2 =	sand.u32 $0x3FFFFF80, s16;
	[tilespmem:s14+$0x1DDD0] =	vst v2;
	v1 =	vmax.f32 v1, $0.0e+00  }
0x253: {  	s2 =	sadd.s32 $0x15C00, s2;
	[tilespmem:s14+$0x1DDE0] =	vst v1  }
0x254: {  	[spmem:s1] =	stream.indirect.scatter.add.f32 [tilespmem:s0], [sflag:$0x6], $0x80, s2, s21, $0xb8;
	v63 =	vld [tilespmem:$0x0]  }
0x255: {  	s13 =	sadd.s32 $0x1, s13  }
0x256: {  	p2 =	sne.s32 s13, $0xA  }
.Ltmp7:
0x257: {  	_ = 	snop;
	(pc) =	sbr.rel @p2 .LBB2_14-.Ltmp7, $1  }
0x258: {  	_ =	sdelay $0x3  }
0x259: {  	_ =	swait.ge [sflag:s17], $0x1400  }
0x25a: {  	[sflag:s17] =	ssyncset.done $0x0  }
0x25b: {  	[sflag:s17] =	ssyncadd.s32 $0xFFFFEC00  }
0x25c: {  	_ =	swait.ge [sflag:s12], $0x1400  }
0x25d: {  	[sflag:s12] =	ssyncset.done $0x0  }
0x25e: {  	[sflag:s12] =	ssyncadd.s32 $0xFFFFEC00  }
0x25f: {  	[bflag:$0x0] =	sbarrier.arrive $0xFFFF  }
0x260: {  	s10 =	sld [smem:$0x7FC];
	_ =	sdelay $0x1  }
0x261: {  	s2 =	simm.s32 @p1 $0x1FC7;
	s4 =	rddreg [dreg:$0xa]  }
0x262: {  	[hbm:s4], [sflag:s2] =	dma.local @p1 [spmem:s10], $0x1900  }
0x263: {  	s2 =	simm.s32 @p1 $0x7  }
0x264: {  	_ =	swait.ge @p1 [sflag:s2], $0x1900  }
0x265: {  	s10 =	sld [smem:$0x7FD]  }
0x266: {  	[sflag:s2] =	ssyncset.done @p1 $0x0;
	s4 =	rddreg [dreg:$0x1f]  }
0x267: {  	[sflag:s2] =	ssyncadd.s32 @p1 $0xFFFFE700;
	s2 =	rddreg [dreg:$0x9]  }
0x268: {  	[hbm:s2], [sflag:s10] =	dma.local @!p1 [spmem:s4], $0x2800  }
.Ltmp8:
0x269: {  	_ = 	snop;
	(pc) =	sbr.rel .LBB2_22-.Ltmp8, $4  }
0x26a: {  	s2 =	simm.s32 @!p1 $0x7  }
0x26b: {  	_ =	swait.ge @!p1 [sflag:s2], $0x2800  }
0x26c: {  	[sflag:s2] =	ssyncset.done @!p1 $0x0  }
0x26d: {  	s14 =	rddreg [dreg:$0x4];
	[sflag:s2] =	ssyncadd.s32 @!p1 $0xFFFFD800  }
.LBB2_4:
0x26e: {  	s2 =	rddreg [dreg:$0xc]  }
0x26f: {  	[spmem:s2] =	stream.linear.scatter [tilespmem:s13], [sflag:$0x5], $0x1000, $0x38;
	v63 =	vld [tilespmem:$0x0]  }
0x270: {  	_ =	swait.ge [sflag:s17], $0x1000  }
0x271: {  	[sflag:s17] =	ssyncset.done $0x0  }
0x272: {  	s4 =	rddreg [dreg:$0xd];
	[sflag:s17] =	ssyncadd.s32 $0xFFFFF000  }
0x273: {  	[spmem:s4] =	stream.linear.scatter [tilespmem:s13], [sflag:$0x5], $0x1000, $0x38;
	v63 =	vld [tilespmem:$0x0]  }
0x274: {  	_ =	swait.ge [sflag:s17], $0x1000  }
0x275: {  	[sflag:s17] =	ssyncset.done $0x0  }
0x276: {  	s10 =	rddreg [dreg:$0xe];
	[sflag:s17] =	ssyncadd.s32 $0xFFFFF000  }
0x277: {  	[spmem:s10] =	stream.linear.scatter [tilespmem:s13], [sflag:$0x5], $0x1000, $0x38;
	v63 =	vld [tilespmem:$0x0]  }
0x278: {  	_ =	swait.ge [sflag:s17], $0x1000  }
0x279: {  	[sflag:s17] =	ssyncset.done $0x0  }
0x27a: {  	s14 =	rddreg [dreg:$0xf];
	[sflag:s17] =	ssyncadd.s32 $0xFFFFF000  }
0x27b: {  	[spmem:s14] =	stream.linear.scatter [tilespmem:s13], [sflag:$0x5], $0x1000, $0x38;
	v63 =	vld [tilespmem:$0x0]  }
0x27c: {  	_ =	swait.ge [sflag:s17], $0x1000  }
0x27d: {  	[sflag:s17] =	ssyncset.done $0x0  }
0x27e: {  	s15 =	rddreg [dreg:$0x10];
	[sflag:s17] =	ssyncadd.s32 $0xFFFFF000  }
0x27f: {  	[spmem:s15] =	stream.linear.scatter [tilespmem:s13], [sflag:$0x5], $0x1000, $0x38;
	v63 =	vld [tilespmem:$0x0]  }
0x280: {  	_ =	swait.ge [sflag:s17], $0x1000  }
0x281: {  	[sflag:s17] =	ssyncset.done $0x0  }
0x282: {  	s16 =	rddreg [dreg:$0x11];
	[sflag:s17] =	ssyncadd.s32 $0xFFFFF000  }
0x283: {  	[spmem:s16] =	stream.linear.scatter [tilespmem:s13], [sflag:$0x5], $0x1000, $0x38;
	v63 =	vld [tilespmem:$0x0]  }
0x284: {  	_ =	swait.ge [sflag:s17], $0x1000  }
0x285: {  	[sflag:s17] =	ssyncset.done $0x0  }
0x286: {  	s22 =	rddreg [dreg:$0x12];
	[sflag:s17] =	ssyncadd.s32 $0xFFFFF000  }
0x287: {  	[spmem:s22] =	stream.linear.scatter [tilespmem:s13], [sflag:$0x5], $0x1000, $0x38;
	v63 =	vld [tilespmem:$0x0]  }
0x288: {  	_ =	swait.ge [sflag:s17], $0x1000  }
0x289: {  	[sflag:s17] =	ssyncset.done $0x0  }
0x28a: {  	s4 =	rddreg [dreg:$0x13];
	[sflag:s17] =	ssyncadd.s32 $0xFFFFF000  }
0x28b: {  	[spmem:s4] =	stream.linear.scatter [tilespmem:s13], [sflag:$0x5], $0x1000, $0x38;
	v63 =	vld [tilespmem:$0x0]  }
0x28c: {  	_ =	swait.ge [sflag:s17], $0x1000  }
0x28d: {  	[sflag:s17] =	ssyncset.done $0x0  }
0x28e: {  	s10 =	rddreg [dreg:$0x14];
	[sflag:s17] =	ssyncadd.s32 $0xFFFFF000  }
0x28f: {  	[spmem:s10] =	stream.linear.scatter [tilespmem:s13], [sflag:$0x5], $0x1000, $0x38;
	v63 =	vld [tilespmem:$0x0]  }
0x290: {  	_ =	swait.ge [sflag:s17], $0x1000  }
0x291: {  	[sflag:s17] =	ssyncset.done $0x0  }
0x292: {  	s14 =	rddreg [dreg:$0x15];
	[sflag:s17] =	ssyncadd.s32 $0xFFFFF000  }
0x293: {  	[spmem:s14] =	stream.linear.scatter [tilespmem:s13], [sflag:$0x5], $0x1000, $0x38;
	v63 =	vld [tilespmem:$0x0]  }
0x294: {  	_ =	swait.ge [sflag:s17], $0x1000  }
0x295: {  	[sflag:s17] =	ssyncset.done $0x0  }
0x296: {  	s15 =	rddreg [dreg:$0x16];
	[sflag:s17] =	ssyncadd.s32 $0xFFFFF000  }
0x297: {  	[spmem:s15] =	stream.linear.scatter [tilespmem:s13], [sflag:$0x5], $0x1000, $0x38;
	v63 =	vld [tilespmem:$0x0]  }
0x298: {  	_ =	swait.ge [sflag:s17], $0x1000  }
0x299: {  	[sflag:s17] =	ssyncset.done $0x0  }
0x29a: {  	s16 =	rddreg [dreg:$0x17];
	[sflag:s17] =	ssyncadd.s32 $0xFFFFF000  }
0x29b: {  	[spmem:s16] =	stream.linear.scatter [tilespmem:s13], [sflag:$0x5], $0x1000, $0x38;
	v63 =	vld [tilespmem:$0x0]  }
0x29c: {  	_ =	swait.ge [sflag:s17], $0x1000  }
0x29d: {  	[sflag:s17] =	ssyncset.done $0x0  }
0x29e: {  	s22 =	rddreg [dreg:$0x18];
	[sflag:s17] =	ssyncadd.s32 $0xFFFFF000  }
0x29f: {  	[spmem:s22] =	stream.linear.scatter [tilespmem:s13], [sflag:$0x5], $0x1000, $0x38;
	v63 =	vld [tilespmem:$0x0]  }
0x2a0: {  	_ =	swait.ge [sflag:s17], $0x1000  }
0x2a1: {  	[sflag:s17] =	ssyncset.done $0x0  }
0x2a2: {  	s4 =	rddreg [dreg:$0x19];
	[sflag:s17] =	ssyncadd.s32 $0xFFFFF000  }
0x2a3: {  	[spmem:s4] =	stream.linear.scatter [tilespmem:s13], [sflag:$0x5], $0x1000, $0x38;
	v63 =	vld [tilespmem:$0x0]  }
0x2a4: {  	_ =	swait.ge [sflag:s17], $0x1000  }
0x2a5: {  	[sflag:s17] =	ssyncset.done $0x0  }
0x2a6: {  	s10 =	rddreg [dreg:$0x1a];
	[sflag:s17] =	ssyncadd.s32 $0xFFFFF000  }
0x2a7: {  	[spmem:s10] =	stream.linear.scatter [tilespmem:s13], [sflag:$0x5], $0x1000, $0x38;
	v63 =	vld [tilespmem:$0x0]  }
0x2a8: {  	_ =	swait.ge [sflag:s17], $0x1000  }
0x2a9: {  	[sflag:s17] =	ssyncset.done $0x0  }
0x2aa: {  	s14 =	rddreg [dreg:$0x1b];
	[sflag:s17] =	ssyncadd.s32 $0xFFFFF000  }
0x2ab: {  	[spmem:s14] =	stream.linear.scatter [tilespmem:s13], [sflag:$0x5], $0x1000, $0x38;
	v63 =	vld [tilespmem:$0x0]  }
0x2ac: {  	_ =	swait.ge [sflag:s17], $0x1000  }
0x2ad: {  	[sflag:s17] =	ssyncset.done $0x0  }
0x2ae: {  	s15 =	rddreg [dreg:$0x1c];
	[sflag:s17] =	ssyncadd.s32 $0xFFFFF000  }
0x2af: {  	[spmem:s15] =	stream.linear.scatter [tilespmem:s13], [sflag:$0x5], $0x1000, $0x38;
	v63 =	vld [tilespmem:$0x0]  }
0x2b0: {  	_ =	swait.ge [sflag:s17], $0x1000  }
0x2b1: {  	[sflag:s17] =	ssyncset.done $0x0  }
0x2b2: {  	s16 =	rddreg [dreg:$0x1d];
	[sflag:s17] =	ssyncadd.s32 $0xFFFFF000  }
0x2b3: {  	[spmem:s16] =	stream.linear.scatter [tilespmem:s13], [sflag:$0x5], $0x1000, $0x38;
	v63 =	vld [tilespmem:$0x0]  }
0x2b4: {  	_ =	swait.ge [sflag:s17], $0x1000  }
0x2b5: {  	[sflag:s17] =	ssyncset.done $0x0  }
0x2b6: {  	s22 =	rddreg [dreg:$0x1e];
	[sflag:s17] =	ssyncadd.s32 $0xFFFFF000  }
0x2b7: {  	[spmem:s22] =	stream.linear.scatter [tilespmem:s13], [sflag:$0x5], $0x1000, $0x38;
	v63 =	vld [tilespmem:$0x0]  }
0x2b8: {  	_ =	swait.ge [sflag:s17], $0x1000  }
0x2b9: {  	[sflag:s17] =	ssyncset.done $0x0  }
0x2ba: {  	[sflag:s17] =	ssyncadd.s32 $0xFFFFF000  }
0x2bb: {  	_ =	swait.ge [sflag:s17], $0x1000  }
0x2bc: {  	[sflag:s17] =	ssyncset.done $0x0  }
0x2bd: {  	[sflag:s17] =	ssyncadd.s32 $0xFFFFF000  }
0x2be: {  	s4 =	simm.s32 $0x0;
	s13 =	simm.s32 $0x0;
	[bflag:$0x0] =	sbarrier.arrive $0xFFFF  }
.LBB2_5:
0x2bf: {  	p2 =	seq.s32 s13, $0x0  }
0x2c0: {  	s2 =	simm.s32 @!p2 $0x5  }
0x2c1: {  	_ =	swait.ge @!p2 [sflag:s2], $0x1400  }
0x2c2: {  	s10 =	smul.u32 $0x1C00, s13;
	[sflag:s2] =	ssyncset.done @!p2 $0x0  }
0x2c3: {  	[sflag:s2] =	ssyncadd.s32 @!p2 $0xFFFFEC00;
	s2 =	simm.s32 @!p2 $0x6  }
0x2c4: {  	s10 =	sadd.s32 s11, s10;
	_ =	swait.ge @!p2 [sflag:s2], $0x1400  }
0x2c5: {  	s10 =	sshrl.u32 s10, $0x3;
	[sflag:s2] =	ssyncset.done @!p2 $0x0  }
0x2c6: {  	s15 =	sadd.s32 s8, s10;
	[sflag:s2] =	ssyncadd.s32 @!p2 $0xFFFFEC00  }
0x2c7: {  	[tilespmem:s18], [sflag:$0x7] =	stream.linear.gather [hbm4b:s15+s4], $0x1900, $0x38;
	v63 =	vld [tilespmem:$0x0]  }
0x2c8: {  	_ =	swait.ge [sflag:s19], $0x1900  }
0x2c9: {  	[sflag:s19] =	ssyncset.done $0x0  }
0x2ca: {  	s16 =	sadd.s32 s9, s10;
	[sflag:s19] =	ssyncadd.s32 $0xFFFFE700  }
0x2cb: {  	[tilespmem:s20], [sflag:$0x7] =	stream.linear.gather [hbm4b:s16+s4], $0x1900, $0x38;
	v63 =	vld [tilespmem:$0x0]  }
0x2cc: {  	_ =	swait.ge [sflag:s19], $0x1900  }
0x2cd: {  	[sflag:s19] =	ssyncset.done $0x0  }
0x2ce: {  	s22 =	simm.s32 $0x17800;
	[sflag:s19] =	ssyncadd.s32 $0xFFFFE700  }
0x2cf: {  	[tilespmem:s22], [sflag:$0x1] =	stream.indirect.gather [hbm4b:s3+s21], $0x80, s18, s21, $0xb8;
	v63 =	vld [tilespmem:$0x0]  }
0x2d0: {  	s15 =	simm.s32 $0x0  }
0x2d1: {  	[tilespmem:s23], [sflag:$0x3] =	stream.indirect.gather [hbm4b:s6+s21], $0x80, s20, s21, $0xb8;
	v63 =	vld [tilespmem:$0x0]  }
.LBB2_6:
0x2d2: {  	s2 =	sshllo.u32 s15, $0x1  }
0x2d3: {  	s16 =	sshll.u32 s2, $0x7  }
0x2d4: {  	p2 =	seq.s32 s15, $0x0;
	s2 =	sadd.s32 $0x14000, s16  }
0x2d5: {  	[tilespmem:s24], [sflag:$0x2] =	stream.indirect.gather [hbm4b:s3+s21], $0x80, s2, s21, $0xb8;
	v63 =	vld [tilespmem:$0x0]  }
0x2d6: {  	s22 =	sadd.s32 $0x15C00, s16;
	s2 =	simm.s32 @!p2 $0x5  }
0x2d7: {  	[tilespmem:s25], [sflag:$0x4] =	stream.indirect.gather [hbm4b:s6+s21], $0x80, s22, s21, $0xb8;
	v63 =	vld [tilespmem:$0x0]  }
0x2d8: {  	_ =	swait.ge @!p2 [sflag:s2], $0x1400  }
0x2d9: {  	[sflag:s2] =	ssyncset.done @!p2 $0x0  }
0x2da: {  	[sflag:s2] =	ssyncadd.s32 @!p2 $0xFFFFEC00  }
0x2db: {  	_ =	swait.ge [sflag:s26], $0x1400  }
0x2dc: {  	[sflag:s26] =	ssyncset.done $0x0  }
0x2dd: {  	[sflag:s26] =	ssyncadd.s32 $0xFFFFEC00  }
0x2de: {  	_ =	swait.ge [sflag:s28], $0x1400  }
0x2df: {  	[sflag:s28] =	ssyncset.done $0x0  }
0x2e0: {  	s10 =	simm.s32 $0x0;
	[sflag:s28] =	ssyncadd.s32 $0xFFFFEC00  }
0x2e1: {  	v1 =	vld [tilespmem:s10+$0x179F0]  }
0x2e2: {  	v2 =	vld [tilespmem:s10+$0x1A1F0]  }
0x2e3: {  	v3 =	vld [tilespmem:s10+$0x17800]  }
0x2e4: {  	v4 =	vld [tilespmem:s10+$0x1A000]  }
0x2e5: {  	v5 =	vld [tilespmem:s10+$0x17810]  }
0x2e6: {  	v6 =	vld [tilespmem:s10+$0x1A010]  }
0x2e7: {  	v7 =	vld [tilespmem:s10+$0x17820]  }
0x2e8: {  	v1 =	vadd.f32 v2, v1;
	v2 =	vld [tilespmem:s10+$0x1A020]  }
0x2e9: {  	v8 =	vld [tilespmem:s10+$0x17830]  }
0x2ea: {  	v3 =	vadd.f32 v4, v3;
	v4 =	vld [tilespmem:s10+$0x1A030]  }
0x2eb: {  	v5 =	vadd.f32 v6, v5;
	v6 =	vld [tilespmem:s10+$0x17850];
	v1 =	vmax.f32 v1, $0.0e+00  }
0x2ec: {  	[tilespmem:s10+$0x1C9F0] =	vst v1;
	v1 =	vmax.f32 v3, $0.0e+00;
	v3 =	vld [tilespmem:s10+$0x17840]  }
0x2ed: {  	v5 =	vmax.f32 v5, $0.0e+00;
	[tilespmem:s10+$0x1C800] =	vst v1;
	v1 =	vld [tilespmem:s10+$0x1A040];
	v2 =	vadd.f32 v2, v7  }
0x2ee: {  	[tilespmem:s10+$0x1C810] =	vst v5;
	v5 =	vld [tilespmem:s10+$0x1A050]  }
0x2ef: {  	v7 =	vld [tilespmem:s10+$0x17860];
	v2 =	vmax.f32 v2, $0.0e+00  }
0x2f0: {  	v4 =	vadd.f32 v4, v8;
	[tilespmem:s10+$0x1C820] =	vst v2;
	v2 =	vld [tilespmem:s10+$0x1A060]  }
0x2f1: {  	v8 =	vld [tilespmem:s10+$0x17870]  }
0x2f2: {  	v4 =	vmax.f32 v4, $0.0e+00;
	v1 =	vadd.f32 v1, v3;
	v3 =	vld [tilespmem:s10+$0x1A070]  }
0x2f3: {  	[tilespmem:s10+$0x1C830] =	vst v4;
	v4 =	vld [tilespmem:s10+$0x17880];
	v5 =	vadd.f32 v5, v6  }
0x2f4: {  	v6 =	vld [tilespmem:s10+$0x17890];
	v1 =	vmax.f32 v1, $0.0e+00  }
0x2f5: {  	v5 =	vmax.f32 v5, $0.0e+00;
	[tilespmem:s10+$0x1C840] =	vst v1;
	v1 =	vld [tilespmem:s10+$0x1A080];
	v2 =	vadd.f32 v2, v7  }
0x2f6: {  	[tilespmem:s10+$0x1C850] =	vst v5;
	v5 =	vld [tilespmem:s10+$0x1A090]  }
0x2f7: {  	v7 =	vld [tilespmem:s10+$0x178A0];
	v3 =	vadd.f32 v3, v8;
	v2 =	vmax.f32 v2, $0.0e+00  }
0x2f8: {  	[tilespmem:s10+$0x1C860] =	vst v2;
	v2 =	vld [tilespmem:s10+$0x1A0A0]  }
0x2f9: {  	v8 =	vld [tilespmem:s10+$0x178B0];
	v3 =	vmax.f32 v3, $0.0e+00  }
0x2fa: {  	v1 =	vadd.f32 v1, v4;
	[tilespmem:s10+$0x1C870] =	vst v3;
	v3 =	vld [tilespmem:s10+$0x1A0B0]  }
0x2fb: {  	v5 =	vadd.f32 v5, v6;
	v6 =	vld [tilespmem:s10+$0x178D0]  }
0x2fc: {  	v4 =	vld [tilespmem:s10+$0x178C0];
	v1 =	vmax.f32 v1, $0.0e+00  }
0x2fd: {  	v5 =	vmax.f32 v5, $0.0e+00;
	[tilespmem:s10+$0x1C880] =	vst v1;
	v1 =	vld [tilespmem:s10+$0x1A0C0];
	v2 =	vadd.f32 v2, v7  }
0x2fe: {  	[tilespmem:s10+$0x1C890] =	vst v5;
	v5 =	vld [tilespmem:s10+$0x1A0D0]  }
0x2ff: {  	v7 =	vld [tilespmem:s10+$0x178E0];
	v3 =	vadd.f32 v3, v8;
	v2 =	vmax.f32 v2, $0.0e+00  }
0x300: {  	[tilespmem:s10+$0x1C8A0] =	vst v2;
	v2 =	vld [tilespmem:s10+$0x1A0E0]  }
0x301: {  	v8 =	vld [tilespmem:s10+$0x178F0];
	v3 =	vmax.f32 v3, $0.0e+00  }
0x302: {  	v1 =	vadd.f32 v1, v4;
	[tilespmem:s10+$0x1C8B0] =	vst v3;
	v3 =	vld [tilespmem:s10+$0x1A0F0]  }
0x303: {  	v5 =	vadd.f32 v5, v6;
	v6 =	vld [tilespmem:s10+$0x17910]  }
0x304: {  	v4 =	vld [tilespmem:s10+$0x17900];
	v1 =	vmax.f32 v1, $0.0e+00  }
0x305: {  	v5 =	vmax.f32 v5, $0.0e+00;
	[tilespmem:s10+$0x1C8C0] =	vst v1;
	v1 =	vld [tilespmem:s10+$0x1A100];
	v2 =	vadd.f32 v2, v7  }
0x306: {  	[tilespmem:s10+$0x1C8D0] =	vst v5;
	v5 =	vld [tilespmem:s10+$0x1A110]  }
0x307: {  	v7 =	vld [tilespmem:s10+$0x17920];
	v3 =	vadd.f32 v3, v8;
	v2 =	vmax.f32 v2, $0.0e+00  }
0x308: {  	[tilespmem:s10+$0x1C8E0] =	vst v2;
	v2 =	vld [tilespmem:s10+$0x1A120]  }
0x309: {  	v8 =	vld [tilespmem:s10+$0x17930];
	v3 =	vmax.f32 v3, $0.0e+00  }
0x30a: {  	v1 =	vadd.f32 v1, v4;
	[tilespmem:s10+$0x1C8F0] =	vst v3;
	v3 =	vld [tilespmem:s10+$0x1A130]  }
0x30b: {  	v5 =	vadd.f32 v5, v6;
	v6 =	vld [tilespmem:s10+$0x17950]  }
0x30c: {  	v4 =	vld [tilespmem:s10+$0x17940];
	v1 =	vmax.f32 v1, $0.0e+00  }
0x30d: {  	v5 =	vmax.f32 v5, $0.0e+00;
	[tilespmem:s10+$0x1C900] =	vst v1;
	v1 =	vld [tilespmem:s10+$0x1A140];
	v2 =	vadd.f32 v2, v7  }
0x30e: {  	[tilespmem:s10+$0x1C910] =	vst v5;
	v5 =	vld [tilespmem:s10+$0x1A150]  }
0x30f: {  	v7 =	vld [tilespmem:s10+$0x17960];
	v3 =	vadd.f32 v3, v8;
	v2 =	vmax.f32 v2, $0.0e+00  }
0x310: {  	[tilespmem:s10+$0x1C920] =	vst v2;
	v2 =	vld [tilespmem:s10+$0x1A160]  }
0x311: {  	v8 =	vld [tilespmem:s10+$0x17970];
	v3 =	vmax.f32 v3, $0.0e+00  }
0x312: {  	v1 =	vadd.f32 v1, v4;
	[tilespmem:s10+$0x1C930] =	vst v3;
	v3 =	vld [tilespmem:s10+$0x1A170]  }
0x313: {  	v5 =	vadd.f32 v5, v6;
	v6 =	vld [tilespmem:s10+$0x17990]  }
0x314: {  	v4 =	vld [tilespmem:s10+$0x17980];
	v1 =	vmax.f32 v1, $0.0e+00  }
0x315: {  	v5 =	vmax.f32 v5, $0.0e+00;
	[tilespmem:s10+$0x1C940] =	vst v1;
	v1 =	vld [tilespmem:s10+$0x1A180];
	v2 =	vadd.f32 v2, v7  }
0x316: {  	[tilespmem:s10+$0x1C950] =	vst v5;
	v5 =	vld [tilespmem:s10+$0x1A190]  }
0x317: {  	v7 =	vld [tilespmem:s10+$0x179A0];
	v3 =	vadd.f32 v3, v8;
	v2 =	vmax.f32 v2, $0.0e+00  }
0x318: {  	[tilespmem:s10+$0x1C960] =	vst v2;
	v2 =	vld [tilespmem:s10+$0x1A1A0]  }
0x319: {  	v8 =	vld [tilespmem:s10+$0x179B0];
	v3 =	vmax.f32 v3, $0.0e+00  }
0x31a: {  	v1 =	vadd.f32 v1, v4;
	[tilespmem:s10+$0x1C970] =	vst v3;
	v3 =	vld [tilespmem:s10+$0x1A1B0]  }
0x31b: {  	v9 =	vld [tilespmem:s10+$0x179C0];
	v4 =	vadd.f32 v5, v6  }
0x31c: {  	v6 =	vld [tilespmem:s10+$0x1A1C0];
	v1 =	vmax.f32 v1, $0.0e+00  }
0x31d: {  	v4 =	vmax.f32 v4, $0.0e+00;
	[tilespmem:s10+$0x1C980] =	vst v1;
	v1 =	vld [tilespmem:s10+$0x179D0];
	v2 =	vadd.f32 v2, v7  }
0x31e: {  	[tilespmem:s10+$0x1C990] =	vst v4;
	v4 =	vld [tilespmem:s10+$0x1A1D0]  }
0x31f: {  	v7 =	vadd.f32 v3, v8;
	v5 =	vmax.f32 v2, $0.0e+00;
	v2 =	vld [tilespmem:s10+$0x179E0]  }
0x320: {  	s14 =	simm.s32 $0x200;
	[tilespmem:s10+$0x1C9A0] =	vst v5;
	v5 =	vld [tilespmem:s10+$0x1A1E0]  }
0x321: {  	s2 =	simm.s32 $0x1000;
	v6 =	vadd.f32 v6, v9;
	v7 =	vmax.f32 v7, $0.0e+00;
	v3 =	vld [tilespmem:s14+$0x179F0]  }
.LBB2_7:
0x322: {  	p2 =	sne.s32 s2, $0x4800;
	v8 =	vld [tilespmem:s14+$0x1A1F0];
	[tilespmem:s10+$0x1C9B0] =	vst v7  }
0x323: {  	v7 =	vld [tilespmem:s14+$0x17800];
	v6 =	vmax.f32 v6, $0.0e+00;
	v1 =	vadd.f32 v4, v1  }
0x324: {  	v4 =	vld [tilespmem:s14+$0x1A000];
	[tilespmem:s10+$0x1C9C0] =	vst v6  }
0x325: {  	v6 =	vld [tilespmem:s14+$0x17810];
	v1 =	vmax.f32 v1, $0.0e+00;
	v2 =	vadd.f32 v5, v2  }
0x326: {  	v5 =	vld [tilespmem:s14+$0x1A010];
	[tilespmem:s10+$0x1C9D0] =	vst v1  }
0x327: {  	v1 =	vld [tilespmem:s14+$0x17820];
	v3 =	vadd.f32 v8, v3;
	v2 =	vmax.f32 v2, $0.0e+00  }
0x328: {  	v8 =	vld [tilespmem:s14+$0x1A020];
	[tilespmem:s10+$0x1C9E0] =	vst v2;
	s10 =	smov.u32 s14  }
0x329: {  	v2 =	vadd.f32 v4, v7;
	v4 =	vld [tilespmem:s10+$0x17830];
	v3 =	vmax.f32 v3, $0.0e+00  }
0x32a: {  	v7 =	vld [tilespmem:s10+$0x1A030];
	[tilespmem:s10+$0x1C9F0] =	vst v3  }
0x32b: {  	v2 =	vmax.f32 v2, $0.0e+00;
	v3 =	vadd.f32 v5, v6;
	v5 =	vld [tilespmem:s10+$0x17840]  }
0x32c: {  	[tilespmem:s10+$0x1C800] =	vst v2;
	v2 =	vld [tilespmem:s10+$0x1A040]  }
0x32d: {  	v3 =	vmax.f32 v3, $0.0e+00;
	v1 =	vadd.f32 v8, v1;
	v6 =	vld [tilespmem:s10+$0x17850]  }
0x32e: {  	[tilespmem:s10+$0x1C810] =	vst v3;
	v3 =	vld [tilespmem:s10+$0x1A050]  }
0x32f: {  	v1 =	vmax.f32 v1, $0.0e+00;
	v4 =	vadd.f32 v7, v4;
	v7 =	vld [tilespmem:s10+$0x17860]  }
0x330: {  	[tilespmem:s10+$0x1C820] =	vst v1;
	v1 =	vld [tilespmem:s10+$0x1A060]  }
0x331: {  	v4 =	vmax.f32 v4, $0.0e+00;
	v2 =	vadd.f32 v2, v5;
	v5 =	vld [tilespmem:s10+$0x17870]  }
0x332: {  	[tilespmem:s10+$0x1C830] =	vst v4;
	v4 =	vld [tilespmem:s10+$0x1A070]  }
0x333: {  	v2 =	vmax.f32 v2, $0.0e+00;
	v3 =	vadd.f32 v3, v6;
	v6 =	vld [tilespmem:s10+$0x17880]  }
0x334: {  	[tilespmem:s10+$0x1C840] =	vst v2;
	v2 =	vld [tilespmem:s10+$0x1A080]  }
0x335: {  	v3 =	vmax.f32 v3, $0.0e+00;
	v1 =	vadd.f32 v1, v7;
	v7 =	vld [tilespmem:s10+$0x17890]  }
0x336: {  	[tilespmem:s10+$0x1C850] =	vst v3;
	v3 =	vld [tilespmem:s10+$0x1A090]  }
0x337: {  	v1 =	vmax.f32 v1, $0.0e+00;
	v4 =	vadd.f32 v4, v5;
	v5 =	vld [tilespmem:s10+$0x178A0]  }
0x338: {  	[tilespmem:s10+$0x1C860] =	vst v1;
	v1 =	vld [tilespmem:s10+$0x1A0A0]  }
0x339: {  	v4 =	vmax.f32 v4, $0.0e+00;
	v2 =	vadd.f32 v2, v6;
	v6 =	vld [tilespmem:s10+$0x178B0]  }
0x33a: {  	[tilespmem:s10+$0x1C870] =	vst v4;
	v4 =	vld [tilespmem:s10+$0x1A0B0]  }
0x33b: {  	v2 =	vmax.f32 v2, $0.0e+00;
	v3 =	vadd.f32 v3, v7;
	v7 =	vld [tilespmem:s10+$0x178C0]  }
0x33c: {  	[tilespmem:s10+$0x1C880] =	vst v2;
	v2 =	vld [tilespmem:s10+$0x1A0C0]  }
0x33d: {  	v3 =	vmax.f32 v3, $0.0e+00;
	v1 =	vadd.f32 v1, v5;
	v5 =	vld [tilespmem:s10+$0x178D0]  }
0x33e: {  	[tilespmem:s10+$0x1C890] =	vst v3;
	v3 =	vld [tilespmem:s10+$0x1A0D0]  }
0x33f: {  	v1 =	vmax.f32 v1, $0.0e+00;
	v4 =	vadd.f32 v4, v6;
	v6 =	vld [tilespmem:s10+$0x178E0]  }
0x340: {  	[tilespmem:s10+$0x1C8A0] =	vst v1;
	v1 =	vld [tilespmem:s10+$0x1A0E0]  }
0x341: {  	v4 =	vmax.f32 v4, $0.0e+00;
	v2 =	vadd.f32 v2, v7;
	v7 =	vld [tilespmem:s10+$0x178F0]  }
0x342: {  	[tilespmem:s10+$0x1C8B0] =	vst v4;
	v4 =	vld [tilespmem:s10+$0x1A0F0]  }
0x343: {  	v2 =	vmax.f32 v2, $0.0e+00;
	v3 =	vadd.f32 v3, v5;
	v5 =	vld [tilespmem:s10+$0x17900]  }
0x344: {  	[tilespmem:s10+$0x1C8C0] =	vst v2;
	v2 =	vld [tilespmem:s10+$0x1A100]  }
0x345: {  	v3 =	vmax.f32 v3, $0.0e+00;
	v1 =	vadd.f32 v1, v6;
	v6 =	vld [tilespmem:s10+$0x17910]  }
0x346: {  	[tilespmem:s10+$0x1C8D0] =	vst v3;
	v3 =	vld [tilespmem:s10+$0x1A110]  }
0x347: {  	v1 =	vmax.f32 v1, $0.0e+00;
	v4 =	vadd.f32 v4, v7;
	v7 =	vld [tilespmem:s10+$0x17920]  }
0x348: {  	[tilespmem:s10+$0x1C8E0] =	vst v1;
	v1 =	vld [tilespmem:s10+$0x1A120]  }
0x349: {  	v4 =	vmax.f32 v4, $0.0e+00;
	v2 =	vadd.f32 v2, v5;
	v5 =	vld [tilespmem:s10+$0x17930]  }
0x34a: {  	[tilespmem:s10+$0x1C8F0] =	vst v4;
	v4 =	vld [tilespmem:s10+$0x1A130]  }
0x34b: {  	v2 =	vmax.f32 v2, $0.0e+00;
	v3 =	vadd.f32 v3, v6;
	v6 =	vld [tilespmem:s10+$0x17940]  }
0x34c: {  	[tilespmem:s10+$0x1C900] =	vst v2;
	v2 =	vld [tilespmem:s10+$0x1A140]  }
0x34d: {  	v3 =	vmax.f32 v3, $0.0e+00;
	v1 =	vadd.f32 v1, v7;
	v7 =	vld [tilespmem:s10+$0x17950]  }
0x34e: {  	[tilespmem:s10+$0x1C910] =	vst v3;
	v3 =	vld [tilespmem:s10+$0x1A150]  }
0x34f: {  	v1 =	vmax.f32 v1, $0.0e+00;
	v4 =	vadd.f32 v4, v5;
	v5 =	vld [tilespmem:s10+$0x17960]  }
0x350: {  	[tilespmem:s10+$0x1C920] =	vst v1;
	v1 =	vld [tilespmem:s10+$0x1A160]  }
0x351: {  	v4 =	vmax.f32 v4, $0.0e+00;
	v2 =	vadd.f32 v2, v6;
	v6 =	vld [tilespmem:s10+$0x17970]  }
0x352: {  	[tilespmem:s10+$0x1C930] =	vst v4;
	v4 =	vld [tilespmem:s10+$0x1A170]  }
0x353: {  	v2 =	vmax.f32 v2, $0.0e+00;
	v3 =	vadd.f32 v3, v7;
	v7 =	vld [tilespmem:s10+$0x17980]  }
0x354: {  	[tilespmem:s10+$0x1C940] =	vst v2;
	v2 =	vld [tilespmem:s10+$0x1A180]  }
0x355: {  	v3 =	vmax.f32 v3, $0.0e+00;
	v1 =	vadd.f32 v1, v5;
	v5 =	vld [tilespmem:s10+$0x17990]  }
0x356: {  	[tilespmem:s10+$0x1C950] =	vst v3;
	v3 =	vld [tilespmem:s10+$0x1A190]  }
0x357: {  	v1 =	vmax.f32 v1, $0.0e+00;
	v4 =	vadd.f32 v4, v6;
	v6 =	vld [tilespmem:s10+$0x179A0]  }
0x358: {  	[tilespmem:s10+$0x1C960] =	vst v1;
	v1 =	vld [tilespmem:s10+$0x1A1A0]  }
0x359: {  	v4 =	vmax.f32 v4, $0.0e+00;
	v2 =	vadd.f32 v2, v7;
	v7 =	vld [tilespmem:s10+$0x179B0]  }
0x35a: {  	[tilespmem:s10+$0x1C970] =	vst v4;
	v8 =	vld [tilespmem:s10+$0x1A1B0]  }
0x35b: {  	v2 =	vmax.f32 v2, $0.0e+00;
	v3 =	vadd.f32 v3, v5;
	v9 =	vld [tilespmem:s10+$0x179C0]  }
0x35c: {  	[tilespmem:s10+$0x1C980] =	vst v2;
	v10 =	vld [tilespmem:s10+$0x1A1C0]  }
.Ltmp9:
0x35d: {  	v2 =	vmax.f32 v3, $0.0e+00;
	v3 =	vadd.f32 v1, v6;
	v1 =	vld [tilespmem:s10+$0x179D0];
	(pc) =	sbr.rel @p2 .LBB2_7-.Ltmp9, $4  }
0x35e: {  	[tilespmem:s10+$0x1C990] =	vst v2;
	v4 =	vld [tilespmem:s10+$0x1A1D0]  }
0x35f: {  	v3 =	vmax.f32 v3, $0.0e+00;
	v6 =	vadd.f32 v8, v7;
	v2 =	vld [tilespmem:s10+$0x179E0]  }
0x360: {  	s14 =	sshra.s32 s2, $0x2;
	[tilespmem:s10+$0x1C9A0] =	vst v3;
	v5 =	vld [tilespmem:s10+$0x1A1E0]  }
0x361: {  	s2 =	sadd.s32 $0x800, s2;
	v3 =	vld [tilespmem:s14+$0x179F0];
	v7 =	vmax.f32 v6, $0.0e+00;
	v6 =	vadd.f32 v10, v9  }
0x362: {  	v8 =	vld [tilespmem:s14+$0x1A1F0];
	[tilespmem:s10+$0x1C9B0] =	vst v7  }
0x363: {  	v7 =	vld [tilespmem:s14+$0x17800];
	v6 =	vmax.f32 v6, $0.0e+00;
	v1 =	vadd.f32 v4, v1  }
0x364: {  	v9 =	vld [tilespmem:s14+$0x1A000];
	[tilespmem:s10+$0x1C9C0] =	vst v6  }
0x365: {  	v4 =	vld [tilespmem:s14+$0x17810];
	v1 =	vmax.f32 v1, $0.0e+00;
	v2 =	vadd.f32 v5, v2  }
0x366: {  	v6 =	vld [tilespmem:s14+$0x1A010];
	[tilespmem:s10+$0x1C9D0] =	vst v1  }
0x367: {  	v1 =	vld [tilespmem:s14+$0x17820];
	v2 =	vmax.f32 v2, $0.0e+00  }
0x368: {  	v5 =	vld [tilespmem:s14+$0x1A020];
	v3 =	vadd.f32 v8, v3;
	[tilespmem:s10+$0x1C9E0] =	vst v2  }
0x369: {  	v7 =	vadd.f32 v9, v7;
	v2 =	vld [tilespmem:s14+$0x17830]  }
0x36a: {  	v3 =	vmax.f32 v3, $0.0e+00;
	v8 =	vld [tilespmem:s14+$0x1A030]  }
0x36b: {  	[tilespmem:s14+$0x1C9F0] =	vst v3;
	v3 =	vmax.f32 v7, $0.0e+00;
	v7 =	vld [tilespmem:s14+$0x17840]  }
0x36c: {  	v4 =	vadd.f32 v6, v4;
	v6 =	vld [tilespmem:s14+$0x17850]  }
0x36d: {  	[tilespmem:s14+$0x1C800] =	vst v3;
	v3 =	vld [tilespmem:s14+$0x1A040];
	v1 =	vadd.f32 v5, v1  }
0x36e: {  	v4 =	vmax.f32 v4, $0.0e+00;
	v5 =	vld [tilespmem:s14+$0x17860]  }
0x36f: {  	[tilespmem:s14+$0x1C810] =	vst v4;
	v4 =	vld [tilespmem:s14+$0x1A050];
	v1 =	vmax.f32 v1, $0.0e+00  }
0x370: {  	v2 =	vadd.f32 v8, v2;
	[tilespmem:s14+$0x1C820] =	vst v1;
	v1 =	vld [tilespmem:s14+$0x1A060]  }
0x371: {  	v8 =	vld [tilespmem:s14+$0x17870]  }
0x372: {  	v2 =	vmax.f32 v2, $0.0e+00;
	v3 =	vadd.f32 v3, v7;
	v7 =	vld [tilespmem:s14+$0x17880]  }
0x373: {  	[tilespmem:s14+$0x1C830] =	vst v2;
	v2 =	vld [tilespmem:s14+$0x1A070]  }
0x374: {  	v3 =	vmax.f32 v3, $0.0e+00;
	v4 =	vadd.f32 v4, v6;
	v6 =	vld [tilespmem:s14+$0x17890]  }
0x375: {  	[tilespmem:s14+$0x1C840] =	vst v3;
	v3 =	vld [tilespmem:s14+$0x1A080];
	v1 =	vadd.f32 v1, v5  }
0x376: {  	v4 =	vmax.f32 v4, $0.0e+00;
	v5 =	vld [tilespmem:s14+$0x178A0]  }
0x377: {  	[tilespmem:s14+$0x1C850] =	vst v4;
	v4 =	vld [tilespmem:s14+$0x1A090];
	v1 =	vmax.f32 v1, $0.0e+00  }
0x378: {  	v2 =	vadd.f32 v2, v8;
	[tilespmem:s14+$0x1C860] =	vst v1;
	v1 =	vld [tilespmem:s14+$0x1A0A0]  }
0x379: {  	v8 =	vld [tilespmem:s14+$0x178B0]  }
0x37a: {  	v2 =	vmax.f32 v2, $0.0e+00;
	v3 =	vadd.f32 v3, v7;
	v7 =	vld [tilespmem:s14+$0x178C0]  }
0x37b: {  	[tilespmem:s14+$0x1C870] =	vst v2;
	v2 =	vld [tilespmem:s14+$0x1A0B0]  }
0x37c: {  	v3 =	vmax.f32 v3, $0.0e+00;
	v4 =	vadd.f32 v4, v6;
	v6 =	vld [tilespmem:s14+$0x178D0]  }
0x37d: {  	[tilespmem:s14+$0x1C880] =	vst v3;
	v3 =	vld [tilespmem:s14+$0x1A0C0];
	v1 =	vadd.f32 v1, v5  }
0x37e: {  	v4 =	vmax.f32 v4, $0.0e+00;
	v5 =	vld [tilespmem:s14+$0x178E0]  }
0x37f: {  	[tilespmem:s14+$0x1C890] =	vst v4;
	v4 =	vld [tilespmem:s14+$0x1A0D0];
	v1 =	vmax.f32 v1, $0.0e+00  }
0x380: {  	v2 =	vadd.f32 v2, v8;
	[tilespmem:s14+$0x1C8A0] =	vst v1;
	v1 =	vld [tilespmem:s14+$0x1A0E0]  }
0x381: {  	v8 =	vld [tilespmem:s14+$0x178F0]  }
0x382: {  	v2 =	vmax.f32 v2, $0.0e+00;
	v3 =	vadd.f32 v3, v7;
	v7 =	vld [tilespmem:s14+$0x17900]  }
0x383: {  	[tilespmem:s14+$0x1C8B0] =	vst v2;
	v2 =	vld [tilespmem:s14+$0x1A0F0]  }
0x384: {  	v3 =	vmax.f32 v3, $0.0e+00;
	v4 =	vadd.f32 v4, v6;
	v6 =	vld [tilespmem:s14+$0x17910]  }
0x385: {  	[tilespmem:s14+$0x1C8C0] =	vst v3;
	v3 =	vld [tilespmem:s14+$0x1A100];
	v1 =	vadd.f32 v1, v5  }
0x386: {  	v4 =	vmax.f32 v4, $0.0e+00;
	v5 =	vld [tilespmem:s14+$0x17920]  }
0x387: {  	[tilespmem:s14+$0x1C8D0] =	vst v4;
	v4 =	vld [tilespmem:s14+$0x1A110];
	v1 =	vmax.f32 v1, $0.0e+00  }
0x388: {  	v2 =	vadd.f32 v2, v8;
	[tilespmem:s14+$0x1C8E0] =	vst v1;
	v1 =	vld [tilespmem:s14+$0x1A120]  }
0x389: {  	v8 =	vld [tilespmem:s14+$0x17930]  }
0x38a: {  	v2 =	vmax.f32 v2, $0.0e+00;
	v3 =	vadd.f32 v3, v7;
	v7 =	vld [tilespmem:s14+$0x17940]  }
0x38b: {  	[tilespmem:s14+$0x1C8F0] =	vst v2;
	v2 =	vld [tilespmem:s14+$0x1A130]  }
0x38c: {  	v3 =	vmax.f32 v3, $0.0e+00;
	v4 =	vadd.f32 v4, v6;
	v6 =	vld [tilespmem:s14+$0x17950]  }
0x38d: {  	[tilespmem:s14+$0x1C900] =	vst v3;
	v3 =	vld [tilespmem:s14+$0x1A140];
	v1 =	vadd.f32 v1, v5  }
0x38e: {  	v4 =	vmax.f32 v4, $0.0e+00;
	v5 =	vld [tilespmem:s14+$0x17960]  }
0x38f: {  	[tilespmem:s14+$0x1C910] =	vst v4;
	v4 =	vld [tilespmem:s14+$0x1A150];
	v1 =	vmax.f32 v1, $0.0e+00  }
0x390: {  	v2 =	vadd.f32 v2, v8;
	[tilespmem:s14+$0x1C920] =	vst v1;
	v1 =	vld [tilespmem:s14+$0x1A160]  }
0x391: {  	v8 =	vld [tilespmem:s14+$0x17970]  }
0x392: {  	v2 =	vmax.f32 v2, $0.0e+00;
	v3 =	vadd.f32 v3, v7;
	v7 =	vld [tilespmem:s14+$0x17980]  }
0x393: {  	[tilespmem:s14+$0x1C930] =	vst v2;
	v2 =	vld [tilespmem:s14+$0x1A170]  }
0x394: {  	v3 =	vmax.f32 v3, $0.0e+00;
	v4 =	vadd.f32 v4, v6;
	v6 =	vld [tilespmem:s14+$0x17990]  }
0x395: {  	[tilespmem:s14+$0x1C940] =	vst v3;
	v3 =	vld [tilespmem:s14+$0x1A180];
	v1 =	vadd.f32 v1, v5  }
0x396: {  	v4 =	vmax.f32 v4, $0.0e+00;
	v5 =	vld [tilespmem:s14+$0x179A0]  }
0x397: {  	[tilespmem:s14+$0x1C950] =	vst v4;
	v4 =	vld [tilespmem:s14+$0x1A190];
	v1 =	vmax.f32 v1, $0.0e+00  }
0x398: {  	v2 =	vadd.f32 v2, v8;
	[tilespmem:s14+$0x1C960] =	vst v1;
	v1 =	vld [tilespmem:s14+$0x1A1A0]  }
0x399: {  	v8 =	vld [tilespmem:s14+$0x179B0]  }
0x39a: {  	v2 =	vmax.f32 v2, $0.0e+00;
	v3 =	vadd.f32 v3, v7;
	v7 =	vld [tilespmem:s14+$0x179C0]  }
0x39b: {  	[tilespmem:s14+$0x1C970] =	vst v2;
	v2 =	vld [tilespmem:s14+$0x1A1B0]  }
0x39c: {  	v3 =	vmax.f32 v3, $0.0e+00;
	v4 =	vadd.f32 v4, v6;
	v6 =	vld [tilespmem:s14+$0x179D0]  }
0x39d: {  	[tilespmem:s14+$0x1C980] =	vst v3;
	v3 =	vld [tilespmem:s14+$0x1A1C0];
	v1 =	vadd.f32 v1, v5  }
0x39e: {  	v4 =	vmax.f32 v4, $0.0e+00;
	v5 =	vld [tilespmem:s14+$0x179E0]  }
0x39f: {  	[tilespmem:s14+$0x1C990] =	vst v4;
	v4 =	vld [tilespmem:s14+$0x1A1D0];
	v1 =	vmax.f32 v1, $0.0e+00  }
0x3a0: {  	[tilespmem:s14+$0x1C9A0] =	vst v1;
	v1 =	vld [tilespmem:s14+$0x1A1E0];
	_ =	sdelay $0x1  }
0x3a1: {  	v2 =	vadd.f32 v2, v8  }
0x3a2: {  	v3 =	vadd.f32 v3, v7  }
0x3a3: {  	v2 =	vmax.f32 v2, $0.0e+00;
	v4 =	vadd.f32 v4, v6  }
0x3a4: {  	[tilespmem:s14+$0x1C9B0] =	vst v2;
	v2 =	vmax.f32 v3, $0.0e+00;
	v1 =	vadd.f32 v1, v5  }
0x3a5: {  	s2 =	sshll.u32 s15, $0x8;
	[tilespmem:s14+$0x1C9C0] =	vst v2;
	v2 =	vmax.f32 v4, $0.0e+00  }
0x3a6: {  	s2 =	sand.u32 $0x3FFFFF00, s2;
	[tilespmem:s14+$0x1C9D0] =	vst v2;
	v1 =	vmax.f32 v1, $0.0e+00  }
0x3a7: {  	p2 =	seq.s32 s15, $0x18;
	s2 =	sadd.s32 $0x15C00, s2;
	[tilespmem:s14+$0x1C9E0] =	vst v1  }
0x3a8: {  	[spmem:s1] =	stream.indirect.scatter.add.f32 [tilespmem:s29], [sflag:$0x5], $0x80, s2, s21, $0xb8;
	v63 =	vld [tilespmem:$0x0]  }
0x3a9: {  	s2 =	sshll.u32 @!p2 s15, $0x8  }
0x3aa: {  	s22 =	simm.s32 @!p2 $0x17800;
	s14 =	simm.s32 @!p2 $0x28;
	s10 =	sadd.s32 @!p2 $0x14100, s2  }
0x3ab: {  	[tilespmem:s22], [sflag:$0x1] =	stream.indirect.gather @!p2 [hbm4b:s3+s14], $0x80, s10, s14, $0xb8;
	v63 =	vld [tilespmem:$0x0]  }
0x3ac: {  	p3 =	seq.s32 @!p2 s15, $0x0;
	s2 =	sadd.s32 @!p2 $0x15D00, s2;
	s10 =	simm.s32 @!p2 $0x1A000  }
0x3ad: {  	[tilespmem:s10], [sflag:$0x3] =	stream.indirect.gather @!p2 [hbm4b:s6+s14], $0x80, s2, s14, $0xb8;
	v63 =	vld [tilespmem:$0x0]  }
0x3ae: {  	p2 =	por p2, !p3  }
0x3af: {  	_ =	swait.ge @p2 [sflag:s12], $0x1400  }
0x3b0: {  	[sflag:s12] =	ssyncset.done @p2 $0x0  }
0x3b1: {  	[sflag:s12] =	ssyncadd.s32 @p2 $0xFFFFEC00  }
0x3b2: {  	_ =	swait.ge [sflag:s30], $0x1400  }
0x3b3: {  	[sflag:s30] =	ssyncset.done $0x0  }
0x3b4: {  	[sflag:s30] =	ssyncadd.s32 $0xFFFFEC00  }
0x3b5: {  	_ =	swait.ge [sflag:s31], $0x1400  }
0x3b6: {  	[sflag:s31] =	ssyncset.done $0x0  }
0x3b7: {  	s10 =	simm.s32 $0x0;
	[sflag:s31] =	ssyncadd.s32 $0xFFFFEC00  }
0x3b8: {  	v1 =	vld [tilespmem:s10+$0x18DF0]  }
0x3b9: {  	v2 =	vld [tilespmem:s10+$0x1B5F0]  }
0x3ba: {  	v3 =	vld [tilespmem:s10+$0x18C00]  }
0x3bb: {  	v4 =	vld [tilespmem:s10+$0x1B400]  }
0x3bc: {  	v5 =	vld [tilespmem:s10+$0x18C10]  }
0x3bd: {  	v6 =	vld [tilespmem:s10+$0x1B410]  }
0x3be: {  	v7 =	vld [tilespmem:s10+$0x18C20]  }
0x3bf: {  	v1 =	vadd.f32 v2, v1;
	v2 =	vld [tilespmem:s10+$0x1B420]  }
0x3c0: {  	v8 =	vld [tilespmem:s10+$0x18C30]  }
0x3c1: {  	v3 =	vadd.f32 v4, v3;
	v4 =	vld [tilespmem:s10+$0x1B430]  }
0x3c2: {  	v5 =	vadd.f32 v6, v5;
	v6 =	vld [tilespmem:s10+$0x18C50];
	v1 =	vmax.f32 v1, $0.0e+00  }
0x3c3: {  	[tilespmem:s10+$0x1DDF0] =	vst v1;
	v1 =	vmax.f32 v3, $0.0e+00;
	v3 =	vld [tilespmem:s10+$0x18C40]  }
0x3c4: {  	v5 =	vmax.f32 v5, $0.0e+00;
	[tilespmem:s10+$0x1DC00] =	vst v1;
	v1 =	vld [tilespmem:s10+$0x1B440];
	v2 =	vadd.f32 v2, v7  }
0x3c5: {  	[tilespmem:s10+$0x1DC10] =	vst v5;
	v5 =	vld [tilespmem:s10+$0x1B450]  }
0x3c6: {  	v7 =	vld [tilespmem:s10+$0x18C60];
	v2 =	vmax.f32 v2, $0.0e+00  }
0x3c7: {  	v4 =	vadd.f32 v4, v8;
	[tilespmem:s10+$0x1DC20] =	vst v2;
	v2 =	vld [tilespmem:s10+$0x1B460]  }
0x3c8: {  	v8 =	vld [tilespmem:s10+$0x18C70]  }
0x3c9: {  	v4 =	vmax.f32 v4, $0.0e+00;
	v1 =	vadd.f32 v1, v3;
	v3 =	vld [tilespmem:s10+$0x1B470]  }
0x3ca: {  	[tilespmem:s10+$0x1DC30] =	vst v4;
	v4 =	vld [tilespmem:s10+$0x18C80];
	v5 =	vadd.f32 v5, v6  }
0x3cb: {  	v6 =	vld [tilespmem:s10+$0x18C90];
	v1 =	vmax.f32 v1, $0.0e+00  }
0x3cc: {  	v5 =	vmax.f32 v5, $0.0e+00;
	[tilespmem:s10+$0x1DC40] =	vst v1;
	v1 =	vld [tilespmem:s10+$0x1B480];
	v2 =	vadd.f32 v2, v7  }
0x3cd: {  	[tilespmem:s10+$0x1DC50] =	vst v5;
	v5 =	vld [tilespmem:s10+$0x1B490]  }
0x3ce: {  	v7 =	vld [tilespmem:s10+$0x18CA0];
	v3 =	vadd.f32 v3, v8;
	v2 =	vmax.f32 v2, $0.0e+00  }
0x3cf: {  	[tilespmem:s10+$0x1DC60] =	vst v2;
	v2 =	vld [tilespmem:s10+$0x1B4A0]  }
0x3d0: {  	v8 =	vld [tilespmem:s10+$0x18CB0];
	v3 =	vmax.f32 v3, $0.0e+00  }
0x3d1: {  	v1 =	vadd.f32 v1, v4;
	[tilespmem:s10+$0x1DC70] =	vst v3;
	v3 =	vld [tilespmem:s10+$0x1B4B0]  }
0x3d2: {  	v5 =	vadd.f32 v5, v6;
	v6 =	vld [tilespmem:s10+$0x18CD0]  }
0x3d3: {  	v4 =	vld [tilespmem:s10+$0x18CC0];
	v1 =	vmax.f32 v1, $0.0e+00  }
0x3d4: {  	v5 =	vmax.f32 v5, $0.0e+00;
	[tilespmem:s10+$0x1DC80] =	vst v1;
	v1 =	vld [tilespmem:s10+$0x1B4C0];
	v2 =	vadd.f32 v2, v7  }
0x3d5: {  	[tilespmem:s10+$0x1DC90] =	vst v5;
	v5 =	vld [tilespmem:s10+$0x1B4D0]  }
0x3d6: {  	v7 =	vld [tilespmem:s10+$0x18CE0];
	v3 =	vadd.f32 v3, v8;
	v2 =	vmax.f32 v2, $0.0e+00  }
0x3d7: {  	[tilespmem:s10+$0x1DCA0] =	vst v2;
	v2 =	vld [tilespmem:s10+$0x1B4E0]  }
0x3d8: {  	v8 =	vld [tilespmem:s10+$0x18CF0];
	v3 =	vmax.f32 v3, $0.0e+00  }
0x3d9: {  	v1 =	vadd.f32 v1, v4;
	[tilespmem:s10+$0x1DCB0] =	vst v3;
	v3 =	vld [tilespmem:s10+$0x1B4F0]  }
0x3da: {  	v5 =	vadd.f32 v5, v6;
	v6 =	vld [tilespmem:s10+$0x18D10]  }
0x3db: {  	v4 =	vld [tilespmem:s10+$0x18D00];
	v1 =	vmax.f32 v1, $0.0e+00  }
0x3dc: {  	v5 =	vmax.f32 v5, $0.0e+00;
	[tilespmem:s10+$0x1DCC0] =	vst v1;
	v1 =	vld [tilespmem:s10+$0x1B500];
	v2 =	vadd.f32 v2, v7  }
0x3dd: {  	[tilespmem:s10+$0x1DCD0] =	vst v5;
	v5 =	vld [tilespmem:s10+$0x1B510]  }
0x3de: {  	v7 =	vld [tilespmem:s10+$0x18D20];
	v3 =	vadd.f32 v3, v8;
	v2 =	vmax.f32 v2, $0.0e+00  }
0x3df: {  	[tilespmem:s10+$0x1DCE0] =	vst v2;
	v2 =	vld [tilespmem:s10+$0x1B520]  }
0x3e0: {  	v8 =	vld [tilespmem:s10+$0x18D30];
	v3 =	vmax.f32 v3, $0.0e+00  }
0x3e1: {  	v1 =	vadd.f32 v1, v4;
	[tilespmem:s10+$0x1DCF0] =	vst v3;
	v3 =	vld [tilespmem:s10+$0x1B530]  }
0x3e2: {  	v5 =	vadd.f32 v5, v6;
	v6 =	vld [tilespmem:s10+$0x18D50]  }
0x3e3: {  	v4 =	vld [tilespmem:s10+$0x18D40];
	v1 =	vmax.f32 v1, $0.0e+00  }
0x3e4: {  	v5 =	vmax.f32 v5, $0.0e+00;
	[tilespmem:s10+$0x1DD00] =	vst v1;
	v1 =	vld [tilespmem:s10+$0x1B540];
	v2 =	vadd.f32 v2, v7  }
0x3e5: {  	[tilespmem:s10+$0x1DD10] =	vst v5;
	v5 =	vld [tilespmem:s10+$0x1B550]  }
0x3e6: {  	v7 =	vld [tilespmem:s10+$0x18D60];
	v3 =	vadd.f32 v3, v8;
	v2 =	vmax.f32 v2, $0.0e+00  }
0x3e7: {  	[tilespmem:s10+$0x1DD20] =	vst v2;
	v2 =	vld [tilespmem:s10+$0x1B560]  }
0x3e8: {  	v8 =	vld [tilespmem:s10+$0x18D70];
	v3 =	vmax.f32 v3, $0.0e+00  }
0x3e9: {  	v1 =	vadd.f32 v1, v4;
	[tilespmem:s10+$0x1DD30] =	vst v3;
	v3 =	vld [tilespmem:s10+$0x1B570]  }
0x3ea: {  	v5 =	vadd.f32 v5, v6;
	v6 =	vld [tilespmem:s10+$0x18D90]  }
0x3eb: {  	v4 =	vld [tilespmem:s10+$0x18D80];
	v1 =	vmax.f32 v1, $0.0e+00  }
0x3ec: {  	v5 =	vmax.f32 v5, $0.0e+00;
	[tilespmem:s10+$0x1DD40] =	vst v1;
	v1 =	vld [tilespmem:s10+$0x1B580];
	v2 =	vadd.f32 v2, v7  }
0x3ed: {  	[tilespmem:s10+$0x1DD50] =	vst v5;
	v5 =	vld [tilespmem:s10+$0x1B590]  }
0x3ee: {  	v7 =	vld [tilespmem:s10+$0x18DA0];
	v3 =	vadd.f32 v3, v8;
	v2 =	vmax.f32 v2, $0.0e+00  }
0x3ef: {  	[tilespmem:s10+$0x1DD60] =	vst v2;
	v2 =	vld [tilespmem:s10+$0x1B5A0]  }
0x3f0: {  	v8 =	vld [tilespmem:s10+$0x18DB0];
	v3 =	vmax.f32 v3, $0.0e+00  }
0x3f1: {  	v1 =	vadd.f32 v1, v4;
	[tilespmem:s10+$0x1DD70] =	vst v3;
	v3 =	vld [tilespmem:s10+$0x1B5B0]  }
0x3f2: {  	v62 =	vld [tilespmem:s10+$0x18DC0];
	v4 =	vadd.f32 v5, v6  }
0x3f3: {  	v6 =	vld [tilespmem:s10+$0x1B5C0];
	v1 =	vmax.f32 v1, $0.0e+00  }
0x3f4: {  	v4 =	vmax.f32 v4, $0.0e+00;
	[tilespmem:s10+$0x1DD80] =	vst v1;
	v1 =	vld [tilespmem:s10+$0x18DD0];
	v2 =	vadd.f32 v2, v7  }
0x3f5: {  	[tilespmem:s10+$0x1DD90] =	vst v4;
	v4 =	vld [tilespmem:s10+$0x1B5D0]  }
0x3f6: {  	v7 =	vadd.f32 v3, v8;
	v5 =	vmax.f32 v2, $0.0e+00;
	v2 =	vld [tilespmem:s10+$0x18DE0]  }
0x3f7: {  	s14 =	simm.s32 $0x200;
	[tilespmem:s10+$0x1DDA0] =	vst v5;
	v5 =	vld [tilespmem:s10+$0x1B5E0]  }
0x3f8: {  	s2 =	simm.s32 $0x1000;
	v6 =	vadd.f32 v6, v62;
	v7 =	vmax.f32 v7, $0.0e+00;
	v3 =	vld [tilespmem:s14+$0x18DF0]  }
.LBB2_9:
0x3f9: {  	p2 =	sne.s32 s2, $0x4800;
	v8 =	vld [tilespmem:s14+$0x1B5F0];
	[tilespmem:s10+$0x1DDB0] =	vst v7  }
0x3fa: {  	v7 =	vld [tilespmem:s14+$0x18C00];
	v6 =	vmax.f32 v6, $0.0e+00;
	v1 =	vadd.f32 v4, v1  }
0x3fb: {  	v4 =	vld [tilespmem:s14+$0x1B400];
	[tilespmem:s10+$0x1DDC0] =	vst v6  }
0x3fc: {  	v6 =	vld [tilespmem:s14+$0x18C10];
	v1 =	vmax.f32 v1, $0.0e+00;
	v2 =	vadd.f32 v5, v2  }
0x3fd: {  	v5 =	vld [tilespmem:s14+$0x1B410];
	[tilespmem:s10+$0x1DDD0] =	vst v1  }
0x3fe: {  	v1 =	vld [tilespmem:s14+$0x18C20];
	v3 =	vadd.f32 v8, v3;
	v2 =	vmax.f32 v2, $0.0e+00  }
0x3ff: {  	v8 =	vld [tilespmem:s14+$0x1B420];
	[tilespmem:s10+$0x1DDE0] =	vst v2;
	s10 =	smov.u32 s14  }
0x400: {  	v2 =	vadd.f32 v4, v7;
	v4 =	vld [tilespmem:s10+$0x18C30];
	v3 =	vmax.f32 v3, $0.0e+00  }
0x401: {  	v7 =	vld [tilespmem:s10+$0x1B430];
	[tilespmem:s10+$0x1DDF0] =	vst v3  }
0x402: {  	v2 =	vmax.f32 v2, $0.0e+00;
	v3 =	vadd.f32 v5, v6;
	v5 =	vld [tilespmem:s10+$0x18C40]  }
0x403: {  	[tilespmem:s10+$0x1DC00] =	vst v2;
	v2 =	vld [tilespmem:s10+$0x1B440]  }
0x404: {  	v3 =	vmax.f32 v3, $0.0e+00;
	v1 =	vadd.f32 v8, v1;
	v6 =	vld [tilespmem:s10+$0x18C50]  }
0x405: {  	[tilespmem:s10+$0x1DC10] =	vst v3;
	v3 =	vld [tilespmem:s10+$0x1B450]  }
0x406: {  	v1 =	vmax.f32 v1, $0.0e+00;
	v4 =	vadd.f32 v7, v4;
	v7 =	vld [tilespmem:s10+$0x18C60]  }
0x407: {  	[tilespmem:s10+$0x1DC20] =	vst v1;
	v1 =	vld [tilespmem:s10+$0x1B460]  }
0x408: {  	v4 =	vmax.f32 v4, $0.0e+00;
	v2 =	vadd.f32 v2, v5;
	v5 =	vld [tilespmem:s10+$0x18C70]  }
0x409: {  	[tilespmem:s10+$0x1DC30] =	vst v4;
	v4 =	vld [tilespmem:s10+$0x1B470]  }
0x40a: {  	v2 =	vmax.f32 v2, $0.0e+00;
	v3 =	vadd.f32 v3, v6;
	v6 =	vld [tilespmem:s10+$0x18C80]  }
0x40b: {  	[tilespmem:s10+$0x1DC40] =	vst v2;
	v2 =	vld [tilespmem:s10+$0x1B480]  }
0x40c: {  	v3 =	vmax.f32 v3, $0.0e+00;
	v1 =	vadd.f32 v1, v7;
	v7 =	vld [tilespmem:s10+$0x18C90]  }
0x40d: {  	[tilespmem:s10+$0x1DC50] =	vst v3;
	v3 =	vld [tilespmem:s10+$0x1B490]  }
0x40e: {  	v1 =	vmax.f32 v1, $0.0e+00;
	v4 =	vadd.f32 v4, v5;
	v5 =	vld [tilespmem:s10+$0x18CA0]  }
0x40f: {  	[tilespmem:s10+$0x1DC60] =	vst v1;
	v1 =	vld [tilespmem:s10+$0x1B4A0]  }
0x410: {  	v4 =	vmax.f32 v4, $0.0e+00;
	v2 =	vadd.f32 v2, v6;
	v6 =	vld [tilespmem:s10+$0x18CB0]  }
0x411: {  	[tilespmem:s10+$0x1DC70] =	vst v4;
	v4 =	vld [tilespmem:s10+$0x1B4B0]  }
0x412: {  	v2 =	vmax.f32 v2, $0.0e+00;
	v3 =	vadd.f32 v3, v7;
	v7 =	vld [tilespmem:s10+$0x18CC0]  }
0x413: {  	[tilespmem:s10+$0x1DC80] =	vst v2;
	v2 =	vld [tilespmem:s10+$0x1B4C0]  }
0x414: {  	v3 =	vmax.f32 v3, $0.0e+00;
	v1 =	vadd.f32 v1, v5;
	v5 =	vld [tilespmem:s10+$0x18CD0]  }
0x415: {  	[tilespmem:s10+$0x1DC90] =	vst v3;
	v3 =	vld [tilespmem:s10+$0x1B4D0]  }
0x416: {  	v1 =	vmax.f32 v1, $0.0e+00;
	v4 =	vadd.f32 v4, v6;
	v6 =	vld [tilespmem:s10+$0x18CE0]  }
0x417: {  	[tilespmem:s10+$0x1DCA0] =	vst v1;
	v1 =	vld [tilespmem:s10+$0x1B4E0]  }
0x418: {  	v4 =	vmax.f32 v4, $0.0e+00;
	v2 =	vadd.f32 v2, v7;
	v7 =	vld [tilespmem:s10+$0x18CF0]  }
0x419: {  	[tilespmem:s10+$0x1DCB0] =	vst v4;
	v4 =	vld [tilespmem:s10+$0x1B4F0]  }
0x41a: {  	v2 =	vmax.f32 v2, $0.0e+00;
	v3 =	vadd.f32 v3, v5;
	v5 =	vld [tilespmem:s10+$0x18D00]  }
0x41b: {  	[tilespmem:s10+$0x1DCC0] =	vst v2;
	v2 =	vld [tilespmem:s10+$0x1B500]  }
0x41c: {  	v3 =	vmax.f32 v3, $0.0e+00;
	v1 =	vadd.f32 v1, v6;
	v6 =	vld [tilespmem:s10+$0x18D10]  }
0x41d: {  	[tilespmem:s10+$0x1DCD0] =	vst v3;
	v3 =	vld [tilespmem:s10+$0x1B510]  }
0x41e: {  	v1 =	vmax.f32 v1, $0.0e+00;
	v4 =	vadd.f32 v4, v7;
	v7 =	vld [tilespmem:s10+$0x18D20]  }
0x41f: {  	[tilespmem:s10+$0x1DCE0] =	vst v1;
	v1 =	vld [tilespmem:s10+$0x1B520]  }
0x420: {  	v4 =	vmax.f32 v4, $0.0e+00;
	v2 =	vadd.f32 v2, v5;
	v5 =	vld [tilespmem:s10+$0x18D30]  }
0x421: {  	[tilespmem:s10+$0x1DCF0] =	vst v4;
	v4 =	vld [tilespmem:s10+$0x1B530]  }
0x422: {  	v2 =	vmax.f32 v2, $0.0e+00;
	v3 =	vadd.f32 v3, v6;
	v6 =	vld [tilespmem:s10+$0x18D40]  }
0x423: {  	[tilespmem:s10+$0x1DD00] =	vst v2;
	v2 =	vld [tilespmem:s10+$0x1B540]  }
0x424: {  	v3 =	vmax.f32 v3, $0.0e+00;
	v1 =	vadd.f32 v1, v7;
	v7 =	vld [tilespmem:s10+$0x18D50]  }
0x425: {  	[tilespmem:s10+$0x1DD10] =	vst v3;
	v3 =	vld [tilespmem:s10+$0x1B550]  }
0x426: {  	v1 =	vmax.f32 v1, $0.0e+00;
	v4 =	vadd.f32 v4, v5;
	v5 =	vld [tilespmem:s10+$0x18D60]  }
0x427: {  	[tilespmem:s10+$0x1DD20] =	vst v1;
	v1 =	vld [tilespmem:s10+$0x1B560]  }
0x428: {  	v4 =	vmax.f32 v4, $0.0e+00;
	v2 =	vadd.f32 v2, v6;
	v6 =	vld [tilespmem:s10+$0x18D70]  }
0x429: {  	[tilespmem:s10+$0x1DD30] =	vst v4;
	v4 =	vld [tilespmem:s10+$0x1B570]  }
0x42a: {  	v2 =	vmax.f32 v2, $0.0e+00;
	v3 =	vadd.f32 v3, v7;
	v7 =	vld [tilespmem:s10+$0x18D80]  }
0x42b: {  	[tilespmem:s10+$0x1DD40] =	vst v2;
	v2 =	vld [tilespmem:s10+$0x1B580]  }
0x42c: {  	v3 =	vmax.f32 v3, $0.0e+00;
	v1 =	vadd.f32 v1, v5;
	v5 =	vld [tilespmem:s10+$0x18D90]  }
0x42d: {  	[tilespmem:s10+$0x1DD50] =	vst v3;
	v3 =	vld [tilespmem:s10+$0x1B590]  }
0x42e: {  	v1 =	vmax.f32 v1, $0.0e+00;
	v4 =	vadd.f32 v4, v6;
	v6 =	vld [tilespmem:s10+$0x18DA0]  }
0x42f: {  	[tilespmem:s10+$0x1DD60] =	vst v1;
	v1 =	vld [tilespmem:s10+$0x1B5A0]  }
0x430: {  	v4 =	vmax.f32 v4, $0.0e+00;
	v2 =	vadd.f32 v2, v7;
	v7 =	vld [tilespmem:s10+$0x18DB0]  }
0x431: {  	[tilespmem:s10+$0x1DD70] =	vst v4;
	v8 =	vld [tilespmem:s10+$0x1B5B0]  }
0x432: {  	v2 =	vmax.f32 v2, $0.0e+00;
	v3 =	vadd.f32 v3, v5;
	v9 =	vld [tilespmem:s10+$0x18DC0]  }
0x433: {  	[tilespmem:s10+$0x1DD80] =	vst v2;
	v10 =	vld [tilespmem:s10+$0x1B5C0]  }
.Ltmp10:
0x434: {  	v2 =	vmax.f32 v3, $0.0e+00;
	v3 =	vadd.f32 v1, v6;
	v1 =	vld [tilespmem:s10+$0x18DD0];
	(pc) =	sbr.rel @p2 .LBB2_9-.Ltmp10, $4  }
0x435: {  	[tilespmem:s10+$0x1DD90] =	vst v2;
	v4 =	vld [tilespmem:s10+$0x1B5D0]  }
0x436: {  	v3 =	vmax.f32 v3, $0.0e+00;
	v6 =	vadd.f32 v8, v7;
	v2 =	vld [tilespmem:s10+$0x18DE0]  }
0x437: {  	s14 =	sshra.s32 s2, $0x2;
	[tilespmem:s10+$0x1DDA0] =	vst v3;
	v5 =	vld [tilespmem:s10+$0x1B5E0]  }
0x438: {  	s2 =	sadd.s32 $0x800, s2;
	v3 =	vld [tilespmem:s14+$0x18DF0];
	v7 =	vmax.f32 v6, $0.0e+00;
	v6 =	vadd.f32 v10, v9  }
0x439: {  	v8 =	vld [tilespmem:s14+$0x1B5F0];
	[tilespmem:s10+$0x1DDB0] =	vst v7  }
0x43a: {  	v7 =	vld [tilespmem:s14+$0x18C00];
	v6 =	vmax.f32 v6, $0.0e+00;
	v1 =	vadd.f32 v4, v1  }
0x43b: {  	v9 =	vld [tilespmem:s14+$0x1B400];
	[tilespmem:s10+$0x1DDC0] =	vst v6  }
0x43c: {  	v26 =	vld [tilespmem:s14+$0x18C10];
	v1 =	vmax.f32 v1, $0.0e+00;
	v2 =	vadd.f32 v5, v2  }
0x43d: {  	v6 =	vld [tilespmem:s14+$0x1B410];
	[tilespmem:s10+$0x1DDD0] =	vst v1  }
0x43e: {  	v1 =	vld [tilespmem:s14+$0x18C20];
	v2 =	vmax.f32 v2, $0.0e+00  }
0x43f: {  	v27 =	vld [tilespmem:s14+$0x1B420];
	[tilespmem:s10+$0x1DDE0] =	vst v2  }
0x440: {  	v2 =	vld [tilespmem:s14+$0x18C30]  }
0x441: {  	v3 =	vadd.f32 v8, v3;
	v28 =	vld [tilespmem:s14+$0x1B430]  }
0x442: {  	v7 =	vadd.f32 v9, v7;
	v29 =	vld [tilespmem:s14+$0x18C40]  }
0x443: {  	v3 =	vmax.f32 v3, $0.0e+00;
	v30 =	vld [tilespmem:s14+$0x18C50]  }
0x444: {  	v31 =	vld [tilespmem:s14+$0x1B450];
	[tilespmem:s14+$0x1DDF0] =	vst v3;
	v3 =	vmax.f32 v7, $0.0e+00;
	v1 =	vadd.f32 v27, v1  }
0x445: {  	[tilespmem:s14+$0x1DC00] =	vst v3;
	v3 =	vld [tilespmem:s14+$0x1B440]  }
0x446: {  	v32 =	vld [tilespmem:s14+$0x18C60];
	v1 =	vmax.f32 v1, $0.0e+00  }
0x447: {  	[tilespmem:s14+$0x1DC20] =	vst v1;
	v1 =	vld [tilespmem:s14+$0x1B460]  }
0x448: {  	v33 =	vld [tilespmem:s14+$0x18C70]  }
0x449: {  	v34 =	vld [tilespmem:s14+$0x18C80];
	v2 =	vadd.f32 v28, v2  }
0x44a: {  	v35 =	vld [tilespmem:s14+$0x18C90];
	v3 =	vadd.f32 v3, v29  }
0x44b: {  	v36 =	vld [tilespmem:s14+$0x1B490];
	v2 =	vmax.f32 v2, $0.0e+00  }
0x44c: {  	[tilespmem:s14+$0x1DC30] =	vst v2;
	v2 =	vld [tilespmem:s14+$0x1B470];
	v3 =	vmax.f32 v3, $0.0e+00;
	v1 =	vadd.f32 v1, v32  }
0x44d: {  	[tilespmem:s14+$0x1DC40] =	vst v3;
	v3 =	vld [tilespmem:s14+$0x1B480]  }
0x44e: {  	v37 =	vld [tilespmem:s14+$0x18CA0];
	v1 =	vmax.f32 v1, $0.0e+00  }
0x44f: {  	[tilespmem:s14+$0x1DC60] =	vst v1;
	v1 =	vld [tilespmem:s14+$0x1B4A0]  }
0x450: {  	v38 =	vld [tilespmem:s14+$0x18CB0]  }
0x451: {  	v39 =	vld [tilespmem:s14+$0x18CC0];
	v2 =	vadd.f32 v2, v33  }
0x452: {  	v40 =	vld [tilespmem:s14+$0x18CD0];
	v3 =	vadd.f32 v3, v34  }
0x453: {  	v41 =	vld [tilespmem:s14+$0x1B4D0];
	v2 =	vmax.f32 v2, $0.0e+00  }
0x454: {  	[tilespmem:s14+$0x1DC70] =	vst v2;
	v2 =	vld [tilespmem:s14+$0x1B4B0];
	v3 =	vmax.f32 v3, $0.0e+00;
	v1 =	vadd.f32 v1, v37  }
0x455: {  	[tilespmem:s14+$0x1DC80] =	vst v3;
	v3 =	vld [tilespmem:s14+$0x1B4C0]  }
0x456: {  	v42 =	vld [tilespmem:s14+$0x18CE0];
	v1 =	vmax.f32 v1, $0.0e+00  }
0x457: {  	[tilespmem:s14+$0x1DCA0] =	vst v1;
	v1 =	vld [tilespmem:s14+$0x1B4E0]  }
0x458: {  	v43 =	vld [tilespmem:s14+$0x18CF0]  }
0x459: {  	v44 =	vld [tilespmem:s14+$0x18D00];
	v2 =	vadd.f32 v2, v38  }
0x45a: {  	v45 =	vld [tilespmem:s14+$0x18D10];
	v3 =	vadd.f32 v3, v39  }
0x45b: {  	v46 =	vld [tilespmem:s14+$0x1B510];
	v2 =	vmax.f32 v2, $0.0e+00  }
0x45c: {  	[tilespmem:s14+$0x1DCB0] =	vst v2;
	v2 =	vld [tilespmem:s14+$0x1B4F0];
	v3 =	vmax.f32 v3, $0.0e+00;
	v1 =	vadd.f32 v1, v42  }
0x45d: {  	[tilespmem:s14+$0x1DCC0] =	vst v3;
	v3 =	vld [tilespmem:s14+$0x1B500]  }
0x45e: {  	v47 =	vld [tilespmem:s14+$0x18D20];
	v1 =	vmax.f32 v1, $0.0e+00  }
0x45f: {  	[tilespmem:s14+$0x1DCE0] =	vst v1;
	v1 =	vld [tilespmem:s14+$0x1B520]  }
0x460: {  	v48 =	vld [tilespmem:s14+$0x18D30];
	v4 =	vadd.f32 v6, v26  }
0x461: {  	v49 =	vld [tilespmem:s14+$0x18D40];
	v2 =	vadd.f32 v2, v43  }
0x462: {  	v50 =	vld [tilespmem:s14+$0x18D50];
	v4 =	vmax.f32 v4, $0.0e+00;
	v3 =	vadd.f32 v3, v44  }
0x463: {  	v51 =	vld [tilespmem:s14+$0x1B550];
	[tilespmem:s14+$0x1DC10] =	vst v4;
	v2 =	vmax.f32 v2, $0.0e+00  }
0x464: {  	[tilespmem:s14+$0x1DCF0] =	vst v2;
	v2 =	vld [tilespmem:s14+$0x1B530];
	v3 =	vmax.f32 v3, $0.0e+00;
	v1 =	vadd.f32 v1, v47  }
0x465: {  	v4 =	vadd.f32 v31, v30;
	[tilespmem:s14+$0x1DD00] =	vst v3;
	v3 =	vld [tilespmem:s14+$0x1B540]  }
0x466: {  	v52 =	vld [tilespmem:s14+$0x18D60];
	v1 =	vmax.f32 v1, $0.0e+00  }
0x467: {  	v4 =	vmax.f32 v4, $0.0e+00;
	[tilespmem:s14+$0x1DD20] =	vst v1;
	v1 =	vld [tilespmem:s14+$0x1B560]  }
0x468: {  	v53 =	vld [tilespmem:s14+$0x18D70];
	[tilespmem:s14+$0x1DC50] =	vst v4;
	v4 =	vadd.f32 v36, v35  }
0x469: {  	v54 =	vld [tilespmem:s14+$0x18D80];
	v2 =	vadd.f32 v2, v48  }
0x46a: {  	v55 =	vld [tilespmem:s14+$0x18D90];
	v4 =	vmax.f32 v4, $0.0e+00;
	v3 =	vadd.f32 v3, v49  }
0x46b: {  	v56 =	vld [tilespmem:s14+$0x1B590];
	[tilespmem:s14+$0x1DC90] =	vst v4;
	v2 =	vmax.f32 v2, $0.0e+00  }
0x46c: {  	[tilespmem:s14+$0x1DD30] =	vst v2;
	v2 =	vld [tilespmem:s14+$0x1B570];
	v3 =	vmax.f32 v3, $0.0e+00;
	v1 =	vadd.f32 v1, v52  }
0x46d: {  	v4 =	vadd.f32 v41, v40;
	[tilespmem:s14+$0x1DD40] =	vst v3;
	v3 =	vld [tilespmem:s14+$0x1B580]  }
0x46e: {  	v57 =	vld [tilespmem:s14+$0x18DA0];
	v1 =	vmax.f32 v1, $0.0e+00  }
0x46f: {  	v4 =	vmax.f32 v4, $0.0e+00;
	[tilespmem:s14+$0x1DD60] =	vst v1;
	v1 =	vld [tilespmem:s14+$0x1B5A0]  }
0x470: {  	v58 =	vld [tilespmem:s14+$0x18DB0];
	[tilespmem:s14+$0x1DCD0] =	vst v4;
	v4 =	vadd.f32 v46, v45  }
0x471: {  	v59 =	vld [tilespmem:s14+$0x18DC0];
	v2 =	vadd.f32 v2, v53  }
0x472: {  	v60 =	vld [tilespmem:s14+$0x18DD0];
	v4 =	vmax.f32 v4, $0.0e+00;
	v3 =	vadd.f32 v3, v54  }
0x473: {  	v61 =	vld [tilespmem:s14+$0x1B5D0];
	[tilespmem:s14+$0x1DD10] =	vst v4;
	v2 =	vmax.f32 v2, $0.0e+00  }
0x474: {  	[tilespmem:s14+$0x1DD70] =	vst v2;
	v2 =	vld [tilespmem:s14+$0x1B5B0];
	v3 =	vmax.f32 v3, $0.0e+00;
	v1 =	vadd.f32 v1, v57  }
0x475: {  	v4 =	vadd.f32 v51, v50;
	[tilespmem:s14+$0x1DD80] =	vst v3;
	v3 =	vld [tilespmem:s14+$0x1B5C0]  }
0x476: {  	v62 =	vld [tilespmem:s14+$0x18DE0];
	v1 =	vmax.f32 v1, $0.0e+00  }
0x477: {  	v4 =	vmax.f32 v4, $0.0e+00;
	[tilespmem:s14+$0x1DDA0] =	vst v1;
	v1 =	vld [tilespmem:s14+$0x1B5E0]  }
0x478: {  	[tilespmem:s14+$0x1DD50] =	vst v4;
	v4 =	vadd.f32 v56, v55  }
0x479: {  	v2 =	vadd.f32 v2, v58  }
0x47a: {  	s15 =	sadd.s32 $0x1, s15;
	v4 =	vmax.f32 v4, $0.0e+00;
	v3 =	vadd.f32 v3, v59  }
0x47b: {  	p2 =	sne.s32 s15, $0x19;
	[tilespmem:s14+$0x1DD90] =	vst v4;
	v4 =	vadd.f32 v61, v60;
	v2 =	vmax.f32 v2, $0.0e+00  }
.Ltmp11:
0x47c: {  	[tilespmem:s14+$0x1DDB0] =	vst v2;
	v2 =	vmax.f32 v3, $0.0e+00;
	v1 =	vadd.f32 v1, v62;
	(pc) =	sbr.rel @p2 .LBB2_6-.Ltmp11, $4  }
0x47d: {  	[tilespmem:s14+$0x1DDC0] =	vst v2;
	v2 =	vmax.f32 v4, $0.0e+00  }
0x47e: {  	s2 =	sand.u32 $0x3FFFFF80, s16;
	[tilespmem:s14+$0x1DDD0] =	vst v2;
	v1 =	vmax.f32 v1, $0.0e+00  }
0x47f: {  	s2 =	sadd.s32 $0x15C00, s2;
	[tilespmem:s14+$0x1DDE0] =	vst v1  }
0x480: {  	[spmem:s1] =	stream.indirect.scatter.add.f32 [tilespmem:s0], [sflag:$0x6], $0x80, s2, s21, $0xb8;
	v63 =	vld [tilespmem:$0x0]  }
0x481: {  	s13 =	sadd.s32 $0x1, s13  }
0x482: {  	p2 =	sne.s32 s13, $0xA  }
.Ltmp12:
0x483: {  	_ = 	snop;
	(pc) =	sbr.rel @p2 .LBB2_5-.Ltmp12, $1  }
0x484: {  	_ =	sdelay $0x3  }
0x485: {  	_ =	swait.ge [sflag:s17], $0x1400  }
0x486: {  	[sflag:s17] =	ssyncset.done $0x0  }
0x487: {  	[sflag:s17] =	ssyncadd.s32 $0xFFFFEC00  }
0x488: {  	_ =	swait.ge [sflag:s12], $0x1400  }
0x489: {  	[sflag:s12] =	ssyncset.done $0x0  }
0x48a: {  	[sflag:s12] =	ssyncadd.s32 $0xFFFFEC00  }
0x48b: {  	[bflag:$0x0] =	sbarrier.arrive $0xFFFF  }
0x48c: {  	s10 =	sld [smem:$0x7FC];
	_ =	sdelay $0x1  }
0x48d: {  	s2 =	simm.s32 @p1 $0x1FC7;
	s4 =	rddreg [dreg:$0x7]  }
0x48e: {  	[hbm:s4], [sflag:s2] =	dma.local @p1 [spmem:s10], $0x1900  }
0x48f: {  	s2 =	simm.s32 @p1 $0x7  }
0x490: {  	_ =	swait.ge @p1 [sflag:s2], $0x1900  }
0x491: {  	s10 =	sld [smem:$0x7FD]  }
0x492: {  	[sflag:s2] =	ssyncset.done @p1 $0x0;
	s4 =	rddreg [dreg:$0x1f]  }
0x493: {  	[sflag:s2] =	ssyncadd.s32 @p1 $0xFFFFE700;
	s2 =	rddreg [dreg:$0x6]  }
0x494: {  	[hbm:s2], [sflag:s10] =	dma.local @!p1 [spmem:s4], $0x2800  }
.Ltmp13:
0x495: {  	_ = 	snop;
	(pc) =	sbr.rel .LBB2_22-.Ltmp13, $4  }
0x496: {  	s2 =	simm.s32 @!p1 $0x7  }
0x497: {  	_ =	swait.ge @!p1 [sflag:s2], $0x2800  }
0x498: {  	[sflag:s2] =	ssyncset.done @!p1 $0x0  }
0x499: {  	s14 =	rddreg [dreg:$0x4];
	[sflag:s2] =	ssyncadd.s32 @!p1 $0xFFFFD800  }
.LBB2_23:
0x49a: {  	_ =	sfence.sel $0x180000  }
0x49b: {  	[bflag:$0x0] =	sbarrier.arrive $0xFFFF  }
0x49c: {  	_ =	strace $0x90000047  }
0x49d: {  	s0 =	stileid.u32;
	[bflag:$0x2] =	sbarrier.arrive $0xFFFF  }
0x49e: {  	p0 =	sne.s32 s0, $0x0;
	s0 =	rddreg [dreg:$0x3]  }
0x49f: {  	s0 =	sadd.s32 @!p0 $0x100000, s0  }
0x4a0: {  	[sflag:s0] =	ssyncadd.tile.s32 @!p0 $0x1;
	_ =	shalt  }
.Lfunc_end2:
_tile_overlayer_lowered:
.L_overlay_start_2:
0x4a1: {  	(tag) =	ssettag $0x2  }
0x4a2: {  	s0 =	rddreg [dreg:$0x0];
	s2 =	stileid.u32  }
0x4a3: {  	s1 =	rddreg [dreg:$0x1];
	p0 =	sne.s32 s2, $0x0  }
0x4a4: {  	s3 =	rddreg [dreg:$0x2];
	[bflag:$0x3] =	sbarrier.arrive $0xFFFF;
	s2 =	simm.s32 @!p0 $0x1C07  }
0x4a5: {  	[timem:s3], [sflag:s2] =	dma.local @!p0 [hbm:s0], s1  }
0x4a6: {  	s0 =	simm.s32 @!p0 $0x7  }
0x4a7: {  	_ =	swait.ge @!p0 [sflag:s0], s1  }
0x4a8: {  	s1 =	ssub.s32 @!p0 $0x0, s1;
	[sflag:s0] =	ssyncset.done @!p0 $0x0  }
0x4a9: {  	[sflag:s0] =	ssyncadd.s32 @!p0 s1  }
0x4aa: {  	[bflag:$0x3] =	sbarrier.arrive $0xFFFF  }
0x4ab: {  	_ =	shalt  }

</sc_bundles>
